<compile_context>
chip_gen: v7x
topology: tpu7x:2x2x1
jax: 0.10.2.dev20260603
libtpu: 0.0.44.dev20260713+nightly
codegen_flags: <defaults>
</compile_context>

<pallas_src>
import jax
import jax.numpy as jnp
from jax import lax
from jax.experimental import pallas as pl
from jax.experimental.pallas import tpu as pltpu
from jax.experimental.pallas import tpu_sc as plsc

NUM_SPARSE = 26
HIST_LEN = 50
VOCAB = 1000000
BATCH = 16384
NUM_FIELDS = NUM_SPARSE + HIST_LEN
NUM_TABLES = NUM_SPARSE + 1

L = 16
NW = 32
B_PER_W = BATCH // NW

_CP = pltpu.CompilerParams(needs_layout_passes=False, use_tc_tiling_on_sc=False)
_MESH = dict(core_axis_name="c", subcore_axis_name="s")


def _hist_kernel(inputs_t_hbm, hist_hbm, out_hbm, idx_t, vals, outbuf, sem):
    wid = lax.axis_index("s") * 2 + lax.axis_index("c")
    base = wid * B_PER_W

    pltpu.sync_copy(
        inputs_t_hbm.at[pl.ds(NUM_SPARSE, HIST_LEN), pl.ds(base, B_PER_W)],
        idx_t)

    copies = []
    for c in range(HIST_LEN):
        copies.append(pltpu.async_copy(
            hist_hbm.at[idx_t.at[c]], vals.at[c], sem))
    for cp in copies:
        cp.wait()

    def rbody(v, carry):
        o = v * L
        acc = jnp.zeros((L,), jnp.float32)
        for c in range(HIST_LEN):
            val = vals[c, pl.ds(o, L)]
            raw = idx_t[c, pl.ds(o, L)]
            acc = acc + jnp.where(raw != 0, val, 0.0)
        outbuf[pl.ds(o, L)] = acc
        return carry

    lax.fori_loop(0, B_PER_W // L, rbody, 0)
    pltpu.sync_copy(outbuf, out_hbm.at[pl.ds(base, B_PER_W)])


HALF = NUM_SPARSE // 2


def _make_sparse_kernel(col0, ncols):
    def _sparse_kernel(*refs):
        inputs_t_hbm = refs[0]
        partial_hbm = refs[1]
        table_refs = refs[2:2 + ncols]
        out_hbm = refs[2 + ncols]
        idx_t, vals, outbuf, sem = refs[3 + ncols:]

        wid = lax.axis_index("s") * 2 + lax.axis_index("c")
        base = wid * B_PER_W

        pltpu.sync_copy(
            inputs_t_hbm.at[pl.ds(col0, ncols), pl.ds(base, B_PER_W)], idx_t)
        pltpu.sync_copy(partial_hbm.at[pl.ds(base, B_PER_W)], outbuf)

        copies = []
        for c in range(ncols):
            copies.append(pltpu.async_copy(
                table_refs[c].at[idx_t.at[c]], vals.at[c], sem))
        for cp in copies:
            cp.wait()

        def rbody(v, carry):
            o = v * L
            acc = outbuf[pl.ds(o, L)]
            for c in range(ncols):
                acc = acc + vals[c, pl.ds(o, L)]
            outbuf[pl.ds(o, L)] = acc
            return carry

        lax.fori_loop(0, B_PER_W // L, rbody, 0)
        pltpu.sync_copy(outbuf, out_hbm.at[pl.ds(base, B_PER_W)])

    return _sparse_kernel


@jax.jit
def _run(inputs_t, hist, *tables_1d):
    partial = pl.kernel(
        _hist_kernel,
        mesh=plsc.VectorSubcoreMesh(**_MESH),
        compiler_params=_CP,
        out_type=jax.ShapeDtypeStruct((BATCH,), jnp.float32),
        scratch_types=[
            pltpu.VMEM((HIST_LEN, B_PER_W), jnp.int32),
            pltpu.VMEM((HIST_LEN, B_PER_W), jnp.float32),
            pltpu.VMEM((B_PER_W,), jnp.float32),
            pltpu.SemaphoreType.DMA,
        ],
    )(inputs_t, hist)
    for col0 in (0, HALF):
        partial = pl.kernel(
            _make_sparse_kernel(col0, HALF),
            mesh=plsc.VectorSubcoreMesh(**_MESH),
            compiler_params=_CP,
            out_type=jax.ShapeDtypeStruct((BATCH,), jnp.float32),
            scratch_types=[
                pltpu.VMEM((HALF, B_PER_W), jnp.int32),
                pltpu.VMEM((HALF, B_PER_W), jnp.float32),
                pltpu.VMEM((B_PER_W,), jnp.float32),
                pltpu.SemaphoreType.DMA,
            ],
        )(inputs_t, partial, *tables_1d[col0:col0 + HALF])
    return partial


def kernel(inputs, tables):
    hist = tables[NUM_SPARSE, :, 0]
    tables_1d = tuple(tables[t, :, 0] for t in range(NUM_SPARSE))
    return _run(inputs.T, hist, *tables_1d)

# --- scband reference (transcript-rebuilt; emitter-appended) ---
"""Pipeline reference for scband-linear-logit-layer-70626442215883 (READ-ONLY COPY).

The authoritative reference and input builder live on the scoring server;
editing this copy changes nothing except your own understanding.
"""

import jax, jax.numpy as jnp
import numpy as np

NUM_SPARSE = 26
HIST_LEN = 50
VOCAB = 1000000
BATCH = 16384
NUM_TABLES = NUM_SPARSE + 1


def setup_inputs(seed: int = 0) -> dict:
    key = jax.random.key(seed)
    k1, k2 = jax.random.split(key)
    inputs = jax.random.randint(k1, (BATCH, NUM_SPARSE + HIST_LEN), 0, VOCAB, dtype=jnp.int32)
    # 26 sparse tables + 1 varlen table, all [VOCAB, 1], Keras 'normal' initializer (stddev=0.05)
    tables = jax.random.normal(k2, (NUM_TABLES, VOCAB, 1), dtype=jnp.float32) * 0.05
    return {"inputs": inputs, "tables": tables}


def reference(inputs, tables):
    logits = []
    # SparseFeat columns: one index column each, embedding dim 1, squeeze last axis
    for i in range(NUM_SPARSE):
        idx = inputs[:, i:i + 1]                      # [B, 1]
        emb = jnp.take(tables[i], idx, axis=0)        # [B, 1, 1]
        logits.append(jnp.squeeze(emb, -1))           # [B, 1]
    # VarLenSparseFeat: mask_zero=True + SequencePoolingLayer('sum')
    hidx = inputs[:, NUM_SPARSE:NUM_SPARSE + HIST_LEN]          # [B, 50]
    hemb = jnp.take(tables[NUM_SPARSE], hidx, axis=0)           # [B, 50, 1]
    mask = (hidx != 0).astype(hemb.dtype)[..., None]            # [B, 50, 1]
    vec = jnp.sum(hemb * mask, axis=1)                          # [B, 1]
    logits.append(vec)
    logit = jnp.sum(jnp.concatenate(logits, -1), axis=1, keepdims=True)  # [B, 1]
    return jnp.squeeze(logit, -1)                                # [B]

if __name__ == "__main__":
    import jax
    _d = setup_inputs()
    print(jax.jit(kernel)(*tuple(_d.values())))

</pallas_src>

<mosaic_0001>
#map = affine_map<(d0, d1) -> (0, 0)>
#map1 = affine_map<(d0, d1) -> (0)>
module attributes {stable_mosaic.version = 14 : i64} {
  func.func @_hist_kernel(%arg0: i32, %arg1: i32, %arg2: memref<76x16384xi32, #tpu.memory_space<hbm>>, %arg3: memref<1000000xf32, #tpu.memory_space<hbm>>, %arg4: memref<16384xf32, #tpu.memory_space<hbm>>, %arg5: memref<50x512xi32, #tpu.memory_space<vmem>>, %arg6: memref<50x512xf32, #tpu.memory_space<vmem>>, %arg7: memref<512xf32, #tpu.memory_space<vmem>>, %arg8: memref<!tpu.dma_semaphore, #tpu.memory_space<semaphore_mem>>) attributes {dimension_semantics = [#tpu.dimension_semantics<core_parallel>, #tpu.dimension_semantics<subcore_parallel>], iteration_bounds = array<i64: 2, 16>, scalar_prefetch = 0 : i64, scratch_operands = 4 : i64, tpu.core_type = #tpu.core_type<sc_vector_subcore>, window_params = [{transform_indices = #map}, {transform_indices = #map1}, {transform_indices = #map1}]} {
    %mul3A = arith.constant 2 : i32
    %mul3A_0 = arith.muli %arg1, %mul3A : i32
    %add3A = arith.addi %mul3A_0, %arg0 : i32
    %mul3A_1 = arith.constant 512 : i32
    %mul3A_2 = arith.muli %add3A, %mul3A_1 : i32
    "tpu.region"() ({
      %run_scoped3A = tpu.sem_alloc : memref<!tpu.dma_semaphore, #tpu.memory_space<semaphore_mem>>
      %dma_start3A_1006 = arith.constant 26 : i32
      %dma_start3A_1007 = tpu.memref_slice %arg2[%dma_start3A_1006, %mul3A_2] : memref<76x16384xi32, #tpu.memory_space<hbm>> -> memref<50x512xi32, #tpu.memory_space<hbm>>
      %dma_start3A_1008 = arith.constant 26 : i32
      %dma_start3A_1009 = tpu.memref_slice %arg2[%dma_start3A_1008, %mul3A_2] : memref<76x16384xi32, #tpu.memory_space<hbm>> -> memref<50x512xi32, #tpu.memory_space<hbm>>
      tpu.enqueue_dma source(%dma_start3A_1009 : memref<50x512xi32, #tpu.memory_space<hbm>>) target(%arg5 : memref<50x512xi32, #tpu.memory_space<vmem>>) target_semaphore(%run_scoped3A : memref<!tpu.dma_semaphore, #tpu.memory_space<semaphore_mem>>)
      %dma_wait3A_1010 = arith.constant 26 : i32
      %dma_wait3A_1011 = tpu.memref_slice %arg2[%dma_wait3A_1010, %mul3A_2] : memref<76x16384xi32, #tpu.memory_space<hbm>> -> memref<50x512xi32, #tpu.memory_space<hbm>>
      %dma_wait3A_1012 = arith.constant 26 : i32
      %dma_wait3A_1013 = tpu.memref_slice %arg2[%dma_wait3A_1012, %mul3A_2] : memref<76x16384xi32, #tpu.memory_space<hbm>> -> memref<50x512xi32, #tpu.memory_space<hbm>>
      tpu.wait_dma2 semaphore(%run_scoped3A : memref<!tpu.dma_semaphore, #tpu.memory_space<semaphore_mem>>) src(%dma_wait3A_1013 : memref<50x512xi32, #tpu.memory_space<hbm>>) dst(%arg5 : memref<50x512xi32, #tpu.memory_space<vmem>>)
      tpu.yield
    }) : () -> ()
    %dma_start3A = arith.constant 0 : i32
    %dma_start3A_3 = arith.constant 0 : i32
    %dma_start3A_4 = arith.constant 0 : i32
    %dma_start3A_5 = tpu.memref_slice %arg6[%dma_start3A_3, %dma_start3A_4] : memref<50x512xf32, #tpu.memory_space<vmem>> -> memref<1x512xf32, #tpu.memory_space<vmem>>
    %dma_start3A_6 = tpu.memref_squeeze %dma_start3A_5 : memref<1x512xf32, #tpu.memory_space<vmem>> -> memref<512xf32, #tpu.memory_space<vmem>>
    %dma_start3A_7 = arith.constant 0 : i32
    %dma_start3A_8 = tpu.memref_slice %arg5[%dma_start3A, %dma_start3A_7] : memref<50x512xi32, #tpu.memory_space<vmem>> -> memref<1x512xi32, #tpu.memory_space<vmem>>
    %dma_start3A_9 = tpu.memref_squeeze %dma_start3A_8 : memref<1x512xi32, #tpu.memory_space<vmem>> -> memref<512xi32, #tpu.memory_space<vmem>>
    %dma_start3A_10 = arith.constant 0 : i32
    %dma_start3A_11 = tpu.memref_slice %arg3[%dma_start3A_10] : memref<1000000xf32, #tpu.memory_space<hbm>> -> memref<1000000xf32, #tpu.memory_space<hbm>>
    tpu.enqueue_indirect_dma source(%dma_start3A_11 : memref<1000000xf32, #tpu.memory_space<hbm>>) target(%dma_start3A_6 : memref<512xf32, #tpu.memory_space<vmem>>) offsets(%dma_start3A_9 : memref<512xi32, #tpu.memory_space<vmem>>) semaphore(%arg8 : memref<!tpu.dma_semaphore, #tpu.memory_space<semaphore_mem>>)
    %dma_start3A_12 = arith.constant 1 : i32
    %dma_start3A_13 = arith.constant 1 : i32
    %dma_start3A_14 = arith.constant 0 : i32
    %dma_start3A_15 = tpu.memref_slice %arg6[%dma_start3A_13, %dma_start3A_14] : memref<50x512xf32, #tpu.memory_space<vmem>> -> memref<1x512xf32, #tpu.memory_space<vmem>>
    %dma_start3A_16 = tpu.memref_squeeze %dma_start3A_15 : memref<1x512xf32, #tpu.memory_space<vmem>> -> memref<512xf32, #tpu.memory_space<vmem>>
    %dma_start3A_17 = arith.constant 0 : i32
    %dma_start3A_18 = tpu.memref_slice %arg5[%dma_start3A_12, %dma_start3A_17] : memref<50x512xi32, #tpu.memory_space<vmem>> -> memref<1x512xi32, #tpu.memory_space<vmem>>
    %dma_start3A_19 = tpu.memref_squeeze %dma_start3A_18 : memref<1x512xi32, #tpu.memory_space<vmem>> -> memref<512xi32, #tpu.memory_space<vmem>>
    %dma_start3A_20 = arith.constant 0 : i32
    %dma_start3A_21 = tpu.memref_slice %arg3[%dma_start3A_20] : memref<1000000xf32, #tpu.memory_space<hbm>> -> memref<1000000xf32, #tpu.memory_space<hbm>>
    tpu.enqueue_indirect_dma source(%dma_start3A_21 : memref<1000000xf32, #tpu.memory_space<hbm>>) target(%dma_start3A_16 : memref<512xf32, #tpu.memory_space<vmem>>) offsets(%dma_start3A_19 : memref<512xi32, #tpu.memory_space<vmem>>) semaphore(%arg8 : memref<!tpu.dma_semaphore, #tpu.memory_space<semaphore_mem>>)
    %dma_start3A_22 = arith.constant 2 : i32
    %dma_start3A_23 = arith.constant 2 : i32
    %dma_start3A_24 = arith.constant 0 : i32
    %dma_start3A_25 = tpu.memref_slice %arg6[%dma_start3A_23, %dma_start3A_24] : memref<50x512xf32, #tpu.memory_space<vmem>> -> memref<1x512xf32, #tpu.memory_space<vmem>>
    %dma_start3A_26 = tpu.memref_squeeze %dma_start3A_25 : memref<1x512xf32, #tpu.memory_space<vmem>> -> memref<512xf32, #tpu.memory_space<vmem>>
    %dma_start3A_27 = arith.constant 0 : i32
    %dma_start3A_28 = tpu.memref_slice %arg5[%dma_start3A_22, %dma_start3A_27] : memref<50x512xi32, #tpu.memory_space<vmem>> -> memref<1x512xi32, #tpu.memory_space<vmem>>
    %dma_start3A_29 = tpu.memref_squeeze %dma_start3A_28 : memref<1x512xi32, #tpu.memory_space<vmem>> -> memref<512xi32, #tpu.memory_space<vmem>>
    %dma_start3A_30 = arith.constant 0 : i32
    %dma_start3A_31 = tpu.memref_slice %arg3[%dma_start3A_30] : memref<1000000xf32, #tpu.memory_space<hbm>> -> memref<1000000xf32, #tpu.memory_space<hbm>>
    tpu.enqueue_indirect_dma source(%dma_start3A_31 : memref<1000000xf32, #tpu.memory_space<hbm>>) target(%dma_start3A_26 : memref<512xf32, #tpu.memory_space<vmem>>) offsets(%dma_start3A_29 : memref<512xi32, #tpu.memory_space<vmem>>) semaphore(%arg8 : memref<!tpu.dma_semaphore, #tpu.memory_space<semaphore_mem>>)
    %dma_start3A_32 = arith.constant 3 : i32
    %dma_start3A_33 = arith.constant 3 : i32
    %dma_start3A_34 = arith.constant 0 : i32
    %dma_start3A_35 = tpu.memref_slice %arg6[%dma_start3A_33, %dma_start3A_34] : memref<50x512xf32, #tpu.memory_space<vmem>> -> memref<1x512xf32, #tpu.memory_space<vmem>>
    %dma_start3A_36 = tpu.memref_squeeze %dma_start3A_35 : memref<1x512xf32, #tpu.memory_space<vmem>> -> memref<512xf32, #tpu.memory_space<vmem>>
    %dma_start3A_37 = arith.constant 0 : i32
    %dma_start3A_38 = tpu.memref_slice %arg5[%dma_start3A_32, %dma_start3A_37] : memref<50x512xi32, #tpu.memory_space<vmem>> -> memref<1x512xi32, #tpu.memory_space<vmem>>
    %dma_start3A_39 = tpu.memref_squeeze %dma_start3A_38 : memref<1x512xi32, #tpu.memory_space<vmem>> -> memref<512xi32, #tpu.memory_space<vmem>>
    %dma_start3A_40 = arith.constant 0 : i32
    %dma_start3A_41 = tpu.memref_slice %arg3[%dma_start3A_40] : memref<1000000xf32, #tpu.memory_space<hbm>> -> memref<1000000xf32, #tpu.memory_space<hbm>>
    tpu.enqueue_indirect_dma source(%dma_start3A_41 : memref<1000000xf32, #tpu.memory_space<hbm>>) target(%dma_start3A_36 : memref<512xf32, #tpu.memory_space<vmem>>) offsets(%dma_start3A_39 : memref<512xi32, #tpu.memory_space<vmem>>) semaphore(%arg8 : memref<!tpu.dma_semaphore, #tpu.memory_space<semaphore_mem>>)
    %dma_start3A_42 = arith.constant 4 : i32
    %dma_start3A_43 = arith.constant 4 : i32
    %dma_start3A_44 = arith.constant 0 : i32
    %dma_start3A_45 = tpu.memref_slice %arg6[%dma_start3A_43, %dma_start3A_44] : memref<50x512xf32, #tpu.memory_space<vmem>> -> memref<1x512xf32, #tpu.memory_space<vmem>>
    %dma_start3A_46 = tpu.memref_squeeze %dma_start3A_45 : memref<1x512xf32, #tpu.memory_space<vmem>> -> memref<512xf32, #tpu.memory_space<vmem>>
    %dma_start3A_47 = arith.constant 0 : i32
    %dma_start3A_48 = tpu.memref_slice %arg5[%dma_start3A_42, %dma_start3A_47] : memref<50x512xi32, #tpu.memory_space<vmem>> -> memref<1x512xi32, #tpu.memory_space<vmem>>
    %dma_start3A_49 = tpu.memref_squeeze %dma_start3A_48 : memref<1x512xi32, #tpu.memory_space<vmem>> -> memref<512xi32, #tpu.memory_space<vmem>>
    %dma_start3A_50 = arith.constant 0 : i32
    %dma_start3A_51 = tpu.memref_slice %arg3[%dma_start3A_50] : memref<1000000xf32, #tpu.memory_space<hbm>> -> memref<1000000xf32, #tpu.memory_space<hbm>>
    tpu.enqueue_indirect_dma source(%dma_start3A_51 : memref<1000000xf32, #tpu.memory_space<hbm>>) target(%dma_start3A_46 : memref<512xf32, #tpu.memory_space<vmem>>) offsets(%dma_start3A_49 : memref<512xi32, #tpu.memory_space<vmem>>) semaphore(%arg8 : memref<!tpu.dma_semaphore, #tpu.memory_space<semaphore_mem>>)
    %dma_start3A_52 = arith.constant 5 : i32
    %dma_start3A_53 = arith.constant 5 : i32
    %dma_start3A_54 = arith.constant 0 : i32
    %dma_start3A_55 = tpu.memref_slice %arg6[%dma_start3A_53, %dma_start3A_54] : memref<50x512xf32, #tpu.memory_space<vmem>> -> memref<1x512xf32, #tpu.memory_space<vmem>>
    %dma_start3A_56 = tpu.memref_squeeze %dma_start3A_55 : memref<1x512xf32, #tpu.memory_space<vmem>> -> memref<512xf32, #tpu.memory_space<vmem>>
    %dma_start3A_57 = arith.constant 0 : i32
    %dma_start3A_58 = tpu.memref_slice %arg5[%dma_start3A_52, %dma_start3A_57] : memref<50x512xi32, #tpu.memory_space<vmem>> -> memref<1x512xi32, #tpu.memory_space<vmem>>
    %dma_start3A_59 = tpu.memref_squeeze %dma_start3A_58 : memref<1x512xi32, #tpu.memory_space<vmem>> -> memref<512xi32, #tpu.memory_space<vmem>>
    %dma_start3A_60 = arith.constant 0 : i32
    %dma_start3A_61 = tpu.memref_slice %arg3[%dma_start3A_60] : memref<1000000xf32, #tpu.memory_space<hbm>> -> memref<1000000xf32, #tpu.memory_space<hbm>>
    tpu.enqueue_indirect_dma source(%dma_start3A_61 : memref<1000000xf32, #tpu.memory_space<hbm>>) target(%dma_start3A_56 : memref<512xf32, #tpu.memory_space<vmem>>) offsets(%dma_start3A_59 : memref<512xi32, #tpu.memory_space<vmem>>) semaphore(%arg8 : memref<!tpu.dma_semaphore, #tpu.memory_space<semaphore_mem>>)
    %dma_start3A_62 = arith.constant 6 : i32
    %dma_start3A_63 = arith.constant 6 : i32
    %dma_start3A_64 = arith.constant 0 : i32
    %dma_start3A_65 = tpu.memref_slice %arg6[%dma_start3A_63, %dma_start3A_64] : memref<50x512xf32, #tpu.memory_space<vmem>> -> memref<1x512xf32, #tpu.memory_space<vmem>>
    %dma_start3A_66 = tpu.memref_squeeze %dma_start3A_65 : memref<1x512xf32, #tpu.memory_space<vmem>> -> memref<512xf32, #tpu.memory_space<vmem>>
    %dma_start3A_67 = arith.constant 0 : i32
    %dma_start3A_68 = tpu.memref_slice %arg5[%dma_start3A_62, %dma_start3A_67] : memref<50x512xi32, #tpu.memory_space<vmem>> -> memref<1x512xi32, #tpu.memory_space<vmem>>
    %dma_start3A_69 = tpu.memref_squeeze %dma_start3A_68 : memref<1x512xi32, #tpu.memory_space<vmem>> -> memref<512xi32, #tpu.memory_space<vmem>>
    %dma_start3A_70 = arith.constant 0 : i32
    %dma_start3A_71 = tpu.memref_slice %arg3[%dma_start3A_70] : memref<1000000xf32, #tpu.memory_space<hbm>> -> memref<1000000xf32, #tpu.memory_space<hbm>>
    tpu.enqueue_indirect_dma source(%dma_start3A_71 : memref<1000000xf32, #tpu.memory_space<hbm>>) target(%dma_start3A_66 : memref<512xf32, #tpu.memory_space<vmem>>) offsets(%dma_start3A_69 : memref<512xi32, #tpu.memory_space<vmem>>) semaphore(%arg8 : memref<!tpu.dma_semaphore, #tpu.memory_space<semaphore_mem>>)
    %dma_start3A_72 = arith.constant 7 : i32
    %dma_start3A_73 = arith.constant 7 : i32
    %dma_start3A_74 = arith.constant 0 : i32
    %dma_start3A_75 = tpu.memref_slice %arg6[%dma_start3A_73, %dma_start3A_74] : memref<50x512xf32, #tpu.memory_space<vmem>> -> memref<1x512xf32, #tpu.memory_space<vmem>>
    %dma_start3A_76 = tpu.memref_squeeze %dma_start3A_75 : memref<1x512xf32, #tpu.memory_space<vmem>> -> memref<512xf32, #tpu.memory_space<vmem>>
    %dma_start3A_77 = arith.constant 0 : i32
    %dma_start3A_78 = tpu.memref_slice %arg5[%dma_start3A_72, %dma_start3A_77] : memref<50x512xi32, #tpu.memory_space<vmem>> -> memref<1x512xi32, #tpu.memory_space<vmem>>
    %dma_start3A_79 = tpu.memref_squeeze %dma_start3A_78 : memref<1x512xi32, #tpu.memory_space<vmem>> -> memref<512xi32, #tpu.memory_space<vmem>>
    %dma_start3A_80 = arith.constant 0 : i32
    %dma_start3A_81 = tpu.memref_slice %arg3[%dma_start3A_80] : memref<1000000xf32, #tpu.memory_space<hbm>> -> memref<1000000xf32, #tpu.memory_space<hbm>>
    tpu.enqueue_indirect_dma source(%dma_start3A_81 : memref<1000000xf32, #tpu.memory_space<hbm>>) target(%dma_start3A_76 : memref<512xf32, #tpu.memory_space<vmem>>) offsets(%dma_start3A_79 : memref<512xi32, #tpu.memory_space<vmem>>) semaphore(%arg8 : memref<!tpu.dma_semaphore, #tpu.memory_space<semaphore_mem>>)
    %dma_start3A_82 = arith.constant 8 : i32
    %dma_start3A_83 = arith.constant 8 : i32
    %dma_start3A_84 = arith.constant 0 : i32
    %dma_start3A_85 = tpu.memref_slice %arg6[%dma_start3A_83, %dma_start3A_84] : memref<50x512xf32, #tpu.memory_space<vmem>> -> memref<1x512xf32, #tpu.memory_space<vmem>>
    %dma_start3A_86 = tpu.memref_squeeze %dma_start3A_85 : memref<1x512xf32, #tpu.memory_space<vmem>> -> memref<512xf32, #tpu.memory_space<vmem>>
    %dma_start3A_87 = arith.constant 0 : i32
    %dma_start3A_88 = tpu.memref_slice %arg5[%dma_start3A_82, %dma_start3A_87] : memref<50x512xi32, #tpu.memory_space<vmem>> -> memref<1x512xi32, #tpu.memory_space<vmem>>
    %dma_start3A_89 = tpu.memref_squeeze %dma_start3A_88 : memref<1x512xi32, #tpu.memory_space<vmem>> -> memref<512xi32, #tpu.memory_space<vmem>>
    %dma_start3A_90 = arith.constant 0 : i32
    %dma_start3A_91 = tpu.memref_slice %arg3[%dma_start3A_90] : memref<1000000xf32, #tpu.memory_space<hbm>> -> memref<1000000xf32, #tpu.memory_space<hbm>>
    tpu.enqueue_indirect_dma source(%dma_start3A_91 : memref<1000000xf32, #tpu.memory_space<hbm>>) target(%dma_start3A_86 : memref<512xf32, #tpu.memory_space<vmem>>) offsets(%dma_start3A_89 : memref<512xi32, #tpu.memory_space<vmem>>) semaphore(%arg8 : memref<!tpu.dma_semaphore, #tpu.memory_space<semaphore_mem>>)
    %dma_start3A_92 = arith.constant 9 : i32
    %dma_start3A_93 = arith.constant 9 : i32
    %dma_start3A_94 = arith.constant 0 : i32
    %dma_start3A_95 = tpu.memref_slice %arg6[%dma_start3A_93, %dma_start3A_94] : memref<50x512xf32, #tpu.memory_space<vmem>> -> memref<1x512xf32, #tpu.memory_space<vmem>>
    %dma_start3A_96 = tpu.memref_squeeze %dma_start3A_95 : memref<1x512xf32, #tpu.memory_space<vmem>> -> memref<512xf32, #tpu.memory_space<vmem>>
    %dma_start3A_97 = arith.constant 0 : i32
    %dma_start3A_98 = tpu.memref_slice %arg5[%dma_start3A_92, %dma_start3A_97] : memref<50x512xi32, #tpu.memory_space<vmem>> -> memref<1x512xi32, #tpu.memory_space<vmem>>
    %dma_start3A_99 = tpu.memref_squeeze %dma_start3A_98 : memref<1x512xi32, #tpu.memory_space<vmem>> -> memref<512xi32, #tpu.memory_space<vmem>>
    %dma_start3A_100 = arith.constant 0 : i32
    %dma_start3A_101 = tpu.memref_slice %arg3[%dma_start3A_100] : memref<1000000xf32, #tpu.memory_space<hbm>> -> memref<1000000xf32, #tpu.memory_space<hbm>>
    tpu.enqueue_indirect_dma source(%dma_start3A_101 : memref<1000000xf32, #tpu.memory_space<hbm>>) target(%dma_start3A_96 : memref<512xf32, #tpu.memory_space<vmem>>) offsets(%dma_start3A_99 : memref<512xi32, #tpu.memory_space<vmem>>) semaphore(%arg8 : memref<!tpu.dma_semaphore, #tpu.memory_space<semaphore_mem>>)
    %dma_start3A_102 = arith.constant 10 : i32
    %dma_start3A_103 = arith.constant 10 : i32
    %dma_start3A_104 = arith.constant 0 : i32
    %dma_start3A_105 = tpu.memref_slice %arg6[%dma_start3A_103, %dma_start3A_104] : memref<50x512xf32, #tpu.memory_space<vmem>> -> memref<1x512xf32, #tpu.memory_space<vmem>>
    %dma_start3A_106 = tpu.memref_squeeze %dma_start3A_105 : memref<1x512xf32, #tpu.memory_space<vmem>> -> memref<512xf32, #tpu.memory_space<vmem>>
    %dma_start3A_107 = arith.constant 0 : i32
    %dma_start3A_108 = tpu.memref_slice %arg5[%dma_start3A_102, %dma_start3A_107] : memref<50x512xi32, #tpu.memory_space<vmem>> -> memref<1x512xi32, #tpu.memory_space<vmem>>
    %dma_start3A_109 = tpu.memref_squeeze %dma_start3A_108 : memref<1x512xi32, #tpu.memory_space<vmem>> -> memref<512xi32, #tpu.memory_space<vmem>>
    %dma_start3A_110 = arith.constant 0 : i32
    %dma_start3A_111 = tpu.memref_slice %arg3[%dma_start3A_110] : memref<1000000xf32, #tpu.memory_space<hbm>> -> memref<1000000xf32, #tpu.memory_space<hbm>>
    tpu.enqueue_indirect_dma source(%dma_start3A_111 : memref<1000000xf32, #tpu.memory_space<hbm>>) target(%dma_start3A_106 : memref<512xf32, #tpu.memory_space<vmem>>) offsets(%dma_start3A_109 : memref<512xi32, #tpu.memory_space<vmem>>) semaphore(%arg8 : memref<!tpu.dma_semaphore, #tpu.memory_space<semaphore_mem>>)
    %dma_start3A_112 = arith.constant 11 : i32
    %dma_start3A_113 = arith.constant 11 : i32
    %dma_start3A_114 = arith.constant 0 : i32
    %dma_start3A_115 = tpu.memref_slice %arg6[%dma_start3A_113, %dma_start3A_114] : memref<50x512xf32, #tpu.memory_space<vmem>> -> memref<1x512xf32, #tpu.memory_space<vmem>>
    %dma_start3A_116 = tpu.memref_squeeze %dma_start3A_115 : memref<1x512xf32, #tpu.memory_space<vmem>> -> memref<512xf32, #tpu.memory_space<vmem>>
    %dma_start3A_117 = arith.constant 0 : i32
    %dma_start3A_118 = tpu.memref_slice %arg5[%dma_start3A_112, %dma_start3A_117] : memref<50x512xi32, #tpu.memory_space<vmem>> -> memref<1x512xi32, #tpu.memory_space<vmem>>
    %dma_start3A_119 = tpu.memref_squeeze %dma_start3A_118 : memref<1x512xi32, #tpu.memory_space<vmem>> -> memref<512xi32, #tpu.memory_space<vmem>>
    %dma_start3A_120 = arith.constant 0 : i32
    %dma_start3A_121 = tpu.memref_slice %arg3[%dma_start3A_120] : memref<1000000xf32, #tpu.memory_space<hbm>> -> memref<1000000xf32, #tpu.memory_space<hbm>>
    tpu.enqueue_indirect_dma source(%dma_start3A_121 : memref<1000000xf32, #tpu.memory_space<hbm>>) target(%dma_start3A_116 : memref<512xf32, #tpu.memory_space<vmem>>) offsets(%dma_start3A_119 : memref<512xi32, #tpu.memory_space<vmem>>) semaphore(%arg8 : memref<!tpu.dma_semaphore, #tpu.memory_space<semaphore_mem>>)
    %dma_start3A_122 = arith.constant 12 : i32
    %dma_start3A_123 = arith.constant 12 : i32
    %dma_start3A_124 = arith.constant 0 : i32
    %dma_start3A_125 = tpu.memref_slice %arg6[%dma_start3A_123, %dma_start3A_124] : memref<50x512xf32, #tpu.memory_space<vmem>> -> memref<1x512xf32, #tpu.memory_space<vmem>>
    %dma_start3A_126 = tpu.memref_squeeze %dma_start3A_125 : memref<1x512xf32, #tpu.memory_space<vmem>> -> memref<512xf32, #tpu.memory_space<vmem>>
    %dma_start3A_127 = arith.constant 0 : i32
    %dma_start3A_128 = tpu.memref_slice %arg5[%dma_start3A_122, %dma_start3A_127] : memref<50x512xi32, #tpu.memory_space<vmem>> -> memref<1x512xi32, #tpu.memory_space<vmem>>
    %dma_start3A_129 = tpu.memref_squeeze %dma_start3A_128 : memref<1x512xi32, #tpu.memory_space<vmem>> -> memref<512xi32, #tpu.memory_space<vmem>>
    %dma_start3A_130 = arith.constant 0 : i32
    %dma_start3A_131 = tpu.memref_slice %arg3[%dma_start3A_130] : memref<1000000xf32, #tpu.memory_space<hbm>> -> memref<1000000xf32, #tpu.memory_space<hbm>>
    tpu.enqueue_indirect_dma source(%dma_start3A_131 : memref<1000000xf32, #tpu.memory_space<hbm>>) target(%dma_start3A_126 : memref<512xf32, #tpu.memory_space<vmem>>) offsets(%dma_start3A_129 : memref<512xi32, #tpu.memory_space<vmem>>) semaphore(%arg8 : memref<!tpu.dma_semaphore, #tpu.memory_space<semaphore_mem>>)
    %dma_start3A_132 = arith.constant 13 : i32
    %dma_start3A_133 = arith.constant 13 : i32
    %dma_start3A_134 = arith.constant 0 : i32
    %dma_start3A_135 = tpu.memref_slice %arg6[%dma_start3A_133, %dma_start3A_134] : memref<50x512xf32, #tpu.memory_space<vmem>> -> memref<1x512xf32, #tpu.memory_space<vmem>>
    %dma_start3A_136 = tpu.memref_squeeze %dma_start3A_135 : memref<1x512xf32, #tpu.memory_space<vmem>> -> memref<512xf32, #tpu.memory_space<vmem>>
    %dma_start3A_137 = arith.constant 0 : i32
    %dma_start3A_138 = tpu.memref_slice %arg5[%dma_start3A_132, %dma_start3A_137] : memref<50x512xi32, #tpu.memory_space<vmem>> -> memref<1x512xi32, #tpu.memory_space<vmem>>
    %dma_start3A_139 = tpu.memref_squeeze %dma_start3A_138 : memref<1x512xi32, #tpu.memory_space<vmem>> -> memref<512xi32, #tpu.memory_space<vmem>>
    %dma_start3A_140 = arith.constant 0 : i32
    %dma_start3A_141 = tpu.memref_slice %arg3[%dma_start3A_140] : memref<1000000xf32, #tpu.memory_space<hbm>> -> memref<1000000xf32, #tpu.memory_space<hbm>>
    tpu.enqueue_indirect_dma source(%dma_start3A_141 : memref<1000000xf32, #tpu.memory_space<hbm>>) target(%dma_start3A_136 : memref<512xf32, #tpu.memory_space<vmem>>) offsets(%dma_start3A_139 : memref<512xi32, #tpu.memory_space<vmem>>) semaphore(%arg8 : memref<!tpu.dma_semaphore, #tpu.memory_space<semaphore_mem>>)
    %dma_start3A_142 = arith.constant 14 : i32
    %dma_start3A_143 = arith.constant 14 : i32
    %dma_start3A_144 = arith.constant 0 : i32
    %dma_start3A_145 = tpu.memref_slice %arg6[%dma_start3A_143, %dma_start3A_144] : memref<50x512xf32, #tpu.memory_space<vmem>> -> memref<1x512xf32, #tpu.memory_space<vmem>>
    %dma_start3A_146 = tpu.memref_squeeze %dma_start3A_145 : memref<1x512xf32, #tpu.memory_space<vmem>> -> memref<512xf32, #tpu.memory_space<vmem>>
    %dma_start3A_147 = arith.constant 0 : i32
    %dma_start3A_148 = tpu.memref_slice %arg5[%dma_start3A_142, %dma_start3A_147] : memref<50x512xi32, #tpu.memory_space<vmem>> -> memref<1x512xi32, #tpu.memory_space<vmem>>
    %dma_start3A_149 = tpu.memref_squeeze %dma_start3A_148 : memref<1x512xi32, #tpu.memory_space<vmem>> -> memref<512xi32, #tpu.memory_space<vmem>>
    %dma_start3A_150 = arith.constant 0 : i32
    %dma_start3A_151 = tpu.memref_slice %arg3[%dma_start3A_150] : memref<1000000xf32, #tpu.memory_space<hbm>> -> memref<1000000xf32, #tpu.memory_space<hbm>>
    tpu.enqueue_indirect_dma source(%dma_start3A_151 : memref<1000000xf32, #tpu.memory_space<hbm>>) target(%dma_start3A_146 : memref<512xf32, #tpu.memory_space<vmem>>) offsets(%dma_start3A_149 : memref<512xi32, #tpu.memory_space<vmem>>) semaphore(%arg8 : memref<!tpu.dma_semaphore, #tpu.memory_space<semaphore_mem>>)
    %dma_start3A_152 = arith.constant 15 : i32
    %dma_start3A_153 = arith.constant 15 : i32
    %dma_start3A_154 = arith.constant 0 : i32
    %dma_start3A_155 = tpu.memref_slice %arg6[%dma_start3A_153, %dma_start3A_154] : memref<50x512xf32, #tpu.memory_space<vmem>> -> memref<1x512xf32, #tpu.memory_space<vmem>>
    %dma_start3A_156 = tpu.memref_squeeze %dma_start3A_155 : memref<1x512xf32, #tpu.memory_space<vmem>> -> memref<512xf32, #tpu.memory_space<vmem>>
    %dma_start3A_157 = arith.constant 0 : i32
    %dma_start3A_158 = tpu.memref_slice %arg5[%dma_start3A_152, %dma_start3A_157] : memref<50x512xi32, #tpu.memory_space<vmem>> -> memref<1x512xi32, #tpu.memory_space<vmem>>
    %dma_start3A_159 = tpu.memref_squeeze %dma_start3A_158 : memref<1x512xi32, #tpu.memory_space<vmem>> -> memref<512xi32, #tpu.memory_space<vmem>>
    %dma_start3A_160 = arith.constant 0 : i32
    %dma_start3A_161 = tpu.memref_slice %arg3[%dma_start3A_160] : memref<1000000xf32, #tpu.memory_space<hbm>> -> memref<1000000xf32, #tpu.memory_space<hbm>>
    tpu.enqueue_indirect_dma source(%dma_start3A_161 : memref<1000000xf32, #tpu.memory_space<hbm>>) target(%dma_start3A_156 : memref<512xf32, #tpu.memory_space<vmem>>) offsets(%dma_start3A_159 : memref<512xi32, #tpu.memory_space<vmem>>) semaphore(%arg8 : memref<!tpu.dma_semaphore, #tpu.memory_space<semaphore_mem>>)
    %dma_start3A_162 = arith.constant 16 : i32
    %dma_start3A_163 = arith.constant 16 : i32
    %dma_start3A_164 = arith.constant 0 : i32
    %dma_start3A_165 = tpu.memref_slice %arg6[%dma_start3A_163, %dma_start3A_164] : memref<50x512xf32, #tpu.memory_space<vmem>> -> memref<1x512xf32, #tpu.memory_space<vmem>>
    %dma_start3A_166 = tpu.memref_squeeze %dma_start3A_165 : memref<1x512xf32, #tpu.memory_space<vmem>> -> memref<512xf32, #tpu.memory_space<vmem>>
    %dma_start3A_167 = arith.constant 0 : i32
    %dma_start3A_168 = tpu.memref_slice %arg5[%dma_start3A_162, %dma_start3A_167] : memref<50x512xi32, #tpu.memory_space<vmem>> -> memref<1x512xi32, #tpu.memory_space<vmem>>
    %dma_start3A_169 = tpu.memref_squeeze %dma_start3A_168 : memref<1x512xi32, #tpu.memory_space<vmem>> -> memref<512xi32, #tpu.memory_space<vmem>>
    %dma_start3A_170 = arith.constant 0 : i32
    %dma_start3A_171 = tpu.memref_slice %arg3[%dma_start3A_170] : memref<1000000xf32, #tpu.memory_space<hbm>> -> memref<1000000xf32, #tpu.memory_space<hbm>>
    tpu.enqueue_indirect_dma source(%dma_start3A_171 : memref<1000000xf32, #tpu.memory_space<hbm>>) target(%dma_start3A_166 : memref<512xf32, #tpu.memory_space<vmem>>) offsets(%dma_start3A_169 : memref<512xi32, #tpu.memory_space<vmem>>) semaphore(%arg8 : memref<!tpu.dma_semaphore, #tpu.memory_space<semaphore_mem>>)
    %dma_start3A_172 = arith.constant 17 : i32
    %dma_start3A_173 = arith.constant 17 : i32
    %dma_start3A_174 = arith.constant 0 : i32
    %dma_start3A_175 = tpu.memref_slice %arg6[%dma_start3A_173, %dma_start3A_174] : memref<50x512xf32, #tpu.memory_space<vmem>> -> memref<1x512xf32, #tpu.memory_space<vmem>>
    %dma_start3A_176 = tpu.memref_squeeze %dma_start3A_175 : memref<1x512xf32, #tpu.memory_space<vmem>> -> memref<512xf32, #tpu.memory_space<vmem>>
    %dma_start3A_177 = arith.constant 0 : i32
    %dma_start3A_178 = tpu.memref_slice %arg5[%dma_start3A_172, %dma_start3A_177] : memref<50x512xi32, #tpu.memory_space<vmem>> -> memref<1x512xi32, #tpu.memory_space<vmem>>
    %dma_start3A_179 = tpu.memref_squeeze %dma_start3A_178 : memref<1x512xi32, #tpu.memory_space<vmem>> -> memref<512xi32, #tpu.memory_space<vmem>>
    %dma_start3A_180 = arith.constant 0 : i32
    %dma_start3A_181 = tpu.memref_slice %arg3[%dma_start3A_180] : memref<1000000xf32, #tpu.memory_space<hbm>> -> memref<1000000xf32, #tpu.memory_space<hbm>>
    tpu.enqueue_indirect_dma source(%dma_start3A_181 : memref<1000000xf32, #tpu.memory_space<hbm>>) target(%dma_start3A_176 : memref<512xf32, #tpu.memory_space<vmem>>) offsets(%dma_start3A_179 : memref<512xi32, #tpu.memory_space<vmem>>) semaphore(%arg8 : memref<!tpu.dma_semaphore, #tpu.memory_space<semaphore_mem>>)
    %dma_start3A_182 = arith.constant 18 : i32
    %dma_start3A_183 = arith.constant 18 : i32
    %dma_start3A_184 = arith.constant 0 : i32
    %dma_start3A_185 = tpu.memref_slice %arg6[%dma_start3A_183, %dma_start3A_184] : memref<50x512xf32, #tpu.memory_space<vmem>> -> memref<1x512xf32, #tpu.memory_space<vmem>>
    %dma_start3A_186 = tpu.memref_squeeze %dma_start3A_185 : memref<1x512xf32, #tpu.memory_space<vmem>> -> memref<512xf32, #tpu.memory_space<vmem>>
    %dma_start3A_187 = arith.constant 0 : i32
    %dma_start3A_188 = tpu.memref_slice %arg5[%dma_start3A_182, %dma_start3A_187] : memref<50x512xi32, #tpu.memory_space<vmem>> -> memref<1x512xi32, #tpu.memory_space<vmem>>
    %dma_start3A_189 = tpu.memref_squeeze %dma_start3A_188 : memref<1x512xi32, #tpu.memory_space<vmem>> -> memref<512xi32, #tpu.memory_space<vmem>>
    %dma_start3A_190 = arith.constant 0 : i32
    %dma_start3A_191 = tpu.memref_slice %arg3[%dma_start3A_190] : memref<1000000xf32, #tpu.memory_space<hbm>> -> memref<1000000xf32, #tpu.memory_space<hbm>>
    tpu.enqueue_indirect_dma source(%dma_start3A_191 : memref<1000000xf32, #tpu.memory_space<hbm>>) target(%dma_start3A_186 : memref<512xf32, #tpu.memory_space<vmem>>) offsets(%dma_start3A_189 : memref<512xi32, #tpu.memory_space<vmem>>) semaphore(%arg8 : memref<!tpu.dma_semaphore, #tpu.memory_space<semaphore_mem>>)
    %dma_start3A_192 = arith.constant 19 : i32
    %dma_start3A_193 = arith.constant 19 : i32
    %dma_start3A_194 = arith.constant 0 : i32
    %dma_start3A_195 = tpu.memref_slice %arg6[%dma_start3A_193, %dma_start3A_194] : memref<50x512xf32, #tpu.memory_space<vmem>> -> memref<1x512xf32, #tpu.memory_space<vmem>>
    %dma_start3A_196 = tpu.memref_squeeze %dma_start3A_195 : memref<1x512xf32, #tpu.memory_space<vmem>> -> memref<512xf32, #tpu.memory_space<vmem>>
    %dma_start3A_197 = arith.constant 0 : i32
    %dma_start3A_198 = tpu.memref_slice %arg5[%dma_start3A_192, %dma_start3A_197] : memref<50x512xi32, #tpu.memory_space<vmem>> -> memref<1x512xi32, #tpu.memory_space<vmem>>
    %dma_start3A_199 = tpu.memref_squeeze %dma_start3A_198 : memref<1x512xi32, #tpu.memory_space<vmem>> -> memref<512xi32, #tpu.memory_space<vmem>>
    %dma_start3A_200 = arith.constant 0 : i32
    %dma_start3A_201 = tpu.memref_slice %arg3[%dma_start3A_200] : memref<1000000xf32, #tpu.memory_space<hbm>> -> memref<1000000xf32, #tpu.memory_space<hbm>>
    tpu.enqueue_indirect_dma source(%dma_start3A_201 : memref<1000000xf32, #tpu.memory_space<hbm>>) target(%dma_start3A_196 : memref<512xf32, #tpu.memory_space<vmem>>) offsets(%dma_start3A_199 : memref<512xi32, #tpu.memory_space<vmem>>) semaphore(%arg8 : memref<!tpu.dma_semaphore, #tpu.memory_space<semaphore_mem>>)
    %dma_start3A_202 = arith.constant 20 : i32
    %dma_start3A_203 = arith.constant 20 : i32
    %dma_start3A_204 = arith.constant 0 : i32
    %dma_start3A_205 = tpu.memref_slice %arg6[%dma_start3A_203, %dma_start3A_204] : memref<50x512xf32, #tpu.memory_space<vmem>> -> memref<1x512xf32, #tpu.memory_space<vmem>>
    %dma_start3A_206 = tpu.memref_squeeze %dma_start3A_205 : memref<1x512xf32, #tpu.memory_space<vmem>> -> memref<512xf32, #tpu.memory_space<vmem>>
    %dma_start3A_207 = arith.constant 0 : i32
    %dma_start3A_208 = tpu.memref_slice %arg5[%dma_start3A_202, %dma_start3A_207] : memref<50x512xi32, #tpu.memory_space<vmem>> -> memref<1x512xi32, #tpu.memory_space<vmem>>
    %dma_start3A_209 = tpu.memref_squeeze %dma_start3A_208 : memref<1x512xi32, #tpu.memory_space<vmem>> -> memref<512xi32, #tpu.memory_space<vmem>>
    %dma_start3A_210 = arith.constant 0 : i32
    %dma_start3A_211 = tpu.memref_slice %arg3[%dma_start3A_210] : memref<1000000xf32, #tpu.memory_space<hbm>> -> memref<1000000xf32, #tpu.memory_space<hbm>>
    tpu.enqueue_indirect_dma source(%dma_start3A_211 : memref<1000000xf32, #tpu.memory_space<hbm>>) target(%dma_start3A_206 : memref<512xf32, #tpu.memory_space<vmem>>) offsets(%dma_start3A_209 : memref<512xi32, #tpu.memory_space<vmem>>) semaphore(%arg8 : memref<!tpu.dma_semaphore, #tpu.memory_space<semaphore_mem>>)
    %dma_start3A_212 = arith.constant 21 : i32
    %dma_start3A_213 = arith.constant 21 : i32
    %dma_start3A_214 = arith.constant 0 : i32
    %dma_start3A_215 = tpu.memref_slice %arg6[%dma_start3A_213, %dma_start3A_214] : memref<50x512xf32, #tpu.memory_space<vmem>> -> memref<1x512xf32, #tpu.memory_space<vmem>>
    %dma_start3A_216 = tpu.memref_squeeze %dma_start3A_215 : memref<1x512xf32, #tpu.memory_space<vmem>> -> memref<512xf32, #tpu.memory_space<vmem>>
    %dma_start3A_217 = arith.constant 0 : i32
    %dma_start3A_218 = tpu.memref_slice %arg5[%dma_start3A_212, %dma_start3A_217] : memref<50x512xi32, #tpu.memory_space<vmem>> -> memref<1x512xi32, #tpu.memory_space<vmem>>
    %dma_start3A_219 = tpu.memref_squeeze %dma_start3A_218 : memref<1x512xi32, #tpu.memory_space<vmem>> -> memref<512xi32, #tpu.memory_space<vmem>>
    %dma_start3A_220 = arith.constant 0 : i32
    %dma_start3A_221 = tpu.memref_slice %arg3[%dma_start3A_220] : memref<1000000xf32, #tpu.memory_space<hbm>> -> memref<1000000xf32, #tpu.memory_space<hbm>>
    tpu.enqueue_indirect_dma source(%dma_start3A_221 : memref<1000000xf32, #tpu.memory_space<hbm>>) target(%dma_start3A_216 : memref<512xf32, #tpu.memory_space<vmem>>) offsets(%dma_start3A_219 : memref<512xi32, #tpu.memory_space<vmem>>) semaphore(%arg8 : memref<!tpu.dma_semaphore, #tpu.memory_space<semaphore_mem>>)
    %dma_start3A_222 = arith.constant 22 : i32
    %dma_start3A_223 = arith.constant 22 : i32
    %dma_start3A_224 = arith.constant 0 : i32
    %dma_start3A_225 = tpu.memref_slice %arg6[%dma_start3A_223, %dma_start3A_224] : memref<50x512xf32, #tpu.memory_space<vmem>> -> memref<1x512xf32, #tpu.memory_space<vmem>>
    %dma_start3A_226 = tpu.memref_squeeze %dma_start3A_225 : memref<1x512xf32, #tpu.memory_space<vmem>> -> memref<512xf32, #tpu.memory_space<vmem>>
    %dma_start3A_227 = arith.constant 0 : i32
    %dma_start3A_228 = tpu.memref_slice %arg5[%dma_start3A_222, %dma_start3A_227] : memref<50x512xi32, #tpu.memory_space<vmem>> -> memref<1x512xi32, #tpu.memory_space<vmem>>
    %dma_start3A_229 = tpu.memref_squeeze %dma_start3A_228 : memref<1x512xi32, #tpu.memory_space<vmem>> -> memref<512xi32, #tpu.memory_space<vmem>>
    %dma_start3A_230 = arith.constant 0 : i32
    %dma_start3A_231 = tpu.memref_slice %arg3[%dma_start3A_230] : memref<1000000xf32, #tpu.memory_space<hbm>> -> memref<1000000xf32, #tpu.memory_space<hbm>>
    tpu.enqueue_indirect_dma source(%dma_start3A_231 : memref<1000000xf32, #tpu.memory_space<hbm>>) target(%dma_start3A_226 : memref<512xf32, #tpu.memory_space<vmem>>) offsets(%dma_start3A_229 : memref<512xi32, #tpu.memory_space<vmem>>) semaphore(%arg8 : memref<!tpu.dma_semaphore, #tpu.memory_space<semaphore_mem>>)
    %dma_start3A_232 = arith.constant 23 : i32
    %dma_start3A_233 = arith.constant 23 : i32
    %dma_start3A_234 = arith.constant 0 : i32
    %dma_start3A_235 = tpu.memref_slice %arg6[%dma_start3A_233, %dma_start3A_234] : memref<50x512xf32, #tpu.memory_space<vmem>> -> memref<1x512xf32, #tpu.memory_space<vmem>>
    %dma_start3A_236 = tpu.memref_squeeze %dma_start3A_235 : memref<1x512xf32, #tpu.memory_space<vmem>> -> memref<512xf32, #tpu.memory_space<vmem>>
    %dma_start3A_237 = arith.constant 0 : i32
    %dma_start3A_238 = tpu.memref_slice %arg5[%dma_start3A_232, %dma_start3A_237] : memref<50x512xi32, #tpu.memory_space<vmem>> -> memref<1x512xi32, #tpu.memory_space<vmem>>
    %dma_start3A_239 = tpu.memref_squeeze %dma_start3A_238 : memref<1x512xi32, #tpu.memory_space<vmem>> -> memref<512xi32, #tpu.memory_space<vmem>>
    %dma_start3A_240 = arith.constant 0 : i32
    %dma_start3A_241 = tpu.memref_slice %arg3[%dma_start3A_240] : memref<1000000xf32, #tpu.memory_space<hbm>> -> memref<1000000xf32, #tpu.memory_space<hbm>>
    tpu.enqueue_indirect_dma source(%dma_start3A_241 : memref<1000000xf32, #tpu.memory_space<hbm>>) target(%dma_start3A_236 : memref<512xf32, #tpu.memory_space<vmem>>) offsets(%dma_start3A_239 : memref<512xi32, #tpu.memory_space<vmem>>) semaphore(%arg8 : memref<!tpu.dma_semaphore, #tpu.memory_space<semaphore_mem>>)
    %dma_start3A_242 = arith.constant 24 : i32
    %dma_start3A_243 = arith.constant 24 : i32
    %dma_start3A_244 = arith.constant 0 : i32
    %dma_start3A_245 = tpu.memref_slice %arg6[%dma_start3A_243, %dma_start3A_244] : memref<50x512xf32, #tpu.memory_space<vmem>> -> memref<1x512xf32, #tpu.memory_space<vmem>>
    %dma_start3A_246 = tpu.memref_squeeze %dma_start3A_245 : memref<1x512xf32, #tpu.memory_space<vmem>> -> memref<512xf32, #tpu.memory_space<vmem>>
    %dma_start3A_247 = arith.constant 0 : i32
    %dma_start3A_248 = tpu.memref_slice %arg5[%dma_start3A_242, %dma_start3A_247] : memref<50x512xi32, #tpu.memory_space<vmem>> -> memref<1x512xi32, #tpu.memory_space<vmem>>
    %dma_start3A_249 = tpu.memref_squeeze %dma_start3A_248 : memref<1x512xi32, #tpu.memory_space<vmem>> -> memref<512xi32, #tpu.memory_space<vmem>>
    %dma_start3A_250 = arith.constant 0 : i32
    %dma_start3A_251 = tpu.memref_slice %arg3[%dma_start3A_250] : memref<1000000xf32, #tpu.memory_space<hbm>> -> memref<1000000xf32, #tpu.memory_space<hbm>>
    tpu.enqueue_indirect_dma source(%dma_start3A_251 : memref<1000000xf32, #tpu.memory_space<hbm>>) target(%dma_start3A_246 : memref<512xf32, #tpu.memory_space<vmem>>) offsets(%dma_start3A_249 : memref<512xi32, #tpu.memory_space<vmem>>) semaphore(%arg8 : memref<!tpu.dma_semaphore, #tpu.memory_space<semaphore_mem>>)
    %dma_start3A_252 = arith.constant 25 : i32
    %dma_start3A_253 = arith.constant 25 : i32
    %dma_start3A_254 = arith.constant 0 : i32
    %dma_start3A_255 = tpu.memref_slice %arg6[%dma_start3A_253, %dma_start3A_254] : memref<50x512xf32, #tpu.memory_space<vmem>> -> memref<1x512xf32, #tpu.memory_space<vmem>>
    %dma_start3A_256 = tpu.memref_squeeze %dma_start3A_255 : memref<1x512xf32, #tpu.memory_space<vmem>> -> memref<512xf32, #tpu.memory_space<vmem>>
    %dma_start3A_257 = arith.constant 0 : i32
    %dma_start3A_258 = tpu.memref_slice %arg5[%dma_start3A_252, %dma_start3A_257] : memref<50x512xi32, #tpu.memory_space<vmem>> -> memref<1x512xi32, #tpu.memory_space<vmem>>
    %dma_start3A_259 = tpu.memref_squeeze %dma_start3A_258 : memref<1x512xi32, #tpu.memory_space<vmem>> -> memref<512xi32, #tpu.memory_space<vmem>>
    %dma_start3A_260 = arith.constant 0 : i32
    %dma_start3A_261 = tpu.memref_slice %arg3[%dma_start3A_260] : memref<1000000xf32, #tpu.memory_space<hbm>> -> memref<1000000xf32, #tpu.memory_space<hbm>>
    tpu.enqueue_indirect_dma source(%dma_start3A_261 : memref<1000000xf32, #tpu.memory_space<hbm>>) target(%dma_start3A_256 : memref<512xf32, #tpu.memory_space<vmem>>) offsets(%dma_start3A_259 : memref<512xi32, #tpu.memory_space<vmem>>) semaphore(%arg8 : memref<!tpu.dma_semaphore, #tpu.memory_space<semaphore_mem>>)
    %dma_start3A_262 = arith.constant 26 : i32
    %dma_start3A_263 = arith.constant 26 : i32
    %dma_start3A_264 = arith.constant 0 : i32
    %dma_start3A_265 = tpu.memref_slice %arg6[%dma_start3A_263, %dma_start3A_264] : memref<50x512xf32, #tpu.memory_space<vmem>> -> memref<1x512xf32, #tpu.memory_space<vmem>>
    %dma_start3A_266 = tpu.memref_squeeze %dma_start3A_265 : memref<1x512xf32, #tpu.memory_space<vmem>> -> memref<512xf32, #tpu.memory_space<vmem>>
    %dma_start3A_267 = arith.constant 0 : i32
    %dma_start3A_268 = tpu.memref_slice %arg5[%dma_start3A_262, %dma_start3A_267] : memref<50x512xi32, #tpu.memory_space<vmem>> -> memref<1x512xi32, #tpu.memory_space<vmem>>
    %dma_start3A_269 = tpu.memref_squeeze %dma_start3A_268 : memref<1x512xi32, #tpu.memory_space<vmem>> -> memref<512xi32, #tpu.memory_space<vmem>>
    %dma_start3A_270 = arith.constant 0 : i32
    %dma_start3A_271 = tpu.memref_slice %arg3[%dma_start3A_270] : memref<1000000xf32, #tpu.memory_space<hbm>> -> memref<1000000xf32, #tpu.memory_space<hbm>>
    tpu.enqueue_indirect_dma source(%dma_start3A_271 : memref<1000000xf32, #tpu.memory_space<hbm>>) target(%dma_start3A_266 : memref<512xf32, #tpu.memory_space<vmem>>) offsets(%dma_start3A_269 : memref<512xi32, #tpu.memory_space<vmem>>) semaphore(%arg8 : memref<!tpu.dma_semaphore, #tpu.memory_space<semaphore_mem>>)
    %dma_start3A_272 = arith.constant 27 : i32
    %dma_start3A_273 = arith.constant 27 : i32
    %dma_start3A_274 = arith.constant 0 : i32
    %dma_start3A_275 = tpu.memref_slice %arg6[%dma_start3A_273, %dma_start3A_274] : memref<50x512xf32, #tpu.memory_space<vmem>> -> memref<1x512xf32, #tpu.memory_space<vmem>>
    %dma_start3A_276 = tpu.memref_squeeze %dma_start3A_275 : memref<1x512xf32, #tpu.memory_space<vmem>> -> memref<512xf32, #tpu.memory_space<vmem>>
    %dma_start3A_277 = arith.constant 0 : i32
    %dma_start3A_278 = tpu.memref_slice %arg5[%dma_start3A_272, %dma_start3A_277] : memref<50x512xi32, #tpu.memory_space<vmem>> -> memref<1x512xi32, #tpu.memory_space<vmem>>
    %dma_start3A_279 = tpu.memref_squeeze %dma_start3A_278 : memref<1x512xi32, #tpu.memory_space<vmem>> -> memref<512xi32, #tpu.memory_space<vmem>>
    %dma_start3A_280 = arith.constant 0 : i32
    %dma_start3A_281 = tpu.memref_slice %arg3[%dma_start3A_280] : memref<1000000xf32, #tpu.memory_space<hbm>> -> memref<1000000xf32, #tpu.memory_space<hbm>>
    tpu.enqueue_indirect_dma source(%dma_start3A_281 : memref<1000000xf32, #tpu.memory_space<hbm>>) target(%dma_start3A_276 : memref<512xf32, #tpu.memory_space<vmem>>) offsets(%dma_start3A_279 : memref<512xi32, #tpu.memory_space<vmem>>) semaphore(%arg8 : memref<!tpu.dma_semaphore, #tpu.memory_space<semaphore_mem>>)
    %dma_start3A_282 = arith.constant 28 : i32
    %dma_start3A_283 = arith.constant 28 : i32
    %dma_start3A_284 = arith.constant 0 : i32
    %dma_start3A_285 = tpu.memref_slice %arg6[%dma_start3A_283, %dma_start3A_284] : memref<50x512xf32, #tpu.memory_space<vmem>> -> memref<1x512xf32, #tpu.memory_space<vmem>>
    %dma_start3A_286 = tpu.memref_squeeze %dma_start3A_285 : memref<1x512xf32, #tpu.memory_space<vmem>> -> memref<512xf32, #tpu.memory_space<vmem>>
    %dma_start3A_287 = arith.constant 0 : i32
    %dma_start3A_288 = tpu.memref_slice %arg5[%dma_start3A_282, %dma_start3A_287] : memref<50x512xi32, #tpu.memory_space<vmem>> -> memref<1x512xi32, #tpu.memory_space<vmem>>
    %dma_start3A_289 = tpu.memref_squeeze %dma_start3A_288 : memref<1x512xi32, #tpu.memory_space<vmem>> -> memref<512xi32, #tpu.memory_space<vmem>>
    %dma_start3A_290 = arith.constant 0 : i32
    %dma_start3A_291 = tpu.memref_slice %arg3[%dma_start3A_290] : memref<1000000xf32, #tpu.memory_space<hbm>> -> memref<1000000xf32, #tpu.memory_space<hbm>>
    tpu.enqueue_indirect_dma source(%dma_start3A_291 : memref<1000000xf32, #tpu.memory_space<hbm>>) target(%dma_start3A_286 : memref<512xf32, #tpu.memory_space<vmem>>) offsets(%dma_start3A_289 : memref<512xi32, #tpu.memory_space<vmem>>) semaphore(%arg8 : memref<!tpu.dma_semaphore, #tpu.memory_space<semaphore_mem>>)
    %dma_start3A_292 = arith.constant 29 : i32
    %dma_start3A_293 = arith.constant 29 : i32
    %dma_start3A_294 = arith.constant 0 : i32
    %dma_start3A_295 = tpu.memref_slice %arg6[%dma_start3A_293, %dma_start3A_294] : memref<50x512xf32, #tpu.memory_space<vmem>> -> memref<1x512xf32, #tpu.memory_space<vmem>>
    %dma_start3A_296 = tpu.memref_squeeze %dma_start3A_295 : memref<1x512xf32, #tpu.memory_space<vmem>> -> memref<512xf32, #tpu.memory_space<vmem>>
    %dma_start3A_297 = arith.constant 0 : i32
    %dma_start3A_298 = tpu.memref_slice %arg5[%dma_start3A_292, %dma_start3A_297] : memref<50x512xi32, #tpu.memory_space<vmem>> -> memref<1x512xi32, #tpu.memory_space<vmem>>
    %dma_start3A_299 = tpu.memref_squeeze %dma_start3A_298 : memref<1x512xi32, #tpu.memory_space<vmem>> -> memref<512xi32, #tpu.memory_space<vmem>>
    %dma_start3A_300 = arith.constant 0 : i32
    %dma_start3A_301 = tpu.memref_slice %arg3[%dma_start3A_300] : memref<1000000xf32, #tpu.memory_space<hbm>> -> memref<1000000xf32, #tpu.memory_space<hbm>>
    tpu.enqueue_indirect_dma source(%dma_start3A_301 : memref<1000000xf32, #tpu.memory_space<hbm>>) target(%dma_start3A_296 : memref<512xf32, #tpu.memory_space<vmem>>) offsets(%dma_start3A_299 : memref<512xi32, #tpu.memory_space<vmem>>) semaphore(%arg8 : memref<!tpu.dma_semaphore, #tpu.memory_space<semaphore_mem>>)
    %dma_start3A_302 = arith.constant 30 : i32
    %dma_start3A_303 = arith.constant 30 : i32
    %dma_start3A_304 = arith.constant 0 : i32
    %dma_start3A_305 = tpu.memref_slice %arg6[%dma_start3A_303, %dma_start3A_304] : memref<50x512xf32, #tpu.memory_space<vmem>> -> memref<1x512xf32, #tpu.memory_space<vmem>>
    %dma_start3A_306 = tpu.memref_squeeze %dma_start3A_305 : memref<1x512xf32, #tpu.memory_space<vmem>> -> memref<512xf32, #tpu.memory_space<vmem>>
    %dma_start3A_307 = arith.constant 0 : i32
    %dma_start3A_308 = tpu.memref_slice %arg5[%dma_start3A_302, %dma_start3A_307] : memref<50x512xi32, #tpu.memory_space<vmem>> -> memref<1x512xi32, #tpu.memory_space<vmem>>
    %dma_start3A_309 = tpu.memref_squeeze %dma_start3A_308 : memref<1x512xi32, #tpu.memory_space<vmem>> -> memref<512xi32, #tpu.memory_space<vmem>>
    %dma_start3A_310 = arith.constant 0 : i32
    %dma_start3A_311 = tpu.memref_slice %arg3[%dma_start3A_310] : memref<1000000xf32, #tpu.memory_space<hbm>> -> memref<1000000xf32, #tpu.memory_space<hbm>>
    tpu.enqueue_indirect_dma source(%dma_start3A_311 : memref<1000000xf32, #tpu.memory_space<hbm>>) target(%dma_start3A_306 : memref<512xf32, #tpu.memory_space<vmem>>) offsets(%dma_start3A_309 : memref<512xi32, #tpu.memory_space<vmem>>) semaphore(%arg8 : memref<!tpu.dma_semaphore, #tpu.memory_space<semaphore_mem>>)
    %dma_start3A_312 = arith.constant 31 : i32
    %dma_start3A_313 = arith.constant 31 : i32
    %dma_start3A_314 = arith.constant 0 : i32
    %dma_start3A_315 = tpu.memref_slice %arg6[%dma_start3A_313, %dma_start3A_314] : memref<50x512xf32, #tpu.memory_space<vmem>> -> memref<1x512xf32, #tpu.memory_space<vmem>>
    %dma_start3A_316 = tpu.memref_squeeze %dma_start3A_315 : memref<1x512xf32, #tpu.memory_space<vmem>> -> memref<512xf32, #tpu.memory_space<vmem>>
    %dma_start3A_317 = arith.constant 0 : i32
    %dma_start3A_318 = tpu.memref_slice %arg5[%dma_start3A_312, %dma_start3A_317] : memref<50x512xi32, #tpu.memory_space<vmem>> -> memref<1x512xi32, #tpu.memory_space<vmem>>
    %dma_start3A_319 = tpu.memref_squeeze %dma_start3A_318 : memref<1x512xi32, #tpu.memory_space<vmem>> -> memref<512xi32, #tpu.memory_space<vmem>>
    %dma_start3A_320 = arith.constant 0 : i32
    %dma_start3A_321 = tpu.memref_slice %arg3[%dma_start3A_320] : memref<1000000xf32, #tpu.memory_space<hbm>> -> memref<1000000xf32, #tpu.memory_space<hbm>>
    tpu.enqueue_indirect_dma source(%dma_start3A_321 : memref<1000000xf32, #tpu.memory_space<hbm>>) target(%dma_start3A_316 : memref<512xf32, #tpu.memory_space<vmem>>) offsets(%dma_start3A_319 : memref<512xi32, #tpu.memory_space<vmem>>) semaphore(%arg8 : memref<!tpu.dma_semaphore, #tpu.memory_space<semaphore_mem>>)
    %dma_start3A_322 = arith.constant 32 : i32
    %dma_start3A_323 = arith.constant 32 : i32
    %dma_start3A_324 = arith.constant 0 : i32
    %dma_start3A_325 = tpu.memref_slice %arg6[%dma_start3A_323, %dma_start3A_324] : memref<50x512xf32, #tpu.memory_space<vmem>> -> memref<1x512xf32, #tpu.memory_space<vmem>>
    %dma_start3A_326 = tpu.memref_squeeze %dma_start3A_325 : memref<1x512xf32, #tpu.memory_space<vmem>> -> memref<512xf32, #tpu.memory_space<vmem>>
    %dma_start3A_327 = arith.constant 0 : i32
    %dma_start3A_328 = tpu.memref_slice %arg5[%dma_start3A_322, %dma_start3A_327] : memref<50x512xi32, #tpu.memory_space<vmem>> -> memref<1x512xi32, #tpu.memory_space<vmem>>
    %dma_start3A_329 = tpu.memref_squeeze %dma_start3A_328 : memref<1x512xi32, #tpu.memory_space<vmem>> -> memref<512xi32, #tpu.memory_space<vmem>>
    %dma_start3A_330 = arith.constant 0 : i32
    %dma_start3A_331 = tpu.memref_slice %arg3[%dma_start3A_330] : memref<1000000xf32, #tpu.memory_space<hbm>> -> memref<1000000xf32, #tpu.memory_space<hbm>>
    tpu.enqueue_indirect_dma source(%dma_start3A_331 : memref<1000000xf32, #tpu.memory_space<hbm>>) target(%dma_start3A_326 : memref<512xf32, #tpu.memory_space<vmem>>) offsets(%dma_start3A_329 : memref<512xi32, #tpu.memory_space<vmem>>) semaphore(%arg8 : memref<!tpu.dma_semaphore, #tpu.memory_space<semaphore_mem>>)
    %dma_start3A_332 = arith.constant 33 : i32
    %dma_start3A_333 = arith.constant 33 : i32
    %dma_start3A_334 = arith.constant 0 : i32
    %dma_start3A_335 = tpu.memref_slice %arg6[%dma_start3A_333, %dma_start3A_334] : memref<50x512xf32, #tpu.memory_space<vmem>> -> memref<1x512xf32, #tpu.memory_space<vmem>>
    %dma_start3A_336 = tpu.memref_squeeze %dma_start3A_335 : memref<1x512xf32, #tpu.memory_space<vmem>> -> memref<512xf32, #tpu.memory_space<vmem>>
    %dma_start3A_337 = arith.constant 0 : i32
    %dma_start3A_338 = tpu.memref_slice %arg5[%dma_start3A_332, %dma_start3A_337] : memref<50x512xi32, #tpu.memory_space<vmem>> -> memref<1x512xi32, #tpu.memory_space<vmem>>
    %dma_start3A_339 = tpu.memref_squeeze %dma_start3A_338 : memref<1x512xi32, #tpu.memory_space<vmem>> -> memref<512xi32, #tpu.memory_space<vmem>>
    %dma_start3A_340 = arith.constant 0 : i32
    %dma_start3A_341 = tpu.memref_slice %arg3[%dma_start3A_340] : memref<1000000xf32, #tpu.memory_space<hbm>> -> memref<1000000xf32, #tpu.memory_space<hbm>>
    tpu.enqueue_indirect_dma source(%dma_start3A_341 : memref<1000000xf32, #tpu.memory_space<hbm>>) target(%dma_start3A_336 : memref<512xf32, #tpu.memory_space<vmem>>) offsets(%dma_start3A_339 : memref<512xi32, #tpu.memory_space<vmem>>) semaphore(%arg8 : memref<!tpu.dma_semaphore, #tpu.memory_space<semaphore_mem>>)
    %dma_start3A_342 = arith.constant 34 : i32
    %dma_start3A_343 = arith.constant 34 : i32
    %dma_start3A_344 = arith.constant 0 : i32
    %dma_start3A_345 = tpu.memref_slice %arg6[%dma_start3A_343, %dma_start3A_344] : memref<50x512xf32, #tpu.memory_space<vmem>> -> memref<1x512xf32, #tpu.memory_space<vmem>>
    %dma_start3A_346 = tpu.memref_squeeze %dma_start3A_345 : memref<1x512xf32, #tpu.memory_space<vmem>> -> memref<512xf32, #tpu.memory_space<vmem>>
    %dma_start3A_347 = arith.constant 0 : i32
    %dma_start3A_348 = tpu.memref_slice %arg5[%dma_start3A_342, %dma_start3A_347] : memref<50x512xi32, #tpu.memory_space<vmem>> -> memref<1x512xi32, #tpu.memory_space<vmem>>
    %dma_start3A_349 = tpu.memref_squeeze %dma_start3A_348 : memref<1x512xi32, #tpu.memory_space<vmem>> -> memref<512xi32, #tpu.memory_space<vmem>>
    %dma_start3A_350 = arith.constant 0 : i32
    %dma_start3A_351 = tpu.memref_slice %arg3[%dma_start3A_350] : memref<1000000xf32, #tpu.memory_space<hbm>> -> memref<1000000xf32, #tpu.memory_space<hbm>>
    tpu.enqueue_indirect_dma source(%dma_start3A_351 : memref<1000000xf32, #tpu.memory_space<hbm>>) target(%dma_start3A_346 : memref<512xf32, #tpu.memory_space<vmem>>) offsets(%dma_start3A_349 : memref<512xi32, #tpu.memory_space<vmem>>) semaphore(%arg8 : memref<!tpu.dma_semaphore, #tpu.memory_space<semaphore_mem>>)
    %dma_start3A_352 = arith.constant 35 : i32
    %dma_start3A_353 = arith.constant 35 : i32
    %dma_start3A_354 = arith.constant 0 : i32
    %dma_start3A_355 = tpu.memref_slice %arg6[%dma_start3A_353, %dma_start3A_354] : memref<50x512xf32, #tpu.memory_space<vmem>> -> memref<1x512xf32, #tpu.memory_space<vmem>>
    %dma_start3A_356 = tpu.memref_squeeze %dma_start3A_355 : memref<1x512xf32, #tpu.memory_space<vmem>> -> memref<512xf32, #tpu.memory_space<vmem>>
    %dma_start3A_357 = arith.constant 0 : i32
    %dma_start3A_358 = tpu.memref_slice %arg5[%dma_start3A_352, %dma_start3A_357] : memref<50x512xi32, #tpu.memory_space<vmem>> -> memref<1x512xi32, #tpu.memory_space<vmem>>
    %dma_start3A_359 = tpu.memref_squeeze %dma_start3A_358 : memref<1x512xi32, #tpu.memory_space<vmem>> -> memref<512xi32, #tpu.memory_space<vmem>>
    %dma_start3A_360 = arith.constant 0 : i32
    %dma_start3A_361 = tpu.memref_slice %arg3[%dma_start3A_360] : memref<1000000xf32, #tpu.memory_space<hbm>> -> memref<1000000xf32, #tpu.memory_space<hbm>>
    tpu.enqueue_indirect_dma source(%dma_start3A_361 : memref<1000000xf32, #tpu.memory_space<hbm>>) target(%dma_start3A_356 : memref<512xf32, #tpu.memory_space<vmem>>) offsets(%dma_start3A_359 : memref<512xi32, #tpu.memory_space<vmem>>) semaphore(%arg8 : memref<!tpu.dma_semaphore, #tpu.memory_space<semaphore_mem>>)
    %dma_start3A_362 = arith.constant 36 : i32
    %dma_start3A_363 = arith.constant 36 : i32
    %dma_start3A_364 = arith.constant 0 : i32
    %dma_start3A_365 = tpu.memref_slice %arg6[%dma_start3A_363, %dma_start3A_364] : memref<50x512xf32, #tpu.memory_space<vmem>> -> memref<1x512xf32, #tpu.memory_space<vmem>>
    %dma_start3A_366 = tpu.memref_squeeze %dma_start3A_365 : memref<1x512xf32, #tpu.memory_space<vmem>> -> memref<512xf32, #tpu.memory_space<vmem>>
    %dma_start3A_367 = arith.constant 0 : i32
    %dma_start3A_368 = tpu.memref_slice %arg5[%dma_start3A_362, %dma_start3A_367] : memref<50x512xi32, #tpu.memory_space<vmem>> -> memref<1x512xi32, #tpu.memory_space<vmem>>
    %dma_start3A_369 = tpu.memref_squeeze %dma_start3A_368 : memref<1x512xi32, #tpu.memory_space<vmem>> -> memref<512xi32, #tpu.memory_space<vmem>>
    %dma_start3A_370 = arith.constant 0 : i32
    %dma_start3A_371 = tpu.memref_slice %arg3[%dma_start3A_370] : memref<1000000xf32, #tpu.memory_space<hbm>> -> memref<1000000xf32, #tpu.memory_space<hbm>>
    tpu.enqueue_indirect_dma source(%dma_start3A_371 : memref<1000000xf32, #tpu.memory_space<hbm>>) target(%dma_start3A_366 : memref<512xf32, #tpu.memory_space<vmem>>) offsets(%dma_start3A_369 : memref<512xi32, #tpu.memory_space<vmem>>) semaphore(%arg8 : memref<!tpu.dma_semaphore, #tpu.memory_space<semaphore_mem>>)
    %dma_start3A_372 = arith.constant 37 : i32
    %dma_start3A_373 = arith.constant 37 : i32
    %dma_start3A_374 = arith.constant 0 : i32
    %dma_start3A_375 = tpu.memref_slice %arg6[%dma_start3A_373, %dma_start3A_374] : memref<50x512xf32, #tpu.memory_space<vmem>> -> memref<1x512xf32, #tpu.memory_space<vmem>>
    %dma_start3A_376 = tpu.memref_squeeze %dma_start3A_375 : memref<1x512xf32, #tpu.memory_space<vmem>> -> memref<512xf32, #tpu.memory_space<vmem>>
    %dma_start3A_377 = arith.constant 0 : i32
    %dma_start3A_378 = tpu.memref_slice %arg5[%dma_start3A_372, %dma_start3A_377] : memref<50x512xi32, #tpu.memory_space<vmem>> -> memref<1x512xi32, #tpu.memory_space<vmem>>
    %dma_start3A_379 = tpu.memref_squeeze %dma_start3A_378 : memref<1x512xi32, #tpu.memory_space<vmem>> -> memref<512xi32, #tpu.memory_space<vmem>>
    %dma_start3A_380 = arith.constant 0 : i32
    %dma_start3A_381 = tpu.memref_slice %arg3[%dma_start3A_380] : memref<1000000xf32, #tpu.memory_space<hbm>> -> memref<1000000xf32, #tpu.memory_space<hbm>>
    tpu.enqueue_indirect_dma source(%dma_start3A_381 : memref<1000000xf32, #tpu.memory_space<hbm>>) target(%dma_start3A_376 : memref<512xf32, #tpu.memory_space<vmem>>) offsets(%dma_start3A_379 : memref<512xi32, #tpu.memory_space<vmem>>) semaphore(%arg8 : memref<!tpu.dma_semaphore, #tpu.memory_space<semaphore_mem>>)
    %dma_start3A_382 = arith.constant 38 : i32
    %dma_start3A_383 = arith.constant 38 : i32
    %dma_start3A_384 = arith.constant 0 : i32
    %dma_start3A_385 = tpu.memref_slice %arg6[%dma_start3A_383, %dma_start3A_384] : memref<50x512xf32, #tpu.memory_space<vmem>> -> memref<1x512xf32, #tpu.memory_space<vmem>>
    %dma_start3A_386 = tpu.memref_squeeze %dma_start3A_385 : memref<1x512xf32, #tpu.memory_space<vmem>> -> memref<512xf32, #tpu.memory_space<vmem>>
    %dma_start3A_387 = arith.constant 0 : i32
    %dma_start3A_388 = tpu.memref_slice %arg5[%dma_start3A_382, %dma_start3A_387] : memref<50x512xi32, #tpu.memory_space<vmem>> -> memref<1x512xi32, #tpu.memory_space<vmem>>
    %dma_start3A_389 = tpu.memref_squeeze %dma_start3A_388 : memref<1x512xi32, #tpu.memory_space<vmem>> -> memref<512xi32, #tpu.memory_space<vmem>>
    %dma_start3A_390 = arith.constant 0 : i32
    %dma_start3A_391 = tpu.memref_slice %arg3[%dma_start3A_390] : memref<1000000xf32, #tpu.memory_space<hbm>> -> memref<1000000xf32, #tpu.memory_space<hbm>>
    tpu.enqueue_indirect_dma source(%dma_start3A_391 : memref<1000000xf32, #tpu.memory_space<hbm>>) target(%dma_start3A_386 : memref<512xf32, #tpu.memory_space<vmem>>) offsets(%dma_start3A_389 : memref<512xi32, #tpu.memory_space<vmem>>) semaphore(%arg8 : memref<!tpu.dma_semaphore, #tpu.memory_space<semaphore_mem>>)
    %dma_start3A_392 = arith.constant 39 : i32
    %dma_start3A_393 = arith.constant 39 : i32
    %dma_start3A_394 = arith.constant 0 : i32
    %dma_start3A_395 = tpu.memref_slice %arg6[%dma_start3A_393, %dma_start3A_394] : memref<50x512xf32, #tpu.memory_space<vmem>> -> memref<1x512xf32, #tpu.memory_space<vmem>>
    %dma_start3A_396 = tpu.memref_squeeze %dma_start3A_395 : memref<1x512xf32, #tpu.memory_space<vmem>> -> memref<512xf32, #tpu.memory_space<vmem>>
    %dma_start3A_397 = arith.constant 0 : i32
    %dma_start3A_398 = tpu.memref_slice %arg5[%dma_start3A_392, %dma_start3A_397] : memref<50x512xi32, #tpu.memory_space<vmem>> -> memref<1x512xi32, #tpu.memory_space<vmem>>
    %dma_start3A_399 = tpu.memref_squeeze %dma_start3A_398 : memref<1x512xi32, #tpu.memory_space<vmem>> -> memref<512xi32, #tpu.memory_space<vmem>>
    %dma_start3A_400 = arith.constant 0 : i32
    %dma_start3A_401 = tpu.memref_slice %arg3[%dma_start3A_400] : memref<1000000xf32, #tpu.memory_space<hbm>> -> memref<1000000xf32, #tpu.memory_space<hbm>>
    tpu.enqueue_indirect_dma source(%dma_start3A_401 : memref<1000000xf32, #tpu.memory_space<hbm>>) target(%dma_start3A_396 : memref<512xf32, #tpu.memory_space<vmem>>) offsets(%dma_start3A_399 : memref<512xi32, #tpu.memory_space<vmem>>) semaphore(%arg8 : memref<!tpu.dma_semaphore, #tpu.memory_space<semaphore_mem>>)
    %dma_start3A_402 = arith.constant 40 : i32
    %dma_start3A_403 = arith.constant 40 : i32
    %dma_start3A_404 = arith.constant 0 : i32
    %dma_start3A_405 = tpu.memref_slice %arg6[%dma_start3A_403, %dma_start3A_404] : memref<50x512xf32, #tpu.memory_space<vmem>> -> memref<1x512xf32, #tpu.memory_space<vmem>>
    %dma_start3A_406 = tpu.memref_squeeze %dma_start3A_405 : memref<1x512xf32, #tpu.memory_space<vmem>> -> memref<512xf32, #tpu.memory_space<vmem>>
    %dma_start3A_407 = arith.constant 0 : i32
    %dma_start3A_408 = tpu.memref_slice %arg5[%dma_start3A_402, %dma_start3A_407] : memref<50x512xi32, #tpu.memory_space<vmem>> -> memref<1x512xi32, #tpu.memory_space<vmem>>
    %dma_start3A_409 = tpu.memref_squeeze %dma_start3A_408 : memref<1x512xi32, #tpu.memory_space<vmem>> -> memref<512xi32, #tpu.memory_space<vmem>>
    %dma_start3A_410 = arith.constant 0 : i32
    %dma_start3A_411 = tpu.memref_slice %arg3[%dma_start3A_410] : memref<1000000xf32, #tpu.memory_space<hbm>> -> memref<1000000xf32, #tpu.memory_space<hbm>>
    tpu.enqueue_indirect_dma source(%dma_start3A_411 : memref<1000000xf32, #tpu.memory_space<hbm>>) target(%dma_start3A_406 : memref<512xf32, #tpu.memory_space<vmem>>) offsets(%dma_start3A_409 : memref<512xi32, #tpu.memory_space<vmem>>) semaphore(%arg8 : memref<!tpu.dma_semaphore, #tpu.memory_space<semaphore_mem>>)
    %dma_start3A_412 = arith.constant 41 : i32
    %dma_start3A_413 = arith.constant 41 : i32
    %dma_start3A_414 = arith.constant 0 : i32
    %dma_start3A_415 = tpu.memref_slice %arg6[%dma_start3A_413, %dma_start3A_414] : memref<50x512xf32, #tpu.memory_space<vmem>> -> memref<1x512xf32, #tpu.memory_space<vmem>>
    %dma_start3A_416 = tpu.memref_squeeze %dma_start3A_415 : memref<1x512xf32, #tpu.memory_space<vmem>> -> memref<512xf32, #tpu.memory_space<vmem>>
    %dma_start3A_417 = arith.constant 0 : i32
    %dma_start3A_418 = tpu.memref_slice %arg5[%dma_start3A_412, %dma_start3A_417] : memref<50x512xi32, #tpu.memory_space<vmem>> -> memref<1x512xi32, #tpu.memory_space<vmem>>
    %dma_start3A_419 = tpu.memref_squeeze %dma_start3A_418 : memref<1x512xi32, #tpu.memory_space<vmem>> -> memref<512xi32, #tpu.memory_space<vmem>>
    %dma_start3A_420 = arith.constant 0 : i32
    %dma_start3A_421 = tpu.memref_slice %arg3[%dma_start3A_420] : memref<1000000xf32, #tpu.memory_space<hbm>> -> memref<1000000xf32, #tpu.memory_space<hbm>>
    tpu.enqueue_indirect_dma source(%dma_start3A_421 : memref<1000000xf32, #tpu.memory_space<hbm>>) target(%dma_start3A_416 : memref<512xf32, #tpu.memory_space<vmem>>) offsets(%dma_start3A_419 : memref<512xi32, #tpu.memory_space<vmem>>) semaphore(%arg8 : memref<!tpu.dma_semaphore, #tpu.memory_space<semaphore_mem>>)
    %dma_start3A_422 = arith.constant 42 : i32
    %dma_start3A_423 = arith.constant 42 : i32
    %dma_start3A_424 = arith.constant 0 : i32
    %dma_start3A_425 = tpu.memref_slice %arg6[%dma_start3A_423, %dma_start3A_424] : memref<50x512xf32, #tpu.memory_space<vmem>> -> memref<1x512xf32, #tpu.memory_space<vmem>>
    %dma_start3A_426 = tpu.memref_squeeze %dma_start3A_425 : memref<1x512xf32, #tpu.memory_space<vmem>> -> memref<512xf32, #tpu.memory_space<vmem>>
    %dma_start3A_427 = arith.constant 0 : i32
    %dma_start3A_428 = tpu.memref_slice %arg5[%dma_start3A_422, %dma_start3A_427] : memref<50x512xi32, #tpu.memory_space<vmem>> -> memref<1x512xi32, #tpu.memory_space<vmem>>
    %dma_start3A_429 = tpu.memref_squeeze %dma_start3A_428 : memref<1x512xi32, #tpu.memory_space<vmem>> -> memref<512xi32, #tpu.memory_space<vmem>>
    %dma_start3A_430 = arith.constant 0 : i32
    %dma_start3A_431 = tpu.memref_slice %arg3[%dma_start3A_430] : memref<1000000xf32, #tpu.memory_space<hbm>> -> memref<1000000xf32, #tpu.memory_space<hbm>>
    tpu.enqueue_indirect_dma source(%dma_start3A_431 : memref<1000000xf32, #tpu.memory_space<hbm>>) target(%dma_start3A_426 : memref<512xf32, #tpu.memory_space<vmem>>) offsets(%dma_start3A_429 : memref<512xi32, #tpu.memory_space<vmem>>) semaphore(%arg8 : memref<!tpu.dma_semaphore, #tpu.memory_space<semaphore_mem>>)
    %dma_start3A_432 = arith.constant 43 : i32
    %dma_start3A_433 = arith.constant 43 : i32
    %dma_start3A_434 = arith.constant 0 : i32
    %dma_start3A_435 = tpu.memref_slice %arg6[%dma_start3A_433, %dma_start3A_434] : memref<50x512xf32, #tpu.memory_space<vmem>> -> memref<1x512xf32, #tpu.memory_space<vmem>>
    %dma_start3A_436 = tpu.memref_squeeze %dma_start3A_435 : memref<1x512xf32, #tpu.memory_space<vmem>> -> memref<512xf32, #tpu.memory_space<vmem>>
    %dma_start3A_437 = arith.constant 0 : i32
    %dma_start3A_438 = tpu.memref_slice %arg5[%dma_start3A_432, %dma_start3A_437] : memref<50x512xi32, #tpu.memory_space<vmem>> -> memref<1x512xi32, #tpu.memory_space<vmem>>
    %dma_start3A_439 = tpu.memref_squeeze %dma_start3A_438 : memref<1x512xi32, #tpu.memory_space<vmem>> -> memref<512xi32, #tpu.memory_space<vmem>>
    %dma_start3A_440 = arith.constant 0 : i32
    %dma_start3A_441 = tpu.memref_slice %arg3[%dma_start3A_440] : memref<1000000xf32, #tpu.memory_space<hbm>> -> memref<1000000xf32, #tpu.memory_space<hbm>>
    tpu.enqueue_indirect_dma source(%dma_start3A_441 : memref<1000000xf32, #tpu.memory_space<hbm>>) target(%dma_start3A_436 : memref<512xf32, #tpu.memory_space<vmem>>) offsets(%dma_start3A_439 : memref<512xi32, #tpu.memory_space<vmem>>) semaphore(%arg8 : memref<!tpu.dma_semaphore, #tpu.memory_space<semaphore_mem>>)
    %dma_start3A_442 = arith.constant 44 : i32
    %dma_start3A_443 = arith.constant 44 : i32
    %dma_start3A_444 = arith.constant 0 : i32
    %dma_start3A_445 = tpu.memref_slice %arg6[%dma_start3A_443, %dma_start3A_444] : memref<50x512xf32, #tpu.memory_space<vmem>> -> memref<1x512xf32, #tpu.memory_space<vmem>>
    %dma_start3A_446 = tpu.memref_squeeze %dma_start3A_445 : memref<1x512xf32, #tpu.memory_space<vmem>> -> memref<512xf32, #tpu.memory_space<vmem>>
    %dma_start3A_447 = arith.constant 0 : i32
    %dma_start3A_448 = tpu.memref_slice %arg5[%dma_start3A_442, %dma_start3A_447] : memref<50x512xi32, #tpu.memory_space<vmem>> -> memref<1x512xi32, #tpu.memory_space<vmem>>
    %dma_start3A_449 = tpu.memref_squeeze %dma_start3A_448 : memref<1x512xi32, #tpu.memory_space<vmem>> -> memref<512xi32, #tpu.memory_space<vmem>>
    %dma_start3A_450 = arith.constant 0 : i32
    %dma_start3A_451 = tpu.memref_slice %arg3[%dma_start3A_450] : memref<1000000xf32, #tpu.memory_space<hbm>> -> memref<1000000xf32, #tpu.memory_space<hbm>>
    tpu.enqueue_indirect_dma source(%dma_start3A_451 : memref<1000000xf32, #tpu.memory_space<hbm>>) target(%dma_start3A_446 : memref<512xf32, #tpu.memory_space<vmem>>) offsets(%dma_start3A_449 : memref<512xi32, #tpu.memory_space<vmem>>) semaphore(%arg8 : memref<!tpu.dma_semaphore, #tpu.memory_space<semaphore_mem>>)
    %dma_start3A_452 = arith.constant 45 : i32
    %dma_start3A_453 = arith.constant 45 : i32
    %dma_start3A_454 = arith.constant 0 : i32
    %dma_start3A_455 = tpu.memref_slice %arg6[%dma_start3A_453, %dma_start3A_454] : memref<50x512xf32, #tpu.memory_space<vmem>> -> memref<1x512xf32, #tpu.memory_space<vmem>>
    %dma_start3A_456 = tpu.memref_squeeze %dma_start3A_455 : memref<1x512xf32, #tpu.memory_space<vmem>> -> memref<512xf32, #tpu.memory_space<vmem>>
    %dma_start3A_457 = arith.constant 0 : i32
    %dma_start3A_458 = tpu.memref_slice %arg5[%dma_start3A_452, %dma_start3A_457] : memref<50x512xi32, #tpu.memory_space<vmem>> -> memref<1x512xi32, #tpu.memory_space<vmem>>
    %dma_start3A_459 = tpu.memref_squeeze %dma_start3A_458 : memref<1x512xi32, #tpu.memory_space<vmem>> -> memref<512xi32, #tpu.memory_space<vmem>>
    %dma_start3A_460 = arith.constant 0 : i32
    %dma_start3A_461 = tpu.memref_slice %arg3[%dma_start3A_460] : memref<1000000xf32, #tpu.memory_space<hbm>> -> memref<1000000xf32, #tpu.memory_space<hbm>>
    tpu.enqueue_indirect_dma source(%dma_start3A_461 : memref<1000000xf32, #tpu.memory_space<hbm>>) target(%dma_start3A_456 : memref<512xf32, #tpu.memory_space<vmem>>) offsets(%dma_start3A_459 : memref<512xi32, #tpu.memory_space<vmem>>) semaphore(%arg8 : memref<!tpu.dma_semaphore, #tpu.memory_space<semaphore_mem>>)
    %dma_start3A_462 = arith.constant 46 : i32
    %dma_start3A_463 = arith.constant 46 : i32
    %dma_start3A_464 = arith.constant 0 : i32
    %dma_start3A_465 = tpu.memref_slice %arg6[%dma_start3A_463, %dma_start3A_464] : memref<50x512xf32, #tpu.memory_space<vmem>> -> memref<1x512xf32, #tpu.memory_space<vmem>>
    %dma_start3A_466 = tpu.memref_squeeze %dma_start3A_465 : memref<1x512xf32, #tpu.memory_space<vmem>> -> memref<512xf32, #tpu.memory_space<vmem>>
    %dma_start3A_467 = arith.constant 0 : i32
    %dma_start3A_468 = tpu.memref_slice %arg5[%dma_start3A_462, %dma_start3A_467] : memref<50x512xi32, #tpu.memory_space<vmem>> -> memref<1x512xi32, #tpu.memory_space<vmem>>
    %dma_start3A_469 = tpu.memref_squeeze %dma_start3A_468 : memref<1x512xi32, #tpu.memory_space<vmem>> -> memref<512xi32, #tpu.memory_space<vmem>>
    %dma_start3A_470 = arith.constant 0 : i32
    %dma_start3A_471 = tpu.memref_slice %arg3[%dma_start3A_470] : memref<1000000xf32, #tpu.memory_space<hbm>> -> memref<1000000xf32, #tpu.memory_space<hbm>>
    tpu.enqueue_indirect_dma source(%dma_start3A_471 : memref<1000000xf32, #tpu.memory_space<hbm>>) target(%dma_start3A_466 : memref<512xf32, #tpu.memory_space<vmem>>) offsets(%dma_start3A_469 : memref<512xi32, #tpu.memory_space<vmem>>) semaphore(%arg8 : memref<!tpu.dma_semaphore, #tpu.memory_space<semaphore_mem>>)
    %dma_start3A_472 = arith.constant 47 : i32
    %dma_start3A_473 = arith.constant 47 : i32
    %dma_start3A_474 = arith.constant 0 : i32
    %dma_start3A_475 = tpu.memref_slice %arg6[%dma_start3A_473, %dma_start3A_474] : memref<50x512xf32, #tpu.memory_space<vmem>> -> memref<1x512xf32, #tpu.memory_space<vmem>>
    %dma_start3A_476 = tpu.memref_squeeze %dma_start3A_475 : memref<1x512xf32, #tpu.memory_space<vmem>> -> memref<512xf32, #tpu.memory_space<vmem>>
    %dma_start3A_477 = arith.constant 0 : i32
    %dma_start3A_478 = tpu.memref_slice %arg5[%dma_start3A_472, %dma_start3A_477] : memref<50x512xi32, #tpu.memory_space<vmem>> -> memref<1x512xi32, #tpu.memory_space<vmem>>
    %dma_start3A_479 = tpu.memref_squeeze %dma_start3A_478 : memref<1x512xi32, #tpu.memory_space<vmem>> -> memref<512xi32, #tpu.memory_space<vmem>>
    %dma_start3A_480 = arith.constant 0 : i32
    %dma_start3A_481 = tpu.memref_slice %arg3[%dma_start3A_480] : memref<1000000xf32, #tpu.memory_space<hbm>> -> memref<1000000xf32, #tpu.memory_space<hbm>>
    tpu.enqueue_indirect_dma source(%dma_start3A_481 : memref<1000000xf32, #tpu.memory_space<hbm>>) target(%dma_start3A_476 : memref<512xf32, #tpu.memory_space<vmem>>) offsets(%dma_start3A_479 : memref<512xi32, #tpu.memory_space<vmem>>) semaphore(%arg8 : memref<!tpu.dma_semaphore, #tpu.memory_space<semaphore_mem>>)
    %dma_start3A_482 = arith.constant 48 : i32
    %dma_start3A_483 = arith.constant 48 : i32
    %dma_start3A_484 = arith.constant 0 : i32
    %dma_start3A_485 = tpu.memref_slice %arg6[%dma_start3A_483, %dma_start3A_484] : memref<50x512xf32, #tpu.memory_space<vmem>> -> memref<1x512xf32, #tpu.memory_space<vmem>>
    %dma_start3A_486 = tpu.memref_squeeze %dma_start3A_485 : memref<1x512xf32, #tpu.memory_space<vmem>> -> memref<512xf32, #tpu.memory_space<vmem>>
    %dma_start3A_487 = arith.constant 0 : i32
    %dma_start3A_488 = tpu.memref_slice %arg5[%dma_start3A_482, %dma_start3A_487] : memref<50x512xi32, #tpu.memory_space<vmem>> -> memref<1x512xi32, #tpu.memory_space<vmem>>
    %dma_start3A_489 = tpu.memref_squeeze %dma_start3A_488 : memref<1x512xi32, #tpu.memory_space<vmem>> -> memref<512xi32, #tpu.memory_space<vmem>>
    %dma_start3A_490 = arith.constant 0 : i32
    %dma_start3A_491 = tpu.memref_slice %arg3[%dma_start3A_490] : memref<1000000xf32, #tpu.memory_space<hbm>> -> memref<1000000xf32, #tpu.memory_space<hbm>>
    tpu.enqueue_indirect_dma source(%dma_start3A_491 : memref<1000000xf32, #tpu.memory_space<hbm>>) target(%dma_start3A_486 : memref<512xf32, #tpu.memory_space<vmem>>) offsets(%dma_start3A_489 : memref<512xi32, #tpu.memory_space<vmem>>) semaphore(%arg8 : memref<!tpu.dma_semaphore, #tpu.memory_space<semaphore_mem>>)
    %dma_start3A_492 = arith.constant 49 : i32
    %dma_start3A_493 = arith.constant 49 : i32
    %dma_start3A_494 = arith.constant 0 : i32
    %dma_start3A_495 = tpu.memref_slice %arg6[%dma_start3A_493, %dma_start3A_494] : memref<50x512xf32, #tpu.memory_space<vmem>> -> memref<1x512xf32, #tpu.memory_space<vmem>>
    %dma_start3A_496 = tpu.memref_squeeze %dma_start3A_495 : memref<1x512xf32, #tpu.memory_space<vmem>> -> memref<512xf32, #tpu.memory_space<vmem>>
    %dma_start3A_497 = arith.constant 0 : i32
    %dma_start3A_498 = tpu.memref_slice %arg5[%dma_start3A_492, %dma_start3A_497] : memref<50x512xi32, #tpu.memory_space<vmem>> -> memref<1x512xi32, #tpu.memory_space<vmem>>
    %dma_start3A_499 = tpu.memref_squeeze %dma_start3A_498 : memref<1x512xi32, #tpu.memory_space<vmem>> -> memref<512xi32, #tpu.memory_space<vmem>>
    %dma_start3A_500 = arith.constant 0 : i32
    %dma_start3A_501 = tpu.memref_slice %arg3[%dma_start3A_500] : memref<1000000xf32, #tpu.memory_space<hbm>> -> memref<1000000xf32, #tpu.memory_space<hbm>>
    tpu.enqueue_indirect_dma source(%dma_start3A_501 : memref<1000000xf32, #tpu.memory_space<hbm>>) target(%dma_start3A_496 : memref<512xf32, #tpu.memory_space<vmem>>) offsets(%dma_start3A_499 : memref<512xi32, #tpu.memory_space<vmem>>) semaphore(%arg8 : memref<!tpu.dma_semaphore, #tpu.memory_space<semaphore_mem>>)
    %dma_wait3A = arith.constant 0 : i32
    %dma_wait3A_502 = arith.constant 0 : i32
    %dma_wait3A_503 = arith.constant 0 : i32
    %dma_wait3A_504 = tpu.memref_slice %arg6[%dma_wait3A_502, %dma_wait3A_503] : memref<50x512xf32, #tpu.memory_space<vmem>> -> memref<1x512xf32, #tpu.memory_space<vmem>>
    %dma_wait3A_505 = tpu.memref_squeeze %dma_wait3A_504 : memref<1x512xf32, #tpu.memory_space<vmem>> -> memref<512xf32, #tpu.memory_space<vmem>>
    %dma_wait3A_506 = arith.constant 0 : i32
    %dma_wait3A_507 = tpu.memref_slice %arg5[%dma_wait3A, %dma_wait3A_506] : memref<50x512xi32, #tpu.memory_space<vmem>> -> memref<1x512xi32, #tpu.memory_space<vmem>>
    %dma_wait3A_508 = tpu.memref_squeeze %dma_wait3A_507 : memref<1x512xi32, #tpu.memory_space<vmem>> -> memref<512xi32, #tpu.memory_space<vmem>>
    %dma_wait3A_509 = arith.constant 0 : i32
    %dma_wait3A_510 = tpu.memref_slice %arg3[%dma_wait3A_509] : memref<1000000xf32, #tpu.memory_space<hbm>> -> memref<1000000xf32, #tpu.memory_space<hbm>>
    tpu.wait_indirect_dma semaphore(%arg8 : memref<!tpu.dma_semaphore, #tpu.memory_space<semaphore_mem>>) src(%dma_wait3A_510 : memref<1000000xf32, #tpu.memory_space<hbm>>) dst(%dma_wait3A_505 : memref<512xf32, #tpu.memory_space<vmem>>)
    %dma_wait3A_511 = arith.constant 1 : i32
    %dma_wait3A_512 = arith.constant 1 : i32
    %dma_wait3A_513 = arith.constant 0 : i32
    %dma_wait3A_514 = tpu.memref_slice %arg6[%dma_wait3A_512, %dma_wait3A_513] : memref<50x512xf32, #tpu.memory_space<vmem>> -> memref<1x512xf32, #tpu.memory_space<vmem>>
    %dma_wait3A_515 = tpu.memref_squeeze %dma_wait3A_514 : memref<1x512xf32, #tpu.memory_space<vmem>> -> memref<512xf32, #tpu.memory_space<vmem>>
    %dma_wait3A_516 = arith.constant 0 : i32
    %dma_wait3A_517 = tpu.memref_slice %arg5[%dma_wait3A_511, %dma_wait3A_516] : memref<50x512xi32, #tpu.memory_space<vmem>> -> memref<1x512xi32, #tpu.memory_space<vmem>>
    %dma_wait3A_518 = tpu.memref_squeeze %dma_wait3A_517 : memref<1x512xi32, #tpu.memory_space<vmem>> -> memref<512xi32, #tpu.memory_space<vmem>>
    %dma_wait3A_519 = arith.constant 0 : i32
    %dma_wait3A_520 = tpu.memref_slice %arg3[%dma_wait3A_519] : memref<1000000xf32, #tpu.memory_space<hbm>> -> memref<1000000xf32, #tpu.memory_space<hbm>>
    tpu.wait_indirect_dma semaphore(%arg8 : memref<!tpu.dma_semaphore, #tpu.memory_space<semaphore_mem>>) src(%dma_wait3A_520 : memref<1000000xf32, #tpu.memory_space<hbm>>) dst(%dma_wait3A_515 : memref<512xf32, #tpu.memory_space<vmem>>)
    %dma_wait3A_521 = arith.constant 2 : i32
    %dma_wait3A_522 = arith.constant 2 : i32
    %dma_wait3A_523 = arith.constant 0 : i32
    %dma_wait3A_524 = tpu.memref_slice %arg6[%dma_wait3A_522, %dma_wait3A_523] : memref<50x512xf32, #tpu.memory_space<vmem>> -> memref<1x512xf32, #tpu.memory_space<vmem>>
    %dma_wait3A_525 = tpu.memref_squeeze %dma_wait3A_524 : memref<1x512xf32, #tpu.memory_space<vmem>> -> memref<512xf32, #tpu.memory_space<vmem>>
    %dma_wait3A_526 = arith.constant 0 : i32
    %dma_wait3A_527 = tpu.memref_slice %arg5[%dma_wait3A_521, %dma_wait3A_526] : memref<50x512xi32, #tpu.memory_space<vmem>> -> memref<1x512xi32, #tpu.memory_space<vmem>>
    %dma_wait3A_528 = tpu.memref_squeeze %dma_wait3A_527 : memref<1x512xi32, #tpu.memory_space<vmem>> -> memref<512xi32, #tpu.memory_space<vmem>>
    %dma_wait3A_529 = arith.constant 0 : i32
    %dma_wait3A_530 = tpu.memref_slice %arg3[%dma_wait3A_529] : memref<1000000xf32, #tpu.memory_space<hbm>> -> memref<1000000xf32, #tpu.memory_space<hbm>>
    tpu.wait_indirect_dma semaphore(%arg8 : memref<!tpu.dma_semaphore, #tpu.memory_space<semaphore_mem>>) src(%dma_wait3A_530 : memref<1000000xf32, #tpu.memory_space<hbm>>) dst(%dma_wait3A_525 : memref<512xf32, #tpu.memory_space<vmem>>)
    %dma_wait3A_531 = arith.constant 3 : i32
    %dma_wait3A_532 = arith.constant 3 : i32
    %dma_wait3A_533 = arith.constant 0 : i32
    %dma_wait3A_534 = tpu.memref_slice %arg6[%dma_wait3A_532, %dma_wait3A_533] : memref<50x512xf32, #tpu.memory_space<vmem>> -> memref<1x512xf32, #tpu.memory_space<vmem>>
    %dma_wait3A_535 = tpu.memref_squeeze %dma_wait3A_534 : memref<1x512xf32, #tpu.memory_space<vmem>> -> memref<512xf32, #tpu.memory_space<vmem>>
    %dma_wait3A_536 = arith.constant 0 : i32
    %dma_wait3A_537 = tpu.memref_slice %arg5[%dma_wait3A_531, %dma_wait3A_536] : memref<50x512xi32, #tpu.memory_space<vmem>> -> memref<1x512xi32, #tpu.memory_space<vmem>>
    %dma_wait3A_538 = tpu.memref_squeeze %dma_wait3A_537 : memref<1x512xi32, #tpu.memory_space<vmem>> -> memref<512xi32, #tpu.memory_space<vmem>>
    %dma_wait3A_539 = arith.constant 0 : i32
    %dma_wait3A_540 = tpu.memref_slice %arg3[%dma_wait3A_539] : memref<1000000xf32, #tpu.memory_space<hbm>> -> memref<1000000xf32, #tpu.memory_space<hbm>>
    tpu.wait_indirect_dma semaphore(%arg8 : memref<!tpu.dma_semaphore, #tpu.memory_space<semaphore_mem>>) src(%dma_wait3A_540 : memref<1000000xf32, #tpu.memory_space<hbm>>) dst(%dma_wait3A_535 : memref<512xf32, #tpu.memory_space<vmem>>)
    %dma_wait3A_541 = arith.constant 4 : i32
    %dma_wait3A_542 = arith.constant 4 : i32
    %dma_wait3A_543 = arith.constant 0 : i32
    %dma_wait3A_544 = tpu.memref_slice %arg6[%dma_wait3A_542, %dma_wait3A_543] : memref<50x512xf32, #tpu.memory_space<vmem>> -> memref<1x512xf32, #tpu.memory_space<vmem>>
    %dma_wait3A_545 = tpu.memref_squeeze %dma_wait3A_544 : memref<1x512xf32, #tpu.memory_space<vmem>> -> memref<512xf32, #tpu.memory_space<vmem>>
    %dma_wait3A_546 = arith.constant 0 : i32
    %dma_wait3A_547 = tpu.memref_slice %arg5[%dma_wait3A_541, %dma_wait3A_546] : memref<50x512xi32, #tpu.memory_space<vmem>> -> memref<1x512xi32, #tpu.memory_space<vmem>>
    %dma_wait3A_548 = tpu.memref_squeeze %dma_wait3A_547 : memref<1x512xi32, #tpu.memory_space<vmem>> -> memref<512xi32, #tpu.memory_space<vmem>>
    %dma_wait3A_549 = arith.constant 0 : i32
    %dma_wait3A_550 = tpu.memref_slice %arg3[%dma_wait3A_549] : memref<1000000xf32, #tpu.memory_space<hbm>> -> memref<1000000xf32, #tpu.memory_space<hbm>>
    tpu.wait_indirect_dma semaphore(%arg8 : memref<!tpu.dma_semaphore, #tpu.memory_space<semaphore_mem>>) src(%dma_wait3A_550 : memref<1000000xf32, #tpu.memory_space<hbm>>) dst(%dma_wait3A_545 : memref<512xf32, #tpu.memory_space<vmem>>)
    %dma_wait3A_551 = arith.constant 5 : i32
    %dma_wait3A_552 = arith.constant 5 : i32
    %dma_wait3A_553 = arith.constant 0 : i32
    %dma_wait3A_554 = tpu.memref_slice %arg6[%dma_wait3A_552, %dma_wait3A_553] : memref<50x512xf32, #tpu.memory_space<vmem>> -> memref<1x512xf32, #tpu.memory_space<vmem>>
    %dma_wait3A_555 = tpu.memref_squeeze %dma_wait3A_554 : memref<1x512xf32, #tpu.memory_space<vmem>> -> memref<512xf32, #tpu.memory_space<vmem>>
    %dma_wait3A_556 = arith.constant 0 : i32
    %dma_wait3A_557 = tpu.memref_slice %arg5[%dma_wait3A_551, %dma_wait3A_556] : memref<50x512xi32, #tpu.memory_space<vmem>> -> memref<1x512xi32, #tpu.memory_space<vmem>>
    %dma_wait3A_558 = tpu.memref_squeeze %dma_wait3A_557 : memref<1x512xi32, #tpu.memory_space<vmem>> -> memref<512xi32, #tpu.memory_space<vmem>>
    %dma_wait3A_559 = arith.constant 0 : i32
    %dma_wait3A_560 = tpu.memref_slice %arg3[%dma_wait3A_559] : memref<1000000xf32, #tpu.memory_space<hbm>> -> memref<1000000xf32, #tpu.memory_space<hbm>>
    tpu.wait_indirect_dma semaphore(%arg8 : memref<!tpu.dma_semaphore, #tpu.memory_space<semaphore_mem>>) src(%dma_wait3A_560 : memref<1000000xf32, #tpu.memory_space<hbm>>) dst(%dma_wait3A_555 : memref<512xf32, #tpu.memory_space<vmem>>)
    %dma_wait3A_561 = arith.constant 6 : i32
    %dma_wait3A_562 = arith.constant 6 : i32
    %dma_wait3A_563 = arith.constant 0 : i32
    %dma_wait3A_564 = tpu.memref_slice %arg6[%dma_wait3A_562, %dma_wait3A_563] : memref<50x512xf32, #tpu.memory_space<vmem>> -> memref<1x512xf32, #tpu.memory_space<vmem>>
    %dma_wait3A_565 = tpu.memref_squeeze %dma_wait3A_564 : memref<1x512xf32, #tpu.memory_space<vmem>> -> memref<512xf32, #tpu.memory_space<vmem>>
    %dma_wait3A_566 = arith.constant 0 : i32
    %dma_wait3A_567 = tpu.memref_slice %arg5[%dma_wait3A_561, %dma_wait3A_566] : memref<50x512xi32, #tpu.memory_space<vmem>> -> memref<1x512xi32, #tpu.memory_space<vmem>>
    %dma_wait3A_568 = tpu.memref_squeeze %dma_wait3A_567 : memref<1x512xi32, #tpu.memory_space<vmem>> -> memref<512xi32, #tpu.memory_space<vmem>>
    %dma_wait3A_569 = arith.constant 0 : i32
    %dma_wait3A_570 = tpu.memref_slice %arg3[%dma_wait3A_569] : memref<1000000xf32, #tpu.memory_space<hbm>> -> memref<1000000xf32, #tpu.memory_space<hbm>>
    tpu.wait_indirect_dma semaphore(%arg8 : memref<!tpu.dma_semaphore, #tpu.memory_space<semaphore_mem>>) src(%dma_wait3A_570 : memref<1000000xf32, #tpu.memory_space<hbm>>) dst(%dma_wait3A_565 : memref<512xf32, #tpu.memory_space<vmem>>)
    %dma_wait3A_571 = arith.constant 7 : i32
    %dma_wait3A_572 = arith.constant 7 : i32
    %dma_wait3A_573 = arith.constant 0 : i32
    %dma_wait3A_574 = tpu.memref_slice %arg6[%dma_wait3A_572, %dma_wait3A_573] : memref<50x512xf32, #tpu.memory_space<vmem>> -> memref<1x512xf32, #tpu.memory_space<vmem>>
    %dma_wait3A_575 = tpu.memref_squeeze %dma_wait3A_574 : memref<1x512xf32, #tpu.memory_space<vmem>> -> memref<512xf32, #tpu.memory_space<vmem>>
    %dma_wait3A_576 = arith.constant 0 : i32
    %dma_wait3A_577 = tpu.memref_slice %arg5[%dma_wait3A_571, %dma_wait3A_576] : memref<50x512xi32, #tpu.memory_space<vmem>> -> memref<1x512xi32, #tpu.memory_space<vmem>>
    %dma_wait3A_578 = tpu.memref_squeeze %dma_wait3A_577 : memref<1x512xi32, #tpu.memory_space<vmem>> -> memref<512xi32, #tpu.memory_space<vmem>>
    %dma_wait3A_579 = arith.constant 0 : i32
    %dma_wait3A_580 = tpu.memref_slice %arg3[%dma_wait3A_579] : memref<1000000xf32, #tpu.memory_space<hbm>> -> memref<1000000xf32, #tpu.memory_space<hbm>>
    tpu.wait_indirect_dma semaphore(%arg8 : memref<!tpu.dma_semaphore, #tpu.memory_space<semaphore_mem>>) src(%dma_wait3A_580 : memref<1000000xf32, #tpu.memory_space<hbm>>) dst(%dma_wait3A_575 : memref<512xf32, #tpu.memory_space<vmem>>)
    %dma_wait3A_581 = arith.constant 8 : i32
    %dma_wait3A_582 = arith.constant 8 : i32
    %dma_wait3A_583 = arith.constant 0 : i32
    %dma_wait3A_584 = tpu.memref_slice %arg6[%dma_wait3A_582, %dma_wait3A_583] : memref<50x512xf32, #tpu.memory_space<vmem>> -> memref<1x512xf32, #tpu.memory_space<vmem>>
    %dma_wait3A_585 = tpu.memref_squeeze %dma_wait3A_584 : memref<1x512xf32, #tpu.memory_space<vmem>> -> memref<512xf32, #tpu.memory_space<vmem>>
    %dma_wait3A_586 = arith.constant 0 : i32
    %dma_wait3A_587 = tpu.memref_slice %arg5[%dma_wait3A_581, %dma_wait3A_586] : memref<50x512xi32, #tpu.memory_space<vmem>> -> memref<1x512xi32, #tpu.memory_space<vmem>>
    %dma_wait3A_588 = tpu.memref_squeeze %dma_wait3A_587 : memref<1x512xi32, #tpu.memory_space<vmem>> -> memref<512xi32, #tpu.memory_space<vmem>>
    %dma_wait3A_589 = arith.constant 0 : i32
    %dma_wait3A_590 = tpu.memref_slice %arg3[%dma_wait3A_589] : memref<1000000xf32, #tpu.memory_space<hbm>> -> memref<1000000xf32, #tpu.memory_space<hbm>>
    tpu.wait_indirect_dma semaphore(%arg8 : memref<!tpu.dma_semaphore, #tpu.memory_space<semaphore_mem>>) src(%dma_wait3A_590 : memref<1000000xf32, #tpu.memory_space<hbm>>) dst(%dma_wait3A_585 : memref<512xf32, #tpu.memory_space<vmem>>)
    %dma_wait3A_591 = arith.constant 9 : i32
    %dma_wait3A_592 = arith.constant 9 : i32
    %dma_wait3A_593 = arith.constant 0 : i32
    %dma_wait3A_594 = tpu.memref_slice %arg6[%dma_wait3A_592, %dma_wait3A_593] : memref<50x512xf32, #tpu.memory_space<vmem>> -> memref<1x512xf32, #tpu.memory_space<vmem>>
    %dma_wait3A_595 = tpu.memref_squeeze %dma_wait3A_594 : memref<1x512xf32, #tpu.memory_space<vmem>> -> memref<512xf32, #tpu.memory_space<vmem>>
    %dma_wait3A_596 = arith.constant 0 : i32
    %dma_wait3A_597 = tpu.memref_slice %arg5[%dma_wait3A_591, %dma_wait3A_596] : memref<50x512xi32, #tpu.memory_space<vmem>> -> memref<1x512xi32, #tpu.memory_space<vmem>>
    %dma_wait3A_598 = tpu.memref_squeeze %dma_wait3A_597 : memref<1x512xi32, #tpu.memory_space<vmem>> -> memref<512xi32, #tpu.memory_space<vmem>>
    %dma_wait3A_599 = arith.constant 0 : i32
    %dma_wait3A_600 = tpu.memref_slice %arg3[%dma_wait3A_599] : memref<1000000xf32, #tpu.memory_space<hbm>> -> memref<1000000xf32, #tpu.memory_space<hbm>>
    tpu.wait_indirect_dma semaphore(%arg8 : memref<!tpu.dma_semaphore, #tpu.memory_space<semaphore_mem>>) src(%dma_wait3A_600 : memref<1000000xf32, #tpu.memory_space<hbm>>) dst(%dma_wait3A_595 : memref<512xf32, #tpu.memory_space<vmem>>)
    %dma_wait3A_601 = arith.constant 10 : i32
    %dma_wait3A_602 = arith.constant 10 : i32
    %dma_wait3A_603 = arith.constant 0 : i32
    %dma_wait3A_604 = tpu.memref_slice %arg6[%dma_wait3A_602, %dma_wait3A_603] : memref<50x512xf32, #tpu.memory_space<vmem>> -> memref<1x512xf32, #tpu.memory_space<vmem>>
    %dma_wait3A_605 = tpu.memref_squeeze %dma_wait3A_604 : memref<1x512xf32, #tpu.memory_space<vmem>> -> memref<512xf32, #tpu.memory_space<vmem>>
    %dma_wait3A_606 = arith.constant 0 : i32
    %dma_wait3A_607 = tpu.memref_slice %arg5[%dma_wait3A_601, %dma_wait3A_606] : memref<50x512xi32, #tpu.memory_space<vmem>> -> memref<1x512xi32, #tpu.memory_space<vmem>>
    %dma_wait3A_608 = tpu.memref_squeeze %dma_wait3A_607 : memref<1x512xi32, #tpu.memory_space<vmem>> -> memref<512xi32, #tpu.memory_space<vmem>>
    %dma_wait3A_609 = arith.constant 0 : i32
    %dma_wait3A_610 = tpu.memref_slice %arg3[%dma_wait3A_609] : memref<1000000xf32, #tpu.memory_space<hbm>> -> memref<1000000xf32, #tpu.memory_space<hbm>>
    tpu.wait_indirect_dma semaphore(%arg8 : memref<!tpu.dma_semaphore, #tpu.memory_space<semaphore_mem>>) src(%dma_wait3A_610 : memref<1000000xf32, #tpu.memory_space<hbm>>) dst(%dma_wait3A_605 : memref<512xf32, #tpu.memory_space<vmem>>)
    %dma_wait3A_611 = arith.constant 11 : i32
    %dma_wait3A_612 = arith.constant 11 : i32
    %dma_wait3A_613 = arith.constant 0 : i32
    %dma_wait3A_614 = tpu.memref_slice %arg6[%dma_wait3A_612, %dma_wait3A_613] : memref<50x512xf32, #tpu.memory_space<vmem>> -> memref<1x512xf32, #tpu.memory_space<vmem>>
    %dma_wait3A_615 = tpu.memref_squeeze %dma_wait3A_614 : memref<1x512xf32, #tpu.memory_space<vmem>> -> memref<512xf32, #tpu.memory_space<vmem>>
    %dma_wait3A_616 = arith.constant 0 : i32
    %dma_wait3A_617 = tpu.memref_slice %arg5[%dma_wait3A_611, %dma_wait3A_616] : memref<50x512xi32, #tpu.memory_space<vmem>> -> memref<1x512xi32, #tpu.memory_space<vmem>>
    %dma_wait3A_618 = tpu.memref_squeeze %dma_wait3A_617 : memref<1x512xi32, #tpu.memory_space<vmem>> -> memref<512xi32, #tpu.memory_space<vmem>>
    %dma_wait3A_619 = arith.constant 0 : i32
    %dma_wait3A_620 = tpu.memref_slice %arg3[%dma_wait3A_619] : memref<1000000xf32, #tpu.memory_space<hbm>> -> memref<1000000xf32, #tpu.memory_space<hbm>>
    tpu.wait_indirect_dma semaphore(%arg8 : memref<!tpu.dma_semaphore, #tpu.memory_space<semaphore_mem>>) src(%dma_wait3A_620 : memref<1000000xf32, #tpu.memory_space<hbm>>) dst(%dma_wait3A_615 : memref<512xf32, #tpu.memory_space<vmem>>)
    %dma_wait3A_621 = arith.constant 12 : i32
    %dma_wait3A_622 = arith.constant 12 : i32
    %dma_wait3A_623 = arith.constant 0 : i32
    %dma_wait3A_624 = tpu.memref_slice %arg6[%dma_wait3A_622, %dma_wait3A_623] : memref<50x512xf32, #tpu.memory_space<vmem>> -> memref<1x512xf32, #tpu.memory_space<vmem>>
    %dma_wait3A_625 = tpu.memref_squeeze %dma_wait3A_624 : memref<1x512xf32, #tpu.memory_space<vmem>> -> memref<512xf32, #tpu.memory_space<vmem>>
    %dma_wait3A_626 = arith.constant 0 : i32
    %dma_wait3A_627 = tpu.memref_slice %arg5[%dma_wait3A_621, %dma_wait3A_626] : memref<50x512xi32, #tpu.memory_space<vmem>> -> memref<1x512xi32, #tpu.memory_space<vmem>>
    %dma_wait3A_628 = tpu.memref_squeeze %dma_wait3A_627 : memref<1x512xi32, #tpu.memory_space<vmem>> -> memref<512xi32, #tpu.memory_space<vmem>>
    %dma_wait3A_629 = arith.constant 0 : i32
    %dma_wait3A_630 = tpu.memref_slice %arg3[%dma_wait3A_629] : memref<1000000xf32, #tpu.memory_space<hbm>> -> memref<1000000xf32, #tpu.memory_space<hbm>>
    tpu.wait_indirect_dma semaphore(%arg8 : memref<!tpu.dma_semaphore, #tpu.memory_space<semaphore_mem>>) src(%dma_wait3A_630 : memref<1000000xf32, #tpu.memory_space<hbm>>) dst(%dma_wait3A_625 : memref<512xf32, #tpu.memory_space<vmem>>)
    %dma_wait3A_631 = arith.constant 13 : i32
    %dma_wait3A_632 = arith.constant 13 : i32
    %dma_wait3A_633 = arith.constant 0 : i32
    %dma_wait3A_634 = tpu.memref_slice %arg6[%dma_wait3A_632, %dma_wait3A_633] : memref<50x512xf32, #tpu.memory_space<vmem>> -> memref<1x512xf32, #tpu.memory_space<vmem>>
    %dma_wait3A_635 = tpu.memref_squeeze %dma_wait3A_634 : memref<1x512xf32, #tpu.memory_space<vmem>> -> memref<512xf32, #tpu.memory_space<vmem>>
    %dma_wait3A_636 = arith.constant 0 : i32
    %dma_wait3A_637 = tpu.memref_slice %arg5[%dma_wait3A_631, %dma_wait3A_636] : memref<50x512xi32, #tpu.memory_space<vmem>> -> memref<1x512xi32, #tpu.memory_space<vmem>>
    %dma_wait3A_638 = tpu.memref_squeeze %dma_wait3A_637 : memref<1x512xi32, #tpu.memory_space<vmem>> -> memref<512xi32, #tpu.memory_space<vmem>>
    %dma_wait3A_639 = arith.constant 0 : i32
    %dma_wait3A_640 = tpu.memref_slice %arg3[%dma_wait3A_639] : memref<1000000xf32, #tpu.memory_space<hbm>> -> memref<1000000xf32, #tpu.memory_space<hbm>>
    tpu.wait_indirect_dma semaphore(%arg8 : memref<!tpu.dma_semaphore, #tpu.memory_space<semaphore_mem>>) src(%dma_wait3A_640 : memref<1000000xf32, #tpu.memory_space<hbm>>) dst(%dma_wait3A_635 : memref<512xf32, #tpu.memory_space<vmem>>)
    %dma_wait3A_641 = arith.constant 14 : i32
    %dma_wait3A_642 = arith.constant 14 : i32
    %dma_wait3A_643 = arith.constant 0 : i32
    %dma_wait3A_644 = tpu.memref_slice %arg6[%dma_wait3A_642, %dma_wait3A_643] : memref<50x512xf32, #tpu.memory_space<vmem>> -> memref<1x512xf32, #tpu.memory_space<vmem>>
    %dma_wait3A_645 = tpu.memref_squeeze %dma_wait3A_644 : memref<1x512xf32, #tpu.memory_space<vmem>> -> memref<512xf32, #tpu.memory_space<vmem>>
    %dma_wait3A_646 = arith.constant 0 : i32
    %dma_wait3A_647 = tpu.memref_slice %arg5[%dma_wait3A_641, %dma_wait3A_646] : memref<50x512xi32, #tpu.memory_space<vmem>> -> memref<1x512xi32, #tpu.memory_space<vmem>>
    %dma_wait3A_648 = tpu.memref_squeeze %dma_wait3A_647 : memref<1x512xi32, #tpu.memory_space<vmem>> -> memref<512xi32, #tpu.memory_space<vmem>>
    %dma_wait3A_649 = arith.constant 0 : i32
    %dma_wait3A_650 = tpu.memref_slice %arg3[%dma_wait3A_649] : memref<1000000xf32, #tpu.memory_space<hbm>> -> memref<1000000xf32, #tpu.memory_space<hbm>>
    tpu.wait_indirect_dma semaphore(%arg8 : memref<!tpu.dma_semaphore, #tpu.memory_space<semaphore_mem>>) src(%dma_wait3A_650 : memref<1000000xf32, #tpu.memory_space<hbm>>) dst(%dma_wait3A_645 : memref<512xf32, #tpu.memory_space<vmem>>)
    %dma_wait3A_651 = arith.constant 15 : i32
    %dma_wait3A_652 = arith.constant 15 : i32
    %dma_wait3A_653 = arith.constant 0 : i32
    %dma_wait3A_654 = tpu.memref_slice %arg6[%dma_wait3A_652, %dma_wait3A_653] : memref<50x512xf32, #tpu.memory_space<vmem>> -> memref<1x512xf32, #tpu.memory_space<vmem>>
    %dma_wait3A_655 = tpu.memref_squeeze %dma_wait3A_654 : memref<1x512xf32, #tpu.memory_space<vmem>> -> memref<512xf32, #tpu.memory_space<vmem>>
    %dma_wait3A_656 = arith.constant 0 : i32
    %dma_wait3A_657 = tpu.memref_slice %arg5[%dma_wait3A_651, %dma_wait3A_656] : memref<50x512xi32, #tpu.memory_space<vmem>> -> memref<1x512xi32, #tpu.memory_space<vmem>>
    %dma_wait3A_658 = tpu.memref_squeeze %dma_wait3A_657 : memref<1x512xi32, #tpu.memory_space<vmem>> -> memref<512xi32, #tpu.memory_space<vmem>>
    %dma_wait3A_659 = arith.constant 0 : i32
    %dma_wait3A_660 = tpu.memref_slice %arg3[%dma_wait3A_659] : memref<1000000xf32, #tpu.memory_space<hbm>> -> memref<1000000xf32, #tpu.memory_space<hbm>>
    tpu.wait_indirect_dma semaphore(%arg8 : memref<!tpu.dma_semaphore, #tpu.memory_space<semaphore_mem>>) src(%dma_wait3A_660 : memref<1000000xf32, #tpu.memory_space<hbm>>) dst(%dma_wait3A_655 : memref<512xf32, #tpu.memory_space<vmem>>)
    %dma_wait3A_661 = arith.constant 16 : i32
    %dma_wait3A_662 = arith.constant 16 : i32
    %dma_wait3A_663 = arith.constant 0 : i32
    %dma_wait3A_664 = tpu.memref_slice %arg6[%dma_wait3A_662, %dma_wait3A_663] : memref<50x512xf32, #tpu.memory_space<vmem>> -> memref<1x512xf32, #tpu.memory_space<vmem>>
    %dma_wait3A_665 = tpu.memref_squeeze %dma_wait3A_664 : memref<1x512xf32, #tpu.memory_space<vmem>> -> memref<512xf32, #tpu.memory_space<vmem>>
    %dma_wait3A_666 = arith.constant 0 : i32
    %dma_wait3A_667 = tpu.memref_slice %arg5[%dma_wait3A_661, %dma_wait3A_666] : memref<50x512xi32, #tpu.memory_space<vmem>> -> memref<1x512xi32, #tpu.memory_space<vmem>>
    %dma_wait3A_668 = tpu.memref_squeeze %dma_wait3A_667 : memref<1x512xi32, #tpu.memory_space<vmem>> -> memref<512xi32, #tpu.memory_space<vmem>>
    %dma_wait3A_669 = arith.constant 0 : i32
    %dma_wait3A_670 = tpu.memref_slice %arg3[%dma_wait3A_669] : memref<1000000xf32, #tpu.memory_space<hbm>> -> memref<1000000xf32, #tpu.memory_space<hbm>>
    tpu.wait_indirect_dma semaphore(%arg8 : memref<!tpu.dma_semaphore, #tpu.memory_space<semaphore_mem>>) src(%dma_wait3A_670 : memref<1000000xf32, #tpu.memory_space<hbm>>) dst(%dma_wait3A_665 : memref<512xf32, #tpu.memory_space<vmem>>)
    %dma_wait3A_671 = arith.constant 17 : i32
    %dma_wait3A_672 = arith.constant 17 : i32
    %dma_wait3A_673 = arith.constant 0 : i32
    %dma_wait3A_674 = tpu.memref_slice %arg6[%dma_wait3A_672, %dma_wait3A_673] : memref<50x512xf32, #tpu.memory_space<vmem>> -> memref<1x512xf32, #tpu.memory_space<vmem>>
    %dma_wait3A_675 = tpu.memref_squeeze %dma_wait3A_674 : memref<1x512xf32, #tpu.memory_space<vmem>> -> memref<512xf32, #tpu.memory_space<vmem>>
    %dma_wait3A_676 = arith.constant 0 : i32
    %dma_wait3A_677 = tpu.memref_slice %arg5[%dma_wait3A_671, %dma_wait3A_676] : memref<50x512xi32, #tpu.memory_space<vmem>> -> memref<1x512xi32, #tpu.memory_space<vmem>>
    %dma_wait3A_678 = tpu.memref_squeeze %dma_wait3A_677 : memref<1x512xi32, #tpu.memory_space<vmem>> -> memref<512xi32, #tpu.memory_space<vmem>>
    %dma_wait3A_679 = arith.constant 0 : i32
    %dma_wait3A_680 = tpu.memref_slice %arg3[%dma_wait3A_679] : memref<1000000xf32, #tpu.memory_space<hbm>> -> memref<1000000xf32, #tpu.memory_space<hbm>>
    tpu.wait_indirect_dma semaphore(%arg8 : memref<!tpu.dma_semaphore, #tpu.memory_space<semaphore_mem>>) src(%dma_wait3A_680 : memref<1000000xf32, #tpu.memory_space<hbm>>) dst(%dma_wait3A_675 : memref<512xf32, #tpu.memory_space<vmem>>)
    %dma_wait3A_681 = arith.constant 18 : i32
    %dma_wait3A_682 = arith.constant 18 : i32
    %dma_wait3A_683 = arith.constant 0 : i32
    %dma_wait3A_684 = tpu.memref_slice %arg6[%dma_wait3A_682, %dma_wait3A_683] : memref<50x512xf32, #tpu.memory_space<vmem>> -> memref<1x512xf32, #tpu.memory_space<vmem>>
    %dma_wait3A_685 = tpu.memref_squeeze %dma_wait3A_684 : memref<1x512xf32, #tpu.memory_space<vmem>> -> memref<512xf32, #tpu.memory_space<vmem>>
    %dma_wait3A_686 = arith.constant 0 : i32
    %dma_wait3A_687 = tpu.memref_slice %arg5[%dma_wait3A_681, %dma_wait3A_686] : memref<50x512xi32, #tpu.memory_space<vmem>> -> memref<1x512xi32, #tpu.memory_space<vmem>>
    %dma_wait3A_688 = tpu.memref_squeeze %dma_wait3A_687 : memref<1x512xi32, #tpu.memory_space<vmem>> -> memref<512xi32, #tpu.memory_space<vmem>>
    %dma_wait3A_689 = arith.constant 0 : i32
    %dma_wait3A_690 = tpu.memref_slice %arg3[%dma_wait3A_689] : memref<1000000xf32, #tpu.memory_space<hbm>> -> memref<1000000xf32, #tpu.memory_space<hbm>>
    tpu.wait_indirect_dma semaphore(%arg8 : memref<!tpu.dma_semaphore, #tpu.memory_space<semaphore_mem>>) src(%dma_wait3A_690 : memref<1000000xf32, #tpu.memory_space<hbm>>) dst(%dma_wait3A_685 : memref<512xf32, #tpu.memory_space<vmem>>)
    %dma_wait3A_691 = arith.constant 19 : i32
    %dma_wait3A_692 = arith.constant 19 : i32
    %dma_wait3A_693 = arith.constant 0 : i32
    %dma_wait3A_694 = tpu.memref_slice %arg6[%dma_wait3A_692, %dma_wait3A_693] : memref<50x512xf32, #tpu.memory_space<vmem>> -> memref<1x512xf32, #tpu.memory_space<vmem>>
    %dma_wait3A_695 = tpu.memref_squeeze %dma_wait3A_694 : memref<1x512xf32, #tpu.memory_space<vmem>> -> memref<512xf32, #tpu.memory_space<vmem>>
    %dma_wait3A_696 = arith.constant 0 : i32
    %dma_wait3A_697 = tpu.memref_slice %arg5[%dma_wait3A_691, %dma_wait3A_696] : memref<50x512xi32, #tpu.memory_space<vmem>> -> memref<1x512xi32, #tpu.memory_space<vmem>>
    %dma_wait3A_698 = tpu.memref_squeeze %dma_wait3A_697 : memref<1x512xi32, #tpu.memory_space<vmem>> -> memref<512xi32, #tpu.memory_space<vmem>>
    %dma_wait3A_699 = arith.constant 0 : i32
    %dma_wait3A_700 = tpu.memref_slice %arg3[%dma_wait3A_699] : memref<1000000xf32, #tpu.memory_space<hbm>> -> memref<1000000xf32, #tpu.memory_space<hbm>>
    tpu.wait_indirect_dma semaphore(%arg8 : memref<!tpu.dma_semaphore, #tpu.memory_space<semaphore_mem>>) src(%dma_wait3A_700 : memref<1000000xf32, #tpu.memory_space<hbm>>) dst(%dma_wait3A_695 : memref<512xf32, #tpu.memory_space<vmem>>)
    %dma_wait3A_701 = arith.constant 20 : i32
    %dma_wait3A_702 = arith.constant 20 : i32
    %dma_wait3A_703 = arith.constant 0 : i32
    %dma_wait3A_704 = tpu.memref_slice %arg6[%dma_wait3A_702, %dma_wait3A_703] : memref<50x512xf32, #tpu.memory_space<vmem>> -> memref<1x512xf32, #tpu.memory_space<vmem>>
    %dma_wait3A_705 = tpu.memref_squeeze %dma_wait3A_704 : memref<1x512xf32, #tpu.memory_space<vmem>> -> memref<512xf32, #tpu.memory_space<vmem>>
    %dma_wait3A_706 = arith.constant 0 : i32
    %dma_wait3A_707 = tpu.memref_slice %arg5[%dma_wait3A_701, %dma_wait3A_706] : memref<50x512xi32, #tpu.memory_space<vmem>> -> memref<1x512xi32, #tpu.memory_space<vmem>>
    %dma_wait3A_708 = tpu.memref_squeeze %dma_wait3A_707 : memref<1x512xi32, #tpu.memory_space<vmem>> -> memref<512xi32, #tpu.memory_space<vmem>>
    %dma_wait3A_709 = arith.constant 0 : i32
    %dma_wait3A_710 = tpu.memref_slice %arg3[%dma_wait3A_709] : memref<1000000xf32, #tpu.memory_space<hbm>> -> memref<1000000xf32, #tpu.memory_space<hbm>>
    tpu.wait_indirect_dma semaphore(%arg8 : memref<!tpu.dma_semaphore, #tpu.memory_space<semaphore_mem>>) src(%dma_wait3A_710 : memref<1000000xf32, #tpu.memory_space<hbm>>) dst(%dma_wait3A_705 : memref<512xf32, #tpu.memory_space<vmem>>)
    %dma_wait3A_711 = arith.constant 21 : i32
    %dma_wait3A_712 = arith.constant 21 : i32
    %dma_wait3A_713 = arith.constant 0 : i32
    %dma_wait3A_714 = tpu.memref_slice %arg6[%dma_wait3A_712, %dma_wait3A_713] : memref<50x512xf32, #tpu.memory_space<vmem>> -> memref<1x512xf32, #tpu.memory_space<vmem>>
    %dma_wait3A_715 = tpu.memref_squeeze %dma_wait3A_714 : memref<1x512xf32, #tpu.memory_space<vmem>> -> memref<512xf32, #tpu.memory_space<vmem>>
    %dma_wait3A_716 = arith.constant 0 : i32
    %dma_wait3A_717 = tpu.memref_slice %arg5[%dma_wait3A_711, %dma_wait3A_716] : memref<50x512xi32, #tpu.memory_space<vmem>> -> memref<1x512xi32, #tpu.memory_space<vmem>>
    %dma_wait3A_718 = tpu.memref_squeeze %dma_wait3A_717 : memref<1x512xi32, #tpu.memory_space<vmem>> -> memref<512xi32, #tpu.memory_space<vmem>>
    %dma_wait3A_719 = arith.constant 0 : i32
    %dma_wait3A_720 = tpu.memref_slice %arg3[%dma_wait3A_719] : memref<1000000xf32, #tpu.memory_space<hbm>> -> memref<1000000xf32, #tpu.memory_space<hbm>>
    tpu.wait_indirect_dma semaphore(%arg8 : memref<!tpu.dma_semaphore, #tpu.memory_space<semaphore_mem>>) src(%dma_wait3A_720 : memref<1000000xf32, #tpu.memory_space<hbm>>) dst(%dma_wait3A_715 : memref<512xf32, #tpu.memory_space<vmem>>)
    %dma_wait3A_721 = arith.constant 22 : i32
    %dma_wait3A_722 = arith.constant 22 : i32
    %dma_wait3A_723 = arith.constant 0 : i32
    %dma_wait3A_724 = tpu.memref_slice %arg6[%dma_wait3A_722, %dma_wait3A_723] : memref<50x512xf32, #tpu.memory_space<vmem>> -> memref<1x512xf32, #tpu.memory_space<vmem>>
    %dma_wait3A_725 = tpu.memref_squeeze %dma_wait3A_724 : memref<1x512xf32, #tpu.memory_space<vmem>> -> memref<512xf32, #tpu.memory_space<vmem>>
    %dma_wait3A_726 = arith.constant 0 : i32
    %dma_wait3A_727 = tpu.memref_slice %arg5[%dma_wait3A_721, %dma_wait3A_726] : memref<50x512xi32, #tpu.memory_space<vmem>> -> memref<1x512xi32, #tpu.memory_space<vmem>>
    %dma_wait3A_728 = tpu.memref_squeeze %dma_wait3A_727 : memref<1x512xi32, #tpu.memory_space<vmem>> -> memref<512xi32, #tpu.memory_space<vmem>>
    %dma_wait3A_729 = arith.constant 0 : i32
    %dma_wait3A_730 = tpu.memref_slice %arg3[%dma_wait3A_729] : memref<1000000xf32, #tpu.memory_space<hbm>> -> memref<1000000xf32, #tpu.memory_space<hbm>>
    tpu.wait_indirect_dma semaphore(%arg8 : memref<!tpu.dma_semaphore, #tpu.memory_space<semaphore_mem>>) src(%dma_wait3A_730 : memref<1000000xf32, #tpu.memory_space<hbm>>) dst(%dma_wait3A_725 : memref<512xf32, #tpu.memory_space<vmem>>)
    %dma_wait3A_731 = arith.constant 23 : i32
    %dma_wait3A_732 = arith.constant 23 : i32
    %dma_wait3A_733 = arith.constant 0 : i32
    %dma_wait3A_734 = tpu.memref_slice %arg6[%dma_wait3A_732, %dma_wait3A_733] : memref<50x512xf32, #tpu.memory_space<vmem>> -> memref<1x512xf32, #tpu.memory_space<vmem>>
    %dma_wait3A_735 = tpu.memref_squeeze %dma_wait3A_734 : memref<1x512xf32, #tpu.memory_space<vmem>> -> memref<512xf32, #tpu.memory_space<vmem>>
    %dma_wait3A_736 = arith.constant 0 : i32
    %dma_wait3A_737 = tpu.memref_slice %arg5[%dma_wait3A_731, %dma_wait3A_736] : memref<50x512xi32, #tpu.memory_space<vmem>> -> memref<1x512xi32, #tpu.memory_space<vmem>>
    %dma_wait3A_738 = tpu.memref_squeeze %dma_wait3A_737 : memref<1x512xi32, #tpu.memory_space<vmem>> -> memref<512xi32, #tpu.memory_space<vmem>>
    %dma_wait3A_739 = arith.constant 0 : i32
    %dma_wait3A_740 = tpu.memref_slice %arg3[%dma_wait3A_739] : memref<1000000xf32, #tpu.memory_space<hbm>> -> memref<1000000xf32, #tpu.memory_space<hbm>>
    tpu.wait_indirect_dma semaphore(%arg8 : memref<!tpu.dma_semaphore, #tpu.memory_space<semaphore_mem>>) src(%dma_wait3A_740 : memref<1000000xf32, #tpu.memory_space<hbm>>) dst(%dma_wait3A_735 : memref<512xf32, #tpu.memory_space<vmem>>)
    %dma_wait3A_741 = arith.constant 24 : i32
    %dma_wait3A_742 = arith.constant 24 : i32
    %dma_wait3A_743 = arith.constant 0 : i32
    %dma_wait3A_744 = tpu.memref_slice %arg6[%dma_wait3A_742, %dma_wait3A_743] : memref<50x512xf32, #tpu.memory_space<vmem>> -> memref<1x512xf32, #tpu.memory_space<vmem>>
    %dma_wait3A_745 = tpu.memref_squeeze %dma_wait3A_744 : memref<1x512xf32, #tpu.memory_space<vmem>> -> memref<512xf32, #tpu.memory_space<vmem>>
    %dma_wait3A_746 = arith.constant 0 : i32
    %dma_wait3A_747 = tpu.memref_slice %arg5[%dma_wait3A_741, %dma_wait3A_746] : memref<50x512xi32, #tpu.memory_space<vmem>> -> memref<1x512xi32, #tpu.memory_space<vmem>>
    %dma_wait3A_748 = tpu.memref_squeeze %dma_wait3A_747 : memref<1x512xi32, #tpu.memory_space<vmem>> -> memref<512xi32, #tpu.memory_space<vmem>>
    %dma_wait3A_749 = arith.constant 0 : i32
    %dma_wait3A_750 = tpu.memref_slice %arg3[%dma_wait3A_749] : memref<1000000xf32, #tpu.memory_space<hbm>> -> memref<1000000xf32, #tpu.memory_space<hbm>>
    tpu.wait_indirect_dma semaphore(%arg8 : memref<!tpu.dma_semaphore, #tpu.memory_space<semaphore_mem>>) src(%dma_wait3A_750 : memref<1000000xf32, #tpu.memory_space<hbm>>) dst(%dma_wait3A_745 : memref<512xf32, #tpu.memory_space<vmem>>)
    %dma_wait3A_751 = arith.constant 25 : i32
    %dma_wait3A_752 = arith.constant 25 : i32
    %dma_wait3A_753 = arith.constant 0 : i32
    %dma_wait3A_754 = tpu.memref_slice %arg6[%dma_wait3A_752, %dma_wait3A_753] : memref<50x512xf32, #tpu.memory_space<vmem>> -> memref<1x512xf32, #tpu.memory_space<vmem>>
    %dma_wait3A_755 = tpu.memref_squeeze %dma_wait3A_754 : memref<1x512xf32, #tpu.memory_space<vmem>> -> memref<512xf32, #tpu.memory_space<vmem>>
    %dma_wait3A_756 = arith.constant 0 : i32
    %dma_wait3A_757 = tpu.memref_slice %arg5[%dma_wait3A_751, %dma_wait3A_756] : memref<50x512xi32, #tpu.memory_space<vmem>> -> memref<1x512xi32, #tpu.memory_space<vmem>>
    %dma_wait3A_758 = tpu.memref_squeeze %dma_wait3A_757 : memref<1x512xi32, #tpu.memory_space<vmem>> -> memref<512xi32, #tpu.memory_space<vmem>>
    %dma_wait3A_759 = arith.constant 0 : i32
    %dma_wait3A_760 = tpu.memref_slice %arg3[%dma_wait3A_759] : memref<1000000xf32, #tpu.memory_space<hbm>> -> memref<1000000xf32, #tpu.memory_space<hbm>>
    tpu.wait_indirect_dma semaphore(%arg8 : memref<!tpu.dma_semaphore, #tpu.memory_space<semaphore_mem>>) src(%dma_wait3A_760 : memref<1000000xf32, #tpu.memory_space<hbm>>) dst(%dma_wait3A_755 : memref<512xf32, #tpu.memory_space<vmem>>)
    %dma_wait3A_761 = arith.constant 26 : i32
    %dma_wait3A_762 = arith.constant 26 : i32
    %dma_wait3A_763 = arith.constant 0 : i32
    %dma_wait3A_764 = tpu.memref_slice %arg6[%dma_wait3A_762, %dma_wait3A_763] : memref<50x512xf32, #tpu.memory_space<vmem>> -> memref<1x512xf32, #tpu.memory_space<vmem>>
    %dma_wait3A_765 = tpu.memref_squeeze %dma_wait3A_764 : memref<1x512xf32, #tpu.memory_space<vmem>> -> memref<512xf32, #tpu.memory_space<vmem>>
    %dma_wait3A_766 = arith.constant 0 : i32
    %dma_wait3A_767 = tpu.memref_slice %arg5[%dma_wait3A_761, %dma_wait3A_766] : memref<50x512xi32, #tpu.memory_space<vmem>> -> memref<1x512xi32, #tpu.memory_space<vmem>>
    %dma_wait3A_768 = tpu.memref_squeeze %dma_wait3A_767 : memref<1x512xi32, #tpu.memory_space<vmem>> -> memref<512xi32, #tpu.memory_space<vmem>>
    %dma_wait3A_769 = arith.constant 0 : i32
    %dma_wait3A_770 = tpu.memref_slice %arg3[%dma_wait3A_769] : memref<1000000xf32, #tpu.memory_space<hbm>> -> memref<1000000xf32, #tpu.memory_space<hbm>>
    tpu.wait_indirect_dma semaphore(%arg8 : memref<!tpu.dma_semaphore, #tpu.memory_space<semaphore_mem>>) src(%dma_wait3A_770 : memref<1000000xf32, #tpu.memory_space<hbm>>) dst(%dma_wait3A_765 : memref<512xf32, #tpu.memory_space<vmem>>)
    %dma_wait3A_771 = arith.constant 27 : i32
    %dma_wait3A_772 = arith.constant 27 : i32
    %dma_wait3A_773 = arith.constant 0 : i32
    %dma_wait3A_774 = tpu.memref_slice %arg6[%dma_wait3A_772, %dma_wait3A_773] : memref<50x512xf32, #tpu.memory_space<vmem>> -> memref<1x512xf32, #tpu.memory_space<vmem>>
    %dma_wait3A_775 = tpu.memref_squeeze %dma_wait3A_774 : memref<1x512xf32, #tpu.memory_space<vmem>> -> memref<512xf32, #tpu.memory_space<vmem>>
    %dma_wait3A_776 = arith.constant 0 : i32
    %dma_wait3A_777 = tpu.memref_slice %arg5[%dma_wait3A_771, %dma_wait3A_776] : memref<50x512xi32, #tpu.memory_space<vmem>> -> memref<1x512xi32, #tpu.memory_space<vmem>>
    %dma_wait3A_778 = tpu.memref_squeeze %dma_wait3A_777 : memref<1x512xi32, #tpu.memory_space<vmem>> -> memref<512xi32, #tpu.memory_space<vmem>>
    %dma_wait3A_779 = arith.constant 0 : i32
    %dma_wait3A_780 = tpu.memref_slice %arg3[%dma_wait3A_779] : memref<1000000xf32, #tpu.memory_space<hbm>> -> memref<1000000xf32, #tpu.memory_space<hbm>>
    tpu.wait_indirect_dma semaphore(%arg8 : memref<!tpu.dma_semaphore, #tpu.memory_space<semaphore_mem>>) src(%dma_wait3A_780 : memref<1000000xf32, #tpu.memory_space<hbm>>) dst(%dma_wait3A_775 : memref<512xf32, #tpu.memory_space<vmem>>)
    %dma_wait3A_781 = arith.constant 28 : i32
    %dma_wait3A_782 = arith.constant 28 : i32
    %dma_wait3A_783 = arith.constant 0 : i32
    %dma_wait3A_784 = tpu.memref_slice %arg6[%dma_wait3A_782, %dma_wait3A_783] : memref<50x512xf32, #tpu.memory_space<vmem>> -> memref<1x512xf32, #tpu.memory_space<vmem>>
    %dma_wait3A_785 = tpu.memref_squeeze %dma_wait3A_784 : memref<1x512xf32, #tpu.memory_space<vmem>> -> memref<512xf32, #tpu.memory_space<vmem>>
    %dma_wait3A_786 = arith.constant 0 : i32
    %dma_wait3A_787 = tpu.memref_slice %arg5[%dma_wait3A_781, %dma_wait3A_786] : memref<50x512xi32, #tpu.memory_space<vmem>> -> memref<1x512xi32, #tpu.memory_space<vmem>>
    %dma_wait3A_788 = tpu.memref_squeeze %dma_wait3A_787 : memref<1x512xi32, #tpu.memory_space<vmem>> -> memref<512xi32, #tpu.memory_space<vmem>>
    %dma_wait3A_789 = arith.constant 0 : i32
    %dma_wait3A_790 = tpu.memref_slice %arg3[%dma_wait3A_789] : memref<1000000xf32, #tpu.memory_space<hbm>> -> memref<1000000xf32, #tpu.memory_space<hbm>>
    tpu.wait_indirect_dma semaphore(%arg8 : memref<!tpu.dma_semaphore, #tpu.memory_space<semaphore_mem>>) src(%dma_wait3A_790 : memref<1000000xf32, #tpu.memory_space<hbm>>) dst(%dma_wait3A_785 : memref<512xf32, #tpu.memory_space<vmem>>)
    %dma_wait3A_791 = arith.constant 29 : i32
    %dma_wait3A_792 = arith.constant 29 : i32
    %dma_wait3A_793 = arith.constant 0 : i32
    %dma_wait3A_794 = tpu.memref_slice %arg6[%dma_wait3A_792, %dma_wait3A_793] : memref<50x512xf32, #tpu.memory_space<vmem>> -> memref<1x512xf32, #tpu.memory_space<vmem>>
    %dma_wait3A_795 = tpu.memref_squeeze %dma_wait3A_794 : memref<1x512xf32, #tpu.memory_space<vmem>> -> memref<512xf32, #tpu.memory_space<vmem>>
    %dma_wait3A_796 = arith.constant 0 : i32
    %dma_wait3A_797 = tpu.memref_slice %arg5[%dma_wait3A_791, %dma_wait3A_796] : memref<50x512xi32, #tpu.memory_space<vmem>> -> memref<1x512xi32, #tpu.memory_space<vmem>>
    %dma_wait3A_798 = tpu.memref_squeeze %dma_wait3A_797 : memref<1x512xi32, #tpu.memory_space<vmem>> -> memref<512xi32, #tpu.memory_space<vmem>>
    %dma_wait3A_799 = arith.constant 0 : i32
    %dma_wait3A_800 = tpu.memref_slice %arg3[%dma_wait3A_799] : memref<1000000xf32, #tpu.memory_space<hbm>> -> memref<1000000xf32, #tpu.memory_space<hbm>>
    tpu.wait_indirect_dma semaphore(%arg8 : memref<!tpu.dma_semaphore, #tpu.memory_space<semaphore_mem>>) src(%dma_wait3A_800 : memref<1000000xf32, #tpu.memory_space<hbm>>) dst(%dma_wait3A_795 : memref<512xf32, #tpu.memory_space<vmem>>)
    %dma_wait3A_801 = arith.constant 30 : i32
    %dma_wait3A_802 = arith.constant 30 : i32
    %dma_wait3A_803 = arith.constant 0 : i32
    %dma_wait3A_804 = tpu.memref_slice %arg6[%dma_wait3A_802, %dma_wait3A_803] : memref<50x512xf32, #tpu.memory_space<vmem>> -> memref<1x512xf32, #tpu.memory_space<vmem>>
    %dma_wait3A_805 = tpu.memref_squeeze %dma_wait3A_804 : memref<1x512xf32, #tpu.memory_space<vmem>> -> memref<512xf32, #tpu.memory_space<vmem>>
    %dma_wait3A_806 = arith.constant 0 : i32
    %dma_wait3A_807 = tpu.memref_slice %arg5[%dma_wait3A_801, %dma_wait3A_806] : memref<50x512xi32, #tpu.memory_space<vmem>> -> memref<1x512xi32, #tpu.memory_space<vmem>>
    %dma_wait3A_808 = tpu.memref_squeeze %dma_wait3A_807 : memref<1x512xi32, #tpu.memory_space<vmem>> -> memref<512xi32, #tpu.memory_space<vmem>>
    %dma_wait3A_809 = arith.constant 0 : i32
    %dma_wait3A_810 = tpu.memref_slice %arg3[%dma_wait3A_809] : memref<1000000xf32, #tpu.memory_space<hbm>> -> memref<1000000xf32, #tpu.memory_space<hbm>>
    tpu.wait_indirect_dma semaphore(%arg8 : memref<!tpu.dma_semaphore, #tpu.memory_space<semaphore_mem>>) src(%dma_wait3A_810 : memref<1000000xf32, #tpu.memory_space<hbm>>) dst(%dma_wait3A_805 : memref<512xf32, #tpu.memory_space<vmem>>)
    %dma_wait3A_811 = arith.constant 31 : i32
    %dma_wait3A_812 = arith.constant 31 : i32
    %dma_wait3A_813 = arith.constant 0 : i32
    %dma_wait3A_814 = tpu.memref_slice %arg6[%dma_wait3A_812, %dma_wait3A_813] : memref<50x512xf32, #tpu.memory_space<vmem>> -> memref<1x512xf32, #tpu.memory_space<vmem>>
    %dma_wait3A_815 = tpu.memref_squeeze %dma_wait3A_814 : memref<1x512xf32, #tpu.memory_space<vmem>> -> memref<512xf32, #tpu.memory_space<vmem>>
    %dma_wait3A_816 = arith.constant 0 : i32
    %dma_wait3A_817 = tpu.memref_slice %arg5[%dma_wait3A_811, %dma_wait3A_816] : memref<50x512xi32, #tpu.memory_space<vmem>> -> memref<1x512xi32, #tpu.memory_space<vmem>>
    %dma_wait3A_818 = tpu.memref_squeeze %dma_wait3A_817 : memref<1x512xi32, #tpu.memory_space<vmem>> -> memref<512xi32, #tpu.memory_space<vmem>>
    %dma_wait3A_819 = arith.constant 0 : i32
    %dma_wait3A_820 = tpu.memref_slice %arg3[%dma_wait3A_819] : memref<1000000xf32, #tpu.memory_space<hbm>> -> memref<1000000xf32, #tpu.memory_space<hbm>>
    tpu.wait_indirect_dma semaphore(%arg8 : memref<!tpu.dma_semaphore, #tpu.memory_space<semaphore_mem>>) src(%dma_wait3A_820 : memref<1000000xf32, #tpu.memory_space<hbm>>) dst(%dma_wait3A_815 : memref<512xf32, #tpu.memory_space<vmem>>)
    %dma_wait3A_821 = arith.constant 32 : i32
    %dma_wait3A_822 = arith.constant 32 : i32
    %dma_wait3A_823 = arith.constant 0 : i32
    %dma_wait3A_824 = tpu.memref_slice %arg6[%dma_wait3A_822, %dma_wait3A_823] : memref<50x512xf32, #tpu.memory_space<vmem>> -> memref<1x512xf32, #tpu.memory_space<vmem>>
    %dma_wait3A_825 = tpu.memref_squeeze %dma_wait3A_824 : memref<1x512xf32, #tpu.memory_space<vmem>> -> memref<512xf32, #tpu.memory_space<vmem>>
    %dma_wait3A_826 = arith.constant 0 : i32
    %dma_wait3A_827 = tpu.memref_slice %arg5[%dma_wait3A_821, %dma_wait3A_826] : memref<50x512xi32, #tpu.memory_space<vmem>> -> memref<1x512xi32, #tpu.memory_space<vmem>>
    %dma_wait3A_828 = tpu.memref_squeeze %dma_wait3A_827 : memref<1x512xi32, #tpu.memory_space<vmem>> -> memref<512xi32, #tpu.memory_space<vmem>>
    %dma_wait3A_829 = arith.constant 0 : i32
    %dma_wait3A_830 = tpu.memref_slice %arg3[%dma_wait3A_829] : memref<1000000xf32, #tpu.memory_space<hbm>> -> memref<1000000xf32, #tpu.memory_space<hbm>>
    tpu.wait_indirect_dma semaphore(%arg8 : memref<!tpu.dma_semaphore, #tpu.memory_space<semaphore_mem>>) src(%dma_wait3A_830 : memref<1000000xf32, #tpu.memory_space<hbm>>) dst(%dma_wait3A_825 : memref<512xf32, #tpu.memory_space<vmem>>)
    %dma_wait3A_831 = arith.constant 33 : i32
    %dma_wait3A_832 = arith.constant 33 : i32
    %dma_wait3A_833 = arith.constant 0 : i32
    %dma_wait3A_834 = tpu.memref_slice %arg6[%dma_wait3A_832, %dma_wait3A_833] : memref<50x512xf32, #tpu.memory_space<vmem>> -> memref<1x512xf32, #tpu.memory_space<vmem>>
    %dma_wait3A_835 = tpu.memref_squeeze %dma_wait3A_834 : memref<1x512xf32, #tpu.memory_space<vmem>> -> memref<512xf32, #tpu.memory_space<vmem>>
    %dma_wait3A_836 = arith.constant 0 : i32
    %dma_wait3A_837 = tpu.memref_slice %arg5[%dma_wait3A_831, %dma_wait3A_836] : memref<50x512xi32, #tpu.memory_space<vmem>> -> memref<1x512xi32, #tpu.memory_space<vmem>>
    %dma_wait3A_838 = tpu.memref_squeeze %dma_wait3A_837 : memref<1x512xi32, #tpu.memory_space<vmem>> -> memref<512xi32, #tpu.memory_space<vmem>>
    %dma_wait3A_839 = arith.constant 0 : i32
    %dma_wait3A_840 = tpu.memref_slice %arg3[%dma_wait3A_839] : memref<1000000xf32, #tpu.memory_space<hbm>> -> memref<1000000xf32, #tpu.memory_space<hbm>>
    tpu.wait_indirect_dma semaphore(%arg8 : memref<!tpu.dma_semaphore, #tpu.memory_space<semaphore_mem>>) src(%dma_wait3A_840 : memref<1000000xf32, #tpu.memory_space<hbm>>) dst(%dma_wait3A_835 : memref<512xf32, #tpu.memory_space<vmem>>)
    %dma_wait3A_841 = arith.constant 34 : i32
    %dma_wait3A_842 = arith.constant 34 : i32
    %dma_wait3A_843 = arith.constant 0 : i32
    %dma_wait3A_844 = tpu.memref_slice %arg6[%dma_wait3A_842, %dma_wait3A_843] : memref<50x512xf32, #tpu.memory_space<vmem>> -> memref<1x512xf32, #tpu.memory_space<vmem>>
    %dma_wait3A_845 = tpu.memref_squeeze %dma_wait3A_844 : memref<1x512xf32, #tpu.memory_space<vmem>> -> memref<512xf32, #tpu.memory_space<vmem>>
    %dma_wait3A_846 = arith.constant 0 : i32
    %dma_wait3A_847 = tpu.memref_slice %arg5[%dma_wait3A_841, %dma_wait3A_846] : memref<50x512xi32, #tpu.memory_space<vmem>> -> memref<1x512xi32, #tpu.memory_space<vmem>>
    %dma_wait3A_848 = tpu.memref_squeeze %dma_wait3A_847 : memref<1x512xi32, #tpu.memory_space<vmem>> -> memref<512xi32, #tpu.memory_space<vmem>>
    %dma_wait3A_849 = arith.constant 0 : i32
    %dma_wait3A_850 = tpu.memref_slice %arg3[%dma_wait3A_849] : memref<1000000xf32, #tpu.memory_space<hbm>> -> memref<1000000xf32, #tpu.memory_space<hbm>>
    tpu.wait_indirect_dma semaphore(%arg8 : memref<!tpu.dma_semaphore, #tpu.memory_space<semaphore_mem>>) src(%dma_wait3A_850 : memref<1000000xf32, #tpu.memory_space<hbm>>) dst(%dma_wait3A_845 : memref<512xf32, #tpu.memory_space<vmem>>)
    %dma_wait3A_851 = arith.constant 35 : i32
    %dma_wait3A_852 = arith.constant 35 : i32
    %dma_wait3A_853 = arith.constant 0 : i32
    %dma_wait3A_854 = tpu.memref_slice %arg6[%dma_wait3A_852, %dma_wait3A_853] : memref<50x512xf32, #tpu.memory_space<vmem>> -> memref<1x512xf32, #tpu.memory_space<vmem>>
    %dma_wait3A_855 = tpu.memref_squeeze %dma_wait3A_854 : memref<1x512xf32, #tpu.memory_space<vmem>> -> memref<512xf32, #tpu.memory_space<vmem>>
    %dma_wait3A_856 = arith.constant 0 : i32
    %dma_wait3A_857 = tpu.memref_slice %arg5[%dma_wait3A_851, %dma_wait3A_856] : memref<50x512xi32, #tpu.memory_space<vmem>> -> memref<1x512xi32, #tpu.memory_space<vmem>>
    %dma_wait3A_858 = tpu.memref_squeeze %dma_wait3A_857 : memref<1x512xi32, #tpu.memory_space<vmem>> -> memref<512xi32, #tpu.memory_space<vmem>>
    %dma_wait3A_859 = arith.constant 0 : i32
    %dma_wait3A_860 = tpu.memref_slice %arg3[%dma_wait3A_859] : memref<1000000xf32, #tpu.memory_space<hbm>> -> memref<1000000xf32, #tpu.memory_space<hbm>>
    tpu.wait_indirect_dma semaphore(%arg8 : memref<!tpu.dma_semaphore, #tpu.memory_space<semaphore_mem>>) src(%dma_wait3A_860 : memref<1000000xf32, #tpu.memory_space<hbm>>) dst(%dma_wait3A_855 : memref<512xf32, #tpu.memory_space<vmem>>)
    %dma_wait3A_861 = arith.constant 36 : i32
    %dma_wait3A_862 = arith.constant 36 : i32
    %dma_wait3A_863 = arith.constant 0 : i32
    %dma_wait3A_864 = tpu.memref_slice %arg6[%dma_wait3A_862, %dma_wait3A_863] : memref<50x512xf32, #tpu.memory_space<vmem>> -> memref<1x512xf32, #tpu.memory_space<vmem>>
    %dma_wait3A_865 = tpu.memref_squeeze %dma_wait3A_864 : memref<1x512xf32, #tpu.memory_space<vmem>> -> memref<512xf32, #tpu.memory_space<vmem>>
    %dma_wait3A_866 = arith.constant 0 : i32
    %dma_wait3A_867 = tpu.memref_slice %arg5[%dma_wait3A_861, %dma_wait3A_866] : memref<50x512xi32, #tpu.memory_space<vmem>> -> memref<1x512xi32, #tpu.memory_space<vmem>>
    %dma_wait3A_868 = tpu.memref_squeeze %dma_wait3A_867 : memref<1x512xi32, #tpu.memory_space<vmem>> -> memref<512xi32, #tpu.memory_space<vmem>>
    %dma_wait3A_869 = arith.constant 0 : i32
    %dma_wait3A_870 = tpu.memref_slice %arg3[%dma_wait3A_869] : memref<1000000xf32, #tpu.memory_space<hbm>> -> memref<1000000xf32, #tpu.memory_space<hbm>>
    tpu.wait_indirect_dma semaphore(%arg8 : memref<!tpu.dma_semaphore, #tpu.memory_space<semaphore_mem>>) src(%dma_wait3A_870 : memref<1000000xf32, #tpu.memory_space<hbm>>) dst(%dma_wait3A_865 : memref<512xf32, #tpu.memory_space<vmem>>)
    %dma_wait3A_871 = arith.constant 37 : i32
    %dma_wait3A_872 = arith.constant 37 : i32
    %dma_wait3A_873 = arith.constant 0 : i32
    %dma_wait3A_874 = tpu.memref_slice %arg6[%dma_wait3A_872, %dma_wait3A_873] : memref<50x512xf32, #tpu.memory_space<vmem>> -> memref<1x512xf32, #tpu.memory_space<vmem>>
    %dma_wait3A_875 = tpu.memref_squeeze %dma_wait3A_874 : memref<1x512xf32, #tpu.memory_space<vmem>> -> memref<512xf32, #tpu.memory_space<vmem>>
    %dma_wait3A_876 = arith.constant 0 : i32
    %dma_wait3A_877 = tpu.memref_slice %arg5[%dma_wait3A_871, %dma_wait3A_876] : memref<50x512xi32, #tpu.memory_space<vmem>> -> memref<1x512xi32, #tpu.memory_space<vmem>>
    %dma_wait3A_878 = tpu.memref_squeeze %dma_wait3A_877 : memref<1x512xi32, #tpu.memory_space<vmem>> -> memref<512xi32, #tpu.memory_space<vmem>>
    %dma_wait3A_879 = arith.constant 0 : i32
    %dma_wait3A_880 = tpu.memref_slice %arg3[%dma_wait3A_879] : memref<1000000xf32, #tpu.memory_space<hbm>> -> memref<1000000xf32, #tpu.memory_space<hbm>>
    tpu.wait_indirect_dma semaphore(%arg8 : memref<!tpu.dma_semaphore, #tpu.memory_space<semaphore_mem>>) src(%dma_wait3A_880 : memref<1000000xf32, #tpu.memory_space<hbm>>) dst(%dma_wait3A_875 : memref<512xf32, #tpu.memory_space<vmem>>)
    %dma_wait3A_881 = arith.constant 38 : i32
    %dma_wait3A_882 = arith.constant 38 : i32
    %dma_wait3A_883 = arith.constant 0 : i32
    %dma_wait3A_884 = tpu.memref_slice %arg6[%dma_wait3A_882, %dma_wait3A_883] : memref<50x512xf32, #tpu.memory_space<vmem>> -> memref<1x512xf32, #tpu.memory_space<vmem>>
    %dma_wait3A_885 = tpu.memref_squeeze %dma_wait3A_884 : memref<1x512xf32, #tpu.memory_space<vmem>> -> memref<512xf32, #tpu.memory_space<vmem>>
    %dma_wait3A_886 = arith.constant 0 : i32
    %dma_wait3A_887 = tpu.memref_slice %arg5[%dma_wait3A_881, %dma_wait3A_886] : memref<50x512xi32, #tpu.memory_space<vmem>> -> memref<1x512xi32, #tpu.memory_space<vmem>>
    %dma_wait3A_888 = tpu.memref_squeeze %dma_wait3A_887 : memref<1x512xi32, #tpu.memory_space<vmem>> -> memref<512xi32, #tpu.memory_space<vmem>>
    %dma_wait3A_889 = arith.constant 0 : i32
    %dma_wait3A_890 = tpu.memref_slice %arg3[%dma_wait3A_889] : memref<1000000xf32, #tpu.memory_space<hbm>> -> memref<1000000xf32, #tpu.memory_space<hbm>>
    tpu.wait_indirect_dma semaphore(%arg8 : memref<!tpu.dma_semaphore, #tpu.memory_space<semaphore_mem>>) src(%dma_wait3A_890 : memref<1000000xf32, #tpu.memory_space<hbm>>) dst(%dma_wait3A_885 : memref<512xf32, #tpu.memory_space<vmem>>)
    %dma_wait3A_891 = arith.constant 39 : i32
    %dma_wait3A_892 = arith.constant 39 : i32
    %dma_wait3A_893 = arith.constant 0 : i32
    %dma_wait3A_894 = tpu.memref_slice %arg6[%dma_wait3A_892, %dma_wait3A_893] : memref<50x512xf32, #tpu.memory_space<vmem>> -> memref<1x512xf32, #tpu.memory_space<vmem>>
    %dma_wait3A_895 = tpu.memref_squeeze %dma_wait3A_894 : memref<1x512xf32, #tpu.memory_space<vmem>> -> memref<512xf32, #tpu.memory_space<vmem>>
    %dma_wait3A_896 = arith.constant 0 : i32
    %dma_wait3A_897 = tpu.memref_slice %arg5[%dma_wait3A_891, %dma_wait3A_896] : memref<50x512xi32, #tpu.memory_space<vmem>> -> memref<1x512xi32, #tpu.memory_space<vmem>>
    %dma_wait3A_898 = tpu.memref_squeeze %dma_wait3A_897 : memref<1x512xi32, #tpu.memory_space<vmem>> -> memref<512xi32, #tpu.memory_space<vmem>>
    %dma_wait3A_899 = arith.constant 0 : i32
    %dma_wait3A_900 = tpu.memref_slice %arg3[%dma_wait3A_899] : memref<1000000xf32, #tpu.memory_space<hbm>> -> memref<1000000xf32, #tpu.memory_space<hbm>>
    tpu.wait_indirect_dma semaphore(%arg8 : memref<!tpu.dma_semaphore, #tpu.memory_space<semaphore_mem>>) src(%dma_wait3A_900 : memref<1000000xf32, #tpu.memory_space<hbm>>) dst(%dma_wait3A_895 : memref<512xf32, #tpu.memory_space<vmem>>)
    %dma_wait3A_901 = arith.constant 40 : i32
    %dma_wait3A_902 = arith.constant 40 : i32
    %dma_wait3A_903 = arith.constant 0 : i32
    %dma_wait3A_904 = tpu.memref_slice %arg6[%dma_wait3A_902, %dma_wait3A_903] : memref<50x512xf32, #tpu.memory_space<vmem>> -> memref<1x512xf32, #tpu.memory_space<vmem>>
    %dma_wait3A_905 = tpu.memref_squeeze %dma_wait3A_904 : memref<1x512xf32, #tpu.memory_space<vmem>> -> memref<512xf32, #tpu.memory_space<vmem>>
    %dma_wait3A_906 = arith.constant 0 : i32
    %dma_wait3A_907 = tpu.memref_slice %arg5[%dma_wait3A_901, %dma_wait3A_906] : memref<50x512xi32, #tpu.memory_space<vmem>> -> memref<1x512xi32, #tpu.memory_space<vmem>>
    %dma_wait3A_908 = tpu.memref_squeeze %dma_wait3A_907 : memref<1x512xi32, #tpu.memory_space<vmem>> -> memref<512xi32, #tpu.memory_space<vmem>>
    %dma_wait3A_909 = arith.constant 0 : i32
    %dma_wait3A_910 = tpu.memref_slice %arg3[%dma_wait3A_909] : memref<1000000xf32, #tpu.memory_space<hbm>> -> memref<1000000xf32, #tpu.memory_space<hbm>>
    tpu.wait_indirect_dma semaphore(%arg8 : memref<!tpu.dma_semaphore, #tpu.memory_space<semaphore_mem>>) src(%dma_wait3A_910 : memref<1000000xf32, #tpu.memory_space<hbm>>) dst(%dma_wait3A_905 : memref<512xf32, #tpu.memory_space<vmem>>)
    %dma_wait3A_911 = arith.constant 41 : i32
    %dma_wait3A_912 = arith.constant 41 : i32
    %dma_wait3A_913 = arith.constant 0 : i32
    %dma_wait3A_914 = tpu.memref_slice %arg6[%dma_wait3A_912, %dma_wait3A_913] : memref<50x512xf32, #tpu.memory_space<vmem>> -> memref<1x512xf32, #tpu.memory_space<vmem>>
    %dma_wait3A_915 = tpu.memref_squeeze %dma_wait3A_914 : memref<1x512xf32, #tpu.memory_space<vmem>> -> memref<512xf32, #tpu.memory_space<vmem>>
    %dma_wait3A_916 = arith.constant 0 : i32
    %dma_wait3A_917 = tpu.memref_slice %arg5[%dma_wait3A_911, %dma_wait3A_916] : memref<50x512xi32, #tpu.memory_space<vmem>> -> memref<1x512xi32, #tpu.memory_space<vmem>>
    %dma_wait3A_918 = tpu.memref_squeeze %dma_wait3A_917 : memref<1x512xi32, #tpu.memory_space<vmem>> -> memref<512xi32, #tpu.memory_space<vmem>>
    %dma_wait3A_919 = arith.constant 0 : i32
    %dma_wait3A_920 = tpu.memref_slice %arg3[%dma_wait3A_919] : memref<1000000xf32, #tpu.memory_space<hbm>> -> memref<1000000xf32, #tpu.memory_space<hbm>>
    tpu.wait_indirect_dma semaphore(%arg8 : memref<!tpu.dma_semaphore, #tpu.memory_space<semaphore_mem>>) src(%dma_wait3A_920 : memref<1000000xf32, #tpu.memory_space<hbm>>) dst(%dma_wait3A_915 : memref<512xf32, #tpu.memory_space<vmem>>)
    %dma_wait3A_921 = arith.constant 42 : i32
    %dma_wait3A_922 = arith.constant 42 : i32
    %dma_wait3A_923 = arith.constant 0 : i32
    %dma_wait3A_924 = tpu.memref_slice %arg6[%dma_wait3A_922, %dma_wait3A_923] : memref<50x512xf32, #tpu.memory_space<vmem>> -> memref<1x512xf32, #tpu.memory_space<vmem>>
    %dma_wait3A_925 = tpu.memref_squeeze %dma_wait3A_924 : memref<1x512xf32, #tpu.memory_space<vmem>> -> memref<512xf32, #tpu.memory_space<vmem>>
    %dma_wait3A_926 = arith.constant 0 : i32
    %dma_wait3A_927 = tpu.memref_slice %arg5[%dma_wait3A_921, %dma_wait3A_926] : memref<50x512xi32, #tpu.memory_space<vmem>> -> memref<1x512xi32, #tpu.memory_space<vmem>>
    %dma_wait3A_928 = tpu.memref_squeeze %dma_wait3A_927 : memref<1x512xi32, #tpu.memory_space<vmem>> -> memref<512xi32, #tpu.memory_space<vmem>>
    %dma_wait3A_929 = arith.constant 0 : i32
    %dma_wait3A_930 = tpu.memref_slice %arg3[%dma_wait3A_929] : memref<1000000xf32, #tpu.memory_space<hbm>> -> memref<1000000xf32, #tpu.memory_space<hbm>>
    tpu.wait_indirect_dma semaphore(%arg8 : memref<!tpu.dma_semaphore, #tpu.memory_space<semaphore_mem>>) src(%dma_wait3A_930 : memref<1000000xf32, #tpu.memory_space<hbm>>) dst(%dma_wait3A_925 : memref<512xf32, #tpu.memory_space<vmem>>)
    %dma_wait3A_931 = arith.constant 43 : i32
    %dma_wait3A_932 = arith.constant 43 : i32
    %dma_wait3A_933 = arith.constant 0 : i32
    %dma_wait3A_934 = tpu.memref_slice %arg6[%dma_wait3A_932, %dma_wait3A_933] : memref<50x512xf32, #tpu.memory_space<vmem>> -> memref<1x512xf32, #tpu.memory_space<vmem>>
    %dma_wait3A_935 = tpu.memref_squeeze %dma_wait3A_934 : memref<1x512xf32, #tpu.memory_space<vmem>> -> memref<512xf32, #tpu.memory_space<vmem>>
    %dma_wait3A_936 = arith.constant 0 : i32
    %dma_wait3A_937 = tpu.memref_slice %arg5[%dma_wait3A_931, %dma_wait3A_936] : memref<50x512xi32, #tpu.memory_space<vmem>> -> memref<1x512xi32, #tpu.memory_space<vmem>>
    %dma_wait3A_938 = tpu.memref_squeeze %dma_wait3A_937 : memref<1x512xi32, #tpu.memory_space<vmem>> -> memref<512xi32, #tpu.memory_space<vmem>>
    %dma_wait3A_939 = arith.constant 0 : i32
    %dma_wait3A_940 = tpu.memref_slice %arg3[%dma_wait3A_939] : memref<1000000xf32, #tpu.memory_space<hbm>> -> memref<1000000xf32, #tpu.memory_space<hbm>>
    tpu.wait_indirect_dma semaphore(%arg8 : memref<!tpu.dma_semaphore, #tpu.memory_space<semaphore_mem>>) src(%dma_wait3A_940 : memref<1000000xf32, #tpu.memory_space<hbm>>) dst(%dma_wait3A_935 : memref<512xf32, #tpu.memory_space<vmem>>)
    %dma_wait3A_941 = arith.constant 44 : i32
    %dma_wait3A_942 = arith.constant 44 : i32
    %dma_wait3A_943 = arith.constant 0 : i32
    %dma_wait3A_944 = tpu.memref_slice %arg6[%dma_wait3A_942, %dma_wait3A_943] : memref<50x512xf32, #tpu.memory_space<vmem>> -> memref<1x512xf32, #tpu.memory_space<vmem>>
    %dma_wait3A_945 = tpu.memref_squeeze %dma_wait3A_944 : memref<1x512xf32, #tpu.memory_space<vmem>> -> memref<512xf32, #tpu.memory_space<vmem>>
    %dma_wait3A_946 = arith.constant 0 : i32
    %dma_wait3A_947 = tpu.memref_slice %arg5[%dma_wait3A_941, %dma_wait3A_946] : memref<50x512xi32, #tpu.memory_space<vmem>> -> memref<1x512xi32, #tpu.memory_space<vmem>>
    %dma_wait3A_948 = tpu.memref_squeeze %dma_wait3A_947 : memref<1x512xi32, #tpu.memory_space<vmem>> -> memref<512xi32, #tpu.memory_space<vmem>>
    %dma_wait3A_949 = arith.constant 0 : i32
    %dma_wait3A_950 = tpu.memref_slice %arg3[%dma_wait3A_949] : memref<1000000xf32, #tpu.memory_space<hbm>> -> memref<1000000xf32, #tpu.memory_space<hbm>>
    tpu.wait_indirect_dma semaphore(%arg8 : memref<!tpu.dma_semaphore, #tpu.memory_space<semaphore_mem>>) src(%dma_wait3A_950 : memref<1000000xf32, #tpu.memory_space<hbm>>) dst(%dma_wait3A_945 : memref<512xf32, #tpu.memory_space<vmem>>)
    %dma_wait3A_951 = arith.constant 45 : i32
    %dma_wait3A_952 = arith.constant 45 : i32
    %dma_wait3A_953 = arith.constant 0 : i32
    %dma_wait3A_954 = tpu.memref_slice %arg6[%dma_wait3A_952, %dma_wait3A_953] : memref<50x512xf32, #tpu.memory_space<vmem>> -> memref<1x512xf32, #tpu.memory_space<vmem>>
    %dma_wait3A_955 = tpu.memref_squeeze %dma_wait3A_954 : memref<1x512xf32, #tpu.memory_space<vmem>> -> memref<512xf32, #tpu.memory_space<vmem>>
    %dma_wait3A_956 = arith.constant 0 : i32
    %dma_wait3A_957 = tpu.memref_slice %arg5[%dma_wait3A_951, %dma_wait3A_956] : memref<50x512xi32, #tpu.memory_space<vmem>> -> memref<1x512xi32, #tpu.memory_space<vmem>>
    %dma_wait3A_958 = tpu.memref_squeeze %dma_wait3A_957 : memref<1x512xi32, #tpu.memory_space<vmem>> -> memref<512xi32, #tpu.memory_space<vmem>>
    %dma_wait3A_959 = arith.constant 0 : i32
    %dma_wait3A_960 = tpu.memref_slice %arg3[%dma_wait3A_959] : memref<1000000xf32, #tpu.memory_space<hbm>> -> memref<1000000xf32, #tpu.memory_space<hbm>>
    tpu.wait_indirect_dma semaphore(%arg8 : memref<!tpu.dma_semaphore, #tpu.memory_space<semaphore_mem>>) src(%dma_wait3A_960 : memref<1000000xf32, #tpu.memory_space<hbm>>) dst(%dma_wait3A_955 : memref<512xf32, #tpu.memory_space<vmem>>)
    %dma_wait3A_961 = arith.constant 46 : i32
    %dma_wait3A_962 = arith.constant 46 : i32
    %dma_wait3A_963 = arith.constant 0 : i32
    %dma_wait3A_964 = tpu.memref_slice %arg6[%dma_wait3A_962, %dma_wait3A_963] : memref<50x512xf32, #tpu.memory_space<vmem>> -> memref<1x512xf32, #tpu.memory_space<vmem>>
    %dma_wait3A_965 = tpu.memref_squeeze %dma_wait3A_964 : memref<1x512xf32, #tpu.memory_space<vmem>> -> memref<512xf32, #tpu.memory_space<vmem>>
    %dma_wait3A_966 = arith.constant 0 : i32
    %dma_wait3A_967 = tpu.memref_slice %arg5[%dma_wait3A_961, %dma_wait3A_966] : memref<50x512xi32, #tpu.memory_space<vmem>> -> memref<1x512xi32, #tpu.memory_space<vmem>>
    %dma_wait3A_968 = tpu.memref_squeeze %dma_wait3A_967 : memref<1x512xi32, #tpu.memory_space<vmem>> -> memref<512xi32, #tpu.memory_space<vmem>>
    %dma_wait3A_969 = arith.constant 0 : i32
    %dma_wait3A_970 = tpu.memref_slice %arg3[%dma_wait3A_969] : memref<1000000xf32, #tpu.memory_space<hbm>> -> memref<1000000xf32, #tpu.memory_space<hbm>>
    tpu.wait_indirect_dma semaphore(%arg8 : memref<!tpu.dma_semaphore, #tpu.memory_space<semaphore_mem>>) src(%dma_wait3A_970 : memref<1000000xf32, #tpu.memory_space<hbm>>) dst(%dma_wait3A_965 : memref<512xf32, #tpu.memory_space<vmem>>)
    %dma_wait3A_971 = arith.constant 47 : i32
    %dma_wait3A_972 = arith.constant 47 : i32
    %dma_wait3A_973 = arith.constant 0 : i32
    %dma_wait3A_974 = tpu.memref_slice %arg6[%dma_wait3A_972, %dma_wait3A_973] : memref<50x512xf32, #tpu.memory_space<vmem>> -> memref<1x512xf32, #tpu.memory_space<vmem>>
    %dma_wait3A_975 = tpu.memref_squeeze %dma_wait3A_974 : memref<1x512xf32, #tpu.memory_space<vmem>> -> memref<512xf32, #tpu.memory_space<vmem>>
    %dma_wait3A_976 = arith.constant 0 : i32
    %dma_wait3A_977 = tpu.memref_slice %arg5[%dma_wait3A_971, %dma_wait3A_976] : memref<50x512xi32, #tpu.memory_space<vmem>> -> memref<1x512xi32, #tpu.memory_space<vmem>>
    %dma_wait3A_978 = tpu.memref_squeeze %dma_wait3A_977 : memref<1x512xi32, #tpu.memory_space<vmem>> -> memref<512xi32, #tpu.memory_space<vmem>>
    %dma_wait3A_979 = arith.constant 0 : i32
    %dma_wait3A_980 = tpu.memref_slice %arg3[%dma_wait3A_979] : memref<1000000xf32, #tpu.memory_space<hbm>> -> memref<1000000xf32, #tpu.memory_space<hbm>>
    tpu.wait_indirect_dma semaphore(%arg8 : memref<!tpu.dma_semaphore, #tpu.memory_space<semaphore_mem>>) src(%dma_wait3A_980 : memref<1000000xf32, #tpu.memory_space<hbm>>) dst(%dma_wait3A_975 : memref<512xf32, #tpu.memory_space<vmem>>)
    %dma_wait3A_981 = arith.constant 48 : i32
    %dma_wait3A_982 = arith.constant 48 : i32
    %dma_wait3A_983 = arith.constant 0 : i32
    %dma_wait3A_984 = tpu.memref_slice %arg6[%dma_wait3A_982, %dma_wait3A_983] : memref<50x512xf32, #tpu.memory_space<vmem>> -> memref<1x512xf32, #tpu.memory_space<vmem>>
    %dma_wait3A_985 = tpu.memref_squeeze %dma_wait3A_984 : memref<1x512xf32, #tpu.memory_space<vmem>> -> memref<512xf32, #tpu.memory_space<vmem>>
    %dma_wait3A_986 = arith.constant 0 : i32
    %dma_wait3A_987 = tpu.memref_slice %arg5[%dma_wait3A_981, %dma_wait3A_986] : memref<50x512xi32, #tpu.memory_space<vmem>> -> memref<1x512xi32, #tpu.memory_space<vmem>>
    %dma_wait3A_988 = tpu.memref_squeeze %dma_wait3A_987 : memref<1x512xi32, #tpu.memory_space<vmem>> -> memref<512xi32, #tpu.memory_space<vmem>>
    %dma_wait3A_989 = arith.constant 0 : i32
    %dma_wait3A_990 = tpu.memref_slice %arg3[%dma_wait3A_989] : memref<1000000xf32, #tpu.memory_space<hbm>> -> memref<1000000xf32, #tpu.memory_space<hbm>>
    tpu.wait_indirect_dma semaphore(%arg8 : memref<!tpu.dma_semaphore, #tpu.memory_space<semaphore_mem>>) src(%dma_wait3A_990 : memref<1000000xf32, #tpu.memory_space<hbm>>) dst(%dma_wait3A_985 : memref<512xf32, #tpu.memory_space<vmem>>)
    %dma_wait3A_991 = arith.constant 49 : i32
    %dma_wait3A_992 = arith.constant 49 : i32
    %dma_wait3A_993 = arith.constant 0 : i32
    %dma_wait3A_994 = tpu.memref_slice %arg6[%dma_wait3A_992, %dma_wait3A_993] : memref<50x512xf32, #tpu.memory_space<vmem>> -> memref<1x512xf32, #tpu.memory_space<vmem>>
    %dma_wait3A_995 = tpu.memref_squeeze %dma_wait3A_994 : memref<1x512xf32, #tpu.memory_space<vmem>> -> memref<512xf32, #tpu.memory_space<vmem>>
    %dma_wait3A_996 = arith.constant 0 : i32
    %dma_wait3A_997 = tpu.memref_slice %arg5[%dma_wait3A_991, %dma_wait3A_996] : memref<50x512xi32, #tpu.memory_space<vmem>> -> memref<1x512xi32, #tpu.memory_space<vmem>>
    %dma_wait3A_998 = tpu.memref_squeeze %dma_wait3A_997 : memref<1x512xi32, #tpu.memory_space<vmem>> -> memref<512xi32, #tpu.memory_space<vmem>>
    %dma_wait3A_999 = arith.constant 0 : i32
    %dma_wait3A_1000 = tpu.memref_slice %arg3[%dma_wait3A_999] : memref<1000000xf32, #tpu.memory_space<hbm>> -> memref<1000000xf32, #tpu.memory_space<hbm>>
    tpu.wait_indirect_dma semaphore(%arg8 : memref<!tpu.dma_semaphore, #tpu.memory_space<semaphore_mem>>) src(%dma_wait3A_1000 : memref<1000000xf32, #tpu.memory_space<hbm>>) dst(%dma_wait3A_995 : memref<512xf32, #tpu.memory_space<vmem>>)
    %scan3A = arith.constant 0 : i32
    %scan3A_1001 = arith.constant 0 : i32
    %scan3A_1002 = arith.constant 32 : i32
    %scan3A_1003 = arith.addi %scan3A_1001, %scan3A_1002 : i32
    %scan3A_1004 = arith.constant 1 : i32
    scf.for %scan3A_1006 = %scan3A_1001 to %scan3A_1003 step %scan3A_1004  : i32 {
      %mul3A_1007 = arith.constant 16 : i32
      %mul3A_1008 = arith.muli %scan3A_1006, %mul3A_1007 : i32
      %broadcast_in_dim3A = arith.constant 0.000000e+00 : f32
      %broadcast_in_dim3A_1009 = vector.broadcast %broadcast_in_dim3A : f32 to vector<16xf32>
      %get3A = arith.constant 0 : i32
      %get3A_1010 = arith.index_cast %get3A : i32 to index
      %get3A_1011 = arith.index_cast %mul3A_1008 : i32 to index
      %get3A_1012 = tpu.vector_load %arg6[%get3A_1010, %get3A_1011] {strides = array<i32>} : memref<50x512xf32, #tpu.memory_space<vmem>>, vector<16xf32>,
      %get3A_1013 = arith.constant 0 : i32
      %get3A_1014 = arith.index_cast %get3A_1013 : i32 to index
      %get3A_1015 = arith.index_cast %mul3A_1008 : i32 to index
      %get3A_1016 = tpu.vector_load %arg5[%get3A_1014, %get3A_1015] {strides = array<i32>} : memref<50x512xi32, #tpu.memory_space<vmem>>, vector<16xi32>,
      %ne3A = arith.constant 0 : i32
      %ne3A_1017 = vector.broadcast %ne3A : i32 to vector<16xi32>
      %ne3A_1018 = arith.cmpi ne, %get3A_1016, %ne3A_1017 : vector<16xi32>
      %jit3A = arith.constant 0.000000e+00 : f32
      %broadcast_in_dim3A_1019 = vector.broadcast %jit3A : f32 to vector<16xf32>
      %select_n3A = arith.select %ne3A_1018, %get3A_1012, %broadcast_in_dim3A_1019 : vector<16xi1>, vector<16xf32>
      %add3A_1020 = arith.addf %broadcast_in_dim3A_1009, %select_n3A : vector<16xf32>
      %get3A_1021 = arith.constant 1 : i32
      %get3A_1022 = arith.index_cast %get3A_1021 : i32 to index
      %get3A_1023 = arith.index_cast %mul3A_1008 : i32 to index
      %get3A_1024 = tpu.vector_load %arg6[%get3A_1022, %get3A_1023] {strides = array<i32>} : memref<50x512xf32, #tpu.memory_space<vmem>>, vector<16xf32>,
      %get3A_1025 = arith.constant 1 : i32
      %get3A_1026 = arith.index_cast %get3A_1025 : i32 to index
      %get3A_1027 = arith.index_cast %mul3A_1008 : i32 to index
      %get3A_1028 = tpu.vector_load %arg5[%get3A_1026, %get3A_1027] {strides = array<i32>} : memref<50x512xi32, #tpu.memory_space<vmem>>, vector<16xi32>,
      %ne3A_1029 = arith.constant 0 : i32
      %ne3A_1030 = vector.broadcast %ne3A_1029 : i32 to vector<16xi32>
      %ne3A_1031 = arith.cmpi ne, %get3A_1028, %ne3A_1030 : vector<16xi32>
      %jit3A_1032 = arith.constant 0.000000e+00 : f32
      %broadcast_in_dim3A_1033 = vector.broadcast %jit3A_1032 : f32 to vector<16xf32>
      %select_n3A_1034 = arith.select %ne3A_1031, %get3A_1024, %broadcast_in_dim3A_1033 : vector<16xi1>, vector<16xf32>
      %add3A_1035 = arith.addf %add3A_1020, %select_n3A_1034 : vector<16xf32>
      %get3A_1036 = arith.constant 2 : i32
      %get3A_1037 = arith.index_cast %get3A_1036 : i32 to index
      %get3A_1038 = arith.index_cast %mul3A_1008 : i32 to index
      %get3A_1039 = tpu.vector_load %arg6[%get3A_1037, %get3A_1038] {strides = array<i32>} : memref<50x512xf32, #tpu.memory_space<vmem>>, vector<16xf32>,
      %get3A_1040 = arith.constant 2 : i32
      %get3A_1041 = arith.index_cast %get3A_1040 : i32 to index
      %get3A_1042 = arith.index_cast %mul3A_1008 : i32 to index
      %get3A_1043 = tpu.vector_load %arg5[%get3A_1041, %get3A_1042] {strides = array<i32>} : memref<50x512xi32, #tpu.memory_space<vmem>>, vector<16xi32>,
      %ne3A_1044 = arith.constant 0 : i32
      %ne3A_1045 = vector.broadcast %ne3A_1044 : i32 to vector<16xi32>
      %ne3A_1046 = arith.cmpi ne, %get3A_1043, %ne3A_1045 : vector<16xi32>
      %jit3A_1047 = arith.constant 0.000000e+00 : f32
      %broadcast_in_dim3A_1048 = vector.broadcast %jit3A_1047 : f32 to vector<16xf32>
      %select_n3A_1049 = arith.select %ne3A_1046, %get3A_1039, %broadcast_in_dim3A_1048 : vector<16xi1>, vector<16xf32>
      %add3A_1050 = arith.addf %add3A_1035, %select_n3A_1049 : vector<16xf32>
      %get3A_1051 = arith.constant 3 : i32
      %get3A_1052 = arith.index_cast %get3A_1051 : i32 to index
      %get3A_1053 = arith.index_cast %mul3A_1008 : i32 to index
      %get3A_1054 = tpu.vector_load %arg6[%get3A_1052, %get3A_1053] {strides = array<i32>} : memref<50x512xf32, #tpu.memory_space<vmem>>, vector<16xf32>,
      %get3A_1055 = arith.constant 3 : i32
      %get3A_1056 = arith.index_cast %get3A_1055 : i32 to index
      %get3A_1057 = arith.index_cast %mul3A_1008 : i32 to index
      %get3A_1058 = tpu.vector_load %arg5[%get3A_1056, %get3A_1057] {strides = array<i32>} : memref<50x512xi32, #tpu.memory_space<vmem>>, vector<16xi32>,
      %ne3A_1059 = arith.constant 0 : i32
      %ne3A_1060 = vector.broadcast %ne3A_1059 : i32 to vector<16xi32>
      %ne3A_1061 = arith.cmpi ne, %get3A_1058, %ne3A_1060 : vector<16xi32>
      %jit3A_1062 = arith.constant 0.000000e+00 : f32
      %broadcast_in_dim3A_1063 = vector.broadcast %jit3A_1062 : f32 to vector<16xf32>
      %select_n3A_1064 = arith.select %ne3A_1061, %get3A_1054, %broadcast_in_dim3A_1063 : vector<16xi1>, vector<16xf32>
      %add3A_1065 = arith.addf %add3A_1050, %select_n3A_1064 : vector<16xf32>
      %get3A_1066 = arith.constant 4 : i32
      %get3A_1067 = arith.index_cast %get3A_1066 : i32 to index
      %get3A_1068 = arith.index_cast %mul3A_1008 : i32 to index
      %get3A_1069 = tpu.vector_load %arg6[%get3A_1067, %get3A_1068] {strides = array<i32>} : memref<50x512xf32, #tpu.memory_space<vmem>>, vector<16xf32>,
      %get3A_1070 = arith.constant 4 : i32
      %get3A_1071 = arith.index_cast %get3A_1070 : i32 to index
      %get3A_1072 = arith.index_cast %mul3A_1008 : i32 to index
      %get3A_1073 = tpu.vector_load %arg5[%get3A_1071, %get3A_1072] {strides = array<i32>} : memref<50x512xi32, #tpu.memory_space<vmem>>, vector<16xi32>,
      %ne3A_1074 = arith.constant 0 : i32
      %ne3A_1075 = vector.broadcast %ne3A_1074 : i32 to vector<16xi32>
      %ne3A_1076 = arith.cmpi ne, %get3A_1073, %ne3A_1075 : vector<16xi32>
      %jit3A_1077 = arith.constant 0.000000e+00 : f32
      %broadcast_in_dim3A_1078 = vector.broadcast %jit3A_1077 : f32 to vector<16xf32>
      %select_n3A_1079 = arith.select %ne3A_1076, %get3A_1069, %broadcast_in_dim3A_1078 : vector<16xi1>, vector<16xf32>
      %add3A_1080 = arith.addf %add3A_1065, %select_n3A_1079 : vector<16xf32>
      %get3A_1081 = arith.constant 5 : i32
      %get3A_1082 = arith.index_cast %get3A_1081 : i32 to index
      %get3A_1083 = arith.index_cast %mul3A_1008 : i32 to index
      %get3A_1084 = tpu.vector_load %arg6[%get3A_1082, %get3A_1083] {strides = array<i32>} : memref<50x512xf32, #tpu.memory_space<vmem>>, vector<16xf32>,
      %get3A_1085 = arith.constant 5 : i32
      %get3A_1086 = arith.index_cast %get3A_1085 : i32 to index
      %get3A_1087 = arith.index_cast %mul3A_1008 : i32 to index
      %get3A_1088 = tpu.vector_load %arg5[%get3A_1086, %get3A_1087] {strides = array<i32>} : memref<50x512xi32, #tpu.memory_space<vmem>>, vector<16xi32>,
      %ne3A_1089 = arith.constant 0 : i32
      %ne3A_1090 = vector.broadcast %ne3A_1089 : i32 to vector<16xi32>
      %ne3A_1091 = arith.cmpi ne, %get3A_1088, %ne3A_1090 : vector<16xi32>
      %jit3A_1092 = arith.constant 0.000000e+00 : f32
      %broadcast_in_dim3A_1093 = vector.broadcast %jit3A_1092 : f32 to vector<16xf32>
      %select_n3A_1094 = arith.select %ne3A_1091, %get3A_1084, %broadcast_in_dim3A_1093 : vector<16xi1>, vector<16xf32>
      %add3A_1095 = arith.addf %add3A_1080, %select_n3A_1094 : vector<16xf32>
      %get3A_1096 = arith.constant 6 : i32
      %get3A_1097 = arith.index_cast %get3A_1096 : i32 to index
      %get3A_1098 = arith.index_cast %mul3A_1008 : i32 to index
      %get3A_1099 = tpu.vector_load %arg6[%get3A_1097, %get3A_1098] {strides = array<i32>} : memref<50x512xf32, #tpu.memory_space<vmem>>, vector<16xf32>,
      %get3A_1100 = arith.constant 6 : i32
      %get3A_1101 = arith.index_cast %get3A_1100 : i32 to index
      %get3A_1102 = arith.index_cast %mul3A_1008 : i32 to index
      %get3A_1103 = tpu.vector_load %arg5[%get3A_1101, %get3A_1102] {strides = array<i32>} : memref<50x512xi32, #tpu.memory_space<vmem>>, vector<16xi32>,
      %ne3A_1104 = arith.constant 0 : i32
      %ne3A_1105 = vector.broadcast %ne3A_1104 : i32 to vector<16xi32>
      %ne3A_1106 = arith.cmpi ne, %get3A_1103, %ne3A_1105 : vector<16xi32>
      %jit3A_1107 = arith.constant 0.000000e+00 : f32
      %broadcast_in_dim3A_1108 = vector.broadcast %jit3A_1107 : f32 to vector<16xf32>
      %select_n3A_1109 = arith.select %ne3A_1106, %get3A_1099, %broadcast_in_dim3A_1108 : vector<16xi1>, vector<16xf32>
      %add3A_1110 = arith.addf %add3A_1095, %select_n3A_1109 : vector<16xf32>
      %get3A_1111 = arith.constant 7 : i32
      %get3A_1112 = arith.index_cast %get3A_1111 : i32 to index
      %get3A_1113 = arith.index_cast %mul3A_1008 : i32 to index
      %get3A_1114 = tpu.vector_load %arg6[%get3A_1112, %get3A_1113] {strides = array<i32>} : memref<50x512xf32, #tpu.memory_space<vmem>>, vector<16xf32>,
      %get3A_1115 = arith.constant 7 : i32
      %get3A_1116 = arith.index_cast %get3A_1115 : i32 to index
      %get3A_1117 = arith.index_cast %mul3A_1008 : i32 to index
      %get3A_1118 = tpu.vector_load %arg5[%get3A_1116, %get3A_1117] {strides = array<i32>} : memref<50x512xi32, #tpu.memory_space<vmem>>, vector<16xi32>,
      %ne3A_1119 = arith.constant 0 : i32
      %ne3A_1120 = vector.broadcast %ne3A_1119 : i32 to vector<16xi32>
      %ne3A_1121 = arith.cmpi ne, %get3A_1118, %ne3A_1120 : vector<16xi32>
      %jit3A_1122 = arith.constant 0.000000e+00 : f32
      %broadcast_in_dim3A_1123 = vector.broadcast %jit3A_1122 : f32 to vector<16xf32>
      %select_n3A_1124 = arith.select %ne3A_1121, %get3A_1114, %broadcast_in_dim3A_1123 : vector<16xi1>, vector<16xf32>
      %add3A_1125 = arith.addf %add3A_1110, %select_n3A_1124 : vector<16xf32>
      %get3A_1126 = arith.constant 8 : i32
      %get3A_1127 = arith.index_cast %get3A_1126 : i32 to index
      %get3A_1128 = arith.index_cast %mul3A_1008 : i32 to index
      %get3A_1129 = tpu.vector_load %arg6[%get3A_1127, %get3A_1128] {strides = array<i32>} : memref<50x512xf32, #tpu.memory_space<vmem>>, vector<16xf32>,
      %get3A_1130 = arith.constant 8 : i32
      %get3A_1131 = arith.index_cast %get3A_1130 : i32 to index
      %get3A_1132 = arith.index_cast %mul3A_1008 : i32 to index
      %get3A_1133 = tpu.vector_load %arg5[%get3A_1131, %get3A_1132] {strides = array<i32>} : memref<50x512xi32, #tpu.memory_space<vmem>>, vector<16xi32>,
      %ne3A_1134 = arith.constant 0 : i32
      %ne3A_1135 = vector.broadcast %ne3A_1134 : i32 to vector<16xi32>
      %ne3A_1136 = arith.cmpi ne, %get3A_1133, %ne3A_1135 : vector<16xi32>
      %jit3A_1137 = arith.constant 0.000000e+00 : f32
      %broadcast_in_dim3A_1138 = vector.broadcast %jit3A_1137 : f32 to vector<16xf32>
      %select_n3A_1139 = arith.select %ne3A_1136, %get3A_1129, %broadcast_in_dim3A_1138 : vector<16xi1>, vector<16xf32>
      %add3A_1140 = arith.addf %add3A_1125, %select_n3A_1139 : vector<16xf32>
      %get3A_1141 = arith.constant 9 : i32
      %get3A_1142 = arith.index_cast %get3A_1141 : i32 to index
      %get3A_1143 = arith.index_cast %mul3A_1008 : i32 to index
      %get3A_1144 = tpu.vector_load %arg6[%get3A_1142, %get3A_1143] {strides = array<i32>} : memref<50x512xf32, #tpu.memory_space<vmem>>, vector<16xf32>,
      %get3A_1145 = arith.constant 9 : i32
      %get3A_1146 = arith.index_cast %get3A_1145 : i32 to index
      %get3A_1147 = arith.index_cast %mul3A_1008 : i32 to index
      %get3A_1148 = tpu.vector_load %arg5[%get3A_1146, %get3A_1147] {strides = array<i32>} : memref<50x512xi32, #tpu.memory_space<vmem>>, vector<16xi32>,
      %ne3A_1149 = arith.constant 0 : i32
      %ne3A_1150 = vector.broadcast %ne3A_1149 : i32 to vector<16xi32>
      %ne3A_1151 = arith.cmpi ne, %get3A_1148, %ne3A_1150 : vector<16xi32>
      %jit3A_1152 = arith.constant 0.000000e+00 : f32
      %broadcast_in_dim3A_1153 = vector.broadcast %jit3A_1152 : f32 to vector<16xf32>
      %select_n3A_1154 = arith.select %ne3A_1151, %get3A_1144, %broadcast_in_dim3A_1153 : vector<16xi1>, vector<16xf32>
      %add3A_1155 = arith.addf %add3A_1140, %select_n3A_1154 : vector<16xf32>
      %get3A_1156 = arith.constant 10 : i32
      %get3A_1157 = arith.index_cast %get3A_1156 : i32 to index
      %get3A_1158 = arith.index_cast %mul3A_1008 : i32 to index
      %get3A_1159 = tpu.vector_load %arg6[%get3A_1157, %get3A_1158] {strides = array<i32>} : memref<50x512xf32, #tpu.memory_space<vmem>>, vector<16xf32>,
      %get3A_1160 = arith.constant 10 : i32
      %get3A_1161 = arith.index_cast %get3A_1160 : i32 to index
      %get3A_1162 = arith.index_cast %mul3A_1008 : i32 to index
      %get3A_1163 = tpu.vector_load %arg5[%get3A_1161, %get3A_1162] {strides = array<i32>} : memref<50x512xi32, #tpu.memory_space<vmem>>, vector<16xi32>,
      %ne3A_1164 = arith.constant 0 : i32
      %ne3A_1165 = vector.broadcast %ne3A_1164 : i32 to vector<16xi32>
      %ne3A_1166 = arith.cmpi ne, %get3A_1163, %ne3A_1165 : vector<16xi32>
      %jit3A_1167 = arith.constant 0.000000e+00 : f32
      %broadcast_in_dim3A_1168 = vector.broadcast %jit3A_1167 : f32 to vector<16xf32>
      %select_n3A_1169 = arith.select %ne3A_1166, %get3A_1159, %broadcast_in_dim3A_1168 : vector<16xi1>, vector<16xf32>
      %add3A_1170 = arith.addf %add3A_1155, %select_n3A_1169 : vector<16xf32>
      %get3A_1171 = arith.constant 11 : i32
      %get3A_1172 = arith.index_cast %get3A_1171 : i32 to index
      %get3A_1173 = arith.index_cast %mul3A_1008 : i32 to index
      %get3A_1174 = tpu.vector_load %arg6[%get3A_1172, %get3A_1173] {strides = array<i32>} : memref<50x512xf32, #tpu.memory_space<vmem>>, vector<16xf32>,
      %get3A_1175 = arith.constant 11 : i32
      %get3A_1176 = arith.index_cast %get3A_1175 : i32 to index
      %get3A_1177 = arith.index_cast %mul3A_1008 : i32 to index
      %get3A_1178 = tpu.vector_load %arg5[%get3A_1176, %get3A_1177] {strides = array<i32>} : memref<50x512xi32, #tpu.memory_space<vmem>>, vector<16xi32>,
      %ne3A_1179 = arith.constant 0 : i32
      %ne3A_1180 = vector.broadcast %ne3A_1179 : i32 to vector<16xi32>
      %ne3A_1181 = arith.cmpi ne, %get3A_1178, %ne3A_1180 : vector<16xi32>
      %jit3A_1182 = arith.constant 0.000000e+00 : f32
      %broadcast_in_dim3A_1183 = vector.broadcast %jit3A_1182 : f32 to vector<16xf32>
      %select_n3A_1184 = arith.select %ne3A_1181, %get3A_1174, %broadcast_in_dim3A_1183 : vector<16xi1>, vector<16xf32>
      %add3A_1185 = arith.addf %add3A_1170, %select_n3A_1184 : vector<16xf32>
      %get3A_1186 = arith.constant 12 : i32
      %get3A_1187 = arith.index_cast %get3A_1186 : i32 to index
      %get3A_1188 = arith.index_cast %mul3A_1008 : i32 to index
      %get3A_1189 = tpu.vector_load %arg6[%get3A_1187, %get3A_1188] {strides = array<i32>} : memref<50x512xf32, #tpu.memory_space<vmem>>, vector<16xf32>,
      %get3A_1190 = arith.constant 12 : i32
      %get3A_1191 = arith.index_cast %get3A_1190 : i32 to index
      %get3A_1192 = arith.index_cast %mul3A_1008 : i32 to index
      %get3A_1193 = tpu.vector_load %arg5[%get3A_1191, %get3A_1192] {strides = array<i32>} : memref<50x512xi32, #tpu.memory_space<vmem>>, vector<16xi32>,
      %ne3A_1194 = arith.constant 0 : i32
      %ne3A_1195 = vector.broadcast %ne3A_1194 : i32 to vector<16xi32>
      %ne3A_1196 = arith.cmpi ne, %get3A_1193, %ne3A_1195 : vector<16xi32>
      %jit3A_1197 = arith.constant 0.000000e+00 : f32
      %broadcast_in_dim3A_1198 = vector.broadcast %jit3A_1197 : f32 to vector<16xf32>
      %select_n3A_1199 = arith.select %ne3A_1196, %get3A_1189, %broadcast_in_dim3A_1198 : vector<16xi1>, vector<16xf32>
      %add3A_1200 = arith.addf %add3A_1185, %select_n3A_1199 : vector<16xf32>
      %get3A_1201 = arith.constant 13 : i32
      %get3A_1202 = arith.index_cast %get3A_1201 : i32 to index
      %get3A_1203 = arith.index_cast %mul3A_1008 : i32 to index
      %get3A_1204 = tpu.vector_load %arg6[%get3A_1202, %get3A_1203] {strides = array<i32>} : memref<50x512xf32, #tpu.memory_space<vmem>>, vector<16xf32>,
      %get3A_1205 = arith.constant 13 : i32
      %get3A_1206 = arith.index_cast %get3A_1205 : i32 to index
      %get3A_1207 = arith.index_cast %mul3A_1008 : i32 to index
      %get3A_1208 = tpu.vector_load %arg5[%get3A_1206, %get3A_1207] {strides = array<i32>} : memref<50x512xi32, #tpu.memory_space<vmem>>, vector<16xi32>,
      %ne3A_1209 = arith.constant 0 : i32
      %ne3A_1210 = vector.broadcast %ne3A_1209 : i32 to vector<16xi32>
      %ne3A_1211 = arith.cmpi ne, %get3A_1208, %ne3A_1210 : vector<16xi32>
      %jit3A_1212 = arith.constant 0.000000e+00 : f32
      %broadcast_in_dim3A_1213 = vector.broadcast %jit3A_1212 : f32 to vector<16xf32>
      %select_n3A_1214 = arith.select %ne3A_1211, %get3A_1204, %broadcast_in_dim3A_1213 : vector<16xi1>, vector<16xf32>
      %add3A_1215 = arith.addf %add3A_1200, %select_n3A_1214 : vector<16xf32>
      %get3A_1216 = arith.constant 14 : i32
      %get3A_1217 = arith.index_cast %get3A_1216 : i32 to index
      %get3A_1218 = arith.index_cast %mul3A_1008 : i32 to index
      %get3A_1219 = tpu.vector_load %arg6[%get3A_1217, %get3A_1218] {strides = array<i32>} : memref<50x512xf32, #tpu.memory_space<vmem>>, vector<16xf32>,
      %get3A_1220 = arith.constant 14 : i32
      %get3A_1221 = arith.index_cast %get3A_1220 : i32 to index
      %get3A_1222 = arith.index_cast %mul3A_1008 : i32 to index
      %get3A_1223 = tpu.vector_load %arg5[%get3A_1221, %get3A_1222] {strides = array<i32>} : memref<50x512xi32, #tpu.memory_space<vmem>>, vector<16xi32>,
      %ne3A_1224 = arith.constant 0 : i32
      %ne3A_1225 = vector.broadcast %ne3A_1224 : i32 to vector<16xi32>
      %ne3A_1226 = arith.cmpi ne, %get3A_1223, %ne3A_1225 : vector<16xi32>
      %jit3A_1227 = arith.constant 0.000000e+00 : f32
      %broadcast_in_dim3A_1228 = vector.broadcast %jit3A_1227 : f32 to vector<16xf32>
      %select_n3A_1229 = arith.select %ne3A_1226, %get3A_1219, %broadcast_in_dim3A_1228 : vector<16xi1>, vector<16xf32>
      %add3A_1230 = arith.addf %add3A_1215, %select_n3A_1229 : vector<16xf32>
      %get3A_1231 = arith.constant 15 : i32
      %get3A_1232 = arith.index_cast %get3A_1231 : i32 to index
      %get3A_1233 = arith.index_cast %mul3A_1008 : i32 to index
      %get3A_1234 = tpu.vector_load %arg6[%get3A_1232, %get3A_1233] {strides = array<i32>} : memref<50x512xf32, #tpu.memory_space<vmem>>, vector<16xf32>,
      %get3A_1235 = arith.constant 15 : i32
      %get3A_1236 = arith.index_cast %get3A_1235 : i32 to index
      %get3A_1237 = arith.index_cast %mul3A_1008 : i32 to index
      %get3A_1238 = tpu.vector_load %arg5[%get3A_1236, %get3A_1237] {strides = array<i32>} : memref<50x512xi32, #tpu.memory_space<vmem>>, vector<16xi32>,
      %ne3A_1239 = arith.constant 0 : i32
      %ne3A_1240 = vector.broadcast %ne3A_1239 : i32 to vector<16xi32>
      %ne3A_1241 = arith.cmpi ne, %get3A_1238, %ne3A_1240 : vector<16xi32>
      %jit3A_1242 = arith.constant 0.000000e+00 : f32
      %broadcast_in_dim3A_1243 = vector.broadcast %jit3A_1242 : f32 to vector<16xf32>
      %select_n3A_1244 = arith.select %ne3A_1241, %get3A_1234, %broadcast_in_dim3A_1243 : vector<16xi1>, vector<16xf32>
      %add3A_1245 = arith.addf %add3A_1230, %select_n3A_1244 : vector<16xf32>
      %get3A_1246 = arith.constant 16 : i32
      %get3A_1247 = arith.index_cast %get3A_1246 : i32 to index
      %get3A_1248 = arith.index_cast %mul3A_1008 : i32 to index
      %get3A_1249 = tpu.vector_load %arg6[%get3A_1247, %get3A_1248] {strides = array<i32>} : memref<50x512xf32, #tpu.memory_space<vmem>>, vector<16xf32>,
      %get3A_1250 = arith.constant 16 : i32
      %get3A_1251 = arith.index_cast %get3A_1250 : i32 to index
      %get3A_1252 = arith.index_cast %mul3A_1008 : i32 to index
      %get3A_1253 = tpu.vector_load %arg5[%get3A_1251, %get3A_1252] {strides = array<i32>} : memref<50x512xi32, #tpu.memory_space<vmem>>, vector<16xi32>,
      %ne3A_1254 = arith.constant 0 : i32
      %ne3A_1255 = vector.broadcast %ne3A_1254 : i32 to vector<16xi32>
      %ne3A_1256 = arith.cmpi ne, %get3A_1253, %ne3A_1255 : vector<16xi32>
      %jit3A_1257 = arith.constant 0.000000e+00 : f32
      %broadcast_in_dim3A_1258 = vector.broadcast %jit3A_1257 : f32 to vector<16xf32>
      %select_n3A_1259 = arith.select %ne3A_1256, %get3A_1249, %broadcast_in_dim3A_1258 : vector<16xi1>, vector<16xf32>
      %add3A_1260 = arith.addf %add3A_1245, %select_n3A_1259 : vector<16xf32>
      %get3A_1261 = arith.constant 17 : i32
      %get3A_1262 = arith.index_cast %get3A_1261 : i32 to index
      %get3A_1263 = arith.index_cast %mul3A_1008 : i32 to index
      %get3A_1264 = tpu.vector_load %arg6[%get3A_1262, %get3A_1263] {strides = array<i32>} : memref<50x512xf32, #tpu.memory_space<vmem>>, vector<16xf32>,
      %get3A_1265 = arith.constant 17 : i32
      %get3A_1266 = arith.index_cast %get3A_1265 : i32 to index
      %get3A_1267 = arith.index_cast %mul3A_1008 : i32 to index
      %get3A_1268 = tpu.vector_load %arg5[%get3A_1266, %get3A_1267] {strides = array<i32>} : memref<50x512xi32, #tpu.memory_space<vmem>>, vector<16xi32>,
      %ne3A_1269 = arith.constant 0 : i32
      %ne3A_1270 = vector.broadcast %ne3A_1269 : i32 to vector<16xi32>
      %ne3A_1271 = arith.cmpi ne, %get3A_1268, %ne3A_1270 : vector<16xi32>
      %jit3A_1272 = arith.constant 0.000000e+00 : f32
      %broadcast_in_dim3A_1273 = vector.broadcast %jit3A_1272 : f32 to vector<16xf32>
      %select_n3A_1274 = arith.select %ne3A_1271, %get3A_1264, %broadcast_in_dim3A_1273 : vector<16xi1>, vector<16xf32>
      %add3A_1275 = arith.addf %add3A_1260, %select_n3A_1274 : vector<16xf32>
      %get3A_1276 = arith.constant 18 : i32
      %get3A_1277 = arith.index_cast %get3A_1276 : i32 to index
      %get3A_1278 = arith.index_cast %mul3A_1008 : i32 to index
      %get3A_1279 = tpu.vector_load %arg6[%get3A_1277, %get3A_1278] {strides = array<i32>} : memref<50x512xf32, #tpu.memory_space<vmem>>, vector<16xf32>,
      %get3A_1280 = arith.constant 18 : i32
      %get3A_1281 = arith.index_cast %get3A_1280 : i32 to index
      %get3A_1282 = arith.index_cast %mul3A_1008 : i32 to index
      %get3A_1283 = tpu.vector_load %arg5[%get3A_1281, %get3A_1282] {strides = array<i32>} : memref<50x512xi32, #tpu.memory_space<vmem>>, vector<16xi32>,
      %ne3A_1284 = arith.constant 0 : i32
      %ne3A_1285 = vector.broadcast %ne3A_1284 : i32 to vector<16xi32>
      %ne3A_1286 = arith.cmpi ne, %get3A_1283, %ne3A_1285 : vector<16xi32>
      %jit3A_1287 = arith.constant 0.000000e+00 : f32
      %broadcast_in_dim3A_1288 = vector.broadcast %jit3A_1287 : f32 to vector<16xf32>
      %select_n3A_1289 = arith.select %ne3A_1286, %get3A_1279, %broadcast_in_dim3A_1288 : vector<16xi1>, vector<16xf32>
      %add3A_1290 = arith.addf %add3A_1275, %select_n3A_1289 : vector<16xf32>
      %get3A_1291 = arith.constant 19 : i32
      %get3A_1292 = arith.index_cast %get3A_1291 : i32 to index
      %get3A_1293 = arith.index_cast %mul3A_1008 : i32 to index
      %get3A_1294 = tpu.vector_load %arg6[%get3A_1292, %get3A_1293] {strides = array<i32>} : memref<50x512xf32, #tpu.memory_space<vmem>>, vector<16xf32>,
      %get3A_1295 = arith.constant 19 : i32
      %get3A_1296 = arith.index_cast %get3A_1295 : i32 to index
      %get3A_1297 = arith.index_cast %mul3A_1008 : i32 to index
      %get3A_1298 = tpu.vector_load %arg5[%get3A_1296, %get3A_1297] {strides = array<i32>} : memref<50x512xi32, #tpu.memory_space<vmem>>, vector<16xi32>,
      %ne3A_1299 = arith.constant 0 : i32
      %ne3A_1300 = vector.broadcast %ne3A_1299 : i32 to vector<16xi32>
      %ne3A_1301 = arith.cmpi ne, %get3A_1298, %ne3A_1300 : vector<16xi32>
      %jit3A_1302 = arith.constant 0.000000e+00 : f32
      %broadcast_in_dim3A_1303 = vector.broadcast %jit3A_1302 : f32 to vector<16xf32>
      %select_n3A_1304 = arith.select %ne3A_1301, %get3A_1294, %broadcast_in_dim3A_1303 : vector<16xi1>, vector<16xf32>
      %add3A_1305 = arith.addf %add3A_1290, %select_n3A_1304 : vector<16xf32>
      %get3A_1306 = arith.constant 20 : i32
      %get3A_1307 = arith.index_cast %get3A_1306 : i32 to index
      %get3A_1308 = arith.index_cast %mul3A_1008 : i32 to index
      %get3A_1309 = tpu.vector_load %arg6[%get3A_1307, %get3A_1308] {strides = array<i32>} : memref<50x512xf32, #tpu.memory_space<vmem>>, vector<16xf32>,
      %get3A_1310 = arith.constant 20 : i32
      %get3A_1311 = arith.index_cast %get3A_1310 : i32 to index
      %get3A_1312 = arith.index_cast %mul3A_1008 : i32 to index
      %get3A_1313 = tpu.vector_load %arg5[%get3A_1311, %get3A_1312] {strides = array<i32>} : memref<50x512xi32, #tpu.memory_space<vmem>>, vector<16xi32>,
      %ne3A_1314 = arith.constant 0 : i32
      %ne3A_1315 = vector.broadcast %ne3A_1314 : i32 to vector<16xi32>
      %ne3A_1316 = arith.cmpi ne, %get3A_1313, %ne3A_1315 : vector<16xi32>
      %jit3A_1317 = arith.constant 0.000000e+00 : f32
      %broadcast_in_dim3A_1318 = vector.broadcast %jit3A_1317 : f32 to vector<16xf32>
      %select_n3A_1319 = arith.select %ne3A_1316, %get3A_1309, %broadcast_in_dim3A_1318 : vector<16xi1>, vector<16xf32>
      %add3A_1320 = arith.addf %add3A_1305, %select_n3A_1319 : vector<16xf32>
      %get3A_1321 = arith.constant 21 : i32
      %get3A_1322 = arith.index_cast %get3A_1321 : i32 to index
      %get3A_1323 = arith.index_cast %mul3A_1008 : i32 to index
      %get3A_1324 = tpu.vector_load %arg6[%get3A_1322, %get3A_1323] {strides = array<i32>} : memref<50x512xf32, #tpu.memory_space<vmem>>, vector<16xf32>,
      %get3A_1325 = arith.constant 21 : i32
      %get3A_1326 = arith.index_cast %get3A_1325 : i32 to index
      %get3A_1327 = arith.index_cast %mul3A_1008 : i32 to index
      %get3A_1328 = tpu.vector_load %arg5[%get3A_1326, %get3A_1327] {strides = array<i32>} : memref<50x512xi32, #tpu.memory_space<vmem>>, vector<16xi32>,
      %ne3A_1329 = arith.constant 0 : i32
      %ne3A_1330 = vector.broadcast %ne3A_1329 : i32 to vector<16xi32>
      %ne3A_1331 = arith.cmpi ne, %get3A_1328, %ne3A_1330 : vector<16xi32>
      %jit3A_1332 = arith.constant 0.000000e+00 : f32
      %broadcast_in_dim3A_1333 = vector.broadcast %jit3A_1332 : f32 to vector<16xf32>
      %select_n3A_1334 = arith.select %ne3A_1331, %get3A_1324, %broadcast_in_dim3A_1333 : vector<16xi1>, vector<16xf32>
      %add3A_1335 = arith.addf %add3A_1320, %select_n3A_1334 : vector<16xf32>
      %get3A_1336 = arith.constant 22 : i32
      %get3A_1337 = arith.index_cast %get3A_1336 : i32 to index
      %get3A_1338 = arith.index_cast %mul3A_1008 : i32 to index
      %get3A_1339 = tpu.vector_load %arg6[%get3A_1337, %get3A_1338] {strides = array<i32>} : memref<50x512xf32, #tpu.memory_space<vmem>>, vector<16xf32>,
      %get3A_1340 = arith.constant 22 : i32
      %get3A_1341 = arith.index_cast %get3A_1340 : i32 to index
      %get3A_1342 = arith.index_cast %mul3A_1008 : i32 to index
      %get3A_1343 = tpu.vector_load %arg5[%get3A_1341, %get3A_1342] {strides = array<i32>} : memref<50x512xi32, #tpu.memory_space<vmem>>, vector<16xi32>,
      %ne3A_1344 = arith.constant 0 : i32
      %ne3A_1345 = vector.broadcast %ne3A_1344 : i32 to vector<16xi32>
      %ne3A_1346 = arith.cmpi ne, %get3A_1343, %ne3A_1345 : vector<16xi32>
      %jit3A_1347 = arith.constant 0.000000e+00 : f32
      %broadcast_in_dim3A_1348 = vector.broadcast %jit3A_1347 : f32 to vector<16xf32>
      %select_n3A_1349 = arith.select %ne3A_1346, %get3A_1339, %broadcast_in_dim3A_1348 : vector<16xi1>, vector<16xf32>
      %add3A_1350 = arith.addf %add3A_1335, %select_n3A_1349 : vector<16xf32>
      %get3A_1351 = arith.constant 23 : i32
      %get3A_1352 = arith.index_cast %get3A_1351 : i32 to index
      %get3A_1353 = arith.index_cast %mul3A_1008 : i32 to index
      %get3A_1354 = tpu.vector_load %arg6[%get3A_1352, %get3A_1353] {strides = array<i32>} : memref<50x512xf32, #tpu.memory_space<vmem>>, vector<16xf32>,
      %get3A_1355 = arith.constant 23 : i32
      %get3A_1356 = arith.index_cast %get3A_1355 : i32 to index
      %get3A_1357 = arith.index_cast %mul3A_1008 : i32 to index
      %get3A_1358 = tpu.vector_load %arg5[%get3A_1356, %get3A_1357] {strides = array<i32>} : memref<50x512xi32, #tpu.memory_space<vmem>>, vector<16xi32>,
      %ne3A_1359 = arith.constant 0 : i32
      %ne3A_1360 = vector.broadcast %ne3A_1359 : i32 to vector<16xi32>
      %ne3A_1361 = arith.cmpi ne, %get3A_1358, %ne3A_1360 : vector<16xi32>
      %jit3A_1362 = arith.constant 0.000000e+00 : f32
      %broadcast_in_dim3A_1363 = vector.broadcast %jit3A_1362 : f32 to vector<16xf32>
      %select_n3A_1364 = arith.select %ne3A_1361, %get3A_1354, %broadcast_in_dim3A_1363 : vector<16xi1>, vector<16xf32>
      %add3A_1365 = arith.addf %add3A_1350, %select_n3A_1364 : vector<16xf32>
      %get3A_1366 = arith.constant 24 : i32
      %get3A_1367 = arith.index_cast %get3A_1366 : i32 to index
      %get3A_1368 = arith.index_cast %mul3A_1008 : i32 to index
      %get3A_1369 = tpu.vector_load %arg6[%get3A_1367, %get3A_1368] {strides = array<i32>} : memref<50x512xf32, #tpu.memory_space<vmem>>, vector<16xf32>,
      %get3A_1370 = arith.constant 24 : i32
      %get3A_1371 = arith.index_cast %get3A_1370 : i32 to index
      %get3A_1372 = arith.index_cast %mul3A_1008 : i32 to index
      %get3A_1373 = tpu.vector_load %arg5[%get3A_1371, %get3A_1372] {strides = array<i32>} : memref<50x512xi32, #tpu.memory_space<vmem>>, vector<16xi32>,
      %ne3A_1374 = arith.constant 0 : i32
      %ne3A_1375 = vector.broadcast %ne3A_1374 : i32 to vector<16xi32>
      %ne3A_1376 = arith.cmpi ne, %get3A_1373, %ne3A_1375 : vector<16xi32>
      %jit3A_1377 = arith.constant 0.000000e+00 : f32
      %broadcast_in_dim3A_1378 = vector.broadcast %jit3A_1377 : f32 to vector<16xf32>
      %select_n3A_1379 = arith.select %ne3A_1376, %get3A_1369, %broadcast_in_dim3A_1378 : vector<16xi1>, vector<16xf32>
      %add3A_1380 = arith.addf %add3A_1365, %select_n3A_1379 : vector<16xf32>
      %get3A_1381 = arith.constant 25 : i32
      %get3A_1382 = arith.index_cast %get3A_1381 : i32 to index
      %get3A_1383 = arith.index_cast %mul3A_1008 : i32 to index
      %get3A_1384 = tpu.vector_load %arg6[%get3A_1382, %get3A_1383] {strides = array<i32>} : memref<50x512xf32, #tpu.memory_space<vmem>>, vector<16xf32>,
      %get3A_1385 = arith.constant 25 : i32
      %get3A_1386 = arith.index_cast %get3A_1385 : i32 to index
      %get3A_1387 = arith.index_cast %mul3A_1008 : i32 to index
      %get3A_1388 = tpu.vector_load %arg5[%get3A_1386, %get3A_1387] {strides = array<i32>} : memref<50x512xi32, #tpu.memory_space<vmem>>, vector<16xi32>,
      %ne3A_1389 = arith.constant 0 : i32
      %ne3A_1390 = vector.broadcast %ne3A_1389 : i32 to vector<16xi32>
      %ne3A_1391 = arith.cmpi ne, %get3A_1388, %ne3A_1390 : vector<16xi32>
      %jit3A_1392 = arith.constant 0.000000e+00 : f32
      %broadcast_in_dim3A_1393 = vector.broadcast %jit3A_1392 : f32 to vector<16xf32>
      %select_n3A_1394 = arith.select %ne3A_1391, %get3A_1384, %broadcast_in_dim3A_1393 : vector<16xi1>, vector<16xf32>
      %add3A_1395 = arith.addf %add3A_1380, %select_n3A_1394 : vector<16xf32>
      %get3A_1396 = arith.constant 26 : i32
      %get3A_1397 = arith.index_cast %get3A_1396 : i32 to index
      %get3A_1398 = arith.index_cast %mul3A_1008 : i32 to index
      %get3A_1399 = tpu.vector_load %arg6[%get3A_1397, %get3A_1398] {strides = array<i32>} : memref<50x512xf32, #tpu.memory_space<vmem>>, vector<16xf32>,
      %get3A_1400 = arith.constant 26 : i32
      %get3A_1401 = arith.index_cast %get3A_1400 : i32 to index
      %get3A_1402 = arith.index_cast %mul3A_1008 : i32 to index
      %get3A_1403 = tpu.vector_load %arg5[%get3A_1401, %get3A_1402] {strides = array<i32>} : memref<50x512xi32, #tpu.memory_space<vmem>>, vector<16xi32>,
      %ne3A_1404 = arith.constant 0 : i32
      %ne3A_1405 = vector.broadcast %ne3A_1404 : i32 to vector<16xi32>
      %ne3A_1406 = arith.cmpi ne, %get3A_1403, %ne3A_1405 : vector<16xi32>
      %jit3A_1407 = arith.constant 0.000000e+00 : f32
      %broadcast_in_dim3A_1408 = vector.broadcast %jit3A_1407 : f32 to vector<16xf32>
      %select_n3A_1409 = arith.select %ne3A_1406, %get3A_1399, %broadcast_in_dim3A_1408 : vector<16xi1>, vector<16xf32>
      %add3A_1410 = arith.addf %add3A_1395, %select_n3A_1409 : vector<16xf32>
      %get3A_1411 = arith.constant 27 : i32
      %get3A_1412 = arith.index_cast %get3A_1411 : i32 to index
      %get3A_1413 = arith.index_cast %mul3A_1008 : i32 to index
      %get3A_1414 = tpu.vector_load %arg6[%get3A_1412, %get3A_1413] {strides = array<i32>} : memref<50x512xf32, #tpu.memory_space<vmem>>, vector<16xf32>,
      %get3A_1415 = arith.constant 27 : i32
      %get3A_1416 = arith.index_cast %get3A_1415 : i32 to index
      %get3A_1417 = arith.index_cast %mul3A_1008 : i32 to index
      %get3A_1418 = tpu.vector_load %arg5[%get3A_1416, %get3A_1417] {strides = array<i32>} : memref<50x512xi32, #tpu.memory_space<vmem>>, vector<16xi32>,
      %ne3A_1419 = arith.constant 0 : i32
      %ne3A_1420 = vector.broadcast %ne3A_1419 : i32 to vector<16xi32>
      %ne3A_1421 = arith.cmpi ne, %get3A_1418, %ne3A_1420 : vector<16xi32>
      %jit3A_1422 = arith.constant 0.000000e+00 : f32
      %broadcast_in_dim3A_1423 = vector.broadcast %jit3A_1422 : f32 to vector<16xf32>
      %select_n3A_1424 = arith.select %ne3A_1421, %get3A_1414, %broadcast_in_dim3A_1423 : vector<16xi1>, vector<16xf32>
      %add3A_1425 = arith.addf %add3A_1410, %select_n3A_1424 : vector<16xf32>
      %get3A_1426 = arith.constant 28 : i32
      %get3A_1427 = arith.index_cast %get3A_1426 : i32 to index
      %get3A_1428 = arith.index_cast %mul3A_1008 : i32 to index
      %get3A_1429 = tpu.vector_load %arg6[%get3A_1427, %get3A_1428] {strides = array<i32>} : memref<50x512xf32, #tpu.memory_space<vmem>>, vector<16xf32>,
      %get3A_1430 = arith.constant 28 : i32
      %get3A_1431 = arith.index_cast %get3A_1430 : i32 to index
      %get3A_1432 = arith.index_cast %mul3A_1008 : i32 to index
      %get3A_1433 = tpu.vector_load %arg5[%get3A_1431, %get3A_1432] {strides = array<i32>} : memref<50x512xi32, #tpu.memory_space<vmem>>, vector<16xi32>,
      %ne3A_1434 = arith.constant 0 : i32
      %ne3A_1435 = vector.broadcast %ne3A_1434 : i32 to vector<16xi32>
      %ne3A_1436 = arith.cmpi ne, %get3A_1433, %ne3A_1435 : vector<16xi32>
      %jit3A_1437 = arith.constant 0.000000e+00 : f32
      %broadcast_in_dim3A_1438 = vector.broadcast %jit3A_1437 : f32 to vector<16xf32>
      %select_n3A_1439 = arith.select %ne3A_1436, %get3A_1429, %broadcast_in_dim3A_1438 : vector<16xi1>, vector<16xf32>
      %add3A_1440 = arith.addf %add3A_1425, %select_n3A_1439 : vector<16xf32>
      %get3A_1441 = arith.constant 29 : i32
      %get3A_1442 = arith.index_cast %get3A_1441 : i32 to index
      %get3A_1443 = arith.index_cast %mul3A_1008 : i32 to index
      %get3A_1444 = tpu.vector_load %arg6[%get3A_1442, %get3A_1443] {strides = array<i32>} : memref<50x512xf32, #tpu.memory_space<vmem>>, vector<16xf32>,
      %get3A_1445 = arith.constant 29 : i32
      %get3A_1446 = arith.index_cast %get3A_1445 : i32 to index
      %get3A_1447 = arith.index_cast %mul3A_1008 : i32 to index
      %get3A_1448 = tpu.vector_load %arg5[%get3A_1446, %get3A_1447] {strides = array<i32>} : memref<50x512xi32, #tpu.memory_space<vmem>>, vector<16xi32>,
      %ne3A_1449 = arith.constant 0 : i32
      %ne3A_1450 = vector.broadcast %ne3A_1449 : i32 to vector<16xi32>
      %ne3A_1451 = arith.cmpi ne, %get3A_1448, %ne3A_1450 : vector<16xi32>
      %jit3A_1452 = arith.constant 0.000000e+00 : f32
      %broadcast_in_dim3A_1453 = vector.broadcast %jit3A_1452 : f32 to vector<16xf32>
      %select_n3A_1454 = arith.select %ne3A_1451, %get3A_1444, %broadcast_in_dim3A_1453 : vector<16xi1>, vector<16xf32>
      %add3A_1455 = arith.addf %add3A_1440, %select_n3A_1454 : vector<16xf32>
      %get3A_1456 = arith.constant 30 : i32
      %get3A_1457 = arith.index_cast %get3A_1456 : i32 to index
      %get3A_1458 = arith.index_cast %mul3A_1008 : i32 to index
      %get3A_1459 = tpu.vector_load %arg6[%get3A_1457, %get3A_1458] {strides = array<i32>} : memref<50x512xf32, #tpu.memory_space<vmem>>, vector<16xf32>,
      %get3A_1460 = arith.constant 30 : i32
      %get3A_1461 = arith.index_cast %get3A_1460 : i32 to index
      %get3A_1462 = arith.index_cast %mul3A_1008 : i32 to index
      %get3A_1463 = tpu.vector_load %arg5[%get3A_1461, %get3A_1462] {strides = array<i32>} : memref<50x512xi32, #tpu.memory_space<vmem>>, vector<16xi32>,
      %ne3A_1464 = arith.constant 0 : i32
      %ne3A_1465 = vector.broadcast %ne3A_1464 : i32 to vector<16xi32>
      %ne3A_1466 = arith.cmpi ne, %get3A_1463, %ne3A_1465 : vector<16xi32>
      %jit3A_1467 = arith.constant 0.000000e+00 : f32
      %broadcast_in_dim3A_1468 = vector.broadcast %jit3A_1467 : f32 to vector<16xf32>
      %select_n3A_1469 = arith.select %ne3A_1466, %get3A_1459, %broadcast_in_dim3A_1468 : vector<16xi1>, vector<16xf32>
      %add3A_1470 = arith.addf %add3A_1455, %select_n3A_1469 : vector<16xf32>
      %get3A_1471 = arith.constant 31 : i32
      %get3A_1472 = arith.index_cast %get3A_1471 : i32 to index
      %get3A_1473 = arith.index_cast %mul3A_1008 : i32 to index
      %get3A_1474 = tpu.vector_load %arg6[%get3A_1472, %get3A_1473] {strides = array<i32>} : memref<50x512xf32, #tpu.memory_space<vmem>>, vector<16xf32>,
      %get3A_1475 = arith.constant 31 : i32
      %get3A_1476 = arith.index_cast %get3A_1475 : i32 to index
      %get3A_1477 = arith.index_cast %mul3A_1008 : i32 to index
      %get3A_1478 = tpu.vector_load %arg5[%get3A_1476, %get3A_1477] {strides = array<i32>} : memref<50x512xi32, #tpu.memory_space<vmem>>, vector<16xi32>,
      %ne3A_1479 = arith.constant 0 : i32
      %ne3A_1480 = vector.broadcast %ne3A_1479 : i32 to vector<16xi32>
      %ne3A_1481 = arith.cmpi ne, %get3A_1478, %ne3A_1480 : vector<16xi32>
      %jit3A_1482 = arith.constant 0.000000e+00 : f32
      %broadcast_in_dim3A_1483 = vector.broadcast %jit3A_1482 : f32 to vector<16xf32>
      %select_n3A_1484 = arith.select %ne3A_1481, %get3A_1474, %broadcast_in_dim3A_1483 : vector<16xi1>, vector<16xf32>
      %add3A_1485 = arith.addf %add3A_1470, %select_n3A_1484 : vector<16xf32>
      %get3A_1486 = arith.constant 32 : i32
      %get3A_1487 = arith.index_cast %get3A_1486 : i32 to index
      %get3A_1488 = arith.index_cast %mul3A_1008 : i32 to index
      %get3A_1489 = tpu.vector_load %arg6[%get3A_1487, %get3A_1488] {strides = array<i32>} : memref<50x512xf32, #tpu.memory_space<vmem>>, vector<16xf32>,
      %get3A_1490 = arith.constant 32 : i32
      %get3A_1491 = arith.index_cast %get3A_1490 : i32 to index
      %get3A_1492 = arith.index_cast %mul3A_1008 : i32 to index
      %get3A_1493 = tpu.vector_load %arg5[%get3A_1491, %get3A_1492] {strides = array<i32>} : memref<50x512xi32, #tpu.memory_space<vmem>>, vector<16xi32>,
      %ne3A_1494 = arith.constant 0 : i32
      %ne3A_1495 = vector.broadcast %ne3A_1494 : i32 to vector<16xi32>
      %ne3A_1496 = arith.cmpi ne, %get3A_1493, %ne3A_1495 : vector<16xi32>
      %jit3A_1497 = arith.constant 0.000000e+00 : f32
      %broadcast_in_dim3A_1498 = vector.broadcast %jit3A_1497 : f32 to vector<16xf32>
      %select_n3A_1499 = arith.select %ne3A_1496, %get3A_1489, %broadcast_in_dim3A_1498 : vector<16xi1>, vector<16xf32>
      %add3A_1500 = arith.addf %add3A_1485, %select_n3A_1499 : vector<16xf32>
      %get3A_1501 = arith.constant 33 : i32
      %get3A_1502 = arith.index_cast %get3A_1501 : i32 to index
      %get3A_1503 = arith.index_cast %mul3A_1008 : i32 to index
      %get3A_1504 = tpu.vector_load %arg6[%get3A_1502, %get3A_1503] {strides = array<i32>} : memref<50x512xf32, #tpu.memory_space<vmem>>, vector<16xf32>,
      %get3A_1505 = arith.constant 33 : i32
      %get3A_1506 = arith.index_cast %get3A_1505 : i32 to index
      %get3A_1507 = arith.index_cast %mul3A_1008 : i32 to index
      %get3A_1508 = tpu.vector_load %arg5[%get3A_1506, %get3A_1507] {strides = array<i32>} : memref<50x512xi32, #tpu.memory_space<vmem>>, vector<16xi32>,
      %ne3A_1509 = arith.constant 0 : i32
      %ne3A_1510 = vector.broadcast %ne3A_1509 : i32 to vector<16xi32>
      %ne3A_1511 = arith.cmpi ne, %get3A_1508, %ne3A_1510 : vector<16xi32>
      %jit3A_1512 = arith.constant 0.000000e+00 : f32
      %broadcast_in_dim3A_1513 = vector.broadcast %jit3A_1512 : f32 to vector<16xf32>
      %select_n3A_1514 = arith.select %ne3A_1511, %get3A_1504, %broadcast_in_dim3A_1513 : vector<16xi1>, vector<16xf32>
      %add3A_1515 = arith.addf %add3A_1500, %select_n3A_1514 : vector<16xf32>
      %get3A_1516 = arith.constant 34 : i32
      %get3A_1517 = arith.index_cast %get3A_1516 : i32 to index
      %get3A_1518 = arith.index_cast %mul3A_1008 : i32 to index
      %get3A_1519 = tpu.vector_load %arg6[%get3A_1517, %get3A_1518] {strides = array<i32>} : memref<50x512xf32, #tpu.memory_space<vmem>>, vector<16xf32>,
      %get3A_1520 = arith.constant 34 : i32
      %get3A_1521 = arith.index_cast %get3A_1520 : i32 to index
      %get3A_1522 = arith.index_cast %mul3A_1008 : i32 to index
      %get3A_1523 = tpu.vector_load %arg5[%get3A_1521, %get3A_1522] {strides = array<i32>} : memref<50x512xi32, #tpu.memory_space<vmem>>, vector<16xi32>,
      %ne3A_1524 = arith.constant 0 : i32
      %ne3A_1525 = vector.broadcast %ne3A_1524 : i32 to vector<16xi32>
      %ne3A_1526 = arith.cmpi ne, %get3A_1523, %ne3A_1525 : vector<16xi32>
      %jit3A_1527 = arith.constant 0.000000e+00 : f32
      %broadcast_in_dim3A_1528 = vector.broadcast %jit3A_1527 : f32 to vector<16xf32>
      %select_n3A_1529 = arith.select %ne3A_1526, %get3A_1519, %broadcast_in_dim3A_1528 : vector<16xi1>, vector<16xf32>
      %add3A_1530 = arith.addf %add3A_1515, %select_n3A_1529 : vector<16xf32>
      %get3A_1531 = arith.constant 35 : i32
      %get3A_1532 = arith.index_cast %get3A_1531 : i32 to index
      %get3A_1533 = arith.index_cast %mul3A_1008 : i32 to index
      %get3A_1534 = tpu.vector_load %arg6[%get3A_1532, %get3A_1533] {strides = array<i32>} : memref<50x512xf32, #tpu.memory_space<vmem>>, vector<16xf32>,
      %get3A_1535 = arith.constant 35 : i32
      %get3A_1536 = arith.index_cast %get3A_1535 : i32 to index
      %get3A_1537 = arith.index_cast %mul3A_1008 : i32 to index
      %get3A_1538 = tpu.vector_load %arg5[%get3A_1536, %get3A_1537] {strides = array<i32>} : memref<50x512xi32, #tpu.memory_space<vmem>>, vector<16xi32>,
      %ne3A_1539 = arith.constant 0 : i32
      %ne3A_1540 = vector.broadcast %ne3A_1539 : i32 to vector<16xi32>
      %ne3A_1541 = arith.cmpi ne, %get3A_1538, %ne3A_1540 : vector<16xi32>
      %jit3A_1542 = arith.constant 0.000000e+00 : f32
      %broadcast_in_dim3A_1543 = vector.broadcast %jit3A_1542 : f32 to vector<16xf32>
      %select_n3A_1544 = arith.select %ne3A_1541, %get3A_1534, %broadcast_in_dim3A_1543 : vector<16xi1>, vector<16xf32>
      %add3A_1545 = arith.addf %add3A_1530, %select_n3A_1544 : vector<16xf32>
      %get3A_1546 = arith.constant 36 : i32
      %get3A_1547 = arith.index_cast %get3A_1546 : i32 to index
      %get3A_1548 = arith.index_cast %mul3A_1008 : i32 to index
      %get3A_1549 = tpu.vector_load %arg6[%get3A_1547, %get3A_1548] {strides = array<i32>} : memref<50x512xf32, #tpu.memory_space<vmem>>, vector<16xf32>,
      %get3A_1550 = arith.constant 36 : i32
      %get3A_1551 = arith.index_cast %get3A_1550 : i32 to index
      %get3A_1552 = arith.index_cast %mul3A_1008 : i32 to index
      %get3A_1553 = tpu.vector_load %arg5[%get3A_1551, %get3A_1552] {strides = array<i32>} : memref<50x512xi32, #tpu.memory_space<vmem>>, vector<16xi32>,
      %ne3A_1554 = arith.constant 0 : i32
      %ne3A_1555 = vector.broadcast %ne3A_1554 : i32 to vector<16xi32>
      %ne3A_1556 = arith.cmpi ne, %get3A_1553, %ne3A_1555 : vector<16xi32>
      %jit3A_1557 = arith.constant 0.000000e+00 : f32
      %broadcast_in_dim3A_1558 = vector.broadcast %jit3A_1557 : f32 to vector<16xf32>
      %select_n3A_1559 = arith.select %ne3A_1556, %get3A_1549, %broadcast_in_dim3A_1558 : vector<16xi1>, vector<16xf32>
      %add3A_1560 = arith.addf %add3A_1545, %select_n3A_1559 : vector<16xf32>
      %get3A_1561 = arith.constant 37 : i32
      %get3A_1562 = arith.index_cast %get3A_1561 : i32 to index
      %get3A_1563 = arith.index_cast %mul3A_1008 : i32 to index
      %get3A_1564 = tpu.vector_load %arg6[%get3A_1562, %get3A_1563] {strides = array<i32>} : memref<50x512xf32, #tpu.memory_space<vmem>>, vector<16xf32>,
      %get3A_1565 = arith.constant 37 : i32
      %get3A_1566 = arith.index_cast %get3A_1565 : i32 to index
      %get3A_1567 = arith.index_cast %mul3A_1008 : i32 to index
      %get3A_1568 = tpu.vector_load %arg5[%get3A_1566, %get3A_1567] {strides = array<i32>} : memref<50x512xi32, #tpu.memory_space<vmem>>, vector<16xi32>,
      %ne3A_1569 = arith.constant 0 : i32
      %ne3A_1570 = vector.broadcast %ne3A_1569 : i32 to vector<16xi32>
      %ne3A_1571 = arith.cmpi ne, %get3A_1568, %ne3A_1570 : vector<16xi32>
      %jit3A_1572 = arith.constant 0.000000e+00 : f32
      %broadcast_in_dim3A_1573 = vector.broadcast %jit3A_1572 : f32 to vector<16xf32>
      %select_n3A_1574 = arith.select %ne3A_1571, %get3A_1564, %broadcast_in_dim3A_1573 : vector<16xi1>, vector<16xf32>
      %add3A_1575 = arith.addf %add3A_1560, %select_n3A_1574 : vector<16xf32>
      %get3A_1576 = arith.constant 38 : i32
      %get3A_1577 = arith.index_cast %get3A_1576 : i32 to index
      %get3A_1578 = arith.index_cast %mul3A_1008 : i32 to index
      %get3A_1579 = tpu.vector_load %arg6[%get3A_1577, %get3A_1578] {strides = array<i32>} : memref<50x512xf32, #tpu.memory_space<vmem>>, vector<16xf32>,
      %get3A_1580 = arith.constant 38 : i32
      %get3A_1581 = arith.index_cast %get3A_1580 : i32 to index
      %get3A_1582 = arith.index_cast %mul3A_1008 : i32 to index
      %get3A_1583 = tpu.vector_load %arg5[%get3A_1581, %get3A_1582] {strides = array<i32>} : memref<50x512xi32, #tpu.memory_space<vmem>>, vector<16xi32>,
      %ne3A_1584 = arith.constant 0 : i32
      %ne3A_1585 = vector.broadcast %ne3A_1584 : i32 to vector<16xi32>
      %ne3A_1586 = arith.cmpi ne, %get3A_1583, %ne3A_1585 : vector<16xi32>
      %jit3A_1587 = arith.constant 0.000000e+00 : f32
      %broadcast_in_dim3A_1588 = vector.broadcast %jit3A_1587 : f32 to vector<16xf32>
      %select_n3A_1589 = arith.select %ne3A_1586, %get3A_1579, %broadcast_in_dim3A_1588 : vector<16xi1>, vector<16xf32>
      %add3A_1590 = arith.addf %add3A_1575, %select_n3A_1589 : vector<16xf32>
      %get3A_1591 = arith.constant 39 : i32
      %get3A_1592 = arith.index_cast %get3A_1591 : i32 to index
      %get3A_1593 = arith.index_cast %mul3A_1008 : i32 to index
      %get3A_1594 = tpu.vector_load %arg6[%get3A_1592, %get3A_1593] {strides = array<i32>} : memref<50x512xf32, #tpu.memory_space<vmem>>, vector<16xf32>,
      %get3A_1595 = arith.constant 39 : i32
      %get3A_1596 = arith.index_cast %get3A_1595 : i32 to index
      %get3A_1597 = arith.index_cast %mul3A_1008 : i32 to index
      %get3A_1598 = tpu.vector_load %arg5[%get3A_1596, %get3A_1597] {strides = array<i32>} : memref<50x512xi32, #tpu.memory_space<vmem>>, vector<16xi32>,
      %ne3A_1599 = arith.constant 0 : i32
      %ne3A_1600 = vector.broadcast %ne3A_1599 : i32 to vector<16xi32>
      %ne3A_1601 = arith.cmpi ne, %get3A_1598, %ne3A_1600 : vector<16xi32>
      %jit3A_1602 = arith.constant 0.000000e+00 : f32
      %broadcast_in_dim3A_1603 = vector.broadcast %jit3A_1602 : f32 to vector<16xf32>
      %select_n3A_1604 = arith.select %ne3A_1601, %get3A_1594, %broadcast_in_dim3A_1603 : vector<16xi1>, vector<16xf32>
      %add3A_1605 = arith.addf %add3A_1590, %select_n3A_1604 : vector<16xf32>
      %get3A_1606 = arith.constant 40 : i32
      %get3A_1607 = arith.index_cast %get3A_1606 : i32 to index
      %get3A_1608 = arith.index_cast %mul3A_1008 : i32 to index
      %get3A_1609 = tpu.vector_load %arg6[%get3A_1607, %get3A_1608] {strides = array<i32>} : memref<50x512xf32, #tpu.memory_space<vmem>>, vector<16xf32>,
      %get3A_1610 = arith.constant 40 : i32
      %get3A_1611 = arith.index_cast %get3A_1610 : i32 to index
      %get3A_1612 = arith.index_cast %mul3A_1008 : i32 to index
      %get3A_1613 = tpu.vector_load %arg5[%get3A_1611, %get3A_1612] {strides = array<i32>} : memref<50x512xi32, #tpu.memory_space<vmem>>, vector<16xi32>,
      %ne3A_1614 = arith.constant 0 : i32
      %ne3A_1615 = vector.broadcast %ne3A_1614 : i32 to vector<16xi32>
      %ne3A_1616 = arith.cmpi ne, %get3A_1613, %ne3A_1615 : vector<16xi32>
      %jit3A_1617 = arith.constant 0.000000e+00 : f32
      %broadcast_in_dim3A_1618 = vector.broadcast %jit3A_1617 : f32 to vector<16xf32>
      %select_n3A_1619 = arith.select %ne3A_1616, %get3A_1609, %broadcast_in_dim3A_1618 : vector<16xi1>, vector<16xf32>
      %add3A_1620 = arith.addf %add3A_1605, %select_n3A_1619 : vector<16xf32>
      %get3A_1621 = arith.constant 41 : i32
      %get3A_1622 = arith.index_cast %get3A_1621 : i32 to index
      %get3A_1623 = arith.index_cast %mul3A_1008 : i32 to index
      %get3A_1624 = tpu.vector_load %arg6[%get3A_1622, %get3A_1623] {strides = array<i32>} : memref<50x512xf32, #tpu.memory_space<vmem>>, vector<16xf32>,
      %get3A_1625 = arith.constant 41 : i32
      %get3A_1626 = arith.index_cast %get3A_1625 : i32 to index
      %get3A_1627 = arith.index_cast %mul3A_1008 : i32 to index
      %get3A_1628 = tpu.vector_load %arg5[%get3A_1626, %get3A_1627] {strides = array<i32>} : memref<50x512xi32, #tpu.memory_space<vmem>>, vector<16xi32>,
      %ne3A_1629 = arith.constant 0 : i32
      %ne3A_1630 = vector.broadcast %ne3A_1629 : i32 to vector<16xi32>
      %ne3A_1631 = arith.cmpi ne, %get3A_1628, %ne3A_1630 : vector<16xi32>
      %jit3A_1632 = arith.constant 0.000000e+00 : f32
      %broadcast_in_dim3A_1633 = vector.broadcast %jit3A_1632 : f32 to vector<16xf32>
      %select_n3A_1634 = arith.select %ne3A_1631, %get3A_1624, %broadcast_in_dim3A_1633 : vector<16xi1>, vector<16xf32>
      %add3A_1635 = arith.addf %add3A_1620, %select_n3A_1634 : vector<16xf32>
      %get3A_1636 = arith.constant 42 : i32
      %get3A_1637 = arith.index_cast %get3A_1636 : i32 to index
      %get3A_1638 = arith.index_cast %mul3A_1008 : i32 to index
      %get3A_1639 = tpu.vector_load %arg6[%get3A_1637, %get3A_1638] {strides = array<i32>} : memref<50x512xf32, #tpu.memory_space<vmem>>, vector<16xf32>,
      %get3A_1640 = arith.constant 42 : i32
      %get3A_1641 = arith.index_cast %get3A_1640 : i32 to index
      %get3A_1642 = arith.index_cast %mul3A_1008 : i32 to index
      %get3A_1643 = tpu.vector_load %arg5[%get3A_1641, %get3A_1642] {strides = array<i32>} : memref<50x512xi32, #tpu.memory_space<vmem>>, vector<16xi32>,
      %ne3A_1644 = arith.constant 0 : i32
      %ne3A_1645 = vector.broadcast %ne3A_1644 : i32 to vector<16xi32>
      %ne3A_1646 = arith.cmpi ne, %get3A_1643, %ne3A_1645 : vector<16xi32>
      %jit3A_1647 = arith.constant 0.000000e+00 : f32
      %broadcast_in_dim3A_1648 = vector.broadcast %jit3A_1647 : f32 to vector<16xf32>
      %select_n3A_1649 = arith.select %ne3A_1646, %get3A_1639, %broadcast_in_dim3A_1648 : vector<16xi1>, vector<16xf32>
      %add3A_1650 = arith.addf %add3A_1635, %select_n3A_1649 : vector<16xf32>
      %get3A_1651 = arith.constant 43 : i32
      %get3A_1652 = arith.index_cast %get3A_1651 : i32 to index
      %get3A_1653 = arith.index_cast %mul3A_1008 : i32 to index
      %get3A_1654 = tpu.vector_load %arg6[%get3A_1652, %get3A_1653] {strides = array<i32>} : memref<50x512xf32, #tpu.memory_space<vmem>>, vector<16xf32>,
      %get3A_1655 = arith.constant 43 : i32
      %get3A_1656 = arith.index_cast %get3A_1655 : i32 to index
      %get3A_1657 = arith.index_cast %mul3A_1008 : i32 to index
      %get3A_1658 = tpu.vector_load %arg5[%get3A_1656, %get3A_1657] {strides = array<i32>} : memref<50x512xi32, #tpu.memory_space<vmem>>, vector<16xi32>,
      %ne3A_1659 = arith.constant 0 : i32
      %ne3A_1660 = vector.broadcast %ne3A_1659 : i32 to vector<16xi32>
      %ne3A_1661 = arith.cmpi ne, %get3A_1658, %ne3A_1660 : vector<16xi32>
      %jit3A_1662 = arith.constant 0.000000e+00 : f32
      %broadcast_in_dim3A_1663 = vector.broadcast %jit3A_1662 : f32 to vector<16xf32>
      %select_n3A_1664 = arith.select %ne3A_1661, %get3A_1654, %broadcast_in_dim3A_1663 : vector<16xi1>, vector<16xf32>
      %add3A_1665 = arith.addf %add3A_1650, %select_n3A_1664 : vector<16xf32>
      %get3A_1666 = arith.constant 44 : i32
      %get3A_1667 = arith.index_cast %get3A_1666 : i32 to index
      %get3A_1668 = arith.index_cast %mul3A_1008 : i32 to index
      %get3A_1669 = tpu.vector_load %arg6[%get3A_1667, %get3A_1668] {strides = array<i32>} : memref<50x512xf32, #tpu.memory_space<vmem>>, vector<16xf32>,
      %get3A_1670 = arith.constant 44 : i32
      %get3A_1671 = arith.index_cast %get3A_1670 : i32 to index
      %get3A_1672 = arith.index_cast %mul3A_1008 : i32 to index
      %get3A_1673 = tpu.vector_load %arg5[%get3A_1671, %get3A_1672] {strides = array<i32>} : memref<50x512xi32, #tpu.memory_space<vmem>>, vector<16xi32>,
      %ne3A_1674 = arith.constant 0 : i32
      %ne3A_1675 = vector.broadcast %ne3A_1674 : i32 to vector<16xi32>
      %ne3A_1676 = arith.cmpi ne, %get3A_1673, %ne3A_1675 : vector<16xi32>
      %jit3A_1677 = arith.constant 0.000000e+00 : f32
      %broadcast_in_dim3A_1678 = vector.broadcast %jit3A_1677 : f32 to vector<16xf32>
      %select_n3A_1679 = arith.select %ne3A_1676, %get3A_1669, %broadcast_in_dim3A_1678 : vector<16xi1>, vector<16xf32>
      %add3A_1680 = arith.addf %add3A_1665, %select_n3A_1679 : vector<16xf32>
      %get3A_1681 = arith.constant 45 : i32
      %get3A_1682 = arith.index_cast %get3A_1681 : i32 to index
      %get3A_1683 = arith.index_cast %mul3A_1008 : i32 to index
      %get3A_1684 = tpu.vector_load %arg6[%get3A_1682, %get3A_1683] {strides = array<i32>} : memref<50x512xf32, #tpu.memory_space<vmem>>, vector<16xf32>,
      %get3A_1685 = arith.constant 45 : i32
      %get3A_1686 = arith.index_cast %get3A_1685 : i32 to index
      %get3A_1687 = arith.index_cast %mul3A_1008 : i32 to index
      %get3A_1688 = tpu.vector_load %arg5[%get3A_1686, %get3A_1687] {strides = array<i32>} : memref<50x512xi32, #tpu.memory_space<vmem>>, vector<16xi32>,
      %ne3A_1689 = arith.constant 0 : i32
      %ne3A_1690 = vector.broadcast %ne3A_1689 : i32 to vector<16xi32>
      %ne3A_1691 = arith.cmpi ne, %get3A_1688, %ne3A_1690 : vector<16xi32>
      %jit3A_1692 = arith.constant 0.000000e+00 : f32
      %broadcast_in_dim3A_1693 = vector.broadcast %jit3A_1692 : f32 to vector<16xf32>
      %select_n3A_1694 = arith.select %ne3A_1691, %get3A_1684, %broadcast_in_dim3A_1693 : vector<16xi1>, vector<16xf32>
      %add3A_1695 = arith.addf %add3A_1680, %select_n3A_1694 : vector<16xf32>
      %get3A_1696 = arith.constant 46 : i32
      %get3A_1697 = arith.index_cast %get3A_1696 : i32 to index
      %get3A_1698 = arith.index_cast %mul3A_1008 : i32 to index
      %get3A_1699 = tpu.vector_load %arg6[%get3A_1697, %get3A_1698] {strides = array<i32>} : memref<50x512xf32, #tpu.memory_space<vmem>>, vector<16xf32>,
      %get3A_1700 = arith.constant 46 : i32
      %get3A_1701 = arith.index_cast %get3A_1700 : i32 to index
      %get3A_1702 = arith.index_cast %mul3A_1008 : i32 to index
      %get3A_1703 = tpu.vector_load %arg5[%get3A_1701, %get3A_1702] {strides = array<i32>} : memref<50x512xi32, #tpu.memory_space<vmem>>, vector<16xi32>,
      %ne3A_1704 = arith.constant 0 : i32
      %ne3A_1705 = vector.broadcast %ne3A_1704 : i32 to vector<16xi32>
      %ne3A_1706 = arith.cmpi ne, %get3A_1703, %ne3A_1705 : vector<16xi32>
      %jit3A_1707 = arith.constant 0.000000e+00 : f32
      %broadcast_in_dim3A_1708 = vector.broadcast %jit3A_1707 : f32 to vector<16xf32>
      %select_n3A_1709 = arith.select %ne3A_1706, %get3A_1699, %broadcast_in_dim3A_1708 : vector<16xi1>, vector<16xf32>
      %add3A_1710 = arith.addf %add3A_1695, %select_n3A_1709 : vector<16xf32>
      %get3A_1711 = arith.constant 47 : i32
      %get3A_1712 = arith.index_cast %get3A_1711 : i32 to index
      %get3A_1713 = arith.index_cast %mul3A_1008 : i32 to index
      %get3A_1714 = tpu.vector_load %arg6[%get3A_1712, %get3A_1713] {strides = array<i32>} : memref<50x512xf32, #tpu.memory_space<vmem>>, vector<16xf32>,
      %get3A_1715 = arith.constant 47 : i32
      %get3A_1716 = arith.index_cast %get3A_1715 : i32 to index
      %get3A_1717 = arith.index_cast %mul3A_1008 : i32 to index
      %get3A_1718 = tpu.vector_load %arg5[%get3A_1716, %get3A_1717] {strides = array<i32>} : memref<50x512xi32, #tpu.memory_space<vmem>>, vector<16xi32>,
      %ne3A_1719 = arith.constant 0 : i32
      %ne3A_1720 = vector.broadcast %ne3A_1719 : i32 to vector<16xi32>
      %ne3A_1721 = arith.cmpi ne, %get3A_1718, %ne3A_1720 : vector<16xi32>
      %jit3A_1722 = arith.constant 0.000000e+00 : f32
      %broadcast_in_dim3A_1723 = vector.broadcast %jit3A_1722 : f32 to vector<16xf32>
      %select_n3A_1724 = arith.select %ne3A_1721, %get3A_1714, %broadcast_in_dim3A_1723 : vector<16xi1>, vector<16xf32>
      %add3A_1725 = arith.addf %add3A_1710, %select_n3A_1724 : vector<16xf32>
      %get3A_1726 = arith.constant 48 : i32
      %get3A_1727 = arith.index_cast %get3A_1726 : i32 to index
      %get3A_1728 = arith.index_cast %mul3A_1008 : i32 to index
      %get3A_1729 = tpu.vector_load %arg6[%get3A_1727, %get3A_1728] {strides = array<i32>} : memref<50x512xf32, #tpu.memory_space<vmem>>, vector<16xf32>,
      %get3A_1730 = arith.constant 48 : i32
      %get3A_1731 = arith.index_cast %get3A_1730 : i32 to index
      %get3A_1732 = arith.index_cast %mul3A_1008 : i32 to index
      %get3A_1733 = tpu.vector_load %arg5[%get3A_1731, %get3A_1732] {strides = array<i32>} : memref<50x512xi32, #tpu.memory_space<vmem>>, vector<16xi32>,
      %ne3A_1734 = arith.constant 0 : i32
      %ne3A_1735 = vector.broadcast %ne3A_1734 : i32 to vector<16xi32>
      %ne3A_1736 = arith.cmpi ne, %get3A_1733, %ne3A_1735 : vector<16xi32>
      %jit3A_1737 = arith.constant 0.000000e+00 : f32
      %broadcast_in_dim3A_1738 = vector.broadcast %jit3A_1737 : f32 to vector<16xf32>
      %select_n3A_1739 = arith.select %ne3A_1736, %get3A_1729, %broadcast_in_dim3A_1738 : vector<16xi1>, vector<16xf32>
      %add3A_1740 = arith.addf %add3A_1725, %select_n3A_1739 : vector<16xf32>
      %get3A_1741 = arith.constant 49 : i32
      %get3A_1742 = arith.index_cast %get3A_1741 : i32 to index
      %get3A_1743 = arith.index_cast %mul3A_1008 : i32 to index
      %get3A_1744 = tpu.vector_load %arg6[%get3A_1742, %get3A_1743] {strides = array<i32>} : memref<50x512xf32, #tpu.memory_space<vmem>>, vector<16xf32>,
      %get3A_1745 = arith.constant 49 : i32
      %get3A_1746 = arith.index_cast %get3A_1745 : i32 to index
      %get3A_1747 = arith.index_cast %mul3A_1008 : i32 to index
      %get3A_1748 = tpu.vector_load %arg5[%get3A_1746, %get3A_1747] {strides = array<i32>} : memref<50x512xi32, #tpu.memory_space<vmem>>, vector<16xi32>,
      %ne3A_1749 = arith.constant 0 : i32
      %ne3A_1750 = vector.broadcast %ne3A_1749 : i32 to vector<16xi32>
      %ne3A_1751 = arith.cmpi ne, %get3A_1748, %ne3A_1750 : vector<16xi32>
      %jit3A_1752 = arith.constant 0.000000e+00 : f32
      %broadcast_in_dim3A_1753 = vector.broadcast %jit3A_1752 : f32 to vector<16xf32>
      %select_n3A_1754 = arith.select %ne3A_1751, %get3A_1744, %broadcast_in_dim3A_1753 : vector<16xi1>, vector<16xf32>
      %add3A_1755 = arith.addf %add3A_1740, %select_n3A_1754 : vector<16xf32>
      %swap3A = arith.index_cast %mul3A_1008 : i32 to index
      %swap3A_1756 = tpu.vector_load %arg7[%swap3A] {strides = array<i32>} : memref<512xf32, #tpu.memory_space<vmem>>, vector<16xf32>,
      tpu.vector_store %arg7[%swap3A], %add3A_1755 {strides = array<i32>} : memref<512xf32, #tpu.memory_space<vmem>>, vector<16xf32>,
    }
    %scan3A_1005 = arith.constant 32 : i32
    "tpu.region"() ({
      %run_scoped3A = tpu.sem_alloc : memref<!tpu.dma_semaphore, #tpu.memory_space<semaphore_mem>>
      %dma_start3A_1006 = tpu.memref_slice %arg4[%mul3A_2] : memref<16384xf32, #tpu.memory_space<hbm>> -> memref<512xf32, #tpu.memory_space<hbm>>
      %dma_start3A_1007 = tpu.memref_slice %arg4[%mul3A_2] : memref<16384xf32, #tpu.memory_space<hbm>> -> memref<512xf32, #tpu.memory_space<hbm>>
      tpu.enqueue_dma source(%arg7 : memref<512xf32, #tpu.memory_space<vmem>>) target(%dma_start3A_1007 : memref<512xf32, #tpu.memory_space<hbm>>) target_semaphore(%run_scoped3A : memref<!tpu.dma_semaphore, #tpu.memory_space<semaphore_mem>>)
      %dma_wait3A_1008 = tpu.memref_slice %arg4[%mul3A_2] : memref<16384xf32, #tpu.memory_space<hbm>> -> memref<512xf32, #tpu.memory_space<hbm>>
      %dma_wait3A_1009 = tpu.memref_slice %arg4[%mul3A_2] : memref<16384xf32, #tpu.memory_space<hbm>> -> memref<512xf32, #tpu.memory_space<hbm>>
      tpu.wait_dma2 semaphore(%run_scoped3A : memref<!tpu.dma_semaphore, #tpu.memory_space<semaphore_mem>>) src(%arg7 : memref<512xf32, #tpu.memory_space<vmem>>) dst(%dma_wait3A_1009 : memref<512xf32, #tpu.memory_space<hbm>>)
      tpu.yield
    }) : () -> ()
    return
  }
}

#map = affine_map<(d0, d1) -> (0, 0)>
#map1 = affine_map<(d0, d1) -> (0)>
module attributes {stable_mosaic.version = 14 : i64} {
  func.func @_sparse_kernel(%arg0: i32, %arg1: i32, %arg2: memref<76x16384xi32, #tpu.memory_space<hbm>>, %arg3: memref<16384xf32, #tpu.memory_space<hbm>>, %arg4: memref<1000000xf32, #tpu.memory_space<hbm>>, %arg5: memref<1000000xf32, #tpu.memory_space<hbm>>, %arg6: memref<1000000xf32, #tpu.memory_space<hbm>>, %arg7: memref<1000000xf32, #tpu.memory_space<hbm>>, %arg8: memref<1000000xf32, #tpu.memory_space<hbm>>, %arg9: memref<1000000xf32, #tpu.memory_space<hbm>>, %arg10: memref<1000000xf32, #tpu.memory_space<hbm>>, %arg11: memref<1000000xf32, #tpu.memory_space<hbm>>, %arg12: memref<1000000xf32, #tpu.memory_space<hbm>>, %arg13: memref<1000000xf32, #tpu.memory_space<hbm>>, %arg14: memref<1000000xf32, #tpu.memory_space<hbm>>, %arg15: memref<1000000xf32, #tpu.memory_space<hbm>>, %arg16: memref<1000000xf32, #tpu.memory_space<hbm>>, %arg17: memref<16384xf32, #tpu.memory_space<hbm>>, %arg18: memref<13x512xi32, #tpu.memory_space<vmem>>, %arg19: memref<13x512xf32, #tpu.memory_space<vmem>>, %arg20: memref<512xf32, #tpu.memory_space<vmem>>, %arg21: memref<!tpu.dma_semaphore, #tpu.memory_space<semaphore_mem>>) attributes {dimension_semantics = [#tpu.dimension_semantics<core_parallel>, #tpu.dimension_semantics<subcore_parallel>], iteration_bounds = array<i64: 2, 16>, scalar_prefetch = 0 : i64, scratch_operands = 4 : i64, tpu.core_type = #tpu.core_type<sc_vector_subcore>, window_params = [{transform_indices = #map}, {transform_indices = #map1}, {transform_indices = #map1}, {transform_indices = #map1}, {transform_indices = #map1}, {transform_indices = #map1}, {transform_indices = #map1}, {transform_indices = #map1}, {transform_indices = #map1}, {transform_indices = #map1}, {transform_indices = #map1}, {transform_indices = #map1}, {transform_indices = #map1}, {transform_indices = #map1}, {transform_indices = #map1}, {transform_indices = #map1}]} {
    %mul3A = arith.constant 2 : i32
    %mul3A_0 = arith.muli %arg1, %mul3A : i32
    %add3A = arith.addi %mul3A_0, %arg0 : i32
    %mul3A_1 = arith.constant 512 : i32
    %mul3A_2 = arith.muli %add3A, %mul3A_1 : i32
    "tpu.region"() ({
      %run_scoped3A = tpu.sem_alloc : memref<!tpu.dma_semaphore, #tpu.memory_space<semaphore_mem>>
      %dma_start3A_266 = arith.constant 0 : i32
      %dma_start3A_267 = tpu.memref_slice %arg2[%dma_start3A_266, %mul3A_2] : memref<76x16384xi32, #tpu.memory_space<hbm>> -> memref<13x512xi32, #tpu.memory_space<hbm>>
      %dma_start3A_268 = arith.constant 0 : i32
      %dma_start3A_269 = tpu.memref_slice %arg2[%dma_start3A_268, %mul3A_2] : memref<76x16384xi32, #tpu.memory_space<hbm>> -> memref<13x512xi32, #tpu.memory_space<hbm>>
      tpu.enqueue_dma source(%dma_start3A_269 : memref<13x512xi32, #tpu.memory_space<hbm>>) target(%arg18 : memref<13x512xi32, #tpu.memory_space<vmem>>) target_semaphore(%run_scoped3A : memref<!tpu.dma_semaphore, #tpu.memory_space<semaphore_mem>>)
      %dma_wait3A_270 = arith.constant 0 : i32
      %dma_wait3A_271 = tpu.memref_slice %arg2[%dma_wait3A_270, %mul3A_2] : memref<76x16384xi32, #tpu.memory_space<hbm>> -> memref<13x512xi32, #tpu.memory_space<hbm>>
      %dma_wait3A_272 = arith.constant 0 : i32
      %dma_wait3A_273 = tpu.memref_slice %arg2[%dma_wait3A_272, %mul3A_2] : memref<76x16384xi32, #tpu.memory_space<hbm>> -> memref<13x512xi32, #tpu.memory_space<hbm>>
      tpu.wait_dma2 semaphore(%run_scoped3A : memref<!tpu.dma_semaphore, #tpu.memory_space<semaphore_mem>>) src(%dma_wait3A_273 : memref<13x512xi32, #tpu.memory_space<hbm>>) dst(%arg18 : memref<13x512xi32, #tpu.memory_space<vmem>>)
      tpu.yield
    }) : () -> ()
    "tpu.region"() ({
      %run_scoped3A = tpu.sem_alloc : memref<!tpu.dma_semaphore, #tpu.memory_space<semaphore_mem>>
      %dma_start3A_266 = tpu.memref_slice %arg3[%mul3A_2] : memref<16384xf32, #tpu.memory_space<hbm>> -> memref<512xf32, #tpu.memory_space<hbm>>
      %dma_start3A_267 = tpu.memref_slice %arg3[%mul3A_2] : memref<16384xf32, #tpu.memory_space<hbm>> -> memref<512xf32, #tpu.memory_space<hbm>>
      tpu.enqueue_dma source(%dma_start3A_267 : memref<512xf32, #tpu.memory_space<hbm>>) target(%arg20 : memref<512xf32, #tpu.memory_space<vmem>>) target_semaphore(%run_scoped3A : memref<!tpu.dma_semaphore, #tpu.memory_space<semaphore_mem>>)
      %dma_wait3A_268 = tpu.memref_slice %arg3[%mul3A_2] : memref<16384xf32, #tpu.memory_space<hbm>> -> memref<512xf32, #tpu.memory_space<hbm>>
      %dma_wait3A_269 = tpu.memref_slice %arg3[%mul3A_2] : memref<16384xf32, #tpu.memory_space<hbm>> -> memref<512xf32, #tpu.memory_space<hbm>>
      tpu.wait_dma2 semaphore(%run_scoped3A : memref<!tpu.dma_semaphore, #tpu.memory_space<semaphore_mem>>) src(%dma_wait3A_269 : memref<512xf32, #tpu.memory_space<hbm>>) dst(%arg20 : memref<512xf32, #tpu.memory_space<vmem>>)
      tpu.yield
    }) : () -> ()
    %dma_start3A = arith.constant 0 : i32
    %dma_start3A_3 = arith.constant 0 : i32
    %dma_start3A_4 = arith.constant 0 : i32
    %dma_start3A_5 = tpu.memref_slice %arg19[%dma_start3A_3, %dma_start3A_4] : memref<13x512xf32, #tpu.memory_space<vmem>> -> memref<1x512xf32, #tpu.memory_space<vmem>>
    %dma_start3A_6 = tpu.memref_squeeze %dma_start3A_5 : memref<1x512xf32, #tpu.memory_space<vmem>> -> memref<512xf32, #tpu.memory_space<vmem>>
    %dma_start3A_7 = arith.constant 0 : i32
    %dma_start3A_8 = tpu.memref_slice %arg18[%dma_start3A, %dma_start3A_7] : memref<13x512xi32, #tpu.memory_space<vmem>> -> memref<1x512xi32, #tpu.memory_space<vmem>>
    %dma_start3A_9 = tpu.memref_squeeze %dma_start3A_8 : memref<1x512xi32, #tpu.memory_space<vmem>> -> memref<512xi32, #tpu.memory_space<vmem>>
    %dma_start3A_10 = arith.constant 0 : i32
    %dma_start3A_11 = tpu.memref_slice %arg4[%dma_start3A_10] : memref<1000000xf32, #tpu.memory_space<hbm>> -> memref<1000000xf32, #tpu.memory_space<hbm>>
    tpu.enqueue_indirect_dma source(%dma_start3A_11 : memref<1000000xf32, #tpu.memory_space<hbm>>) target(%dma_start3A_6 : memref<512xf32, #tpu.memory_space<vmem>>) offsets(%dma_start3A_9 : memref<512xi32, #tpu.memory_space<vmem>>) semaphore(%arg21 : memref<!tpu.dma_semaphore, #tpu.memory_space<semaphore_mem>>)
    %dma_start3A_12 = arith.constant 1 : i32
    %dma_start3A_13 = arith.constant 1 : i32
    %dma_start3A_14 = arith.constant 0 : i32
    %dma_start3A_15 = tpu.memref_slice %arg19[%dma_start3A_13, %dma_start3A_14] : memref<13x512xf32, #tpu.memory_space<vmem>> -> memref<1x512xf32, #tpu.memory_space<vmem>>
    %dma_start3A_16 = tpu.memref_squeeze %dma_start3A_15 : memref<1x512xf32, #tpu.memory_space<vmem>> -> memref<512xf32, #tpu.memory_space<vmem>>
    %dma_start3A_17 = arith.constant 0 : i32
    %dma_start3A_18 = tpu.memref_slice %arg18[%dma_start3A_12, %dma_start3A_17] : memref<13x512xi32, #tpu.memory_space<vmem>> -> memref<1x512xi32, #tpu.memory_space<vmem>>
    %dma_start3A_19 = tpu.memref_squeeze %dma_start3A_18 : memref<1x512xi32, #tpu.memory_space<vmem>> -> memref<512xi32, #tpu.memory_space<vmem>>
    %dma_start3A_20 = arith.constant 0 : i32
    %dma_start3A_21 = tpu.memref_slice %arg5[%dma_start3A_20] : memref<1000000xf32, #tpu.memory_space<hbm>> -> memref<1000000xf32, #tpu.memory_space<hbm>>
    tpu.enqueue_indirect_dma source(%dma_start3A_21 : memref<1000000xf32, #tpu.memory_space<hbm>>) target(%dma_start3A_16 : memref<512xf32, #tpu.memory_space<vmem>>) offsets(%dma_start3A_19 : memref<512xi32, #tpu.memory_space<vmem>>) semaphore(%arg21 : memref<!tpu.dma_semaphore, #tpu.memory_space<semaphore_mem>>)
    %dma_start3A_22 = arith.constant 2 : i32
    %dma_start3A_23 = arith.constant 2 : i32
    %dma_start3A_24 = arith.constant 0 : i32
    %dma_start3A_25 = tpu.memref_slice %arg19[%dma_start3A_23, %dma_start3A_24] : memref<13x512xf32, #tpu.memory_space<vmem>> -> memref<1x512xf32, #tpu.memory_space<vmem>>
    %dma_start3A_26 = tpu.memref_squeeze %dma_start3A_25 : memref<1x512xf32, #tpu.memory_space<vmem>> -> memref<512xf32, #tpu.memory_space<vmem>>
    %dma_start3A_27 = arith.constant 0 : i32
    %dma_start3A_28 = tpu.memref_slice %arg18[%dma_start3A_22, %dma_start3A_27] : memref<13x512xi32, #tpu.memory_space<vmem>> -> memref<1x512xi32, #tpu.memory_space<vmem>>
    %dma_start3A_29 = tpu.memref_squeeze %dma_start3A_28 : memref<1x512xi32, #tpu.memory_space<vmem>> -> memref<512xi32, #tpu.memory_space<vmem>>
    %dma_start3A_30 = arith.constant 0 : i32
    %dma_start3A_31 = tpu.memref_slice %arg6[%dma_start3A_30] : memref<1000000xf32, #tpu.memory_space<hbm>> -> memref<1000000xf32, #tpu.memory_space<hbm>>
    tpu.enqueue_indirect_dma source(%dma_start3A_31 : memref<1000000xf32, #tpu.memory_space<hbm>>) target(%dma_start3A_26 : memref<512xf32, #tpu.memory_space<vmem>>) offsets(%dma_start3A_29 : memref<512xi32, #tpu.memory_space<vmem>>) semaphore(%arg21 : memref<!tpu.dma_semaphore, #tpu.memory_space<semaphore_mem>>)
    %dma_start3A_32 = arith.constant 3 : i32
    %dma_start3A_33 = arith.constant 3 : i32
    %dma_start3A_34 = arith.constant 0 : i32
    %dma_start3A_35 = tpu.memref_slice %arg19[%dma_start3A_33, %dma_start3A_34] : memref<13x512xf32, #tpu.memory_space<vmem>> -> memref<1x512xf32, #tpu.memory_space<vmem>>
    %dma_start3A_36 = tpu.memref_squeeze %dma_start3A_35 : memref<1x512xf32, #tpu.memory_space<vmem>> -> memref<512xf32, #tpu.memory_space<vmem>>
    %dma_start3A_37 = arith.constant 0 : i32
    %dma_start3A_38 = tpu.memref_slice %arg18[%dma_start3A_32, %dma_start3A_37] : memref<13x512xi32, #tpu.memory_space<vmem>> -> memref<1x512xi32, #tpu.memory_space<vmem>>
    %dma_start3A_39 = tpu.memref_squeeze %dma_start3A_38 : memref<1x512xi32, #tpu.memory_space<vmem>> -> memref<512xi32, #tpu.memory_space<vmem>>
    %dma_start3A_40 = arith.constant 0 : i32
    %dma_start3A_41 = tpu.memref_slice %arg7[%dma_start3A_40] : memref<1000000xf32, #tpu.memory_space<hbm>> -> memref<1000000xf32, #tpu.memory_space<hbm>>
    tpu.enqueue_indirect_dma source(%dma_start3A_41 : memref<1000000xf32, #tpu.memory_space<hbm>>) target(%dma_start3A_36 : memref<512xf32, #tpu.memory_space<vmem>>) offsets(%dma_start3A_39 : memref<512xi32, #tpu.memory_space<vmem>>) semaphore(%arg21 : memref<!tpu.dma_semaphore, #tpu.memory_space<semaphore_mem>>)
    %dma_start3A_42 = arith.constant 4 : i32
    %dma_start3A_43 = arith.constant 4 : i32
    %dma_start3A_44 = arith.constant 0 : i32
    %dma_start3A_45 = tpu.memref_slice %arg19[%dma_start3A_43, %dma_start3A_44] : memref<13x512xf32, #tpu.memory_space<vmem>> -> memref<1x512xf32, #tpu.memory_space<vmem>>
    %dma_start3A_46 = tpu.memref_squeeze %dma_start3A_45 : memref<1x512xf32, #tpu.memory_space<vmem>> -> memref<512xf32, #tpu.memory_space<vmem>>
    %dma_start3A_47 = arith.constant 0 : i32
    %dma_start3A_48 = tpu.memref_slice %arg18[%dma_start3A_42, %dma_start3A_47] : memref<13x512xi32, #tpu.memory_space<vmem>> -> memref<1x512xi32, #tpu.memory_space<vmem>>
    %dma_start3A_49 = tpu.memref_squeeze %dma_start3A_48 : memref<1x512xi32, #tpu.memory_space<vmem>> -> memref<512xi32, #tpu.memory_space<vmem>>
    %dma_start3A_50 = arith.constant 0 : i32
    %dma_start3A_51 = tpu.memref_slice %arg8[%dma_start3A_50] : memref<1000000xf32, #tpu.memory_space<hbm>> -> memref<1000000xf32, #tpu.memory_space<hbm>>
    tpu.enqueue_indirect_dma source(%dma_start3A_51 : memref<1000000xf32, #tpu.memory_space<hbm>>) target(%dma_start3A_46 : memref<512xf32, #tpu.memory_space<vmem>>) offsets(%dma_start3A_49 : memref<512xi32, #tpu.memory_space<vmem>>) semaphore(%arg21 : memref<!tpu.dma_semaphore, #tpu.memory_space<semaphore_mem>>)
    %dma_start3A_52 = arith.constant 5 : i32
    %dma_start3A_53 = arith.constant 5 : i32
    %dma_start3A_54 = arith.constant 0 : i32
    %dma_start3A_55 = tpu.memref_slice %arg19[%dma_start3A_53, %dma_start3A_54] : memref<13x512xf32, #tpu.memory_space<vmem>> -> memref<1x512xf32, #tpu.memory_space<vmem>>
    %dma_start3A_56 = tpu.memref_squeeze %dma_start3A_55 : memref<1x512xf32, #tpu.memory_space<vmem>> -> memref<512xf32, #tpu.memory_space<vmem>>
    %dma_start3A_57 = arith.constant 0 : i32
    %dma_start3A_58 = tpu.memref_slice %arg18[%dma_start3A_52, %dma_start3A_57] : memref<13x512xi32, #tpu.memory_space<vmem>> -> memref<1x512xi32, #tpu.memory_space<vmem>>
    %dma_start3A_59 = tpu.memref_squeeze %dma_start3A_58 : memref<1x512xi32, #tpu.memory_space<vmem>> -> memref<512xi32, #tpu.memory_space<vmem>>
    %dma_start3A_60 = arith.constant 0 : i32
    %dma_start3A_61 = tpu.memref_slice %arg9[%dma_start3A_60] : memref<1000000xf32, #tpu.memory_space<hbm>> -> memref<1000000xf32, #tpu.memory_space<hbm>>
    tpu.enqueue_indirect_dma source(%dma_start3A_61 : memref<1000000xf32, #tpu.memory_space<hbm>>) target(%dma_start3A_56 : memref<512xf32, #tpu.memory_space<vmem>>) offsets(%dma_start3A_59 : memref<512xi32, #tpu.memory_space<vmem>>) semaphore(%arg21 : memref<!tpu.dma_semaphore, #tpu.memory_space<semaphore_mem>>)
    %dma_start3A_62 = arith.constant 6 : i32
    %dma_start3A_63 = arith.constant 6 : i32
    %dma_start3A_64 = arith.constant 0 : i32
    %dma_start3A_65 = tpu.memref_slice %arg19[%dma_start3A_63, %dma_start3A_64] : memref<13x512xf32, #tpu.memory_space<vmem>> -> memref<1x512xf32, #tpu.memory_space<vmem>>
    %dma_start3A_66 = tpu.memref_squeeze %dma_start3A_65 : memref<1x512xf32, #tpu.memory_space<vmem>> -> memref<512xf32, #tpu.memory_space<vmem>>
    %dma_start3A_67 = arith.constant 0 : i32
    %dma_start3A_68 = tpu.memref_slice %arg18[%dma_start3A_62, %dma_start3A_67] : memref<13x512xi32, #tpu.memory_space<vmem>> -> memref<1x512xi32, #tpu.memory_space<vmem>>
    %dma_start3A_69 = tpu.memref_squeeze %dma_start3A_68 : memref<1x512xi32, #tpu.memory_space<vmem>> -> memref<512xi32, #tpu.memory_space<vmem>>
    %dma_start3A_70 = arith.constant 0 : i32
    %dma_start3A_71 = tpu.memref_slice %arg10[%dma_start3A_70] : memref<1000000xf32, #tpu.memory_space<hbm>> -> memref<1000000xf32, #tpu.memory_space<hbm>>
    tpu.enqueue_indirect_dma source(%dma_start3A_71 : memref<1000000xf32, #tpu.memory_space<hbm>>) target(%dma_start3A_66 : memref<512xf32, #tpu.memory_space<vmem>>) offsets(%dma_start3A_69 : memref<512xi32, #tpu.memory_space<vmem>>) semaphore(%arg21 : memref<!tpu.dma_semaphore, #tpu.memory_space<semaphore_mem>>)
    %dma_start3A_72 = arith.constant 7 : i32
    %dma_start3A_73 = arith.constant 7 : i32
    %dma_start3A_74 = arith.constant 0 : i32
    %dma_start3A_75 = tpu.memref_slice %arg19[%dma_start3A_73, %dma_start3A_74] : memref<13x512xf32, #tpu.memory_space<vmem>> -> memref<1x512xf32, #tpu.memory_space<vmem>>
    %dma_start3A_76 = tpu.memref_squeeze %dma_start3A_75 : memref<1x512xf32, #tpu.memory_space<vmem>> -> memref<512xf32, #tpu.memory_space<vmem>>
    %dma_start3A_77 = arith.constant 0 : i32
    %dma_start3A_78 = tpu.memref_slice %arg18[%dma_start3A_72, %dma_start3A_77] : memref<13x512xi32, #tpu.memory_space<vmem>> -> memref<1x512xi32, #tpu.memory_space<vmem>>
    %dma_start3A_79 = tpu.memref_squeeze %dma_start3A_78 : memref<1x512xi32, #tpu.memory_space<vmem>> -> memref<512xi32, #tpu.memory_space<vmem>>
    %dma_start3A_80 = arith.constant 0 : i32
    %dma_start3A_81 = tpu.memref_slice %arg11[%dma_start3A_80] : memref<1000000xf32, #tpu.memory_space<hbm>> -> memref<1000000xf32, #tpu.memory_space<hbm>>
    tpu.enqueue_indirect_dma source(%dma_start3A_81 : memref<1000000xf32, #tpu.memory_space<hbm>>) target(%dma_start3A_76 : memref<512xf32, #tpu.memory_space<vmem>>) offsets(%dma_start3A_79 : memref<512xi32, #tpu.memory_space<vmem>>) semaphore(%arg21 : memref<!tpu.dma_semaphore, #tpu.memory_space<semaphore_mem>>)
    %dma_start3A_82 = arith.constant 8 : i32
    %dma_start3A_83 = arith.constant 8 : i32
    %dma_start3A_84 = arith.constant 0 : i32
    %dma_start3A_85 = tpu.memref_slice %arg19[%dma_start3A_83, %dma_start3A_84] : memref<13x512xf32, #tpu.memory_space<vmem>> -> memref<1x512xf32, #tpu.memory_space<vmem>>
    %dma_start3A_86 = tpu.memref_squeeze %dma_start3A_85 : memref<1x512xf32, #tpu.memory_space<vmem>> -> memref<512xf32, #tpu.memory_space<vmem>>
    %dma_start3A_87 = arith.constant 0 : i32
    %dma_start3A_88 = tpu.memref_slice %arg18[%dma_start3A_82, %dma_start3A_87] : memref<13x512xi32, #tpu.memory_space<vmem>> -> memref<1x512xi32, #tpu.memory_space<vmem>>
    %dma_start3A_89 = tpu.memref_squeeze %dma_start3A_88 : memref<1x512xi32, #tpu.memory_space<vmem>> -> memref<512xi32, #tpu.memory_space<vmem>>
    %dma_start3A_90 = arith.constant 0 : i32
    %dma_start3A_91 = tpu.memref_slice %arg12[%dma_start3A_90] : memref<1000000xf32, #tpu.memory_space<hbm>> -> memref<1000000xf32, #tpu.memory_space<hbm>>
    tpu.enqueue_indirect_dma source(%dma_start3A_91 : memref<1000000xf32, #tpu.memory_space<hbm>>) target(%dma_start3A_86 : memref<512xf32, #tpu.memory_space<vmem>>) offsets(%dma_start3A_89 : memref<512xi32, #tpu.memory_space<vmem>>) semaphore(%arg21 : memref<!tpu.dma_semaphore, #tpu.memory_space<semaphore_mem>>)
    %dma_start3A_92 = arith.constant 9 : i32
    %dma_start3A_93 = arith.constant 9 : i32
    %dma_start3A_94 = arith.constant 0 : i32
    %dma_start3A_95 = tpu.memref_slice %arg19[%dma_start3A_93, %dma_start3A_94] : memref<13x512xf32, #tpu.memory_space<vmem>> -> memref<1x512xf32, #tpu.memory_space<vmem>>
    %dma_start3A_96 = tpu.memref_squeeze %dma_start3A_95 : memref<1x512xf32, #tpu.memory_space<vmem>> -> memref<512xf32, #tpu.memory_space<vmem>>
    %dma_start3A_97 = arith.constant 0 : i32
    %dma_start3A_98 = tpu.memref_slice %arg18[%dma_start3A_92, %dma_start3A_97] : memref<13x512xi32, #tpu.memory_space<vmem>> -> memref<1x512xi32, #tpu.memory_space<vmem>>
    %dma_start3A_99 = tpu.memref_squeeze %dma_start3A_98 : memref<1x512xi32, #tpu.memory_space<vmem>> -> memref<512xi32, #tpu.memory_space<vmem>>
    %dma_start3A_100 = arith.constant 0 : i32
    %dma_start3A_101 = tpu.memref_slice %arg13[%dma_start3A_100] : memref<1000000xf32, #tpu.memory_space<hbm>> -> memref<1000000xf32, #tpu.memory_space<hbm>>
    tpu.enqueue_indirect_dma source(%dma_start3A_101 : memref<1000000xf32, #tpu.memory_space<hbm>>) target(%dma_start3A_96 : memref<512xf32, #tpu.memory_space<vmem>>) offsets(%dma_start3A_99 : memref<512xi32, #tpu.memory_space<vmem>>) semaphore(%arg21 : memref<!tpu.dma_semaphore, #tpu.memory_space<semaphore_mem>>)
    %dma_start3A_102 = arith.constant 10 : i32
    %dma_start3A_103 = arith.constant 10 : i32
    %dma_start3A_104 = arith.constant 0 : i32
    %dma_start3A_105 = tpu.memref_slice %arg19[%dma_start3A_103, %dma_start3A_104] : memref<13x512xf32, #tpu.memory_space<vmem>> -> memref<1x512xf32, #tpu.memory_space<vmem>>
    %dma_start3A_106 = tpu.memref_squeeze %dma_start3A_105 : memref<1x512xf32, #tpu.memory_space<vmem>> -> memref<512xf32, #tpu.memory_space<vmem>>
    %dma_start3A_107 = arith.constant 0 : i32
    %dma_start3A_108 = tpu.memref_slice %arg18[%dma_start3A_102, %dma_start3A_107] : memref<13x512xi32, #tpu.memory_space<vmem>> -> memref<1x512xi32, #tpu.memory_space<vmem>>
    %dma_start3A_109 = tpu.memref_squeeze %dma_start3A_108 : memref<1x512xi32, #tpu.memory_space<vmem>> -> memref<512xi32, #tpu.memory_space<vmem>>
    %dma_start3A_110 = arith.constant 0 : i32
    %dma_start3A_111 = tpu.memref_slice %arg14[%dma_start3A_110] : memref<1000000xf32, #tpu.memory_space<hbm>> -> memref<1000000xf32, #tpu.memory_space<hbm>>
    tpu.enqueue_indirect_dma source(%dma_start3A_111 : memref<1000000xf32, #tpu.memory_space<hbm>>) target(%dma_start3A_106 : memref<512xf32, #tpu.memory_space<vmem>>) offsets(%dma_start3A_109 : memref<512xi32, #tpu.memory_space<vmem>>) semaphore(%arg21 : memref<!tpu.dma_semaphore, #tpu.memory_space<semaphore_mem>>)
    %dma_start3A_112 = arith.constant 11 : i32
    %dma_start3A_113 = arith.constant 11 : i32
    %dma_start3A_114 = arith.constant 0 : i32
    %dma_start3A_115 = tpu.memref_slice %arg19[%dma_start3A_113, %dma_start3A_114] : memref<13x512xf32, #tpu.memory_space<vmem>> -> memref<1x512xf32, #tpu.memory_space<vmem>>
    %dma_start3A_116 = tpu.memref_squeeze %dma_start3A_115 : memref<1x512xf32, #tpu.memory_space<vmem>> -> memref<512xf32, #tpu.memory_space<vmem>>
    %dma_start3A_117 = arith.constant 0 : i32
    %dma_start3A_118 = tpu.memref_slice %arg18[%dma_start3A_112, %dma_start3A_117] : memref<13x512xi32, #tpu.memory_space<vmem>> -> memref<1x512xi32, #tpu.memory_space<vmem>>
    %dma_start3A_119 = tpu.memref_squeeze %dma_start3A_118 : memref<1x512xi32, #tpu.memory_space<vmem>> -> memref<512xi32, #tpu.memory_space<vmem>>
    %dma_start3A_120 = arith.constant 0 : i32
    %dma_start3A_121 = tpu.memref_slice %arg15[%dma_start3A_120] : memref<1000000xf32, #tpu.memory_space<hbm>> -> memref<1000000xf32, #tpu.memory_space<hbm>>
    tpu.enqueue_indirect_dma source(%dma_start3A_121 : memref<1000000xf32, #tpu.memory_space<hbm>>) target(%dma_start3A_116 : memref<512xf32, #tpu.memory_space<vmem>>) offsets(%dma_start3A_119 : memref<512xi32, #tpu.memory_space<vmem>>) semaphore(%arg21 : memref<!tpu.dma_semaphore, #tpu.memory_space<semaphore_mem>>)
    %dma_start3A_122 = arith.constant 12 : i32
    %dma_start3A_123 = arith.constant 12 : i32
    %dma_start3A_124 = arith.constant 0 : i32
    %dma_start3A_125 = tpu.memref_slice %arg19[%dma_start3A_123, %dma_start3A_124] : memref<13x512xf32, #tpu.memory_space<vmem>> -> memref<1x512xf32, #tpu.memory_space<vmem>>
    %dma_start3A_126 = tpu.memref_squeeze %dma_start3A_125 : memref<1x512xf32, #tpu.memory_space<vmem>> -> memref<512xf32, #tpu.memory_space<vmem>>
    %dma_start3A_127 = arith.constant 0 : i32
    %dma_start3A_128 = tpu.memref_slice %arg18[%dma_start3A_122, %dma_start3A_127] : memref<13x512xi32, #tpu.memory_space<vmem>> -> memref<1x512xi32, #tpu.memory_space<vmem>>
    %dma_start3A_129 = tpu.memref_squeeze %dma_start3A_128 : memref<1x512xi32, #tpu.memory_space<vmem>> -> memref<512xi32, #tpu.memory_space<vmem>>
    %dma_start3A_130 = arith.constant 0 : i32
    %dma_start3A_131 = tpu.memref_slice %arg16[%dma_start3A_130] : memref<1000000xf32, #tpu.memory_space<hbm>> -> memref<1000000xf32, #tpu.memory_space<hbm>>
    tpu.enqueue_indirect_dma source(%dma_start3A_131 : memref<1000000xf32, #tpu.memory_space<hbm>>) target(%dma_start3A_126 : memref<512xf32, #tpu.memory_space<vmem>>) offsets(%dma_start3A_129 : memref<512xi32, #tpu.memory_space<vmem>>) semaphore(%arg21 : memref<!tpu.dma_semaphore, #tpu.memory_space<semaphore_mem>>)
    %dma_wait3A = arith.constant 0 : i32
    %dma_wait3A_132 = arith.constant 0 : i32
    %dma_wait3A_133 = arith.constant 0 : i32
    %dma_wait3A_134 = tpu.memref_slice %arg19[%dma_wait3A_132, %dma_wait3A_133] : memref<13x512xf32, #tpu.memory_space<vmem>> -> memref<1x512xf32, #tpu.memory_space<vmem>>
    %dma_wait3A_135 = tpu.memref_squeeze %dma_wait3A_134 : memref<1x512xf32, #tpu.memory_space<vmem>> -> memref<512xf32, #tpu.memory_space<vmem>>
    %dma_wait3A_136 = arith.constant 0 : i32
    %dma_wait3A_137 = tpu.memref_slice %arg18[%dma_wait3A, %dma_wait3A_136] : memref<13x512xi32, #tpu.memory_space<vmem>> -> memref<1x512xi32, #tpu.memory_space<vmem>>
    %dma_wait3A_138 = tpu.memref_squeeze %dma_wait3A_137 : memref<1x512xi32, #tpu.memory_space<vmem>> -> memref<512xi32, #tpu.memory_space<vmem>>
    %dma_wait3A_139 = arith.constant 0 : i32
    %dma_wait3A_140 = tpu.memref_slice %arg4[%dma_wait3A_139] : memref<1000000xf32, #tpu.memory_space<hbm>> -> memref<1000000xf32, #tpu.memory_space<hbm>>
    tpu.wait_indirect_dma semaphore(%arg21 : memref<!tpu.dma_semaphore, #tpu.memory_space<semaphore_mem>>) src(%dma_wait3A_140 : memref<1000000xf32, #tpu.memory_space<hbm>>) dst(%dma_wait3A_135 : memref<512xf32, #tpu.memory_space<vmem>>)
    %dma_wait3A_141 = arith.constant 1 : i32
    %dma_wait3A_142 = arith.constant 1 : i32
    %dma_wait3A_143 = arith.constant 0 : i32
    %dma_wait3A_144 = tpu.memref_slice %arg19[%dma_wait3A_142, %dma_wait3A_143] : memref<13x512xf32, #tpu.memory_space<vmem>> -> memref<1x512xf32, #tpu.memory_space<vmem>>
    %dma_wait3A_145 = tpu.memref_squeeze %dma_wait3A_144 : memref<1x512xf32, #tpu.memory_space<vmem>> -> memref<512xf32, #tpu.memory_space<vmem>>
    %dma_wait3A_146 = arith.constant 0 : i32
    %dma_wait3A_147 = tpu.memref_slice %arg18[%dma_wait3A_141, %dma_wait3A_146] : memref<13x512xi32, #tpu.memory_space<vmem>> -> memref<1x512xi32, #tpu.memory_space<vmem>>
    %dma_wait3A_148 = tpu.memref_squeeze %dma_wait3A_147 : memref<1x512xi32, #tpu.memory_space<vmem>> -> memref<512xi32, #tpu.memory_space<vmem>>
    %dma_wait3A_149 = arith.constant 0 : i32
    %dma_wait3A_150 = tpu.memref_slice %arg5[%dma_wait3A_149] : memref<1000000xf32, #tpu.memory_space<hbm>> -> memref<1000000xf32, #tpu.memory_space<hbm>>
    tpu.wait_indirect_dma semaphore(%arg21 : memref<!tpu.dma_semaphore, #tpu.memory_space<semaphore_mem>>) src(%dma_wait3A_150 : memref<1000000xf32, #tpu.memory_space<hbm>>) dst(%dma_wait3A_145 : memref<512xf32, #tpu.memory_space<vmem>>)
    %dma_wait3A_151 = arith.constant 2 : i32
    %dma_wait3A_152 = arith.constant 2 : i32
    %dma_wait3A_153 = arith.constant 0 : i32
    %dma_wait3A_154 = tpu.memref_slice %arg19[%dma_wait3A_152, %dma_wait3A_153] : memref<13x512xf32, #tpu.memory_space<vmem>> -> memref<1x512xf32, #tpu.memory_space<vmem>>
    %dma_wait3A_155 = tpu.memref_squeeze %dma_wait3A_154 : memref<1x512xf32, #tpu.memory_space<vmem>> -> memref<512xf32, #tpu.memory_space<vmem>>
    %dma_wait3A_156 = arith.constant 0 : i32
    %dma_wait3A_157 = tpu.memref_slice %arg18[%dma_wait3A_151, %dma_wait3A_156] : memref<13x512xi32, #tpu.memory_space<vmem>> -> memref<1x512xi32, #tpu.memory_space<vmem>>
    %dma_wait3A_158 = tpu.memref_squeeze %dma_wait3A_157 : memref<1x512xi32, #tpu.memory_space<vmem>> -> memref<512xi32, #tpu.memory_space<vmem>>
    %dma_wait3A_159 = arith.constant 0 : i32
    %dma_wait3A_160 = tpu.memref_slice %arg6[%dma_wait3A_159] : memref<1000000xf32, #tpu.memory_space<hbm>> -> memref<1000000xf32, #tpu.memory_space<hbm>>
    tpu.wait_indirect_dma semaphore(%arg21 : memref<!tpu.dma_semaphore, #tpu.memory_space<semaphore_mem>>) src(%dma_wait3A_160 : memref<1000000xf32, #tpu.memory_space<hbm>>) dst(%dma_wait3A_155 : memref<512xf32, #tpu.memory_space<vmem>>)
    %dma_wait3A_161 = arith.constant 3 : i32
    %dma_wait3A_162 = arith.constant 3 : i32
    %dma_wait3A_163 = arith.constant 0 : i32
    %dma_wait3A_164 = tpu.memref_slice %arg19[%dma_wait3A_162, %dma_wait3A_163] : memref<13x512xf32, #tpu.memory_space<vmem>> -> memref<1x512xf32, #tpu.memory_space<vmem>>
    %dma_wait3A_165 = tpu.memref_squeeze %dma_wait3A_164 : memref<1x512xf32, #tpu.memory_space<vmem>> -> memref<512xf32, #tpu.memory_space<vmem>>
    %dma_wait3A_166 = arith.constant 0 : i32
    %dma_wait3A_167 = tpu.memref_slice %arg18[%dma_wait3A_161, %dma_wait3A_166] : memref<13x512xi32, #tpu.memory_space<vmem>> -> memref<1x512xi32, #tpu.memory_space<vmem>>
    %dma_wait3A_168 = tpu.memref_squeeze %dma_wait3A_167 : memref<1x512xi32, #tpu.memory_space<vmem>> -> memref<512xi32, #tpu.memory_space<vmem>>
    %dma_wait3A_169 = arith.constant 0 : i32
    %dma_wait3A_170 = tpu.memref_slice %arg7[%dma_wait3A_169] : memref<1000000xf32, #tpu.memory_space<hbm>> -> memref<1000000xf32, #tpu.memory_space<hbm>>
    tpu.wait_indirect_dma semaphore(%arg21 : memref<!tpu.dma_semaphore, #tpu.memory_space<semaphore_mem>>) src(%dma_wait3A_170 : memref<1000000xf32, #tpu.memory_space<hbm>>) dst(%dma_wait3A_165 : memref<512xf32, #tpu.memory_space<vmem>>)
    %dma_wait3A_171 = arith.constant 4 : i32
    %dma_wait3A_172 = arith.constant 4 : i32
    %dma_wait3A_173 = arith.constant 0 : i32
    %dma_wait3A_174 = tpu.memref_slice %arg19[%dma_wait3A_172, %dma_wait3A_173] : memref<13x512xf32, #tpu.memory_space<vmem>> -> memref<1x512xf32, #tpu.memory_space<vmem>>
    %dma_wait3A_175 = tpu.memref_squeeze %dma_wait3A_174 : memref<1x512xf32, #tpu.memory_space<vmem>> -> memref<512xf32, #tpu.memory_space<vmem>>
    %dma_wait3A_176 = arith.constant 0 : i32
    %dma_wait3A_177 = tpu.memref_slice %arg18[%dma_wait3A_171, %dma_wait3A_176] : memref<13x512xi32, #tpu.memory_space<vmem>> -> memref<1x512xi32, #tpu.memory_space<vmem>>
    %dma_wait3A_178 = tpu.memref_squeeze %dma_wait3A_177 : memref<1x512xi32, #tpu.memory_space<vmem>> -> memref<512xi32, #tpu.memory_space<vmem>>
    %dma_wait3A_179 = arith.constant 0 : i32
    %dma_wait3A_180 = tpu.memref_slice %arg8[%dma_wait3A_179] : memref<1000000xf32, #tpu.memory_space<hbm>> -> memref<1000000xf32, #tpu.memory_space<hbm>>
    tpu.wait_indirect_dma semaphore(%arg21 : memref<!tpu.dma_semaphore, #tpu.memory_space<semaphore_mem>>) src(%dma_wait3A_180 : memref<1000000xf32, #tpu.memory_space<hbm>>) dst(%dma_wait3A_175 : memref<512xf32, #tpu.memory_space<vmem>>)
    %dma_wait3A_181 = arith.constant 5 : i32
    %dma_wait3A_182 = arith.constant 5 : i32
    %dma_wait3A_183 = arith.constant 0 : i32
    %dma_wait3A_184 = tpu.memref_slice %arg19[%dma_wait3A_182, %dma_wait3A_183] : memref<13x512xf32, #tpu.memory_space<vmem>> -> memref<1x512xf32, #tpu.memory_space<vmem>>
    %dma_wait3A_185 = tpu.memref_squeeze %dma_wait3A_184 : memref<1x512xf32, #tpu.memory_space<vmem>> -> memref<512xf32, #tpu.memory_space<vmem>>
    %dma_wait3A_186 = arith.constant 0 : i32
    %dma_wait3A_187 = tpu.memref_slice %arg18[%dma_wait3A_181, %dma_wait3A_186] : memref<13x512xi32, #tpu.memory_space<vmem>> -> memref<1x512xi32, #tpu.memory_space<vmem>>
    %dma_wait3A_188 = tpu.memref_squeeze %dma_wait3A_187 : memref<1x512xi32, #tpu.memory_space<vmem>> -> memref<512xi32, #tpu.memory_space<vmem>>
    %dma_wait3A_189 = arith.constant 0 : i32
    %dma_wait3A_190 = tpu.memref_slice %arg9[%dma_wait3A_189] : memref<1000000xf32, #tpu.memory_space<hbm>> -> memref<1000000xf32, #tpu.memory_space<hbm>>
    tpu.wait_indirect_dma semaphore(%arg21 : memref<!tpu.dma_semaphore, #tpu.memory_space<semaphore_mem>>) src(%dma_wait3A_190 : memref<1000000xf32, #tpu.memory_space<hbm>>) dst(%dma_wait3A_185 : memref<512xf32, #tpu.memory_space<vmem>>)
    %dma_wait3A_191 = arith.constant 6 : i32
    %dma_wait3A_192 = arith.constant 6 : i32
    %dma_wait3A_193 = arith.constant 0 : i32
    %dma_wait3A_194 = tpu.memref_slice %arg19[%dma_wait3A_192, %dma_wait3A_193] : memref<13x512xf32, #tpu.memory_space<vmem>> -> memref<1x512xf32, #tpu.memory_space<vmem>>
    %dma_wait3A_195 = tpu.memref_squeeze %dma_wait3A_194 : memref<1x512xf32, #tpu.memory_space<vmem>> -> memref<512xf32, #tpu.memory_space<vmem>>
    %dma_wait3A_196 = arith.constant 0 : i32
    %dma_wait3A_197 = tpu.memref_slice %arg18[%dma_wait3A_191, %dma_wait3A_196] : memref<13x512xi32, #tpu.memory_space<vmem>> -> memref<1x512xi32, #tpu.memory_space<vmem>>
    %dma_wait3A_198 = tpu.memref_squeeze %dma_wait3A_197 : memref<1x512xi32, #tpu.memory_space<vmem>> -> memref<512xi32, #tpu.memory_space<vmem>>
    %dma_wait3A_199 = arith.constant 0 : i32
    %dma_wait3A_200 = tpu.memref_slice %arg10[%dma_wait3A_199] : memref<1000000xf32, #tpu.memory_space<hbm>> -> memref<1000000xf32, #tpu.memory_space<hbm>>
    tpu.wait_indirect_dma semaphore(%arg21 : memref<!tpu.dma_semaphore, #tpu.memory_space<semaphore_mem>>) src(%dma_wait3A_200 : memref<1000000xf32, #tpu.memory_space<hbm>>) dst(%dma_wait3A_195 : memref<512xf32, #tpu.memory_space<vmem>>)
    %dma_wait3A_201 = arith.constant 7 : i32
    %dma_wait3A_202 = arith.constant 7 : i32
    %dma_wait3A_203 = arith.constant 0 : i32
    %dma_wait3A_204 = tpu.memref_slice %arg19[%dma_wait3A_202, %dma_wait3A_203] : memref<13x512xf32, #tpu.memory_space<vmem>> -> memref<1x512xf32, #tpu.memory_space<vmem>>
    %dma_wait3A_205 = tpu.memref_squeeze %dma_wait3A_204 : memref<1x512xf32, #tpu.memory_space<vmem>> -> memref<512xf32, #tpu.memory_space<vmem>>
    %dma_wait3A_206 = arith.constant 0 : i32
    %dma_wait3A_207 = tpu.memref_slice %arg18[%dma_wait3A_201, %dma_wait3A_206] : memref<13x512xi32, #tpu.memory_space<vmem>> -> memref<1x512xi32, #tpu.memory_space<vmem>>
    %dma_wait3A_208 = tpu.memref_squeeze %dma_wait3A_207 : memref<1x512xi32, #tpu.memory_space<vmem>> -> memref<512xi32, #tpu.memory_space<vmem>>
    %dma_wait3A_209 = arith.constant 0 : i32
    %dma_wait3A_210 = tpu.memref_slice %arg11[%dma_wait3A_209] : memref<1000000xf32, #tpu.memory_space<hbm>> -> memref<1000000xf32, #tpu.memory_space<hbm>>
    tpu.wait_indirect_dma semaphore(%arg21 : memref<!tpu.dma_semaphore, #tpu.memory_space<semaphore_mem>>) src(%dma_wait3A_210 : memref<1000000xf32, #tpu.memory_space<hbm>>) dst(%dma_wait3A_205 : memref<512xf32, #tpu.memory_space<vmem>>)
    %dma_wait3A_211 = arith.constant 8 : i32
    %dma_wait3A_212 = arith.constant 8 : i32
    %dma_wait3A_213 = arith.constant 0 : i32
    %dma_wait3A_214 = tpu.memref_slice %arg19[%dma_wait3A_212, %dma_wait3A_213] : memref<13x512xf32, #tpu.memory_space<vmem>> -> memref<1x512xf32, #tpu.memory_space<vmem>>
    %dma_wait3A_215 = tpu.memref_squeeze %dma_wait3A_214 : memref<1x512xf32, #tpu.memory_space<vmem>> -> memref<512xf32, #tpu.memory_space<vmem>>
    %dma_wait3A_216 = arith.constant 0 : i32
    %dma_wait3A_217 = tpu.memref_slice %arg18[%dma_wait3A_211, %dma_wait3A_216] : memref<13x512xi32, #tpu.memory_space<vmem>> -> memref<1x512xi32, #tpu.memory_space<vmem>>
    %dma_wait3A_218 = tpu.memref_squeeze %dma_wait3A_217 : memref<1x512xi32, #tpu.memory_space<vmem>> -> memref<512xi32, #tpu.memory_space<vmem>>
    %dma_wait3A_219 = arith.constant 0 : i32
    %dma_wait3A_220 = tpu.memref_slice %arg12[%dma_wait3A_219] : memref<1000000xf32, #tpu.memory_space<hbm>> -> memref<1000000xf32, #tpu.memory_space<hbm>>
    tpu.wait_indirect_dma semaphore(%arg21 : memref<!tpu.dma_semaphore, #tpu.memory_space<semaphore_mem>>) src(%dma_wait3A_220 : memref<1000000xf32, #tpu.memory_space<hbm>>) dst(%dma_wait3A_215 : memref<512xf32, #tpu.memory_space<vmem>>)
    %dma_wait3A_221 = arith.constant 9 : i32
    %dma_wait3A_222 = arith.constant 9 : i32
    %dma_wait3A_223 = arith.constant 0 : i32
    %dma_wait3A_224 = tpu.memref_slice %arg19[%dma_wait3A_222, %dma_wait3A_223] : memref<13x512xf32, #tpu.memory_space<vmem>> -> memref<1x512xf32, #tpu.memory_space<vmem>>
    %dma_wait3A_225 = tpu.memref_squeeze %dma_wait3A_224 : memref<1x512xf32, #tpu.memory_space<vmem>> -> memref<512xf32, #tpu.memory_space<vmem>>
    %dma_wait3A_226 = arith.constant 0 : i32
    %dma_wait3A_227 = tpu.memref_slice %arg18[%dma_wait3A_221, %dma_wait3A_226] : memref<13x512xi32, #tpu.memory_space<vmem>> -> memref<1x512xi32, #tpu.memory_space<vmem>>
    %dma_wait3A_228 = tpu.memref_squeeze %dma_wait3A_227 : memref<1x512xi32, #tpu.memory_space<vmem>> -> memref<512xi32, #tpu.memory_space<vmem>>
    %dma_wait3A_229 = arith.constant 0 : i32
    %dma_wait3A_230 = tpu.memref_slice %arg13[%dma_wait3A_229] : memref<1000000xf32, #tpu.memory_space<hbm>> -> memref<1000000xf32, #tpu.memory_space<hbm>>
    tpu.wait_indirect_dma semaphore(%arg21 : memref<!tpu.dma_semaphore, #tpu.memory_space<semaphore_mem>>) src(%dma_wait3A_230 : memref<1000000xf32, #tpu.memory_space<hbm>>) dst(%dma_wait3A_225 : memref<512xf32, #tpu.memory_space<vmem>>)
    %dma_wait3A_231 = arith.constant 10 : i32
    %dma_wait3A_232 = arith.constant 10 : i32
    %dma_wait3A_233 = arith.constant 0 : i32
    %dma_wait3A_234 = tpu.memref_slice %arg19[%dma_wait3A_232, %dma_wait3A_233] : memref<13x512xf32, #tpu.memory_space<vmem>> -> memref<1x512xf32, #tpu.memory_space<vmem>>
    %dma_wait3A_235 = tpu.memref_squeeze %dma_wait3A_234 : memref<1x512xf32, #tpu.memory_space<vmem>> -> memref<512xf32, #tpu.memory_space<vmem>>
    %dma_wait3A_236 = arith.constant 0 : i32
    %dma_wait3A_237 = tpu.memref_slice %arg18[%dma_wait3A_231, %dma_wait3A_236] : memref<13x512xi32, #tpu.memory_space<vmem>> -> memref<1x512xi32, #tpu.memory_space<vmem>>
    %dma_wait3A_238 = tpu.memref_squeeze %dma_wait3A_237 : memref<1x512xi32, #tpu.memory_space<vmem>> -> memref<512xi32, #tpu.memory_space<vmem>>
    %dma_wait3A_239 = arith.constant 0 : i32
    %dma_wait3A_240 = tpu.memref_slice %arg14[%dma_wait3A_239] : memref<1000000xf32, #tpu.memory_space<hbm>> -> memref<1000000xf32, #tpu.memory_space<hbm>>
    tpu.wait_indirect_dma semaphore(%arg21 : memref<!tpu.dma_semaphore, #tpu.memory_space<semaphore_mem>>) src(%dma_wait3A_240 : memref<1000000xf32, #tpu.memory_space<hbm>>) dst(%dma_wait3A_235 : memref<512xf32, #tpu.memory_space<vmem>>)
    %dma_wait3A_241 = arith.constant 11 : i32
    %dma_wait3A_242 = arith.constant 11 : i32
    %dma_wait3A_243 = arith.constant 0 : i32
    %dma_wait3A_244 = tpu.memref_slice %arg19[%dma_wait3A_242, %dma_wait3A_243] : memref<13x512xf32, #tpu.memory_space<vmem>> -> memref<1x512xf32, #tpu.memory_space<vmem>>
    %dma_wait3A_245 = tpu.memref_squeeze %dma_wait3A_244 : memref<1x512xf32, #tpu.memory_space<vmem>> -> memref<512xf32, #tpu.memory_space<vmem>>
    %dma_wait3A_246 = arith.constant 0 : i32
    %dma_wait3A_247 = tpu.memref_slice %arg18[%dma_wait3A_241, %dma_wait3A_246] : memref<13x512xi32, #tpu.memory_space<vmem>> -> memref<1x512xi32, #tpu.memory_space<vmem>>
    %dma_wait3A_248 = tpu.memref_squeeze %dma_wait3A_247 : memref<1x512xi32, #tpu.memory_space<vmem>> -> memref<512xi32, #tpu.memory_space<vmem>>
    %dma_wait3A_249 = arith.constant 0 : i32
    %dma_wait3A_250 = tpu.memref_slice %arg15[%dma_wait3A_249] : memref<1000000xf32, #tpu.memory_space<hbm>> -> memref<1000000xf32, #tpu.memory_space<hbm>>
    tpu.wait_indirect_dma semaphore(%arg21 : memref<!tpu.dma_semaphore, #tpu.memory_space<semaphore_mem>>) src(%dma_wait3A_250 : memref<1000000xf32, #tpu.memory_space<hbm>>) dst(%dma_wait3A_245 : memref<512xf32, #tpu.memory_space<vmem>>)
    %dma_wait3A_251 = arith.constant 12 : i32
    %dma_wait3A_252 = arith.constant 12 : i32
    %dma_wait3A_253 = arith.constant 0 : i32
    %dma_wait3A_254 = tpu.memref_slice %arg19[%dma_wait3A_252, %dma_wait3A_253] : memref<13x512xf32, #tpu.memory_space<vmem>> -> memref<1x512xf32, #tpu.memory_space<vmem>>
    %dma_wait3A_255 = tpu.memref_squeeze %dma_wait3A_254 : memref<1x512xf32, #tpu.memory_space<vmem>> -> memref<512xf32, #tpu.memory_space<vmem>>
    %dma_wait3A_256 = arith.constant 0 : i32
    %dma_wait3A_257 = tpu.memref_slice %arg18[%dma_wait3A_251, %dma_wait3A_256] : memref<13x512xi32, #tpu.memory_space<vmem>> -> memref<1x512xi32, #tpu.memory_space<vmem>>
    %dma_wait3A_258 = tpu.memref_squeeze %dma_wait3A_257 : memref<1x512xi32, #tpu.memory_space<vmem>> -> memref<512xi32, #tpu.memory_space<vmem>>
    %dma_wait3A_259 = arith.constant 0 : i32
    %dma_wait3A_260 = tpu.memref_slice %arg16[%dma_wait3A_259] : memref<1000000xf32, #tpu.memory_space<hbm>> -> memref<1000000xf32, #tpu.memory_space<hbm>>
    tpu.wait_indirect_dma semaphore(%arg21 : memref<!tpu.dma_semaphore, #tpu.memory_space<semaphore_mem>>) src(%dma_wait3A_260 : memref<1000000xf32, #tpu.memory_space<hbm>>) dst(%dma_wait3A_255 : memref<512xf32, #tpu.memory_space<vmem>>)
    %scan3A = arith.constant 0 : i32
    %scan3A_261 = arith.constant 0 : i32
    %scan3A_262 = arith.constant 32 : i32
    %scan3A_263 = arith.addi %scan3A_261, %scan3A_262 : i32
    %scan3A_264 = arith.constant 1 : i32
    scf.for %scan3A_266 = %scan3A_261 to %scan3A_263 step %scan3A_264  : i32 {
      %mul3A_267 = arith.constant 16 : i32
      %mul3A_268 = arith.muli %scan3A_266, %mul3A_267 : i32
      %get3A = arith.index_cast %mul3A_268 : i32 to index
      %get3A_269 = tpu.vector_load %arg20[%get3A] {strides = array<i32>} : memref<512xf32, #tpu.memory_space<vmem>>, vector<16xf32>,
      %get3A_270 = arith.constant 0 : i32
      %get3A_271 = arith.index_cast %get3A_270 : i32 to index
      %get3A_272 = arith.index_cast %mul3A_268 : i32 to index
      %get3A_273 = tpu.vector_load %arg19[%get3A_271, %get3A_272] {strides = array<i32>} : memref<13x512xf32, #tpu.memory_space<vmem>>, vector<16xf32>,
      %add3A_274 = arith.addf %get3A_269, %get3A_273 : vector<16xf32>
      %get3A_275 = arith.constant 1 : i32
      %get3A_276 = arith.index_cast %get3A_275 : i32 to index
      %get3A_277 = arith.index_cast %mul3A_268 : i32 to index
      %get3A_278 = tpu.vector_load %arg19[%get3A_276, %get3A_277] {strides = array<i32>} : memref<13x512xf32, #tpu.memory_space<vmem>>, vector<16xf32>,
      %add3A_279 = arith.addf %add3A_274, %get3A_278 : vector<16xf32>
      %get3A_280 = arith.constant 2 : i32
      %get3A_281 = arith.index_cast %get3A_280 : i32 to index
      %get3A_282 = arith.index_cast %mul3A_268 : i32 to index
      %get3A_283 = tpu.vector_load %arg19[%get3A_281, %get3A_282] {strides = array<i32>} : memref<13x512xf32, #tpu.memory_space<vmem>>, vector<16xf32>,
      %add3A_284 = arith.addf %add3A_279, %get3A_283 : vector<16xf32>
      %get3A_285 = arith.constant 3 : i32
      %get3A_286 = arith.index_cast %get3A_285 : i32 to index
      %get3A_287 = arith.index_cast %mul3A_268 : i32 to index
      %get3A_288 = tpu.vector_load %arg19[%get3A_286, %get3A_287] {strides = array<i32>} : memref<13x512xf32, #tpu.memory_space<vmem>>, vector<16xf32>,
      %add3A_289 = arith.addf %add3A_284, %get3A_288 : vector<16xf32>
      %get3A_290 = arith.constant 4 : i32
      %get3A_291 = arith.index_cast %get3A_290 : i32 to index
      %get3A_292 = arith.index_cast %mul3A_268 : i32 to index
      %get3A_293 = tpu.vector_load %arg19[%get3A_291, %get3A_292] {strides = array<i32>} : memref<13x512xf32, #tpu.memory_space<vmem>>, vector<16xf32>,
      %add3A_294 = arith.addf %add3A_289, %get3A_293 : vector<16xf32>
      %get3A_295 = arith.constant 5 : i32
      %get3A_296 = arith.index_cast %get3A_295 : i32 to index
      %get3A_297 = arith.index_cast %mul3A_268 : i32 to index
      %get3A_298 = tpu.vector_load %arg19[%get3A_296, %get3A_297] {strides = array<i32>} : memref<13x512xf32, #tpu.memory_space<vmem>>, vector<16xf32>,
      %add3A_299 = arith.addf %add3A_294, %get3A_298 : vector<16xf32>
      %get3A_300 = arith.constant 6 : i32
      %get3A_301 = arith.index_cast %get3A_300 : i32 to index
      %get3A_302 = arith.index_cast %mul3A_268 : i32 to index
      %get3A_303 = tpu.vector_load %arg19[%get3A_301, %get3A_302] {strides = array<i32>} : memref<13x512xf32, #tpu.memory_space<vmem>>, vector<16xf32>,
      %add3A_304 = arith.addf %add3A_299, %get3A_303 : vector<16xf32>
      %get3A_305 = arith.constant 7 : i32
      %get3A_306 = arith.index_cast %get3A_305 : i32 to index
      %get3A_307 = arith.index_cast %mul3A_268 : i32 to index
      %get3A_308 = tpu.vector_load %arg19[%get3A_306, %get3A_307] {strides = array<i32>} : memref<13x512xf32, #tpu.memory_space<vmem>>, vector<16xf32>,
      %add3A_309 = arith.addf %add3A_304, %get3A_308 : vector<16xf32>
      %get3A_310 = arith.constant 8 : i32
      %get3A_311 = arith.index_cast %get3A_310 : i32 to index
      %get3A_312 = arith.index_cast %mul3A_268 : i32 to index
      %get3A_313 = tpu.vector_load %arg19[%get3A_311, %get3A_312] {strides = array<i32>} : memref<13x512xf32, #tpu.memory_space<vmem>>, vector<16xf32>,
      %add3A_314 = arith.addf %add3A_309, %get3A_313 : vector<16xf32>
      %get3A_315 = arith.constant 9 : i32
      %get3A_316 = arith.index_cast %get3A_315 : i32 to index
      %get3A_317 = arith.index_cast %mul3A_268 : i32 to index
      %get3A_318 = tpu.vector_load %arg19[%get3A_316, %get3A_317] {strides = array<i32>} : memref<13x512xf32, #tpu.memory_space<vmem>>, vector<16xf32>,
      %add3A_319 = arith.addf %add3A_314, %get3A_318 : vector<16xf32>
      %get3A_320 = arith.constant 10 : i32
      %get3A_321 = arith.index_cast %get3A_320 : i32 to index
      %get3A_322 = arith.index_cast %mul3A_268 : i32 to index
      %get3A_323 = tpu.vector_load %arg19[%get3A_321, %get3A_322] {strides = array<i32>} : memref<13x512xf32, #tpu.memory_space<vmem>>, vector<16xf32>,
      %add3A_324 = arith.addf %add3A_319, %get3A_323 : vector<16xf32>
      %get3A_325 = arith.constant 11 : i32
      %get3A_326 = arith.index_cast %get3A_325 : i32 to index
      %get3A_327 = arith.index_cast %mul3A_268 : i32 to index
      %get3A_328 = tpu.vector_load %arg19[%get3A_326, %get3A_327] {strides = array<i32>} : memref<13x512xf32, #tpu.memory_space<vmem>>, vector<16xf32>,
      %add3A_329 = arith.addf %add3A_324, %get3A_328 : vector<16xf32>
      %get3A_330 = arith.constant 12 : i32
      %get3A_331 = arith.index_cast %get3A_330 : i32 to index
      %get3A_332 = arith.index_cast %mul3A_268 : i32 to index
      %get3A_333 = tpu.vector_load %arg19[%get3A_331, %get3A_332] {strides = array<i32>} : memref<13x512xf32, #tpu.memory_space<vmem>>, vector<16xf32>,
      %add3A_334 = arith.addf %add3A_329, %get3A_333 : vector<16xf32>
      %swap3A = arith.index_cast %mul3A_268 : i32 to index
      %swap3A_335 = tpu.vector_load %arg20[%swap3A] {strides = array<i32>} : memref<512xf32, #tpu.memory_space<vmem>>, vector<16xf32>,
      tpu.vector_store %arg20[%swap3A], %add3A_334 {strides = array<i32>} : memref<512xf32, #tpu.memory_space<vmem>>, vector<16xf32>,
    }
    %scan3A_265 = arith.constant 32 : i32
    "tpu.region"() ({
      %run_scoped3A = tpu.sem_alloc : memref<!tpu.dma_semaphore, #tpu.memory_space<semaphore_mem>>
      %dma_start3A_266 = tpu.memref_slice %arg17[%mul3A_2] : memref<16384xf32, #tpu.memory_space<hbm>> -> memref<512xf32, #tpu.memory_space<hbm>>
      %dma_start3A_267 = tpu.memref_slice %arg17[%mul3A_2] : memref<16384xf32, #tpu.memory_space<hbm>> -> memref<512xf32, #tpu.memory_space<hbm>>
      tpu.enqueue_dma source(%arg20 : memref<512xf32, #tpu.memory_space<vmem>>) target(%dma_start3A_267 : memref<512xf32, #tpu.memory_space<hbm>>) target_semaphore(%run_scoped3A : memref<!tpu.dma_semaphore, #tpu.memory_space<semaphore_mem>>)
      %dma_wait3A_268 = tpu.memref_slice %arg17[%mul3A_2] : memref<16384xf32, #tpu.memory_space<hbm>> -> memref<512xf32, #tpu.memory_space<hbm>>
      %dma_wait3A_269 = tpu.memref_slice %arg17[%mul3A_2] : memref<16384xf32, #tpu.memory_space<hbm>> -> memref<512xf32, #tpu.memory_space<hbm>>
      tpu.wait_dma2 semaphore(%run_scoped3A : memref<!tpu.dma_semaphore, #tpu.memory_space<semaphore_mem>>) src(%arg20 : memref<512xf32, #tpu.memory_space<vmem>>) dst(%dma_wait3A_269 : memref<512xf32, #tpu.memory_space<hbm>>)
      tpu.yield
    }) : () -> ()
    return
  }
}

#map = affine_map<(d0, d1) -> (0, 0)>
#map1 = affine_map<(d0, d1) -> (0)>
module attributes {stable_mosaic.version = 14 : i64} {
  func.func @_sparse_kernel(%arg0: i32, %arg1: i32, %arg2: memref<76x16384xi32, #tpu.memory_space<hbm>>, %arg3: memref<16384xf32, #tpu.memory_space<hbm>>, %arg4: memref<1000000xf32, #tpu.memory_space<hbm>>, %arg5: memref<1000000xf32, #tpu.memory_space<hbm>>, %arg6: memref<1000000xf32, #tpu.memory_space<hbm>>, %arg7: memref<1000000xf32, #tpu.memory_space<hbm>>, %arg8: memref<1000000xf32, #tpu.memory_space<hbm>>, %arg9: memref<1000000xf32, #tpu.memory_space<hbm>>, %arg10: memref<1000000xf32, #tpu.memory_space<hbm>>, %arg11: memref<1000000xf32, #tpu.memory_space<hbm>>, %arg12: memref<1000000xf32, #tpu.memory_space<hbm>>, %arg13: memref<1000000xf32, #tpu.memory_space<hbm>>, %arg14: memref<1000000xf32, #tpu.memory_space<hbm>>, %arg15: memref<1000000xf32, #tpu.memory_space<hbm>>, %arg16: memref<1000000xf32, #tpu.memory_space<hbm>>, %arg17: memref<16384xf32, #tpu.memory_space<hbm>>, %arg18: memref<13x512xi32, #tpu.memory_space<vmem>>, %arg19: memref<13x512xf32, #tpu.memory_space<vmem>>, %arg20: memref<512xf32, #tpu.memory_space<vmem>>, %arg21: memref<!tpu.dma_semaphore, #tpu.memory_space<semaphore_mem>>) attributes {dimension_semantics = [#tpu.dimension_semantics<core_parallel>, #tpu.dimension_semantics<subcore_parallel>], iteration_bounds = array<i64: 2, 16>, scalar_prefetch = 0 : i64, scratch_operands = 4 : i64, tpu.core_type = #tpu.core_type<sc_vector_subcore>, window_params = [{transform_indices = #map}, {transform_indices = #map1}, {transform_indices = #map1}, {transform_indices = #map1}, {transform_indices = #map1}, {transform_indices = #map1}, {transform_indices = #map1}, {transform_indices = #map1}, {transform_indices = #map1}, {transform_indices = #map1}, {transform_indices = #map1}, {transform_indices = #map1}, {transform_indices = #map1}, {transform_indices = #map1}, {transform_indices = #map1}, {transform_indices = #map1}]} {
    %mul3A = arith.constant 2 : i32
    %mul3A_0 = arith.muli %arg1, %mul3A : i32
    %add3A = arith.addi %mul3A_0, %arg0 : i32
    %mul3A_1 = arith.constant 512 : i32
    %mul3A_2 = arith.muli %add3A, %mul3A_1 : i32
    "tpu.region"() ({
      %run_scoped3A = tpu.sem_alloc : memref<!tpu.dma_semaphore, #tpu.memory_space<semaphore_mem>>
      %dma_start3A_266 = arith.constant 13 : i32
      %dma_start3A_267 = tpu.memref_slice %arg2[%dma_start3A_266, %mul3A_2] : memref<76x16384xi32, #tpu.memory_space<hbm>> -> memref<13x512xi32, #tpu.memory_space<hbm>>
      %dma_start3A_268 = arith.constant 13 : i32
      %dma_start3A_269 = tpu.memref_slice %arg2[%dma_start3A_268, %mul3A_2] : memref<76x16384xi32, #tpu.memory_space<hbm>> -> memref<13x512xi32, #tpu.memory_space<hbm>>
      tpu.enqueue_dma source(%dma_start3A_269 : memref<13x512xi32, #tpu.memory_space<hbm>>) target(%arg18 : memref<13x512xi32, #tpu.memory_space<vmem>>) target_semaphore(%run_scoped3A : memref<!tpu.dma_semaphore, #tpu.memory_space<semaphore_mem>>)
      %dma_wait3A_270 = arith.constant 13 : i32
      %dma_wait3A_271 = tpu.memref_slice %arg2[%dma_wait3A_270, %mul3A_2] : memref<76x16384xi32, #tpu.memory_space<hbm>> -> memref<13x512xi32, #tpu.memory_space<hbm>>
      %dma_wait3A_272 = arith.constant 13 : i32
      %dma_wait3A_273 = tpu.memref_slice %arg2[%dma_wait3A_272, %mul3A_2] : memref<76x16384xi32, #tpu.memory_space<hbm>> -> memref<13x512xi32, #tpu.memory_space<hbm>>
      tpu.wait_dma2 semaphore(%run_scoped3A : memref<!tpu.dma_semaphore, #tpu.memory_space<semaphore_mem>>) src(%dma_wait3A_273 : memref<13x512xi32, #tpu.memory_space<hbm>>) dst(%arg18 : memref<13x512xi32, #tpu.memory_space<vmem>>)
      tpu.yield
    }) : () -> ()
    "tpu.region"() ({
      %run_scoped3A = tpu.sem_alloc : memref<!tpu.dma_semaphore, #tpu.memory_space<semaphore_mem>>
      %dma_start3A_266 = tpu.memref_slice %arg3[%mul3A_2] : memref<16384xf32, #tpu.memory_space<hbm>> -> memref<512xf32, #tpu.memory_space<hbm>>
      %dma_start3A_267 = tpu.memref_slice %arg3[%mul3A_2] : memref<16384xf32, #tpu.memory_space<hbm>> -> memref<512xf32, #tpu.memory_space<hbm>>
      tpu.enqueue_dma source(%dma_start3A_267 : memref<512xf32, #tpu.memory_space<hbm>>) target(%arg20 : memref<512xf32, #tpu.memory_space<vmem>>) target_semaphore(%run_scoped3A : memref<!tpu.dma_semaphore, #tpu.memory_space<semaphore_mem>>)
      %dma_wait3A_268 = tpu.memref_slice %arg3[%mul3A_2] : memref<16384xf32, #tpu.memory_space<hbm>> -> memref<512xf32, #tpu.memory_space<hbm>>
      %dma_wait3A_269 = tpu.memref_slice %arg3[%mul3A_2] : memref<16384xf32, #tpu.memory_space<hbm>> -> memref<512xf32, #tpu.memory_space<hbm>>
      tpu.wait_dma2 semaphore(%run_scoped3A : memref<!tpu.dma_semaphore, #tpu.memory_space<semaphore_mem>>) src(%dma_wait3A_269 : memref<512xf32, #tpu.memory_space<hbm>>) dst(%arg20 : memref<512xf32, #tpu.memory_space<vmem>>)
      tpu.yield
    }) : () -> ()
    %dma_start3A = arith.constant 0 : i32
    %dma_start3A_3 = arith.constant 0 : i32
    %dma_start3A_4 = arith.constant 0 : i32
    %dma_start3A_5 = tpu.memref_slice %arg19[%dma_start3A_3, %dma_start3A_4] : memref<13x512xf32, #tpu.memory_space<vmem>> -> memref<1x512xf32, #tpu.memory_space<vmem>>
    %dma_start3A_6 = tpu.memref_squeeze %dma_start3A_5 : memref<1x512xf32, #tpu.memory_space<vmem>> -> memref<512xf32, #tpu.memory_space<vmem>>
    %dma_start3A_7 = arith.constant 0 : i32
    %dma_start3A_8 = tpu.memref_slice %arg18[%dma_start3A, %dma_start3A_7] : memref<13x512xi32, #tpu.memory_space<vmem>> -> memref<1x512xi32, #tpu.memory_space<vmem>>
    %dma_start3A_9 = tpu.memref_squeeze %dma_start3A_8 : memref<1x512xi32, #tpu.memory_space<vmem>> -> memref<512xi32, #tpu.memory_space<vmem>>
    %dma_start3A_10 = arith.constant 0 : i32
    %dma_start3A_11 = tpu.memref_slice %arg4[%dma_start3A_10] : memref<1000000xf32, #tpu.memory_space<hbm>> -> memref<1000000xf32, #tpu.memory_space<hbm>>
    tpu.enqueue_indirect_dma source(%dma_start3A_11 : memref<1000000xf32, #tpu.memory_space<hbm>>) target(%dma_start3A_6 : memref<512xf32, #tpu.memory_space<vmem>>) offsets(%dma_start3A_9 : memref<512xi32, #tpu.memory_space<vmem>>) semaphore(%arg21 : memref<!tpu.dma_semaphore, #tpu.memory_space<semaphore_mem>>)
    %dma_start3A_12 = arith.constant 1 : i32
    %dma_start3A_13 = arith.constant 1 : i32
    %dma_start3A_14 = arith.constant 0 : i32
    %dma_start3A_15 = tpu.memref_slice %arg19[%dma_start3A_13, %dma_start3A_14] : memref<13x512xf32, #tpu.memory_space<vmem>> -> memref<1x512xf32, #tpu.memory_space<vmem>>
    %dma_start3A_16 = tpu.memref_squeeze %dma_start3A_15 : memref<1x512xf32, #tpu.memory_space<vmem>> -> memref<512xf32, #tpu.memory_space<vmem>>
    %dma_start3A_17 = arith.constant 0 : i32
    %dma_start3A_18 = tpu.memref_slice %arg18[%dma_start3A_12, %dma_start3A_17] : memref<13x512xi32, #tpu.memory_space<vmem>> -> memref<1x512xi32, #tpu.memory_space<vmem>>
    %dma_start3A_19 = tpu.memref_squeeze %dma_start3A_18 : memref<1x512xi32, #tpu.memory_space<vmem>> -> memref<512xi32, #tpu.memory_space<vmem>>
    %dma_start3A_20 = arith.constant 0 : i32
    %dma_start3A_21 = tpu.memref_slice %arg5[%dma_start3A_20] : memref<1000000xf32, #tpu.memory_space<hbm>> -> memref<1000000xf32, #tpu.memory_space<hbm>>
    tpu.enqueue_indirect_dma source(%dma_start3A_21 : memref<1000000xf32, #tpu.memory_space<hbm>>) target(%dma_start3A_16 : memref<512xf32, #tpu.memory_space<vmem>>) offsets(%dma_start3A_19 : memref<512xi32, #tpu.memory_space<vmem>>) semaphore(%arg21 : memref<!tpu.dma_semaphore, #tpu.memory_space<semaphore_mem>>)
    %dma_start3A_22 = arith.constant 2 : i32
    %dma_start3A_23 = arith.constant 2 : i32
    %dma_start3A_24 = arith.constant 0 : i32
    %dma_start3A_25 = tpu.memref_slice %arg19[%dma_start3A_23, %dma_start3A_24] : memref<13x512xf32, #tpu.memory_space<vmem>> -> memref<1x512xf32, #tpu.memory_space<vmem>>
    %dma_start3A_26 = tpu.memref_squeeze %dma_start3A_25 : memref<1x512xf32, #tpu.memory_space<vmem>> -> memref<512xf32, #tpu.memory_space<vmem>>
    %dma_start3A_27 = arith.constant 0 : i32
    %dma_start3A_28 = tpu.memref_slice %arg18[%dma_start3A_22, %dma_start3A_27] : memref<13x512xi32, #tpu.memory_space<vmem>> -> memref<1x512xi32, #tpu.memory_space<vmem>>
    %dma_start3A_29 = tpu.memref_squeeze %dma_start3A_28 : memref<1x512xi32, #tpu.memory_space<vmem>> -> memref<512xi32, #tpu.memory_space<vmem>>
    %dma_start3A_30 = arith.constant 0 : i32
    %dma_start3A_31 = tpu.memref_slice %arg6[%dma_start3A_30] : memref<1000000xf32, #tpu.memory_space<hbm>> -> memref<1000000xf32, #tpu.memory_space<hbm>>
    tpu.enqueue_indirect_dma source(%dma_start3A_31 : memref<1000000xf32, #tpu.memory_space<hbm>>) target(%dma_start3A_26 : memref<512xf32, #tpu.memory_space<vmem>>) offsets(%dma_start3A_29 : memref<512xi32, #tpu.memory_space<vmem>>) semaphore(%arg21 : memref<!tpu.dma_semaphore, #tpu.memory_space<semaphore_mem>>)
    %dma_start3A_32 = arith.constant 3 : i32
    %dma_start3A_33 = arith.constant 3 : i32
    %dma_start3A_34 = arith.constant 0 : i32
    %dma_start3A_35 = tpu.memref_slice %arg19[%dma_start3A_33, %dma_start3A_34] : memref<13x512xf32, #tpu.memory_space<vmem>> -> memref<1x512xf32, #tpu.memory_space<vmem>>
    %dma_start3A_36 = tpu.memref_squeeze %dma_start3A_35 : memref<1x512xf32, #tpu.memory_space<vmem>> -> memref<512xf32, #tpu.memory_space<vmem>>
    %dma_start3A_37 = arith.constant 0 : i32
    %dma_start3A_38 = tpu.memref_slice %arg18[%dma_start3A_32, %dma_start3A_37] : memref<13x512xi32, #tpu.memory_space<vmem>> -> memref<1x512xi32, #tpu.memory_space<vmem>>
    %dma_start3A_39 = tpu.memref_squeeze %dma_start3A_38 : memref<1x512xi32, #tpu.memory_space<vmem>> -> memref<512xi32, #tpu.memory_space<vmem>>
    %dma_start3A_40 = arith.constant 0 : i32
    %dma_start3A_41 = tpu.memref_slice %arg7[%dma_start3A_40] : memref<1000000xf32, #tpu.memory_space<hbm>> -> memref<1000000xf32, #tpu.memory_space<hbm>>
    tpu.enqueue_indirect_dma source(%dma_start3A_41 : memref<1000000xf32, #tpu.memory_space<hbm>>) target(%dma_start3A_36 : memref<512xf32, #tpu.memory_space<vmem>>) offsets(%dma_start3A_39 : memref<512xi32, #tpu.memory_space<vmem>>) semaphore(%arg21 : memref<!tpu.dma_semaphore, #tpu.memory_space<semaphore_mem>>)
    %dma_start3A_42 = arith.constant 4 : i32
    %dma_start3A_43 = arith.constant 4 : i32
    %dma_start3A_44 = arith.constant 0 : i32
    %dma_start3A_45 = tpu.memref_slice %arg19[%dma_start3A_43, %dma_start3A_44] : memref<13x512xf32, #tpu.memory_space<vmem>> -> memref<1x512xf32, #tpu.memory_space<vmem>>
    %dma_start3A_46 = tpu.memref_squeeze %dma_start3A_45 : memref<1x512xf32, #tpu.memory_space<vmem>> -> memref<512xf32, #tpu.memory_space<vmem>>
    %dma_start3A_47 = arith.constant 0 : i32
    %dma_start3A_48 = tpu.memref_slice %arg18[%dma_start3A_42, %dma_start3A_47] : memref<13x512xi32, #tpu.memory_space<vmem>> -> memref<1x512xi32, #tpu.memory_space<vmem>>
    %dma_start3A_49 = tpu.memref_squeeze %dma_start3A_48 : memref<1x512xi32, #tpu.memory_space<vmem>> -> memref<512xi32, #tpu.memory_space<vmem>>
    %dma_start3A_50 = arith.constant 0 : i32
    %dma_start3A_51 = tpu.memref_slice %arg8[%dma_start3A_50] : memref<1000000xf32, #tpu.memory_space<hbm>> -> memref<1000000xf32, #tpu.memory_space<hbm>>
    tpu.enqueue_indirect_dma source(%dma_start3A_51 : memref<1000000xf32, #tpu.memory_space<hbm>>) target(%dma_start3A_46 : memref<512xf32, #tpu.memory_space<vmem>>) offsets(%dma_start3A_49 : memref<512xi32, #tpu.memory_space<vmem>>) semaphore(%arg21 : memref<!tpu.dma_semaphore, #tpu.memory_space<semaphore_mem>>)
    %dma_start3A_52 = arith.constant 5 : i32
    %dma_start3A_53 = arith.constant 5 : i32
    %dma_start3A_54 = arith.constant 0 : i32
    %dma_start3A_55 = tpu.memref_slice %arg19[%dma_start3A_53, %dma_start3A_54] : memref<13x512xf32, #tpu.memory_space<vmem>> -> memref<1x512xf32, #tpu.memory_space<vmem>>
    %dma_start3A_56 = tpu.memref_squeeze %dma_start3A_55 : memref<1x512xf32, #tpu.memory_space<vmem>> -> memref<512xf32, #tpu.memory_space<vmem>>
    %dma_start3A_57 = arith.constant 0 : i32
    %dma_start3A_58 = tpu.memref_slice %arg18[%dma_start3A_52, %dma_start3A_57] : memref<13x512xi32, #tpu.memory_space<vmem>> -> memref<1x512xi32, #tpu.memory_space<vmem>>
    %dma_start3A_59 = tpu.memref_squeeze %dma_start3A_58 : memref<1x512xi32, #tpu.memory_space<vmem>> -> memref<512xi32, #tpu.memory_space<vmem>>
    %dma_start3A_60 = arith.constant 0 : i32
    %dma_start3A_61 = tpu.memref_slice %arg9[%dma_start3A_60] : memref<1000000xf32, #tpu.memory_space<hbm>> -> memref<1000000xf32, #tpu.memory_space<hbm>>
    tpu.enqueue_indirect_dma source(%dma_start3A_61 : memref<1000000xf32, #tpu.memory_space<hbm>>) target(%dma_start3A_56 : memref<512xf32, #tpu.memory_space<vmem>>) offsets(%dma_start3A_59 : memref<512xi32, #tpu.memory_space<vmem>>) semaphore(%arg21 : memref<!tpu.dma_semaphore, #tpu.memory_space<semaphore_mem>>)
    %dma_start3A_62 = arith.constant 6 : i32
    %dma_start3A_63 = arith.constant 6 : i32
    %dma_start3A_64 = arith.constant 0 : i32
    %dma_start3A_65 = tpu.memref_slice %arg19[%dma_start3A_63, %dma_start3A_64] : memref<13x512xf32, #tpu.memory_space<vmem>> -> memref<1x512xf32, #tpu.memory_space<vmem>>
    %dma_start3A_66 = tpu.memref_squeeze %dma_start3A_65 : memref<1x512xf32, #tpu.memory_space<vmem>> -> memref<512xf32, #tpu.memory_space<vmem>>
    %dma_start3A_67 = arith.constant 0 : i32
    %dma_start3A_68 = tpu.memref_slice %arg18[%dma_start3A_62, %dma_start3A_67] : memref<13x512xi32, #tpu.memory_space<vmem>> -> memref<1x512xi32, #tpu.memory_space<vmem>>
    %dma_start3A_69 = tpu.memref_squeeze %dma_start3A_68 : memref<1x512xi32, #tpu.memory_space<vmem>> -> memref<512xi32, #tpu.memory_space<vmem>>
    %dma_start3A_70 = arith.constant 0 : i32
    %dma_start3A_71 = tpu.memref_slice %arg10[%dma_start3A_70] : memref<1000000xf32, #tpu.memory_space<hbm>> -> memref<1000000xf32, #tpu.memory_space<hbm>>
    tpu.enqueue_indirect_dma source(%dma_start3A_71 : memref<1000000xf32, #tpu.memory_space<hbm>>) target(%dma_start3A_66 : memref<512xf32, #tpu.memory_space<vmem>>) offsets(%dma_start3A_69 : memref<512xi32, #tpu.memory_space<vmem>>) semaphore(%arg21 : memref<!tpu.dma_semaphore, #tpu.memory_space<semaphore_mem>>)
    %dma_start3A_72 = arith.constant 7 : i32
    %dma_start3A_73 = arith.constant 7 : i32
    %dma_start3A_74 = arith.constant 0 : i32
    %dma_start3A_75 = tpu.memref_slice %arg19[%dma_start3A_73, %dma_start3A_74] : memref<13x512xf32, #tpu.memory_space<vmem>> -> memref<1x512xf32, #tpu.memory_space<vmem>>
    %dma_start3A_76 = tpu.memref_squeeze %dma_start3A_75 : memref<1x512xf32, #tpu.memory_space<vmem>> -> memref<512xf32, #tpu.memory_space<vmem>>
    %dma_start3A_77 = arith.constant 0 : i32
    %dma_start3A_78 = tpu.memref_slice %arg18[%dma_start3A_72, %dma_start3A_77] : memref<13x512xi32, #tpu.memory_space<vmem>> -> memref<1x512xi32, #tpu.memory_space<vmem>>
    %dma_start3A_79 = tpu.memref_squeeze %dma_start3A_78 : memref<1x512xi32, #tpu.memory_space<vmem>> -> memref<512xi32, #tpu.memory_space<vmem>>
    %dma_start3A_80 = arith.constant 0 : i32
    %dma_start3A_81 = tpu.memref_slice %arg11[%dma_start3A_80] : memref<1000000xf32, #tpu.memory_space<hbm>> -> memref<1000000xf32, #tpu.memory_space<hbm>>
    tpu.enqueue_indirect_dma source(%dma_start3A_81 : memref<1000000xf32, #tpu.memory_space<hbm>>) target(%dma_start3A_76 : memref<512xf32, #tpu.memory_space<vmem>>) offsets(%dma_start3A_79 : memref<512xi32, #tpu.memory_space<vmem>>) semaphore(%arg21 : memref<!tpu.dma_semaphore, #tpu.memory_space<semaphore_mem>>)
    %dma_start3A_82 = arith.constant 8 : i32
    %dma_start3A_83 = arith.constant 8 : i32
    %dma_start3A_84 = arith.constant 0 : i32
    %dma_start3A_85 = tpu.memref_slice %arg19[%dma_start3A_83, %dma_start3A_84] : memref<13x512xf32, #tpu.memory_space<vmem>> -> memref<1x512xf32, #tpu.memory_space<vmem>>
    %dma_start3A_86 = tpu.memref_squeeze %dma_start3A_85 : memref<1x512xf32, #tpu.memory_space<vmem>> -> memref<512xf32, #tpu.memory_space<vmem>>
    %dma_start3A_87 = arith.constant 0 : i32
    %dma_start3A_88 = tpu.memref_slice %arg18[%dma_start3A_82, %dma_start3A_87] : memref<13x512xi32, #tpu.memory_space<vmem>> -> memref<1x512xi32, #tpu.memory_space<vmem>>
    %dma_start3A_89 = tpu.memref_squeeze %dma_start3A_88 : memref<1x512xi32, #tpu.memory_space<vmem>> -> memref<512xi32, #tpu.memory_space<vmem>>
    %dma_start3A_90 = arith.constant 0 : i32
    %dma_start3A_91 = tpu.memref_slice %arg12[%dma_start3A_90] : memref<1000000xf32, #tpu.memory_space<hbm>> -> memref<1000000xf32, #tpu.memory_space<hbm>>
    tpu.enqueue_indirect_dma source(%dma_start3A_91 : memref<1000000xf32, #tpu.memory_space<hbm>>) target(%dma_start3A_86 : memref<512xf32, #tpu.memory_space<vmem>>) offsets(%dma_start3A_89 : memref<512xi32, #tpu.memory_space<vmem>>) semaphore(%arg21 : memref<!tpu.dma_semaphore, #tpu.memory_space<semaphore_mem>>)
    %dma_start3A_92 = arith.constant 9 : i32
    %dma_start3A_93 = arith.constant 9 : i32
    %dma_start3A_94 = arith.constant 0 : i32
    %dma_start3A_95 = tpu.memref_slice %arg19[%dma_start3A_93, %dma_start3A_94] : memref<13x512xf32, #tpu.memory_space<vmem>> -> memref<1x512xf32, #tpu.memory_space<vmem>>
    %dma_start3A_96 = tpu.memref_squeeze %dma_start3A_95 : memref<1x512xf32, #tpu.memory_space<vmem>> -> memref<512xf32, #tpu.memory_space<vmem>>
    %dma_start3A_97 = arith.constant 0 : i32
    %dma_start3A_98 = tpu.memref_slice %arg18[%dma_start3A_92, %dma_start3A_97] : memref<13x512xi32, #tpu.memory_space<vmem>> -> memref<1x512xi32, #tpu.memory_space<vmem>>
    %dma_start3A_99 = tpu.memref_squeeze %dma_start3A_98 : memref<1x512xi32, #tpu.memory_space<vmem>> -> memref<512xi32, #tpu.memory_space<vmem>>
    %dma_start3A_100 = arith.constant 0 : i32
    %dma_start3A_101 = tpu.memref_slice %arg13[%dma_start3A_100] : memref<1000000xf32, #tpu.memory_space<hbm>> -> memref<1000000xf32, #tpu.memory_space<hbm>>
    tpu.enqueue_indirect_dma source(%dma_start3A_101 : memref<1000000xf32, #tpu.memory_space<hbm>>) target(%dma_start3A_96 : memref<512xf32, #tpu.memory_space<vmem>>) offsets(%dma_start3A_99 : memref<512xi32, #tpu.memory_space<vmem>>) semaphore(%arg21 : memref<!tpu.dma_semaphore, #tpu.memory_space<semaphore_mem>>)
    %dma_start3A_102 = arith.constant 10 : i32
    %dma_start3A_103 = arith.constant 10 : i32
    %dma_start3A_104 = arith.constant 0 : i32
    %dma_start3A_105 = tpu.memref_slice %arg19[%dma_start3A_103, %dma_start3A_104] : memref<13x512xf32, #tpu.memory_space<vmem>> -> memref<1x512xf32, #tpu.memory_space<vmem>>
    %dma_start3A_106 = tpu.memref_squeeze %dma_start3A_105 : memref<1x512xf32, #tpu.memory_space<vmem>> -> memref<512xf32, #tpu.memory_space<vmem>>
    %dma_start3A_107 = arith.constant 0 : i32
    %dma_start3A_108 = tpu.memref_slice %arg18[%dma_start3A_102, %dma_start3A_107] : memref<13x512xi32, #tpu.memory_space<vmem>> -> memref<1x512xi32, #tpu.memory_space<vmem>>
    %dma_start3A_109 = tpu.memref_squeeze %dma_start3A_108 : memref<1x512xi32, #tpu.memory_space<vmem>> -> memref<512xi32, #tpu.memory_space<vmem>>
    %dma_start3A_110 = arith.constant 0 : i32
    %dma_start3A_111 = tpu.memref_slice %arg14[%dma_start3A_110] : memref<1000000xf32, #tpu.memory_space<hbm>> -> memref<1000000xf32, #tpu.memory_space<hbm>>
    tpu.enqueue_indirect_dma source(%dma_start3A_111 : memref<1000000xf32, #tpu.memory_space<hbm>>) target(%dma_start3A_106 : memref<512xf32, #tpu.memory_space<vmem>>) offsets(%dma_start3A_109 : memref<512xi32, #tpu.memory_space<vmem>>) semaphore(%arg21 : memref<!tpu.dma_semaphore, #tpu.memory_space<semaphore_mem>>)
    %dma_start3A_112 = arith.constant 11 : i32
    %dma_start3A_113 = arith.constant 11 : i32
    %dma_start3A_114 = arith.constant 0 : i32
    %dma_start3A_115 = tpu.memref_slice %arg19[%dma_start3A_113, %dma_start3A_114] : memref<13x512xf32, #tpu.memory_space<vmem>> -> memref<1x512xf32, #tpu.memory_space<vmem>>
    %dma_start3A_116 = tpu.memref_squeeze %dma_start3A_115 : memref<1x512xf32, #tpu.memory_space<vmem>> -> memref<512xf32, #tpu.memory_space<vmem>>
    %dma_start3A_117 = arith.constant 0 : i32
    %dma_start3A_118 = tpu.memref_slice %arg18[%dma_start3A_112, %dma_start3A_117] : memref<13x512xi32, #tpu.memory_space<vmem>> -> memref<1x512xi32, #tpu.memory_space<vmem>>
    %dma_start3A_119 = tpu.memref_squeeze %dma_start3A_118 : memref<1x512xi32, #tpu.memory_space<vmem>> -> memref<512xi32, #tpu.memory_space<vmem>>
    %dma_start3A_120 = arith.constant 0 : i32
    %dma_start3A_121 = tpu.memref_slice %arg15[%dma_start3A_120] : memref<1000000xf32, #tpu.memory_space<hbm>> -> memref<1000000xf32, #tpu.memory_space<hbm>>
    tpu.enqueue_indirect_dma source(%dma_start3A_121 : memref<1000000xf32, #tpu.memory_space<hbm>>) target(%dma_start3A_116 : memref<512xf32, #tpu.memory_space<vmem>>) offsets(%dma_start3A_119 : memref<512xi32, #tpu.memory_space<vmem>>) semaphore(%arg21 : memref<!tpu.dma_semaphore, #tpu.memory_space<semaphore_mem>>)
    %dma_start3A_122 = arith.constant 12 : i32
    %dma_start3A_123 = arith.constant 12 : i32
    %dma_start3A_124 = arith.constant 0 : i32
    %dma_start3A_125 = tpu.memref_slice %arg19[%dma_start3A_123, %dma_start3A_124] : memref<13x512xf32, #tpu.memory_space<vmem>> -> memref<1x512xf32, #tpu.memory_space<vmem>>
    %dma_start3A_126 = tpu.memref_squeeze %dma_start3A_125 : memref<1x512xf32, #tpu.memory_space<vmem>> -> memref<512xf32, #tpu.memory_space<vmem>>
    %dma_start3A_127 = arith.constant 0 : i32
    %dma_start3A_128 = tpu.memref_slice %arg18[%dma_start3A_122, %dma_start3A_127] : memref<13x512xi32, #tpu.memory_space<vmem>> -> memref<1x512xi32, #tpu.memory_space<vmem>>
    %dma_start3A_129 = tpu.memref_squeeze %dma_start3A_128 : memref<1x512xi32, #tpu.memory_space<vmem>> -> memref<512xi32, #tpu.memory_space<vmem>>
    %dma_start3A_130 = arith.constant 0 : i32
    %dma_start3A_131 = tpu.memref_slice %arg16[%dma_start3A_130] : memref<1000000xf32, #tpu.memory_space<hbm>> -> memref<1000000xf32, #tpu.memory_space<hbm>>
    tpu.enqueue_indirect_dma source(%dma_start3A_131 : memref<1000000xf32, #tpu.memory_space<hbm>>) target(%dma_start3A_126 : memref<512xf32, #tpu.memory_space<vmem>>) offsets(%dma_start3A_129 : memref<512xi32, #tpu.memory_space<vmem>>) semaphore(%arg21 : memref<!tpu.dma_semaphore, #tpu.memory_space<semaphore_mem>>)
    %dma_wait3A = arith.constant 0 : i32
    %dma_wait3A_132 = arith.constant 0 : i32
    %dma_wait3A_133 = arith.constant 0 : i32
    %dma_wait3A_134 = tpu.memref_slice %arg19[%dma_wait3A_132, %dma_wait3A_133] : memref<13x512xf32, #tpu.memory_space<vmem>> -> memref<1x512xf32, #tpu.memory_space<vmem>>
    %dma_wait3A_135 = tpu.memref_squeeze %dma_wait3A_134 : memref<1x512xf32, #tpu.memory_space<vmem>> -> memref<512xf32, #tpu.memory_space<vmem>>
    %dma_wait3A_136 = arith.constant 0 : i32
    %dma_wait3A_137 = tpu.memref_slice %arg18[%dma_wait3A, %dma_wait3A_136] : memref<13x512xi32, #tpu.memory_space<vmem>> -> memref<1x512xi32, #tpu.memory_space<vmem>>
    %dma_wait3A_138 = tpu.memref_squeeze %dma_wait3A_137 : memref<1x512xi32, #tpu.memory_space<vmem>> -> memref<512xi32, #tpu.memory_space<vmem>>
    %dma_wait3A_139 = arith.constant 0 : i32
    %dma_wait3A_140 = tpu.memref_slice %arg4[%dma_wait3A_139] : memref<1000000xf32, #tpu.memory_space<hbm>> -> memref<1000000xf32, #tpu.memory_space<hbm>>
    tpu.wait_indirect_dma semaphore(%arg21 : memref<!tpu.dma_semaphore, #tpu.memory_space<semaphore_mem>>) src(%dma_wait3A_140 : memref<1000000xf32, #tpu.memory_space<hbm>>) dst(%dma_wait3A_135 : memref<512xf32, #tpu.memory_space<vmem>>)
    %dma_wait3A_141 = arith.constant 1 : i32
    %dma_wait3A_142 = arith.constant 1 : i32
    %dma_wait3A_143 = arith.constant 0 : i32
    %dma_wait3A_144 = tpu.memref_slice %arg19[%dma_wait3A_142, %dma_wait3A_143] : memref<13x512xf32, #tpu.memory_space<vmem>> -> memref<1x512xf32, #tpu.memory_space<vmem>>
    %dma_wait3A_145 = tpu.memref_squeeze %dma_wait3A_144 : memref<1x512xf32, #tpu.memory_space<vmem>> -> memref<512xf32, #tpu.memory_space<vmem>>
    %dma_wait3A_146 = arith.constant 0 : i32
    %dma_wait3A_147 = tpu.memref_slice %arg18[%dma_wait3A_141, %dma_wait3A_146] : memref<13x512xi32, #tpu.memory_space<vmem>> -> memref<1x512xi32, #tpu.memory_space<vmem>>
    %dma_wait3A_148 = tpu.memref_squeeze %dma_wait3A_147 : memref<1x512xi32, #tpu.memory_space<vmem>> -> memref<512xi32, #tpu.memory_space<vmem>>
    %dma_wait3A_149 = arith.constant 0 : i32
    %dma_wait3A_150 = tpu.memref_slice %arg5[%dma_wait3A_149] : memref<1000000xf32, #tpu.memory_space<hbm>> -> memref<1000000xf32, #tpu.memory_space<hbm>>
    tpu.wait_indirect_dma semaphore(%arg21 : memref<!tpu.dma_semaphore, #tpu.memory_space<semaphore_mem>>) src(%dma_wait3A_150 : memref<1000000xf32, #tpu.memory_space<hbm>>) dst(%dma_wait3A_145 : memref<512xf32, #tpu.memory_space<vmem>>)
    %dma_wait3A_151 = arith.constant 2 : i32
    %dma_wait3A_152 = arith.constant 2 : i32
    %dma_wait3A_153 = arith.constant 0 : i32
    %dma_wait3A_154 = tpu.memref_slice %arg19[%dma_wait3A_152, %dma_wait3A_153] : memref<13x512xf32, #tpu.memory_space<vmem>> -> memref<1x512xf32, #tpu.memory_space<vmem>>
    %dma_wait3A_155 = tpu.memref_squeeze %dma_wait3A_154 : memref<1x512xf32, #tpu.memory_space<vmem>> -> memref<512xf32, #tpu.memory_space<vmem>>
    %dma_wait3A_156 = arith.constant 0 : i32
    %dma_wait3A_157 = tpu.memref_slice %arg18[%dma_wait3A_151, %dma_wait3A_156] : memref<13x512xi32, #tpu.memory_space<vmem>> -> memref<1x512xi32, #tpu.memory_space<vmem>>
    %dma_wait3A_158 = tpu.memref_squeeze %dma_wait3A_157 : memref<1x512xi32, #tpu.memory_space<vmem>> -> memref<512xi32, #tpu.memory_space<vmem>>
    %dma_wait3A_159 = arith.constant 0 : i32
    %dma_wait3A_160 = tpu.memref_slice %arg6[%dma_wait3A_159] : memref<1000000xf32, #tpu.memory_space<hbm>> -> memref<1000000xf32, #tpu.memory_space<hbm>>
    tpu.wait_indirect_dma semaphore(%arg21 : memref<!tpu.dma_semaphore, #tpu.memory_space<semaphore_mem>>) src(%dma_wait3A_160 : memref<1000000xf32, #tpu.memory_space<hbm>>) dst(%dma_wait3A_155 : memref<512xf32, #tpu.memory_space<vmem>>)
    %dma_wait3A_161 = arith.constant 3 : i32
    %dma_wait3A_162 = arith.constant 3 : i32
    %dma_wait3A_163 = arith.constant 0 : i32
    %dma_wait3A_164 = tpu.memref_slice %arg19[%dma_wait3A_162, %dma_wait3A_163] : memref<13x512xf32, #tpu.memory_space<vmem>> -> memref<1x512xf32, #tpu.memory_space<vmem>>
    %dma_wait3A_165 = tpu.memref_squeeze %dma_wait3A_164 : memref<1x512xf32, #tpu.memory_space<vmem>> -> memref<512xf32, #tpu.memory_space<vmem>>
    %dma_wait3A_166 = arith.constant 0 : i32
    %dma_wait3A_167 = tpu.memref_slice %arg18[%dma_wait3A_161, %dma_wait3A_166] : memref<13x512xi32, #tpu.memory_space<vmem>> -> memref<1x512xi32, #tpu.memory_space<vmem>>
    %dma_wait3A_168 = tpu.memref_squeeze %dma_wait3A_167 : memref<1x512xi32, #tpu.memory_space<vmem>> -> memref<512xi32, #tpu.memory_space<vmem>>
    %dma_wait3A_169 = arith.constant 0 : i32
    %dma_wait3A_170 = tpu.memref_slice %arg7[%dma_wait3A_169] : memref<1000000xf32, #tpu.memory_space<hbm>> -> memref<1000000xf32, #tpu.memory_space<hbm>>
    tpu.wait_indirect_dma semaphore(%arg21 : memref<!tpu.dma_semaphore, #tpu.memory_space<semaphore_mem>>) src(%dma_wait3A_170 : memref<1000000xf32, #tpu.memory_space<hbm>>) dst(%dma_wait3A_165 : memref<512xf32, #tpu.memory_space<vmem>>)
    %dma_wait3A_171 = arith.constant 4 : i32
    %dma_wait3A_172 = arith.constant 4 : i32
    %dma_wait3A_173 = arith.constant 0 : i32
    %dma_wait3A_174 = tpu.memref_slice %arg19[%dma_wait3A_172, %dma_wait3A_173] : memref<13x512xf32, #tpu.memory_space<vmem>> -> memref<1x512xf32, #tpu.memory_space<vmem>>
    %dma_wait3A_175 = tpu.memref_squeeze %dma_wait3A_174 : memref<1x512xf32, #tpu.memory_space<vmem>> -> memref<512xf32, #tpu.memory_space<vmem>>
    %dma_wait3A_176 = arith.constant 0 : i32
    %dma_wait3A_177 = tpu.memref_slice %arg18[%dma_wait3A_171, %dma_wait3A_176] : memref<13x512xi32, #tpu.memory_space<vmem>> -> memref<1x512xi32, #tpu.memory_space<vmem>>
    %dma_wait3A_178 = tpu.memref_squeeze %dma_wait3A_177 : memref<1x512xi32, #tpu.memory_space<vmem>> -> memref<512xi32, #tpu.memory_space<vmem>>
    %dma_wait3A_179 = arith.constant 0 : i32
    %dma_wait3A_180 = tpu.memref_slice %arg8[%dma_wait3A_179] : memref<1000000xf32, #tpu.memory_space<hbm>> -> memref<1000000xf32, #tpu.memory_space<hbm>>
    tpu.wait_indirect_dma semaphore(%arg21 : memref<!tpu.dma_semaphore, #tpu.memory_space<semaphore_mem>>) src(%dma_wait3A_180 : memref<1000000xf32, #tpu.memory_space<hbm>>) dst(%dma_wait3A_175 : memref<512xf32, #tpu.memory_space<vmem>>)
    %dma_wait3A_181 = arith.constant 5 : i32
    %dma_wait3A_182 = arith.constant 5 : i32
    %dma_wait3A_183 = arith.constant 0 : i32
    %dma_wait3A_184 = tpu.memref_slice %arg19[%dma_wait3A_182, %dma_wait3A_183] : memref<13x512xf32, #tpu.memory_space<vmem>> -> memref<1x512xf32, #tpu.memory_space<vmem>>
    %dma_wait3A_185 = tpu.memref_squeeze %dma_wait3A_184 : memref<1x512xf32, #tpu.memory_space<vmem>> -> memref<512xf32, #tpu.memory_space<vmem>>
    %dma_wait3A_186 = arith.constant 0 : i32
    %dma_wait3A_187 = tpu.memref_slice %arg18[%dma_wait3A_181, %dma_wait3A_186] : memref<13x512xi32, #tpu.memory_space<vmem>> -> memref<1x512xi32, #tpu.memory_space<vmem>>
    %dma_wait3A_188 = tpu.memref_squeeze %dma_wait3A_187 : memref<1x512xi32, #tpu.memory_space<vmem>> -> memref<512xi32, #tpu.memory_space<vmem>>
    %dma_wait3A_189 = arith.constant 0 : i32
    %dma_wait3A_190 = tpu.memref_slice %arg9[%dma_wait3A_189] : memref<1000000xf32, #tpu.memory_space<hbm>> -> memref<1000000xf32, #tpu.memory_space<hbm>>
    tpu.wait_indirect_dma semaphore(%arg21 : memref<!tpu.dma_semaphore, #tpu.memory_space<semaphore_mem>>) src(%dma_wait3A_190 : memref<1000000xf32, #tpu.memory_space<hbm>>) dst(%dma_wait3A_185 : memref<512xf32, #tpu.memory_space<vmem>>)
    %dma_wait3A_191 = arith.constant 6 : i32
    %dma_wait3A_192 = arith.constant 6 : i32
    %dma_wait3A_193 = arith.constant 0 : i32
    %dma_wait3A_194 = tpu.memref_slice %arg19[%dma_wait3A_192, %dma_wait3A_193] : memref<13x512xf32, #tpu.memory_space<vmem>> -> memref<1x512xf32, #tpu.memory_space<vmem>>
    %dma_wait3A_195 = tpu.memref_squeeze %dma_wait3A_194 : memref<1x512xf32, #tpu.memory_space<vmem>> -> memref<512xf32, #tpu.memory_space<vmem>>
    %dma_wait3A_196 = arith.constant 0 : i32
    %dma_wait3A_197 = tpu.memref_slice %arg18[%dma_wait3A_191, %dma_wait3A_196] : memref<13x512xi32, #tpu.memory_space<vmem>> -> memref<1x512xi32, #tpu.memory_space<vmem>>
    %dma_wait3A_198 = tpu.memref_squeeze %dma_wait3A_197 : memref<1x512xi32, #tpu.memory_space<vmem>> -> memref<512xi32, #tpu.memory_space<vmem>>
    %dma_wait3A_199 = arith.constant 0 : i32
    %dma_wait3A_200 = tpu.memref_slice %arg10[%dma_wait3A_199] : memref<1000000xf32, #tpu.memory_space<hbm>> -> memref<1000000xf32, #tpu.memory_space<hbm>>
    tpu.wait_indirect_dma semaphore(%arg21 : memref<!tpu.dma_semaphore, #tpu.memory_space<semaphore_mem>>) src(%dma_wait3A_200 : memref<1000000xf32, #tpu.memory_space<hbm>>) dst(%dma_wait3A_195 : memref<512xf32, #tpu.memory_space<vmem>>)
    %dma_wait3A_201 = arith.constant 7 : i32
    %dma_wait3A_202 = arith.constant 7 : i32
    %dma_wait3A_203 = arith.constant 0 : i32
    %dma_wait3A_204 = tpu.memref_slice %arg19[%dma_wait3A_202, %dma_wait3A_203] : memref<13x512xf32, #tpu.memory_space<vmem>> -> memref<1x512xf32, #tpu.memory_space<vmem>>
    %dma_wait3A_205 = tpu.memref_squeeze %dma_wait3A_204 : memref<1x512xf32, #tpu.memory_space<vmem>> -> memref<512xf32, #tpu.memory_space<vmem>>
    %dma_wait3A_206 = arith.constant 0 : i32
    %dma_wait3A_207 = tpu.memref_slice %arg18[%dma_wait3A_201, %dma_wait3A_206] : memref<13x512xi32, #tpu.memory_space<vmem>> -> memref<1x512xi32, #tpu.memory_space<vmem>>
    %dma_wait3A_208 = tpu.memref_squeeze %dma_wait3A_207 : memref<1x512xi32, #tpu.memory_space<vmem>> -> memref<512xi32, #tpu.memory_space<vmem>>
    %dma_wait3A_209 = arith.constant 0 : i32
    %dma_wait3A_210 = tpu.memref_slice %arg11[%dma_wait3A_209] : memref<1000000xf32, #tpu.memory_space<hbm>> -> memref<1000000xf32, #tpu.memory_space<hbm>>
    tpu.wait_indirect_dma semaphore(%arg21 : memref<!tpu.dma_semaphore, #tpu.memory_space<semaphore_mem>>) src(%dma_wait3A_210 : memref<1000000xf32, #tpu.memory_space<hbm>>) dst(%dma_wait3A_205 : memref<512xf32, #tpu.memory_space<vmem>>)
    %dma_wait3A_211 = arith.constant 8 : i32
    %dma_wait3A_212 = arith.constant 8 : i32
    %dma_wait3A_213 = arith.constant 0 : i32
    %dma_wait3A_214 = tpu.memref_slice %arg19[%dma_wait3A_212, %dma_wait3A_213] : memref<13x512xf32, #tpu.memory_space<vmem>> -> memref<1x512xf32, #tpu.memory_space<vmem>>
    %dma_wait3A_215 = tpu.memref_squeeze %dma_wait3A_214 : memref<1x512xf32, #tpu.memory_space<vmem>> -> memref<512xf32, #tpu.memory_space<vmem>>
    %dma_wait3A_216 = arith.constant 0 : i32
    %dma_wait3A_217 = tpu.memref_slice %arg18[%dma_wait3A_211, %dma_wait3A_216] : memref<13x512xi32, #tpu.memory_space<vmem>> -> memref<1x512xi32, #tpu.memory_space<vmem>>
    %dma_wait3A_218 = tpu.memref_squeeze %dma_wait3A_217 : memref<1x512xi32, #tpu.memory_space<vmem>> -> memref<512xi32, #tpu.memory_space<vmem>>
    %dma_wait3A_219 = arith.constant 0 : i32
    %dma_wait3A_220 = tpu.memref_slice %arg12[%dma_wait3A_219] : memref<1000000xf32, #tpu.memory_space<hbm>> -> memref<1000000xf32, #tpu.memory_space<hbm>>
    tpu.wait_indirect_dma semaphore(%arg21 : memref<!tpu.dma_semaphore, #tpu.memory_space<semaphore_mem>>) src(%dma_wait3A_220 : memref<1000000xf32, #tpu.memory_space<hbm>>) dst(%dma_wait3A_215 : memref<512xf32, #tpu.memory_space<vmem>>)
    %dma_wait3A_221 = arith.constant 9 : i32
    %dma_wait3A_222 = arith.constant 9 : i32
    %dma_wait3A_223 = arith.constant 0 : i32
    %dma_wait3A_224 = tpu.memref_slice %arg19[%dma_wait3A_222, %dma_wait3A_223] : memref<13x512xf32, #tpu.memory_space<vmem>> -> memref<1x512xf32, #tpu.memory_space<vmem>>
    %dma_wait3A_225 = tpu.memref_squeeze %dma_wait3A_224 : memref<1x512xf32, #tpu.memory_space<vmem>> -> memref<512xf32, #tpu.memory_space<vmem>>
    %dma_wait3A_226 = arith.constant 0 : i32
    %dma_wait3A_227 = tpu.memref_slice %arg18[%dma_wait3A_221, %dma_wait3A_226] : memref<13x512xi32, #tpu.memory_space<vmem>> -> memref<1x512xi32, #tpu.memory_space<vmem>>
    %dma_wait3A_228 = tpu.memref_squeeze %dma_wait3A_227 : memref<1x512xi32, #tpu.memory_space<vmem>> -> memref<512xi32, #tpu.memory_space<vmem>>
    %dma_wait3A_229 = arith.constant 0 : i32
    %dma_wait3A_230 = tpu.memref_slice %arg13[%dma_wait3A_229] : memref<1000000xf32, #tpu.memory_space<hbm>> -> memref<1000000xf32, #tpu.memory_space<hbm>>
    tpu.wait_indirect_dma semaphore(%arg21 : memref<!tpu.dma_semaphore, #tpu.memory_space<semaphore_mem>>) src(%dma_wait3A_230 : memref<1000000xf32, #tpu.memory_space<hbm>>) dst(%dma_wait3A_225 : memref<512xf32, #tpu.memory_space<vmem>>)
    %dma_wait3A_231 = arith.constant 10 : i32
    %dma_wait3A_232 = arith.constant 10 : i32
    %dma_wait3A_233 = arith.constant 0 : i32
    %dma_wait3A_234 = tpu.memref_slice %arg19[%dma_wait3A_232, %dma_wait3A_233] : memref<13x512xf32, #tpu.memory_space<vmem>> -> memref<1x512xf32, #tpu.memory_space<vmem>>
    %dma_wait3A_235 = tpu.memref_squeeze %dma_wait3A_234 : memref<1x512xf32, #tpu.memory_space<vmem>> -> memref<512xf32, #tpu.memory_space<vmem>>
    %dma_wait3A_236 = arith.constant 0 : i32
    %dma_wait3A_237 = tpu.memref_slice %arg18[%dma_wait3A_231, %dma_wait3A_236] : memref<13x512xi32, #tpu.memory_space<vmem>> -> memref<1x512xi32, #tpu.memory_space<vmem>>
    %dma_wait3A_238 = tpu.memref_squeeze %dma_wait3A_237 : memref<1x512xi32, #tpu.memory_space<vmem>> -> memref<512xi32, #tpu.memory_space<vmem>>
    %dma_wait3A_239 = arith.constant 0 : i32
    %dma_wait3A_240 = tpu.memref_slice %arg14[%dma_wait3A_239] : memref<1000000xf32, #tpu.memory_space<hbm>> -> memref<1000000xf32, #tpu.memory_space<hbm>>
    tpu.wait_indirect_dma semaphore(%arg21 : memref<!tpu.dma_semaphore, #tpu.memory_space<semaphore_mem>>) src(%dma_wait3A_240 : memref<1000000xf32, #tpu.memory_space<hbm>>) dst(%dma_wait3A_235 : memref<512xf32, #tpu.memory_space<vmem>>)
    %dma_wait3A_241 = arith.constant 11 : i32
    %dma_wait3A_242 = arith.constant 11 : i32
    %dma_wait3A_243 = arith.constant 0 : i32
    %dma_wait3A_244 = tpu.memref_slice %arg19[%dma_wait3A_242, %dma_wait3A_243] : memref<13x512xf32, #tpu.memory_space<vmem>> -> memref<1x512xf32, #tpu.memory_space<vmem>>
    %dma_wait3A_245 = tpu.memref_squeeze %dma_wait3A_244 : memref<1x512xf32, #tpu.memory_space<vmem>> -> memref<512xf32, #tpu.memory_space<vmem>>
    %dma_wait3A_246 = arith.constant 0 : i32
    %dma_wait3A_247 = tpu.memref_slice %arg18[%dma_wait3A_241, %dma_wait3A_246] : memref<13x512xi32, #tpu.memory_space<vmem>> -> memref<1x512xi32, #tpu.memory_space<vmem>>
    %dma_wait3A_248 = tpu.memref_squeeze %dma_wait3A_247 : memref<1x512xi32, #tpu.memory_space<vmem>> -> memref<512xi32, #tpu.memory_space<vmem>>
    %dma_wait3A_249 = arith.constant 0 : i32
    %dma_wait3A_250 = tpu.memref_slice %arg15[%dma_wait3A_249] : memref<1000000xf32, #tpu.memory_space<hbm>> -> memref<1000000xf32, #tpu.memory_space<hbm>>
    tpu.wait_indirect_dma semaphore(%arg21 : memref<!tpu.dma_semaphore, #tpu.memory_space<semaphore_mem>>) src(%dma_wait3A_250 : memref<1000000xf32, #tpu.memory_space<hbm>>) dst(%dma_wait3A_245 : memref<512xf32, #tpu.memory_space<vmem>>)
    %dma_wait3A_251 = arith.constant 12 : i32
    %dma_wait3A_252 = arith.constant 12 : i32
    %dma_wait3A_253 = arith.constant 0 : i32
    %dma_wait3A_254 = tpu.memref_slice %arg19[%dma_wait3A_252, %dma_wait3A_253] : memref<13x512xf32, #tpu.memory_space<vmem>> -> memref<1x512xf32, #tpu.memory_space<vmem>>
    %dma_wait3A_255 = tpu.memref_squeeze %dma_wait3A_254 : memref<1x512xf32, #tpu.memory_space<vmem>> -> memref<512xf32, #tpu.memory_space<vmem>>
    %dma_wait3A_256 = arith.constant 0 : i32
    %dma_wait3A_257 = tpu.memref_slice %arg18[%dma_wait3A_251, %dma_wait3A_256] : memref<13x512xi32, #tpu.memory_space<vmem>> -> memref<1x512xi32, #tpu.memory_space<vmem>>
    %dma_wait3A_258 = tpu.memref_squeeze %dma_wait3A_257 : memref<1x512xi32, #tpu.memory_space<vmem>> -> memref<512xi32, #tpu.memory_space<vmem>>
    %dma_wait3A_259 = arith.constant 0 : i32
    %dma_wait3A_260 = tpu.memref_slice %arg16[%dma_wait3A_259] : memref<1000000xf32, #tpu.memory_space<hbm>> -> memref<1000000xf32, #tpu.memory_space<hbm>>
    tpu.wait_indirect_dma semaphore(%arg21 : memref<!tpu.dma_semaphore, #tpu.memory_space<semaphore_mem>>) src(%dma_wait3A_260 : memref<1000000xf32, #tpu.memory_space<hbm>>) dst(%dma_wait3A_255 : memref<512xf32, #tpu.memory_space<vmem>>)
    %scan3A = arith.constant 0 : i32
    %scan3A_261 = arith.constant 0 : i32
    %scan3A_262 = arith.constant 32 : i32
    %scan3A_263 = arith.addi %scan3A_261, %scan3A_262 : i32
    %scan3A_264 = arith.constant 1 : i32
    scf.for %scan3A_266 = %scan3A_261 to %scan3A_263 step %scan3A_264  : i32 {
      %mul3A_267 = arith.constant 16 : i32
      %mul3A_268 = arith.muli %scan3A_266, %mul3A_267 : i32
      %get3A = arith.index_cast %mul3A_268 : i32 to index
      %get3A_269 = tpu.vector_load %arg20[%get3A] {strides = array<i32>} : memref<512xf32, #tpu.memory_space<vmem>>, vector<16xf32>,
      %get3A_270 = arith.constant 0 : i32
      %get3A_271 = arith.index_cast %get3A_270 : i32 to index
      %get3A_272 = arith.index_cast %mul3A_268 : i32 to index
      %get3A_273 = tpu.vector_load %arg19[%get3A_271, %get3A_272] {strides = array<i32>} : memref<13x512xf32, #tpu.memory_space<vmem>>, vector<16xf32>,
      %add3A_274 = arith.addf %get3A_269, %get3A_273 : vector<16xf32>
      %get3A_275 = arith.constant 1 : i32
      %get3A_276 = arith.index_cast %get3A_275 : i32 to index
      %get3A_277 = arith.index_cast %mul3A_268 : i32 to index
      %get3A_278 = tpu.vector_load %arg19[%get3A_276, %get3A_277] {strides = array<i32>} : memref<13x512xf32, #tpu.memory_space<vmem>>, vector<16xf32>,
      %add3A_279 = arith.addf %add3A_274, %get3A_278 : vector<16xf32>
      %get3A_280 = arith.constant 2 : i32
      %get3A_281 = arith.index_cast %get3A_280 : i32 to index
      %get3A_282 = arith.index_cast %mul3A_268 : i32 to index
      %get3A_283 = tpu.vector_load %arg19[%get3A_281, %get3A_282] {strides = array<i32>} : memref<13x512xf32, #tpu.memory_space<vmem>>, vector<16xf32>,
      %add3A_284 = arith.addf %add3A_279, %get3A_283 : vector<16xf32>
      %get3A_285 = arith.constant 3 : i32
      %get3A_286 = arith.index_cast %get3A_285 : i32 to index
      %get3A_287 = arith.index_cast %mul3A_268 : i32 to index
      %get3A_288 = tpu.vector_load %arg19[%get3A_286, %get3A_287] {strides = array<i32>} : memref<13x512xf32, #tpu.memory_space<vmem>>, vector<16xf32>,
      %add3A_289 = arith.addf %add3A_284, %get3A_288 : vector<16xf32>
      %get3A_290 = arith.constant 4 : i32
      %get3A_291 = arith.index_cast %get3A_290 : i32 to index
      %get3A_292 = arith.index_cast %mul3A_268 : i32 to index
      %get3A_293 = tpu.vector_load %arg19[%get3A_291, %get3A_292] {strides = array<i32>} : memref<13x512xf32, #tpu.memory_space<vmem>>, vector<16xf32>,
      %add3A_294 = arith.addf %add3A_289, %get3A_293 : vector<16xf32>
      %get3A_295 = arith.constant 5 : i32
      %get3A_296 = arith.index_cast %get3A_295 : i32 to index
      %get3A_297 = arith.index_cast %mul3A_268 : i32 to index
      %get3A_298 = tpu.vector_load %arg19[%get3A_296, %get3A_297] {strides = array<i32>} : memref<13x512xf32, #tpu.memory_space<vmem>>, vector<16xf32>,
      %add3A_299 = arith.addf %add3A_294, %get3A_298 : vector<16xf32>
      %get3A_300 = arith.constant 6 : i32
      %get3A_301 = arith.index_cast %get3A_300 : i32 to index
      %get3A_302 = arith.index_cast %mul3A_268 : i32 to index
      %get3A_303 = tpu.vector_load %arg19[%get3A_301, %get3A_302] {strides = array<i32>} : memref<13x512xf32, #tpu.memory_space<vmem>>, vector<16xf32>,
      %add3A_304 = arith.addf %add3A_299, %get3A_303 : vector<16xf32>
      %get3A_305 = arith.constant 7 : i32
      %get3A_306 = arith.index_cast %get3A_305 : i32 to index
      %get3A_307 = arith.index_cast %mul3A_268 : i32 to index
      %get3A_308 = tpu.vector_load %arg19[%get3A_306, %get3A_307] {strides = array<i32>} : memref<13x512xf32, #tpu.memory_space<vmem>>, vector<16xf32>,
      %add3A_309 = arith.addf %add3A_304, %get3A_308 : vector<16xf32>
      %get3A_310 = arith.constant 8 : i32
      %get3A_311 = arith.index_cast %get3A_310 : i32 to index
      %get3A_312 = arith.index_cast %mul3A_268 : i32 to index
      %get3A_313 = tpu.vector_load %arg19[%get3A_311, %get3A_312] {strides = array<i32>} : memref<13x512xf32, #tpu.memory_space<vmem>>, vector<16xf32>,
      %add3A_314 = arith.addf %add3A_309, %get3A_313 : vector<16xf32>
      %get3A_315 = arith.constant 9 : i32
      %get3A_316 = arith.index_cast %get3A_315 : i32 to index
      %get3A_317 = arith.index_cast %mul3A_268 : i32 to index
      %get3A_318 = tpu.vector_load %arg19[%get3A_316, %get3A_317] {strides = array<i32>} : memref<13x512xf32, #tpu.memory_space<vmem>>, vector<16xf32>,
      %add3A_319 = arith.addf %add3A_314, %get3A_318 : vector<16xf32>
      %get3A_320 = arith.constant 10 : i32
      %get3A_321 = arith.index_cast %get3A_320 : i32 to index
      %get3A_322 = arith.index_cast %mul3A_268 : i32 to index
      %get3A_323 = tpu.vector_load %arg19[%get3A_321, %get3A_322] {strides = array<i32>} : memref<13x512xf32, #tpu.memory_space<vmem>>, vector<16xf32>,
      %add3A_324 = arith.addf %add3A_319, %get3A_323 : vector<16xf32>
      %get3A_325 = arith.constant 11 : i32
      %get3A_326 = arith.index_cast %get3A_325 : i32 to index
      %get3A_327 = arith.index_cast %mul3A_268 : i32 to index
      %get3A_328 = tpu.vector_load %arg19[%get3A_326, %get3A_327] {strides = array<i32>} : memref<13x512xf32, #tpu.memory_space<vmem>>, vector<16xf32>,
      %add3A_329 = arith.addf %add3A_324, %get3A_328 : vector<16xf32>
      %get3A_330 = arith.constant 12 : i32
      %get3A_331 = arith.index_cast %get3A_330 : i32 to index
      %get3A_332 = arith.index_cast %mul3A_268 : i32 to index
      %get3A_333 = tpu.vector_load %arg19[%get3A_331, %get3A_332] {strides = array<i32>} : memref<13x512xf32, #tpu.memory_space<vmem>>, vector<16xf32>,
      %add3A_334 = arith.addf %add3A_329, %get3A_333 : vector<16xf32>
      %swap3A = arith.index_cast %mul3A_268 : i32 to index
      %swap3A_335 = tpu.vector_load %arg20[%swap3A] {strides = array<i32>} : memref<512xf32, #tpu.memory_space<vmem>>, vector<16xf32>,
      tpu.vector_store %arg20[%swap3A], %add3A_334 {strides = array<i32>} : memref<512xf32, #tpu.memory_space<vmem>>, vector<16xf32>,
    }
    %scan3A_265 = arith.constant 32 : i32
    "tpu.region"() ({
      %run_scoped3A = tpu.sem_alloc : memref<!tpu.dma_semaphore, #tpu.memory_space<semaphore_mem>>
      %dma_start3A_266 = tpu.memref_slice %arg17[%mul3A_2] : memref<16384xf32, #tpu.memory_space<hbm>> -> memref<512xf32, #tpu.memory_space<hbm>>
      %dma_start3A_267 = tpu.memref_slice %arg17[%mul3A_2] : memref<16384xf32, #tpu.memory_space<hbm>> -> memref<512xf32, #tpu.memory_space<hbm>>
      tpu.enqueue_dma source(%arg20 : memref<512xf32, #tpu.memory_space<vmem>>) target(%dma_start3A_267 : memref<512xf32, #tpu.memory_space<hbm>>) target_semaphore(%run_scoped3A : memref<!tpu.dma_semaphore, #tpu.memory_space<semaphore_mem>>)
      %dma_wait3A_268 = tpu.memref_slice %arg17[%mul3A_2] : memref<16384xf32, #tpu.memory_space<hbm>> -> memref<512xf32, #tpu.memory_space<hbm>>
      %dma_wait3A_269 = tpu.memref_slice %arg17[%mul3A_2] : memref<16384xf32, #tpu.memory_space<hbm>> -> memref<512xf32, #tpu.memory_space<hbm>>
      tpu.wait_dma2 semaphore(%run_scoped3A : memref<!tpu.dma_semaphore, #tpu.memory_space<semaphore_mem>>) src(%arg20 : memref<512xf32, #tpu.memory_space<vmem>>) dst(%dma_wait3A_269 : memref<512xf32, #tpu.memory_space<hbm>>)
      tpu.yield
    }) : () -> ()
    return
  }
}

</mosaic_0001>

<sc_bundles>
// kernel: _run.11.cloned.1.call-start
scs
__scs_entry_jumppad:
0x0: {  	(pc) =	sbr.rel $0x88, $3  }
0x1: {  	(tag) =	ssettag $0x0;
	lr =	simm.s32 $0x1  }
0x2: {  	[smem:$0x3F85] =	sst lr;
	_ =	strace $0xD0000000  }
0x3: {  	_ = 	snop  }
0x4: {  	_ = 	snop  }
0x5: {  	_ = 	snop  }
0x6: {  	_ = 	snop  }
0x7: {  	_ = 	snop  }
__scs_overlays_trampoline_lowered:
0x8: {  	[smem:$0x3F94] =	sst s0  }
0x9: {  	[smem:$0x3F95] =	sst s1  }
0xa: {  	[smem:$0x3F96] =	sst s2  }
0xb: {  	[smem:$0x3F97] =	sst s3  }
0xc: {  	[smem:$0x3F98] =	sst s4  }
0xd: {  	[smem:$0x3F99] =	sst s5  }
0xe: {  	[smem:$0x3F9A] =	sst s6  }
0xf: {  	[smem:$0x3F9B] =	sst s7  }
0x10: {  	[smem:$0x3F9C] =	sst s8  }
0x11: {  	[smem:$0x3F9D] =	sst s9;
	s0 =	simm.s32 @!p0 $0x0  }
0x12: {  	s1 =	sld [smem:$0x3F83];
	s0 =	simm.s32 @p0 $0x1  }
0x13: {  	[smem:$0x3F9E] =	sst s0;
	s0 =	simm.s32 @!p1 $0x0  }
0x14: {  	s2 =	sld [smem:$0x3F82];
	s0 =	simm.s32 @p1 $0x1  }
0x15: {  	[smem:$0x3F9F] =	sst s0;
	s0 =	simm.s32 @!p2 $0x0  }
0x16: {  	s3 =	sld [smem:$0x3FDB];
	s0 =	simm.s32 @p2 $0x1  }
0x17: {  	s4 =	simm.s32 $0x1BF5;
	[smem:$0x3FA1] =	sst s0  }
0x18: {  	s0 =	sld [smem:$0x3F84];
	_ =	swait.ge [sflag:s4], $0x0  }
0x19: {  	s7 =	sld [smem:$0x3F85]  }
0x1a: {  	s8 =	sadd.s32 $0xFFFFE003, lr  }
0x1b: {  	s9 =	sadd.s32 $0xFFFFFEF7, lr;
	s5 =	simm.s32 $0xFFFFFFFF;
	p2 =	slt.u32 s8, $0xFFFFF086  }
0x1c: {  	p1 =	slt.u32 s9, $0xF7A;
	s5 =	simm.s32 @!p2 $0x0  }
0x1d: {  	s5 =	simm.s32 @p1 $0x1;
	p0 =	seq.s32 s7, s2  }
0x1e: {  	s7 =	smul.u32 @!p0 $0xF7A, s2;
	p2 =	seq.s32 @!p0 s5, $0x0  }
0x1f: {  	s9 =	smul.u32 $0xF7A, s1;
	s8 =	simm.s32 @!p0 $0x1BF5;
	p2 =	por !p2, p0  }
0x20: {  	[sflag:s8] =	ssyncset.s32 @!p0 $0xFFFFF086;
	s6 =	sadd.s32 @!p0 s3, s7;
	s7 =	simm.s32 @!p0 $0x108  }
0x21: {  	s3 =	sadd.s32 s3, s9;
	s6 =	sadd.s32 @!p0 $0x88, s6;
	s7 =	simm.s32 @p2 $0x1082  }
0x22: {  	[simem:s7], [sflag:s8] =	dma.local @!p0 [hbm:s6], $0xF7A  }
0x23: {  	s9 =	sor.u32 $0xD0000000, s2;
	s6 =	simm.s32 $0x108;
	_ =	swait.ge @!p0 [sflag:s8], $0x0  }
0x24: {  	s3 =	sadd.s32 $0x88, s3;
	s6 =	simm.s32 @!p1 $0x1082;
	[sflag:s4] =	ssyncset.s32 $0xFFFFF086  }
0x25: {  	[simem:s6], [sflag:s4] =	dma.local [hbm:s3], $0xF7A  }
0x26: {  	[smem:$0x3F85] =	sst s1;
	(tag) =	ssettag s2;
	_ =	strace s9  }
0x27: {  	s1 =	sld [smem:$0x3F95]  }
0x28: {  	s2 =	sld [smem:$0x3F96]  }
0x29: {  	s4 =	sld [smem:$0x3F98]  }
0x2a: {  	p0 =	seq.s32 s5, $0x0;
	s5 =	sld [smem:$0x3F99]  }
0x2b: {  	s6 =	sld [smem:$0x3F9A]  }
0x2c: {  	s7 =	sld [smem:$0x3F9B]  }
0x2d: {  	s3 =	simm.s32 $0x108;
	s8 =	sld [smem:$0x3F9C]  }
0x2e: {  	s3 =	simm.s32 @!p0 $0x1082;
	s9 =	sld [smem:$0x3F9D]  }
0x2f: {  	lr =	sadd.s32 s0, s3;
	s0 =	sld [smem:$0x3F94]  }
0x30: {  	s3 =	sld [smem:$0x3F97]  }
0x31: {  	[smem:$0x3FA0] =	sst s10  }
0x32: {  	s10 =	sld [smem:$0x3F9E];
	_ =	sdelay $0x3  }
0x33: {  	p0 =	seq.s32 s10, $0x1;
	s10 =	sld [smem:$0x3FA0];
	_ =	sdelay $0x3  }
0x34: {  	[smem:$0x3FA0] =	sst s10  }
0x35: {  	s10 =	sld [smem:$0x3F9F];
	_ =	sdelay $0x3  }
0x36: {  	p1 =	seq.s32 s10, $0x1;
	s10 =	sld [smem:$0x3FA0];
	_ =	sdelay $0x3  }
0x37: {  	[smem:$0x3FA0] =	sst s10  }
0x38: {  	s10 =	sld [smem:$0x3FA1]  }
0x39: {  	_ = 	snop;
	(pc) =	sbr.ind lr, $3  }
0x3a: {  	_ = 	snop  }
0x3b: {  	_ = 	snop  }
0x3c: {  	p2 =	seq.s32 s10, $0x1;
	s10 =	sld [smem:$0x3FA0]  }
0x3d: {  	_ =	shalt  }
0x3e: {  	_ =	shalt  }
0x3f: {  	_ =	shalt  }
0x40: {  	_ =	shalt  }
0x41: {  	_ =	shalt  }
0x42: {  	_ =	shalt  }
0x43: {  	_ =	shalt  }
0x44: {  	_ =	shalt  }
0x45: {  	_ =	shalt  }
0x46: {  	_ =	shalt  }
0x47: {  	_ =	shalt  }
0x48: {  	_ =	shalt  }
0x49: {  	_ =	shalt  }
0x4a: {  	_ =	shalt  }
0x4b: {  	_ =	shalt  }
0x4c: {  	_ =	shalt  }
0x4d: {  	_ =	shalt  }
0x4e: {  	_ =	shalt  }
0x4f: {  	_ =	shalt  }
0x50: {  	_ =	shalt  }
0x51: {  	_ =	shalt  }
0x52: {  	_ =	shalt  }
0x53: {  	_ =	shalt  }
0x54: {  	_ =	shalt  }
0x55: {  	_ =	shalt  }
0x56: {  	_ =	shalt  }
0x57: {  	_ =	shalt  }
0x58: {  	_ =	shalt  }
0x59: {  	_ =	shalt  }
0x5a: {  	_ =	shalt  }
0x5b: {  	_ =	shalt  }
0x5c: {  	_ =	shalt  }
0x5d: {  	_ =	shalt  }
0x5e: {  	_ =	shalt  }
0x5f: {  	_ =	shalt  }
0x60: {  	_ =	shalt  }
0x61: {  	_ =	shalt  }
0x62: {  	_ =	shalt  }
0x63: {  	_ =	shalt  }
0x64: {  	_ =	shalt  }
0x65: {  	_ =	shalt  }
0x66: {  	_ =	shalt  }
0x67: {  	_ =	shalt  }
0x68: {  	_ =	shalt  }
0x69: {  	_ =	shalt  }
0x6a: {  	_ =	shalt  }
0x6b: {  	_ =	shalt  }
0x6c: {  	_ =	shalt  }
0x6d: {  	_ =	shalt  }
0x6e: {  	_ =	shalt  }
0x6f: {  	_ =	shalt  }
0x70: {  	_ =	shalt  }
0x71: {  	_ =	shalt  }
0x72: {  	_ =	shalt  }
0x73: {  	_ =	shalt  }
0x74: {  	_ =	shalt  }
0x75: {  	_ =	shalt  }
0x76: {  	_ =	shalt  }
0x77: {  	_ =	shalt  }
0x78: {  	_ =	shalt  }
0x79: {  	_ =	shalt  }
0x7a: {  	_ =	shalt  }
0x7b: {  	_ =	shalt  }
0x7c: {  	_ =	shalt  }
0x7d: {  	_ =	shalt  }
0x7e: {  	_ =	shalt  }
0x7f: {  	_ =	shalt  }
0x80: {  	_ =	shalt  }
0x81: {  	_ =	shalt  }
0x82: {  	_ =	shalt  }
0x83: {  	_ =	shalt  }
0x84: {  	_ =	shalt  }
0x85: {  	_ =	shalt  }
0x86: {  	_ =	shalt  }
0x87: {  	_ =	shalt  }
.Lfunc_end0:
.L_simem_size_0:
called_computation.2_lowered:
.L_overlay_start_0:
0x88: {  	s2 =	sld [smem:$0x3FD9]  }
0x89: {  	s3 =	sld [smem:$0x3FFE];
	_ =	sdelay $0x1  }
0x8a: {  	s1 =	srdreg.scid  }
0x8b: {  	s0 =	sand.u32 $0x1, s1  }
0x8c: {  	s24 =	sshll.u32 s0, $0xA;
	s2 =	sadd.s32 s3, s2  }
0x8d: {  	s2 =	sadd.s32 s2, s24  }
0x8e: {  	[smem:$0x3FAC] =	sst s2  }
0x8f: {  	_ = 	snop  }
0x90: {  	s2 =	sld [smem:$0x3FBA]  }
0x91: {  	s3 =	sld [smem:$0x3FB9]  }
0x92: {  	s4 =	sld [smem:$0x3FB8]  }
0x93: {  	s5 =	sld [smem:$0x3FB7]  }
0x94: {  	s6 =	sld [smem:$0x3FB6]  }
0x95: {  	s7 =	sld [smem:$0x3FB5]  }
0x96: {  	s8 =	sld [smem:$0x3FB4]  }
0x97: {  	s9 =	sld [smem:$0x3FB3]  }
0x98: {  	s10 =	sld [smem:$0x3FB2]  }
0x99: {  	s11 =	sld [smem:$0x3FB1]  }
0x9a: {  	s12 =	sld [smem:$0x3FB0]  }
0x9b: {  	s13 =	sld [smem:$0x3FAF]  }
0x9c: {  	s14 =	sld [smem:$0x3FAE]  }
0x9d: {  	s16 =	sld [smem:$0x3FD0];
	(tm) =	ssettm $0x1  }
0x9e: {  	s15 =	sld [smem:$0x3FFB];
	_ =	sdelay $0x3  }
0x9f: {  	_ =	strace s15  }
0xa0: {  	s15 =	sld [smem:$0x3FFC];
	_ =	sdelay $0x3  }
0xa1: {  	_ =	strace s15  }
0xa2: {  	s15 =	sld [smem:$0x3FFD];
	_ =	sdelay $0x3  }
0xa3: {  	_ =	strace s15  }
0xa4: {  	_ =	strace $0x8FFFFFFF  }
0xa5: {  	s25 =	sld [smem:$0x3FDB];
	_ =	sdelay $0x1  }
0xa6: {  	s17 =	simm.s32 $_scs_section_size  }
0xa7: {  	s18 =	simm.s32 $_size__tile_task_arg_handler_lowered;
	s19 =	simm.s32 $_tile_task_arg_handler_lowered  }
0xa8: {  	s29 =	simm.s32 $0x1BFF;
	s28 =	sshll.u32 s19, $0x1;
	s17 =	sadd.s32 s17, s25  }
0xa9: {  	s20 =	simm.s32 $0x60;
	s26 =	sshll.u32 s18, $0x1;
	s18 =	sadd.s32 s28, s17  }
0xaa: {  	[timem:s20], [sflag:s29] =	dma.local [hbm:s18], s26  }
0xab: {  	_ =	swait.ge [sflag:s29], s26  }
0xac: {  	s30 =	simm.s32 $_tile_overlayer_lowered;
	s15 =	ssub.s32 $0x0, s26;
	[sflag:s29] =	ssyncset.done $0x0  }
0xad: {  	s31 =	simm.s32 $_size__tile_overlayer_lowered;
	s18 =	sshll.u32 s30, $0x1;
	[sflag:s29] =	ssyncadd.s32 s15  }
0xae: {  	s21 =	simm.s32 $0x0;
	s18 =	sadd.s32 s18, s17;
	s15 =	sshll.u32 s31, $0x1  }
0xaf: {  	[timem:s21], [sflag:s29] =	dma.local [hbm:s18], s15  }
0xb0: {  	_ =	swait.ge [sflag:s29], s15  }
0xb1: {  	s22 =	ssub.s32 $0x0, s15;
	[sflag:s29] =	ssyncset.done $0x0  }
0xb2: {  	[sflag:s29] =	ssyncadd.s32 s22;
	_ =	sdelay $0x1  }
0xb3: {  	s23 =	simm.s32 $0x1B8B  }
0xb4: {  	_ =	swait.ge [sflag:s23], $0x1  }
0xb5: {  	[sflag:s23] =	ssyncset.done $0x0  }
0xb6: {  	s25 =	simm.s32 $0x1B8E;
	s24 =	sld [smem:$0x3FFE];
	[sflag:s23] =	ssyncadd.s32 $0xFFFFFFFF  }
0xb7: {  	s26 =	simm.s32 $execute0_lowered;
	[smem:$0x3FD2] =	sst s25  }
0xb8: {  	s19 =	sshll.u32 s26, $0x1;
	_ =	strace $0x8000004C;
	[dreg:$0x1] =	wrdreg $0xFFFFFFFF  }
0xb9: {  	s28 =	simm.s32 $_size_execute0_lowered;
	s17 =	sadd.s32 s17, s19;
	[dreg:$0x0] =	wrdreg $0x0  }
0xba: {  	s19 =	sshll.u32 s28, $0x1;
	[dreg:$0x2] =	wrdreg s17  }
0xbb: {  	[dreg:$0x3] =	wrdreg s19  }
0xbc: {  	[dreg:$0x4] =	wrdreg $0xC0  }
0xbd: {  	_ =	task [dreg:s21], $0x5FFFF  }
0xbe: {  	[dreg:$0x1] =	wrdreg $0xFFFFFFFF  }
0xbf: {  	[dreg:$0x0] =	wrdreg $0x30  }
0xc0: {  	[dreg:$0x2] =	wrdreg $0x0  }
0xc1: {  	[dreg:$0x3] =	wrdreg s16  }
0xc2: {  	[dreg:$0x4] =	wrdreg $0x9  }
0xc3: {  	_ =	task [dreg:s21], $0x5FFFF  }
0xc4: {  	[dreg:$0x1] =	wrdreg $0xFFFFFFFF  }
0xc5: {  	[dreg:$0x0] =	wrdreg $0x60  }
0xc6: {  	[dreg:$0x2] =	wrdreg s24  }
0xc7: {  	[dreg:$0x3] =	wrdreg s2  }
0xc8: {  	[dreg:$0x4] =	wrdreg s3  }
0xc9: {  	[dreg:$0x5] =	wrdreg s4  }
0xca: {  	[dreg:$0x6] =	wrdreg s5  }
0xcb: {  	[dreg:$0x7] =	wrdreg s6  }
0xcc: {  	[dreg:$0x8] =	wrdreg s7  }
0xcd: {  	[dreg:$0x9] =	wrdreg s8  }
0xce: {  	[dreg:$0xa] =	wrdreg s9  }
0xcf: {  	[dreg:$0xb] =	wrdreg s10  }
0xd0: {  	[dreg:$0xc] =	wrdreg s11  }
0xd1: {  	[dreg:$0xd] =	wrdreg s12  }
0xd2: {  	[dreg:$0xe] =	wrdreg s13  }
0xd3: {  	[dreg:$0xf] =	wrdreg s14  }
0xd4: {  	_ =	task.clear_ibuf [dreg:s21], $0x10FFFF;
	_ =	strace $0x9000004C  }
0xd5: {  	s29 =	simm.s32 $0x9;
	_ =	strace $0x8000004E  }
0xd6: {  	_ =	swait.ge [sflag:s29], $0x1  }
0xd7: {  	[sflag:s29] =	ssyncadd.s32 $0xFFFFFFFF  }
0xd8: {  	_ =	strace $0x9000004E  }
0xd9: {  	_ =	sfence  }
0xda: {  	s30 =	sld [smem:$0x0];
	_ =	sdelay $0x2  }
0xdb: {  	s31 =	sshll.u32 s1, $0xD;
	s1 =	sshrl.u32 s1, $0x2  }
0xdc: {  	s3 =	sand.u32 $0x4000, s31;
	s1 =	sadd.s32 s1, s30  }
0xdd: {  	s0 =	sor.u32 s3, s0;
	s1 =	sshll.u32 s1, $0x11  }
0xde: {  	s0 =	sor.u32 s1, s0  }
0xdf: {  	s0 =	sadd.s32 $0x8F2B, s0  }
0xe0: {  	[sflag:s0] =	ssyncadd.remote.s32 $0x1  }
0xe1: {  	_ =	sfence.sel $0xFFFF  }
0xe2: {  	[dreg:$0x0] =	wrdreg $0xFFFFFFFF;
	(pc) =	sbr.abs _section_cstart, $3  }
0xe3: {  	[dreg:$0x1] =	wrdreg $0xFFFFFFFF  }
0xe4: {  	_ =	task.clear_ibuf [dreg:s21], $0x2FFFF;
	_ =	strace $0x9FFFFFFF  }
0xe5: {  	(tm) =	ssettm $0x7FFFFFFF  }
tec
_tile_task_arg_handler_lowered:
.L_overlay_start_1:
0x0: {  	(tag) =	ssettag $0x1  }
0x1: {  	s0 =	rddreg [dreg:$0x0]  }
0x2: {  	s1 =	rddreg [dreg:$0x1]  }
0x3: {  	s2 =	rddreg [dreg:$0x2]  }
0x4: {  	s3 =	rddreg [dreg:$0x3]  }
0x5: {  	s4 =	rddreg [dreg:$0x4]  }
0x6: {  	s5 =	rddreg [dreg:$0x5]  }
0x7: {  	s6 =	rddreg [dreg:$0x6]  }
0x8: {  	s7 =	rddreg [dreg:$0x7]  }
0x9: {  	s8 =	rddreg [dreg:$0x8]  }
0xa: {  	s9 =	rddreg [dreg:$0x9]  }
0xb: {  	s10 =	rddreg [dreg:$0xa]  }
0xc: {  	s11 =	rddreg [dreg:$0xb]  }
0xd: {  	s12 =	rddreg [dreg:$0xc]  }
0xe: {  	s13 =	rddreg [dreg:$0xd]  }
0xf: {  	[smem:s0] =	sst s1  }
0x10: {  	[smem:s0+$0x1] =	sst s2  }
0x11: {  	[smem:s0+$0x2] =	sst s3  }
0x12: {  	[smem:s0+$0x3] =	sst s4  }
0x13: {  	[smem:s0+$0x4] =	sst s5  }
0x14: {  	[smem:s0+$0x5] =	sst s6  }
0x15: {  	[smem:s0+$0x6] =	sst s7  }
0x16: {  	[smem:s0+$0x7] =	sst s8  }
0x17: {  	[smem:s0+$0x8] =	sst s9  }
0x18: {  	[smem:s0+$0x9] =	sst s10  }
0x19: {  	[smem:s0+$0xA] =	sst s11  }
0x1a: {  	[smem:s0+$0xB] =	sst s12  }
0x1b: {  	[smem:s0+$0xC] =	sst s13;
	_ =	shalt  }
.Lfunc_end2:
execute0_lowered:
.L_overlay_start_2:
0x1c: {  	(tag) =	ssettag $0x2  }
0x1d: {  	s0 =	rddreg [dreg:$0x0];
	s1 =	srdreg.scid  }
0x1e: {  	s14 =	simm.s32 $0x0;
	s2 =	stileid.u32;
	s20 =	simm.s32 $0x200  }
0x1f: {  	s22 =	simm.s32 $0x2;
	s23 =	simm.s32 $0x3400;
	s31 =	simm.s32 $0x800  }
0x20: {  	s11 =	simm.s32 $0x2200;
	s15 =	simm.s32 $0xA00;
	s5 =	simm.s32 $0x1000  }
0x21: {  	s6 =	simm.s32 $0x2A00;
	s7 =	simm.s32 $0x1200;
	s8 =	simm.s32 $0x2C00  }
0x22: {  	s9 =	simm.s32 $0x1400;
	s10 =	simm.s32 $0x2E00;
	s12 =	simm.s32 $0x1600  }
0x23: {  	s13 =	simm.s32 $0x3000;
	s21 =	simm.s32 $0x1800;
	s24 =	simm.s32 $0x3200  }
0x24: {  	s25 =	simm.s32 $0x1;
	s26 =	simm.s32 $0x0;
	[smem:$0x7FF] =	sst s14  }
0x25: {  	s1 =	sand.u32 $0x1, s1;
	s2 =	sshll.u32 s2, $0x7;
	s29 =	sld [smem:$0x1]  }
0x26: {  	s3 =	sshll.u32 s1, $0x6;
	s4 =	sld [smem:$0x0];
	s1 =	ssub.s32 $0x2, s1  }
0x27: {  	s2 =	sor.u32 s3, s2;
	s30 =	sshrl.u32 s1, $0x1;
	s3 =	simm.s32 $0xE00  }
0x28: {  	s0 =	sadd.s32 s2, s0;
	s1 =	ssub.s32 s1, s30;
	[dreg:$0xe] =	wrdreg s29  }
0x29: {  	s16 =	sadd.s32 $0x7400, s0;
	s17 =	sadd.s32 $0x26C00, s0;
	s18 =	sadd.s32 s4, s2  }
0x2a: {  	s19 =	smax.u32 s1, $0x1;
	s0 =	simm.s32 $0x2400;
	s1 =	simm.s32 $0xC00  }
0x2b: {  	s2 =	simm.s32 $0x2600;
	s4 =	simm.s32 $0x2800;
	_ =	strace $0x8000004D  }
.LBB3_1:
0x2c: {  	s28 =	simm.s32 $0x4000  }
0x2d: {  	[tilespmem:s14], [sflag:$0x2] =	stream.strided.gather [hbm4b:s16+s20], $0x1A00, s28, s20, $0x38;
	[tilespmem:$0x3600] =	vst v63  }
0x2e: {  	_ =	swait.ge [sflag:s22], $0x1A00  }
0x2f: {  	[sflag:s22] =	ssyncset.done $0x0  }
0x30: {  	[sflag:s22] =	ssyncadd.s32 $0xFFFFE600  }
0x31: {  	[tilespmem:s23], [sflag:$0x2] =	stream.linear.gather [hbm4b:s17+s14], $0x200, $0x38;
	[tilespmem:$0x3600] =	vst v63  }
0x32: {  	_ =	swait.ge [sflag:s22], $0x200  }
0x33: {  	[sflag:s22] =	ssyncset.done $0x0  }
0x34: {  	[sflag:s22] =	ssyncadd.s32 $0xFFFFFE00  }
0x35: {  	s29 =	simm.s32 $0x1A00;
	s28 =	rddreg [dreg:$0x1]  }
0x36: {  	[tilespmem:s29], [sflag:$0x1] =	stream.indirect.gather [hbm4b:s28+s20], $0x1, s14, s20, $0xb8;
	[tilespmem:$0x3600] =	vst v63  }
0x37: {  	s28 =	rddreg [dreg:$0x2];
	s29 =	simm.s32 $0x1C00  }
0x38: {  	[tilespmem:s29], [sflag:$0x1] =	stream.indirect.gather [hbm4b:s28+s20], $0x1, s20, s20, $0xb8;
	[tilespmem:$0x3600] =	vst v63  }
0x39: {  	s30 =	simm.s32 $0x1E00;
	s28 =	rddreg [dreg:$0x3];
	s29 =	simm.s32 $0x400  }
0x3a: {  	[tilespmem:s30], [sflag:$0x1] =	stream.indirect.gather [hbm4b:s28+s20], $0x1, s29, s20, $0xb8;
	[tilespmem:$0x3600] =	vst v63  }
0x3b: {  	s28 =	rddreg [dreg:$0x4];
	s29 =	simm.s32 $0x600;
	s30 =	simm.s32 $0x2000  }
0x3c: {  	[tilespmem:s30], [sflag:$0x1] =	stream.indirect.gather [hbm4b:s28+s20], $0x1, s29, s20, $0xb8;
	[tilespmem:$0x3600] =	vst v63  }
0x3d: {  	s28 =	rddreg [dreg:$0x5]  }
0x3e: {  	[tilespmem:s11], [sflag:$0x1] =	stream.indirect.gather [hbm4b:s28+s20], $0x1, s31, s20, $0xb8;
	[tilespmem:$0x3600] =	vst v63  }
0x3f: {  	s28 =	rddreg [dreg:$0x6]  }
0x40: {  	[tilespmem:s0], [sflag:$0x1] =	stream.indirect.gather [hbm4b:s28+s20], $0x1, s15, s20, $0xb8;
	[tilespmem:$0x3600] =	vst v63  }
0x41: {  	s28 =	rddreg [dreg:$0x7]  }
0x42: {  	[tilespmem:s2], [sflag:$0x1] =	stream.indirect.gather [hbm4b:s28+s20], $0x1, s1, s20, $0xb8;
	[tilespmem:$0x3600] =	vst v63  }
0x43: {  	s28 =	rddreg [dreg:$0x8]  }
0x44: {  	[tilespmem:s4], [sflag:$0x1] =	stream.indirect.gather [hbm4b:s28+s20], $0x1, s3, s20, $0xb8;
	[tilespmem:$0x3600] =	vst v63  }
0x45: {  	s28 =	rddreg [dreg:$0x9]  }
0x46: {  	[tilespmem:s6], [sflag:$0x1] =	stream.indirect.gather [hbm4b:s28+s20], $0x1, s5, s20, $0xb8;
	[tilespmem:$0x3600] =	vst v63  }
0x47: {  	s28 =	rddreg [dreg:$0xa]  }
0x48: {  	[tilespmem:s8], [sflag:$0x1] =	stream.indirect.gather [hbm4b:s28+s20], $0x1, s7, s20, $0xb8;
	[tilespmem:$0x3600] =	vst v63  }
0x49: {  	s28 =	rddreg [dreg:$0xb]  }
0x4a: {  	[tilespmem:s10], [sflag:$0x1] =	stream.indirect.gather [hbm4b:s28+s20], $0x1, s9, s20, $0xb8;
	[tilespmem:$0x3600] =	vst v63  }
0x4b: {  	s28 =	rddreg [dreg:$0xc]  }
0x4c: {  	[tilespmem:s13], [sflag:$0x1] =	stream.indirect.gather [hbm4b:s28+s20], $0x1, s12, s20, $0xb8;
	[tilespmem:$0x3600] =	vst v63  }
0x4d: {  	s28 =	rddreg [dreg:$0xd]  }
0x4e: {  	[tilespmem:s24], [sflag:$0x1] =	stream.indirect.gather [hbm4b:s28+s20], $0x1, s21, s20, $0xb8;
	[tilespmem:$0x3600] =	vst v63  }
0x4f: {  	_ =	swait.ge [sflag:s25], $0x200  }
0x50: {  	[sflag:s25] =	ssyncset.done $0x0  }
0x51: {  	[sflag:s25] =	ssyncadd.s32 $0xFFFFFE00  }
0x52: {  	_ =	swait.ge [sflag:s25], $0x200  }
0x53: {  	[sflag:s25] =	ssyncset.done $0x0  }
0x54: {  	[sflag:s25] =	ssyncadd.s32 $0xFFFFFE00  }
0x55: {  	_ =	swait.ge [sflag:s25], $0x200  }
0x56: {  	[sflag:s25] =	ssyncset.done $0x0  }
0x57: {  	[sflag:s25] =	ssyncadd.s32 $0xFFFFFE00  }
0x58: {  	_ =	swait.ge [sflag:s25], $0x200  }
0x59: {  	[sflag:s25] =	ssyncset.done $0x0  }
0x5a: {  	[sflag:s25] =	ssyncadd.s32 $0xFFFFFE00  }
0x5b: {  	_ =	swait.ge [sflag:s25], $0x200  }
0x5c: {  	[sflag:s25] =	ssyncset.done $0x0  }
0x5d: {  	[sflag:s25] =	ssyncadd.s32 $0xFFFFFE00  }
0x5e: {  	_ =	swait.ge [sflag:s25], $0x200  }
0x5f: {  	[sflag:s25] =	ssyncset.done $0x0  }
0x60: {  	[sflag:s25] =	ssyncadd.s32 $0xFFFFFE00  }
0x61: {  	_ =	swait.ge [sflag:s25], $0x200  }
0x62: {  	[sflag:s25] =	ssyncset.done $0x0  }
0x63: {  	[sflag:s25] =	ssyncadd.s32 $0xFFFFFE00  }
0x64: {  	_ =	swait.ge [sflag:s25], $0x200  }
0x65: {  	[sflag:s25] =	ssyncset.done $0x0  }
0x66: {  	[sflag:s25] =	ssyncadd.s32 $0xFFFFFE00  }
0x67: {  	_ =	swait.ge [sflag:s25], $0x200  }
0x68: {  	[sflag:s25] =	ssyncset.done $0x0  }
0x69: {  	[sflag:s25] =	ssyncadd.s32 $0xFFFFFE00  }
0x6a: {  	_ =	swait.ge [sflag:s25], $0x200  }
0x6b: {  	[sflag:s25] =	ssyncset.done $0x0  }
0x6c: {  	[sflag:s25] =	ssyncadd.s32 $0xFFFFFE00  }
0x6d: {  	_ =	swait.ge [sflag:s25], $0x200  }
0x6e: {  	[sflag:s25] =	ssyncset.done $0x0  }
0x6f: {  	[sflag:s25] =	ssyncadd.s32 $0xFFFFFE00  }
0x70: {  	_ =	swait.ge [sflag:s25], $0x200  }
0x71: {  	[sflag:s25] =	ssyncset.done $0x0  }
0x72: {  	[sflag:s25] =	ssyncadd.s32 $0xFFFFFE00  }
0x73: {  	_ =	swait.ge [sflag:s25], $0x200  }
0x74: {  	[sflag:s25] =	ssyncset.done $0x0  }
0x75: {  	s28 =	simm.s32 $0x0;
	[sflag:s25] =	ssyncadd.s32 $0xFFFFFE00  }
0x76: {  	s29 =	simm.s32 $0x40;
	v0 =	vld [tilespmem:s28+$0x1A00]  }
.LBB3_2:
0x77: {  	p0 =	sne.s32 s29, $0x7C0;
	v1 =	vld [tilespmem:s28+$0x3400];
	_ =	sdelay $0x1  }
0x78: {  	v2 =	vld [tilespmem:s28+$0x1C00];
	_ =	sdelay $0x1  }
0x79: {  	v3 =	vld [tilespmem:s28+$0x1E00]  }
0x7a: {  	v0 =	vadd.f32 v0, v1  }
0x7b: {  	v1 =	vld [tilespmem:s28+$0x2000]  }
0x7c: {  	v0 =	vadd.f32 v2, v0  }
0x7d: {  	v2 =	vld [tilespmem:s28+$0x2200]  }
0x7e: {  	v0 =	vadd.f32 v3, v0  }
0x7f: {  	v3 =	vld [tilespmem:s28+$0x2400]  }
0x80: {  	v0 =	vadd.f32 v1, v0  }
0x81: {  	v1 =	vld [tilespmem:s28+$0x2600]  }
0x82: {  	v0 =	vadd.f32 v2, v0  }
0x83: {  	v2 =	vld [tilespmem:s28+$0x2800]  }
0x84: {  	v0 =	vadd.f32 v3, v0  }
0x85: {  	v3 =	vld [tilespmem:s28+$0x2A00]  }
0x86: {  	v0 =	vadd.f32 v1, v0  }
0x87: {  	v1 =	vld [tilespmem:s28+$0x2C00]  }
0x88: {  	v0 =	vadd.f32 v2, v0  }
0x89: {  	v2 =	vld [tilespmem:s28+$0x2E00]  }
0x8a: {  	v0 =	vadd.f32 v3, v0  }
0x8b: {  	v3 =	vld [tilespmem:s28+$0x3000]  }
0x8c: {  	v0 =	vadd.f32 v1, v0  }
0x8d: {  	v1 =	vld [tilespmem:s28+$0x3200]  }
0x8e: {  	v0 =	vadd.f32 v2, v0;
	_ =	sdelay $0x1  }
.Ltmp0:
0x8f: {  	v0 =	vadd.f32 v3, v0;
	(pc) =	sbr.rel @p0 .LBB3_2-.Ltmp0, $4  }
0x90: {  	_ = 	snop  }
0x91: {  	v1 =	vadd.f32 v1, v0  }
0x92: {  	s30 =	sshra.s32 s29, $0x2  }
0x93: {  	s29 =	sadd.s32 $0x40, s29;
	v0 =	vld [tilespmem:s30+$0x1A00];
	[tilespmem:s28+$0x3400] =	vst v1;
	s28 =	smov.u32 s30  }
0x94: {  	v1 =	vld [tilespmem:s28+$0x3400];
	_ =	sdelay $0x1  }
0x95: {  	v2 =	vld [tilespmem:s28+$0x1C00];
	_ =	sdelay $0x1  }
0x96: {  	v3 =	vld [tilespmem:s28+$0x1E00]  }
0x97: {  	v0 =	vadd.f32 v0, v1  }
0x98: {  	v54 =	vld [tilespmem:s28+$0x2000]  }
0x99: {  	v0 =	vadd.f32 v2, v0  }
0x9a: {  	v55 =	vld [tilespmem:s28+$0x2200]  }
0x9b: {  	v0 =	vadd.f32 v3, v0  }
0x9c: {  	v56 =	vld [tilespmem:s28+$0x2400]  }
0x9d: {  	v0 =	vadd.f32 v54, v0  }
0x9e: {  	v57 =	vld [tilespmem:s28+$0x2600]  }
0x9f: {  	v0 =	vadd.f32 v55, v0  }
0xa0: {  	v58 =	vld [tilespmem:s28+$0x2800]  }
0xa1: {  	v0 =	vadd.f32 v56, v0  }
0xa2: {  	v59 =	vld [tilespmem:s28+$0x2A00]  }
0xa3: {  	v0 =	vadd.f32 v57, v0  }
0xa4: {  	v60 =	vld [tilespmem:s28+$0x2C00]  }
0xa5: {  	v0 =	vadd.f32 v58, v0  }
0xa6: {  	v61 =	vld [tilespmem:s28+$0x2E00]  }
0xa7: {  	v0 =	vadd.f32 v59, v0  }
0xa8: {  	v62 =	vld [tilespmem:s28+$0x3000]  }
0xa9: {  	v0 =	vadd.f32 v60, v0  }
0xaa: {  	v63 =	vld [tilespmem:s28+$0x3200]  }
0xab: {  	v0 =	vadd.f32 v61, v0;
	_ =	sdelay $0x1  }
0xac: {  	v0 =	vadd.f32 v62, v0;
	_ =	sdelay $0x1  }
0xad: {  	s26 =	sadd.s32 $0x1, s26;
	v0 =	vadd.f32 v63, v0  }
0xae: {  	p0 =	sne.s32 s26, s19  }
.Ltmp1:
0xaf: {  	[tilespmem:s28+$0x3400] =	vst v0;
	(pc) =	sbr.rel @p0 .LBB3_1-.Ltmp1, $4  }
0xb0: {  	[hbm4b:s18+s14] =	stream.linear.scatter [tilespmem:s23], [sflag:$0x2], $0x200, $0x38;
	[tilespmem:$0x3600] =	vst v63  }
0xb1: {  	_ =	swait.ge [sflag:s22], $0x200  }
0xb2: {  	[sflag:s22] =	ssyncset.done $0x0  }
0xb3: {  	[sflag:s22] =	ssyncadd.s32 $0xFFFFFE00  }
0xb4: {  	_ =	sfence.sel $0x180000  }
0xb5: {  	[bflag:$0x0] =	sbarrier.arrive $0xFFFF  }
0xb6: {  	_ =	strace $0x9000004D  }
0xb7: {  	s0 =	stileid.u32;
	[bflag:$0x2] =	sbarrier.arrive $0xFFFF  }
0xb8: {  	p0 =	sne.s32 s0, $0x0;
	s0 =	rddreg [dreg:$0xe]  }
0xb9: {  	s0 =	sadd.s32 @!p0 $0x100000, s0  }
0xba: {  	[sflag:s0] =	ssyncadd.tile.s32 @!p0 $0x1;
	_ =	shalt  }
.Lfunc_end3:
_tile_overlayer_lowered:
.L_overlay_start_3:
0xbb: {  	(tag) =	ssettag $0x3  }
0xbc: {  	s0 =	rddreg [dreg:$0x0];
	s2 =	stileid.u32  }
0xbd: {  	s1 =	rddreg [dreg:$0x1];
	p0 =	sne.s32 s2, $0x0  }
0xbe: {  	s3 =	rddreg [dreg:$0x2];
	[bflag:$0x3] =	sbarrier.arrive $0xFFFF;
	s2 =	simm.s32 @!p0 $0x1C02  }
0xbf: {  	[timem:s3], [sflag:s2] =	dma.local @!p0 [hbm:s0], s1  }
0xc0: {  	s0 =	simm.s32 @!p0 $0x2  }
0xc1: {  	_ =	swait.ge @!p0 [sflag:s0], s1  }
0xc2: {  	s1 =	ssub.s32 @!p0 $0x0, s1;
	[sflag:s0] =	ssyncset.done @!p0 $0x0  }
0xc3: {  	[sflag:s0] =	ssyncadd.s32 @!p0 s1  }
0xc4: {  	[bflag:$0x3] =	sbarrier.arrive $0xFFFF  }
0xc5: {  	_ =	shalt  }

// kernel: _run.5.cloned.1.call-start
scs
__scs_entry_jumppad:
0x0: {  	(pc) =	sbr.rel $0x88, $3  }
0x1: {  	(tag) =	ssettag $0x0;
	lr =	simm.s32 $0x1  }
0x2: {  	[smem:$0x3F85] =	sst lr;
	_ =	strace $0xD0000000  }
0x3: {  	_ = 	snop  }
0x4: {  	_ = 	snop  }
0x5: {  	_ = 	snop  }
0x6: {  	_ = 	snop  }
0x7: {  	_ = 	snop  }
__scs_overlays_trampoline_lowered:
0x8: {  	[smem:$0x3F94] =	sst s0  }
0x9: {  	[smem:$0x3F95] =	sst s1  }
0xa: {  	[smem:$0x3F96] =	sst s2  }
0xb: {  	[smem:$0x3F97] =	sst s3  }
0xc: {  	[smem:$0x3F98] =	sst s4  }
0xd: {  	[smem:$0x3F99] =	sst s5  }
0xe: {  	[smem:$0x3F9A] =	sst s6  }
0xf: {  	[smem:$0x3F9B] =	sst s7  }
0x10: {  	[smem:$0x3F9C] =	sst s8  }
0x11: {  	[smem:$0x3F9D] =	sst s9;
	s0 =	simm.s32 @!p0 $0x0  }
0x12: {  	s1 =	sld [smem:$0x3F83];
	s0 =	simm.s32 @p0 $0x1  }
0x13: {  	[smem:$0x3F9E] =	sst s0;
	s0 =	simm.s32 @!p1 $0x0  }
0x14: {  	s2 =	sld [smem:$0x3F82];
	s0 =	simm.s32 @p1 $0x1  }
0x15: {  	[smem:$0x3F9F] =	sst s0;
	s0 =	simm.s32 @!p2 $0x0  }
0x16: {  	s3 =	sld [smem:$0x3FDB];
	s0 =	simm.s32 @p2 $0x1  }
0x17: {  	s4 =	simm.s32 $0x1BF5;
	[smem:$0x3FA1] =	sst s0  }
0x18: {  	s0 =	sld [smem:$0x3F84];
	_ =	swait.ge [sflag:s4], $0x0  }
0x19: {  	s7 =	sld [smem:$0x3F85]  }
0x1a: {  	s8 =	sadd.s32 $0xFFFFE003, lr  }
0x1b: {  	s9 =	sadd.s32 $0xFFFFFEF7, lr;
	s5 =	simm.s32 $0xFFFFFFFF;
	p2 =	slt.u32 s8, $0xFFFFF086  }
0x1c: {  	p1 =	slt.u32 s9, $0xF7A;
	s5 =	simm.s32 @!p2 $0x0  }
0x1d: {  	s5 =	simm.s32 @p1 $0x1;
	p0 =	seq.s32 s7, s2  }
0x1e: {  	s7 =	smul.u32 @!p0 $0xF7A, s2;
	p2 =	seq.s32 @!p0 s5, $0x0  }
0x1f: {  	s9 =	smul.u32 $0xF7A, s1;
	s8 =	simm.s32 @!p0 $0x1BF5;
	p2 =	por !p2, p0  }
0x20: {  	[sflag:s8] =	ssyncset.s32 @!p0 $0xFFFFF086;
	s6 =	sadd.s32 @!p0 s3, s7;
	s7 =	simm.s32 @!p0 $0x108  }
0x21: {  	s3 =	sadd.s32 s3, s9;
	s6 =	sadd.s32 @!p0 $0x88, s6;
	s7 =	simm.s32 @p2 $0x1082  }
0x22: {  	[simem:s7], [sflag:s8] =	dma.local @!p0 [hbm:s6], $0xF7A  }
0x23: {  	s9 =	sor.u32 $0xD0000000, s2;
	s6 =	simm.s32 $0x108;
	_ =	swait.ge @!p0 [sflag:s8], $0x0  }
0x24: {  	s3 =	sadd.s32 $0x88, s3;
	s6 =	simm.s32 @!p1 $0x1082;
	[sflag:s4] =	ssyncset.s32 $0xFFFFF086  }
0x25: {  	[simem:s6], [sflag:s4] =	dma.local [hbm:s3], $0xF7A  }
0x26: {  	[smem:$0x3F85] =	sst s1;
	(tag) =	ssettag s2;
	_ =	strace s9  }
0x27: {  	s1 =	sld [smem:$0x3F95]  }
0x28: {  	s2 =	sld [smem:$0x3F96]  }
0x29: {  	s4 =	sld [smem:$0x3F98]  }
0x2a: {  	p0 =	seq.s32 s5, $0x0;
	s5 =	sld [smem:$0x3F99]  }
0x2b: {  	s6 =	sld [smem:$0x3F9A]  }
0x2c: {  	s7 =	sld [smem:$0x3F9B]  }
0x2d: {  	s3 =	simm.s32 $0x108;
	s8 =	sld [smem:$0x3F9C]  }
0x2e: {  	s3 =	simm.s32 @!p0 $0x1082;
	s9 =	sld [smem:$0x3F9D]  }
0x2f: {  	lr =	sadd.s32 s0, s3;
	s0 =	sld [smem:$0x3F94]  }
0x30: {  	s3 =	sld [smem:$0x3F97]  }
0x31: {  	[smem:$0x3FA0] =	sst s10  }
0x32: {  	s10 =	sld [smem:$0x3F9E];
	_ =	sdelay $0x3  }
0x33: {  	p0 =	seq.s32 s10, $0x1;
	s10 =	sld [smem:$0x3FA0];
	_ =	sdelay $0x3  }
0x34: {  	[smem:$0x3FA0] =	sst s10  }
0x35: {  	s10 =	sld [smem:$0x3F9F];
	_ =	sdelay $0x3  }
0x36: {  	p1 =	seq.s32 s10, $0x1;
	s10 =	sld [smem:$0x3FA0];
	_ =	sdelay $0x3  }
0x37: {  	[smem:$0x3FA0] =	sst s10  }
0x38: {  	s10 =	sld [smem:$0x3FA1]  }
0x39: {  	_ = 	snop;
	(pc) =	sbr.ind lr, $3  }
0x3a: {  	_ = 	snop  }
0x3b: {  	_ = 	snop  }
0x3c: {  	p2 =	seq.s32 s10, $0x1;
	s10 =	sld [smem:$0x3FA0]  }
0x3d: {  	_ =	shalt  }
0x3e: {  	_ =	shalt  }
0x3f: {  	_ =	shalt  }
0x40: {  	_ =	shalt  }
0x41: {  	_ =	shalt  }
0x42: {  	_ =	shalt  }
0x43: {  	_ =	shalt  }
0x44: {  	_ =	shalt  }
0x45: {  	_ =	shalt  }
0x46: {  	_ =	shalt  }
0x47: {  	_ =	shalt  }
0x48: {  	_ =	shalt  }
0x49: {  	_ =	shalt  }
0x4a: {  	_ =	shalt  }
0x4b: {  	_ =	shalt  }
0x4c: {  	_ =	shalt  }
0x4d: {  	_ =	shalt  }
0x4e: {  	_ =	shalt  }
0x4f: {  	_ =	shalt  }
0x50: {  	_ =	shalt  }
0x51: {  	_ =	shalt  }
0x52: {  	_ =	shalt  }
0x53: {  	_ =	shalt  }
0x54: {  	_ =	shalt  }
0x55: {  	_ =	shalt  }
0x56: {  	_ =	shalt  }
0x57: {  	_ =	shalt  }
0x58: {  	_ =	shalt  }
0x59: {  	_ =	shalt  }
0x5a: {  	_ =	shalt  }
0x5b: {  	_ =	shalt  }
0x5c: {  	_ =	shalt  }
0x5d: {  	_ =	shalt  }
0x5e: {  	_ =	shalt  }
0x5f: {  	_ =	shalt  }
0x60: {  	_ =	shalt  }
0x61: {  	_ =	shalt  }
0x62: {  	_ =	shalt  }
0x63: {  	_ =	shalt  }
0x64: {  	_ =	shalt  }
0x65: {  	_ =	shalt  }
0x66: {  	_ =	shalt  }
0x67: {  	_ =	shalt  }
0x68: {  	_ =	shalt  }
0x69: {  	_ =	shalt  }
0x6a: {  	_ =	shalt  }
0x6b: {  	_ =	shalt  }
0x6c: {  	_ =	shalt  }
0x6d: {  	_ =	shalt  }
0x6e: {  	_ =	shalt  }
0x6f: {  	_ =	shalt  }
0x70: {  	_ =	shalt  }
0x71: {  	_ =	shalt  }
0x72: {  	_ =	shalt  }
0x73: {  	_ =	shalt  }
0x74: {  	_ =	shalt  }
0x75: {  	_ =	shalt  }
0x76: {  	_ =	shalt  }
0x77: {  	_ =	shalt  }
0x78: {  	_ =	shalt  }
0x79: {  	_ =	shalt  }
0x7a: {  	_ =	shalt  }
0x7b: {  	_ =	shalt  }
0x7c: {  	_ =	shalt  }
0x7d: {  	_ =	shalt  }
0x7e: {  	_ =	shalt  }
0x7f: {  	_ =	shalt  }
0x80: {  	_ =	shalt  }
0x81: {  	_ =	shalt  }
0x82: {  	_ =	shalt  }
0x83: {  	_ =	shalt  }
0x84: {  	_ =	shalt  }
0x85: {  	_ =	shalt  }
0x86: {  	_ =	shalt  }
0x87: {  	_ =	shalt  }
.Lfunc_end0:
.L_simem_size_0:
called_computation_lowered:
.L_overlay_start_0:
0x88: {  	s2 =	sld [smem:$0x3FD9]  }
0x89: {  	s3 =	sld [smem:$0x3FFE];
	_ =	sdelay $0x1  }
0x8a: {  	s1 =	srdreg.scid  }
0x8b: {  	s0 =	sand.u32 $0x1, s1  }
0x8c: {  	s17 =	sshll.u32 s0, $0xA;
	s2 =	sadd.s32 s3, s2  }
0x8d: {  	s2 =	sadd.s32 s2, s17  }
0x8e: {  	[smem:$0x3FAC] =	sst s2  }
0x8f: {  	_ = 	snop  }
0x90: {  	s2 =	sld [smem:$0x3FC8]  }
0x91: {  	s18 =	sld [smem:$0x3FD0];
	(tm) =	ssettm $0x1  }
0x92: {  	s4 =	sld [smem:$0x3FFB];
	_ =	sdelay $0x3  }
0x93: {  	_ =	strace s4  }
0x94: {  	s4 =	sld [smem:$0x3FFC];
	_ =	sdelay $0x3  }
0x95: {  	_ =	strace s4  }
0x96: {  	s4 =	sld [smem:$0x3FFD];
	_ =	sdelay $0x3  }
0x97: {  	_ =	strace s4  }
0x98: {  	_ =	strace $0x8FFFFFFF  }
0x99: {  	s19 =	sld [smem:$0x3FDB];
	_ =	sdelay $0x1  }
0x9a: {  	s5 =	simm.s32 $_scs_section_size  }
0x9b: {  	s6 =	simm.s32 $_size__tile_overlayer_lowered;
	s7 =	simm.s32 $_tile_overlayer_lowered  }
0x9c: {  	s22 =	simm.s32 $0x1BFF;
	s21 =	sshll.u32 s7, $0x1;
	s4 =	sadd.s32 s5, s19  }
0x9d: {  	s8 =	simm.s32 $0x0;
	s20 =	sshll.u32 s6, $0x1;
	s6 =	sadd.s32 s21, s4  }
0x9e: {  	[timem:s8], [sflag:s22] =	dma.local [hbm:s6], s20  }
0x9f: {  	_ =	swait.ge [sflag:s22], s20  }
0xa0: {  	s5 =	ssub.s32 $0x0, s20;
	[sflag:s22] =	ssyncset.done $0x0  }
0xa1: {  	[sflag:s22] =	ssyncadd.s32 s5;
	_ =	sdelay $0x1  }
0xa2: {  	s23 =	simm.s32 $0x1B8B  }
0xa3: {  	_ =	swait.ge [sflag:s23], $0x1  }
0xa4: {  	[sflag:s23] =	ssyncset.done $0x0  }
0xa5: {  	s25 =	simm.s32 $0x1B8E;
	s24 =	sld [smem:$0x3FFE];
	[sflag:s23] =	ssyncadd.s32 $0xFFFFFFFF  }
0xa6: {  	s26 =	simm.s32 $execute0_lowered;
	[smem:$0x3FD2] =	sst s25  }
0xa7: {  	s6 =	sshll.u32 s26, $0x1;
	_ =	strace $0x80000046;
	[dreg:$0x1] =	wrdreg $0xFFFFFFFF  }
0xa8: {  	s28 =	simm.s32 $_size_execute0_lowered;
	s4 =	sadd.s32 s4, s6;
	[dreg:$0x0] =	wrdreg $0x0  }
0xa9: {  	s6 =	sshll.u32 s28, $0x1;
	[dreg:$0x2] =	wrdreg s4  }
0xaa: {  	[dreg:$0x3] =	wrdreg s6  }
0xab: {  	[dreg:$0x4] =	wrdreg $0xC0  }
0xac: {  	_ =	task [dreg:s8], $0x5FFFF  }
0xad: {  	[dreg:$0x1] =	wrdreg $0xFFFFFFFF  }
0xae: {  	[dreg:$0x0] =	wrdreg $0x60  }
0xaf: {  	[dreg:$0x2] =	wrdreg s24  }
0xb0: {  	[dreg:$0x3] =	wrdreg s2  }
0xb1: {  	[dreg:$0x4] =	wrdreg s18  }
0xb2: {  	[dreg:$0x5] =	wrdreg $0x9  }
0xb3: {  	_ =	task.clear_ibuf [dreg:s8], $0x6FFFF;
	_ =	strace $0x90000046  }
0xb4: {  	s29 =	simm.s32 $0x9;
	_ =	strace $0x80000048  }
0xb5: {  	_ =	swait.ge [sflag:s29], $0x1  }
0xb6: {  	[sflag:s29] =	ssyncadd.s32 $0xFFFFFFFF  }
0xb7: {  	_ =	strace $0x90000048  }
0xb8: {  	_ =	sfence  }
0xb9: {  	s30 =	sld [smem:$0x0];
	_ =	sdelay $0x2  }
0xba: {  	s31 =	sshll.u32 s1, $0xD;
	s1 =	sshrl.u32 s1, $0x2  }
0xbb: {  	s3 =	sand.u32 $0x4000, s31;
	s1 =	sadd.s32 s1, s30  }
0xbc: {  	s0 =	sor.u32 s3, s0;
	s1 =	sshll.u32 s1, $0x11  }
0xbd: {  	s0 =	sor.u32 s1, s0  }
0xbe: {  	s0 =	sadd.s32 $0x8F2B, s0  }
0xbf: {  	[sflag:s0] =	ssyncadd.remote.s32 $0x1  }
0xc0: {  	_ =	sfence.sel $0xFFFF  }
0xc1: {  	[dreg:$0x0] =	wrdreg $0xFFFFFFFF;
	(pc) =	sbr.abs _section_cstart, $3  }
0xc2: {  	[dreg:$0x1] =	wrdreg $0xFFFFFFFF  }
0xc3: {  	_ =	task.clear_ibuf [dreg:s8], $0x2FFFF;
	_ =	strace $0x9FFFFFFF  }
0xc4: {  	(tm) =	ssettm $0x7FFFFFFF  }
0xc5: {  	_ =	shalt  }
tec
execute0_lowered:
.L_overlay_start_1:
0x0: {  	(tag) =	ssettag $0x1  }
0x1: {  	s0 =	rddreg [dreg:$0x0]  }
0x2: {  	s2 =	rddreg [dreg:$0x1];
	s1 =	srdreg.scid  }
0x3: {  	s5 =	rddreg [dreg:$0x2];
	s3 =	stileid.u32;
	s7 =	simm.s32 $0x200  }
0x4: {  	s8 =	simm.s32 $0x4000;
	s9 =	simm.s32 $0x2;
	s21 =	simm.s32 $0xB600  }
0x5: {  	s22 =	simm.s32 $0x5400;
	s23 =	simm.s32 $0xB800;
	s24 =	simm.s32 $0x5600  }
0x6: {  	s25 =	simm.s32 $0xBA00;
	s28 =	simm.s32 $0xBC00;
	s29 =	simm.s32 $0x5A00  }
0x7: {  	s30 =	simm.s32 $0xBE00;
	s31 =	simm.s32 $0x5C00;
	s10 =	simm.s32 $0xC200  }
0x8: {  	s11 =	simm.s32 $0x6000;
	s12 =	simm.s32 $0xC400;
	s13 =	simm.s32 $0x6200  }
0x9: {  	s14 =	simm.s32 $0xC600;
	s15 =	simm.s32 $0x1;
	s16 =	simm.s32 $0xC800  }
0xa: {  	s17 =	simm.s32 $0x0;
	s1 =	sand.u32 $0x1, s1;
	s4 =	sshll.u32 s3, $0x7  }
0xb: {  	s3 =	simm.s32 $0x0;
	s6 =	sshll.u32 s1, $0x6;
	s1 =	ssub.s32 $0x2, s1  }
0xc: {  	[smem:$0x7FF] =	sst s3;
	s6 =	sor.u32 s6, s4;
	s26 =	sshrl.u32 s1, $0x1  }
0xd: {  	_ =	strace $0x80000047;
	s0 =	sadd.s32 s6, s0;
	s1 =	ssub.s32 s1, s26  }
0xe: {  	s5 =	sadd.s32 s5, s6;
	s26 =	simm.s32 $0x5800;
	s4 =	sadd.s32 $0xDC00, s0  }
0xf: {  	s6 =	smax.u32 s1, $0x1;
	s0 =	simm.s32 $0xC000;
	s1 =	simm.s32 $0x5E00  }
.LBB2_1:
0x10: {  	[tilespmem:s3], [sflag:$0x2] =	stream.strided.gather [hbm4b:s4+s7], $0x6400, s8, s7, $0x38;
	[tilespmem:$0xCA00] =	vst v63  }
0x11: {  	_ =	swait.ge [sflag:s9], $0x6400  }
0x12: {  	[sflag:s9] =	ssyncset.done $0x0  }
0x13: {  	s18 =	simm.s32 $0x6400;
	[sflag:s9] =	ssyncadd.s32 $0xFFFF9C00  }
0x14: {  	[tilespmem:s18], [sflag:$0x1] =	stream.indirect.gather [hbm4b:s2+s7], $0x1, s3, s7, $0xb8;
	[tilespmem:$0xCA00] =	vst v63  }
0x15: {  	s19 =	simm.s32 $0x6600  }
0x16: {  	[tilespmem:s19], [sflag:$0x1] =	stream.indirect.gather [hbm4b:s2+s7], $0x1, s7, s7, $0xb8;
	[tilespmem:$0xCA00] =	vst v63  }
0x17: {  	s20 =	simm.s32 $0x400;
	s19 =	simm.s32 $0x6800  }
0x18: {  	[tilespmem:s19], [sflag:$0x1] =	stream.indirect.gather [hbm4b:s2+s7], $0x1, s20, s7, $0xb8;
	[tilespmem:$0xCA00] =	vst v63  }
0x19: {  	s19 =	simm.s32 $0x600;
	s20 =	simm.s32 $0x6A00  }
0x1a: {  	[tilespmem:s20], [sflag:$0x1] =	stream.indirect.gather [hbm4b:s2+s7], $0x1, s19, s7, $0xb8;
	[tilespmem:$0xCA00] =	vst v63  }
0x1b: {  	s19 =	simm.s32 $0x800;
	s20 =	simm.s32 $0x6C00  }
0x1c: {  	[tilespmem:s20], [sflag:$0x1] =	stream.indirect.gather [hbm4b:s2+s7], $0x1, s19, s7, $0xb8;
	[tilespmem:$0xCA00] =	vst v63  }
0x1d: {  	s19 =	simm.s32 $0xA00;
	s20 =	simm.s32 $0x6E00  }
0x1e: {  	[tilespmem:s20], [sflag:$0x1] =	stream.indirect.gather [hbm4b:s2+s7], $0x1, s19, s7, $0xb8;
	[tilespmem:$0xCA00] =	vst v63  }
0x1f: {  	s19 =	simm.s32 $0xC00;
	s20 =	simm.s32 $0x7000  }
0x20: {  	[tilespmem:s20], [sflag:$0x1] =	stream.indirect.gather [hbm4b:s2+s7], $0x1, s19, s7, $0xb8;
	[tilespmem:$0xCA00] =	vst v63  }
0x21: {  	s19 =	simm.s32 $0xE00;
	s20 =	simm.s32 $0x7200  }
0x22: {  	[tilespmem:s20], [sflag:$0x1] =	stream.indirect.gather [hbm4b:s2+s7], $0x1, s19, s7, $0xb8;
	[tilespmem:$0xCA00] =	vst v63  }
0x23: {  	s19 =	simm.s32 $0x1000;
	s20 =	simm.s32 $0x7400  }
0x24: {  	[tilespmem:s20], [sflag:$0x1] =	stream.indirect.gather [hbm4b:s2+s7], $0x1, s19, s7, $0xb8;
	[tilespmem:$0xCA00] =	vst v63  }
0x25: {  	s19 =	simm.s32 $0x1200;
	s20 =	simm.s32 $0x7600  }
0x26: {  	[tilespmem:s20], [sflag:$0x1] =	stream.indirect.gather [hbm4b:s2+s7], $0x1, s19, s7, $0xb8;
	[tilespmem:$0xCA00] =	vst v63  }
0x27: {  	s19 =	simm.s32 $0x1400;
	s20 =	simm.s32 $0x7800  }
0x28: {  	[tilespmem:s20], [sflag:$0x1] =	stream.indirect.gather [hbm4b:s2+s7], $0x1, s19, s7, $0xb8;
	[tilespmem:$0xCA00] =	vst v63  }
0x29: {  	s19 =	simm.s32 $0x1600;
	s20 =	simm.s32 $0x7A00  }
0x2a: {  	[tilespmem:s20], [sflag:$0x1] =	stream.indirect.gather [hbm4b:s2+s7], $0x1, s19, s7, $0xb8;
	[tilespmem:$0xCA00] =	vst v63  }
0x2b: {  	s19 =	simm.s32 $0x1800;
	s20 =	simm.s32 $0x7C00  }
0x2c: {  	[tilespmem:s20], [sflag:$0x1] =	stream.indirect.gather [hbm4b:s2+s7], $0x1, s19, s7, $0xb8;
	[tilespmem:$0xCA00] =	vst v63  }
0x2d: {  	s19 =	simm.s32 $0x1A00;
	s20 =	simm.s32 $0x7E00  }
0x2e: {  	[tilespmem:s20], [sflag:$0x1] =	stream.indirect.gather [hbm4b:s2+s7], $0x1, s19, s7, $0xb8;
	[tilespmem:$0xCA00] =	vst v63  }
0x2f: {  	s19 =	simm.s32 $0x1C00;
	s20 =	simm.s32 $0x8000  }
0x30: {  	[tilespmem:s20], [sflag:$0x1] =	stream.indirect.gather [hbm4b:s2+s7], $0x1, s19, s7, $0xb8;
	[tilespmem:$0xCA00] =	vst v63  }
0x31: {  	s19 =	simm.s32 $0x1E00;
	s20 =	simm.s32 $0x8200  }
0x32: {  	[tilespmem:s20], [sflag:$0x1] =	stream.indirect.gather [hbm4b:s2+s7], $0x1, s19, s7, $0xb8;
	[tilespmem:$0xCA00] =	vst v63  }
0x33: {  	s19 =	simm.s32 $0x2000;
	s20 =	simm.s32 $0x8400  }
0x34: {  	[tilespmem:s20], [sflag:$0x1] =	stream.indirect.gather [hbm4b:s2+s7], $0x1, s19, s7, $0xb8;
	[tilespmem:$0xCA00] =	vst v63  }
0x35: {  	s19 =	simm.s32 $0x2200;
	s20 =	simm.s32 $0x8600  }
0x36: {  	[tilespmem:s20], [sflag:$0x1] =	stream.indirect.gather [hbm4b:s2+s7], $0x1, s19, s7, $0xb8;
	[tilespmem:$0xCA00] =	vst v63  }
0x37: {  	s19 =	simm.s32 $0x2400;
	s20 =	simm.s32 $0x8800  }
0x38: {  	[tilespmem:s20], [sflag:$0x1] =	stream.indirect.gather [hbm4b:s2+s7], $0x1, s19, s7, $0xb8;
	[tilespmem:$0xCA00] =	vst v63  }
0x39: {  	s19 =	simm.s32 $0x2600;
	s20 =	simm.s32 $0x8A00  }
0x3a: {  	[tilespmem:s20], [sflag:$0x1] =	stream.indirect.gather [hbm4b:s2+s7], $0x1, s19, s7, $0xb8;
	[tilespmem:$0xCA00] =	vst v63  }
0x3b: {  	s19 =	simm.s32 $0x2800;
	s20 =	simm.s32 $0x8C00  }
0x3c: {  	[tilespmem:s20], [sflag:$0x1] =	stream.indirect.gather [hbm4b:s2+s7], $0x1, s19, s7, $0xb8;
	[tilespmem:$0xCA00] =	vst v63  }
0x3d: {  	s19 =	simm.s32 $0x2A00;
	s20 =	simm.s32 $0x8E00  }
0x3e: {  	[tilespmem:s20], [sflag:$0x1] =	stream.indirect.gather [hbm4b:s2+s7], $0x1, s19, s7, $0xb8;
	[tilespmem:$0xCA00] =	vst v63  }
0x3f: {  	s19 =	simm.s32 $0x2C00;
	s20 =	simm.s32 $0x9000  }
0x40: {  	[tilespmem:s20], [sflag:$0x1] =	stream.indirect.gather [hbm4b:s2+s7], $0x1, s19, s7, $0xb8;
	[tilespmem:$0xCA00] =	vst v63  }
0x41: {  	s19 =	simm.s32 $0x2E00;
	s20 =	simm.s32 $0x9200  }
0x42: {  	[tilespmem:s20], [sflag:$0x1] =	stream.indirect.gather [hbm4b:s2+s7], $0x1, s19, s7, $0xb8;
	[tilespmem:$0xCA00] =	vst v63  }
0x43: {  	s19 =	simm.s32 $0x3000;
	s20 =	simm.s32 $0x9400  }
0x44: {  	[tilespmem:s20], [sflag:$0x1] =	stream.indirect.gather [hbm4b:s2+s7], $0x1, s19, s7, $0xb8;
	[tilespmem:$0xCA00] =	vst v63  }
0x45: {  	s19 =	simm.s32 $0x3200;
	s20 =	simm.s32 $0x9600  }
0x46: {  	[tilespmem:s20], [sflag:$0x1] =	stream.indirect.gather [hbm4b:s2+s7], $0x1, s19, s7, $0xb8;
	[tilespmem:$0xCA00] =	vst v63  }
0x47: {  	s19 =	simm.s32 $0x3400;
	s20 =	simm.s32 $0x9800  }
0x48: {  	[tilespmem:s20], [sflag:$0x1] =	stream.indirect.gather [hbm4b:s2+s7], $0x1, s19, s7, $0xb8;
	[tilespmem:$0xCA00] =	vst v63  }
0x49: {  	s19 =	simm.s32 $0x3600;
	s20 =	simm.s32 $0x9A00  }
0x4a: {  	[tilespmem:s20], [sflag:$0x1] =	stream.indirect.gather [hbm4b:s2+s7], $0x1, s19, s7, $0xb8;
	[tilespmem:$0xCA00] =	vst v63  }
0x4b: {  	s19 =	simm.s32 $0x3800;
	s20 =	simm.s32 $0x9C00  }
0x4c: {  	[tilespmem:s20], [sflag:$0x1] =	stream.indirect.gather [hbm4b:s2+s7], $0x1, s19, s7, $0xb8;
	[tilespmem:$0xCA00] =	vst v63  }
0x4d: {  	s19 =	simm.s32 $0x3A00;
	s20 =	simm.s32 $0x9E00  }
0x4e: {  	[tilespmem:s20], [sflag:$0x1] =	stream.indirect.gather [hbm4b:s2+s7], $0x1, s19, s7, $0xb8;
	[tilespmem:$0xCA00] =	vst v63  }
0x4f: {  	s19 =	simm.s32 $0x3C00;
	s20 =	simm.s32 $0xA000  }
0x50: {  	[tilespmem:s20], [sflag:$0x1] =	stream.indirect.gather [hbm4b:s2+s7], $0x1, s19, s7, $0xb8;
	[tilespmem:$0xCA00] =	vst v63  }
0x51: {  	s19 =	simm.s32 $0x3E00;
	s20 =	simm.s32 $0xA200  }
0x52: {  	[tilespmem:s20], [sflag:$0x1] =	stream.indirect.gather [hbm4b:s2+s7], $0x1, s19, s7, $0xb8;
	[tilespmem:$0xCA00] =	vst v63  }
0x53: {  	s20 =	simm.s32 $0xA400  }
0x54: {  	[tilespmem:s20], [sflag:$0x1] =	stream.indirect.gather [hbm4b:s2+s7], $0x1, s8, s7, $0xb8;
	[tilespmem:$0xCA00] =	vst v63  }
0x55: {  	s19 =	simm.s32 $0x4200;
	s20 =	simm.s32 $0xA600  }
0x56: {  	[tilespmem:s20], [sflag:$0x1] =	stream.indirect.gather [hbm4b:s2+s7], $0x1, s19, s7, $0xb8;
	[tilespmem:$0xCA00] =	vst v63  }
0x57: {  	s19 =	simm.s32 $0x4400;
	s20 =	simm.s32 $0xA800  }
0x58: {  	[tilespmem:s20], [sflag:$0x1] =	stream.indirect.gather [hbm4b:s2+s7], $0x1, s19, s7, $0xb8;
	[tilespmem:$0xCA00] =	vst v63  }
0x59: {  	s19 =	simm.s32 $0x4600;
	s20 =	simm.s32 $0xAA00  }
0x5a: {  	[tilespmem:s20], [sflag:$0x1] =	stream.indirect.gather [hbm4b:s2+s7], $0x1, s19, s7, $0xb8;
	[tilespmem:$0xCA00] =	vst v63  }
0x5b: {  	s19 =	simm.s32 $0x4800;
	s20 =	simm.s32 $0xAC00  }
0x5c: {  	[tilespmem:s20], [sflag:$0x1] =	stream.indirect.gather [hbm4b:s2+s7], $0x1, s19, s7, $0xb8;
	[tilespmem:$0xCA00] =	vst v63  }
0x5d: {  	s19 =	simm.s32 $0x4A00;
	s20 =	simm.s32 $0xAE00  }
0x5e: {  	[tilespmem:s20], [sflag:$0x1] =	stream.indirect.gather [hbm4b:s2+s7], $0x1, s19, s7, $0xb8;
	[tilespmem:$0xCA00] =	vst v63  }
0x5f: {  	s19 =	simm.s32 $0x4C00;
	s20 =	simm.s32 $0xB000  }
0x60: {  	[tilespmem:s20], [sflag:$0x1] =	stream.indirect.gather [hbm4b:s2+s7], $0x1, s19, s7, $0xb8;
	[tilespmem:$0xCA00] =	vst v63  }
0x61: {  	s19 =	simm.s32 $0x4E00;
	s20 =	simm.s32 $0xB200  }
0x62: {  	[tilespmem:s20], [sflag:$0x1] =	stream.indirect.gather [hbm4b:s2+s7], $0x1, s19, s7, $0xb8;
	[tilespmem:$0xCA00] =	vst v63  }
0x63: {  	s19 =	simm.s32 $0x5000;
	s20 =	simm.s32 $0xB400  }
0x64: {  	[tilespmem:s20], [sflag:$0x1] =	stream.indirect.gather [hbm4b:s2+s7], $0x1, s19, s7, $0xb8;
	[tilespmem:$0xCA00] =	vst v63  }
0x65: {  	s20 =	simm.s32 $0x5200  }
0x66: {  	[tilespmem:s21], [sflag:$0x1] =	stream.indirect.gather [hbm4b:s2+s7], $0x1, s20, s7, $0xb8;
	[tilespmem:$0xCA00] =	vst v63  }
0x67: {  	_ = 	snop  }
0x68: {  	[tilespmem:s23], [sflag:$0x1] =	stream.indirect.gather [hbm4b:s2+s7], $0x1, s22, s7, $0xb8;
	[tilespmem:$0xCA00] =	vst v63  }
0x69: {  	_ = 	snop  }
0x6a: {  	[tilespmem:s25], [sflag:$0x1] =	stream.indirect.gather [hbm4b:s2+s7], $0x1, s24, s7, $0xb8;
	[tilespmem:$0xCA00] =	vst v63  }
0x6b: {  	_ = 	snop  }
0x6c: {  	[tilespmem:s28], [sflag:$0x1] =	stream.indirect.gather [hbm4b:s2+s7], $0x1, s26, s7, $0xb8;
	[tilespmem:$0xCA00] =	vst v63  }
0x6d: {  	_ = 	snop  }
0x6e: {  	[tilespmem:s30], [sflag:$0x1] =	stream.indirect.gather [hbm4b:s2+s7], $0x1, s29, s7, $0xb8;
	[tilespmem:$0xCA00] =	vst v63  }
0x6f: {  	_ = 	snop  }
0x70: {  	[tilespmem:s0], [sflag:$0x1] =	stream.indirect.gather [hbm4b:s2+s7], $0x1, s31, s7, $0xb8;
	[tilespmem:$0xCA00] =	vst v63  }
0x71: {  	_ = 	snop  }
0x72: {  	[tilespmem:s10], [sflag:$0x1] =	stream.indirect.gather [hbm4b:s2+s7], $0x1, s1, s7, $0xb8;
	[tilespmem:$0xCA00] =	vst v63  }
0x73: {  	_ = 	snop  }
0x74: {  	[tilespmem:s12], [sflag:$0x1] =	stream.indirect.gather [hbm4b:s2+s7], $0x1, s11, s7, $0xb8;
	[tilespmem:$0xCA00] =	vst v63  }
0x75: {  	_ = 	snop  }
0x76: {  	[tilespmem:s14], [sflag:$0x1] =	stream.indirect.gather [hbm4b:s2+s7], $0x1, s13, s7, $0xb8;
	[tilespmem:$0xCA00] =	vst v63  }
0x77: {  	_ =	swait.ge [sflag:s15], $0x200  }
0x78: {  	[sflag:s15] =	ssyncset.done $0x0  }
0x79: {  	[sflag:s15] =	ssyncadd.s32 $0xFFFFFE00  }
0x7a: {  	_ =	swait.ge [sflag:s15], $0x200  }
0x7b: {  	[sflag:s15] =	ssyncset.done $0x0  }
0x7c: {  	[sflag:s15] =	ssyncadd.s32 $0xFFFFFE00  }
0x7d: {  	_ =	swait.ge [sflag:s15], $0x200  }
0x7e: {  	[sflag:s15] =	ssyncset.done $0x0  }
0x7f: {  	[sflag:s15] =	ssyncadd.s32 $0xFFFFFE00  }
0x80: {  	_ =	swait.ge [sflag:s15], $0x200  }
0x81: {  	[sflag:s15] =	ssyncset.done $0x0  }
0x82: {  	[sflag:s15] =	ssyncadd.s32 $0xFFFFFE00  }
0x83: {  	_ =	swait.ge [sflag:s15], $0x200  }
0x84: {  	[sflag:s15] =	ssyncset.done $0x0  }
0x85: {  	[sflag:s15] =	ssyncadd.s32 $0xFFFFFE00  }
0x86: {  	_ =	swait.ge [sflag:s15], $0x200  }
0x87: {  	[sflag:s15] =	ssyncset.done $0x0  }
0x88: {  	[sflag:s15] =	ssyncadd.s32 $0xFFFFFE00  }
0x89: {  	_ =	swait.ge [sflag:s15], $0x200  }
0x8a: {  	[sflag:s15] =	ssyncset.done $0x0  }
0x8b: {  	[sflag:s15] =	ssyncadd.s32 $0xFFFFFE00  }
0x8c: {  	_ =	swait.ge [sflag:s15], $0x200  }
0x8d: {  	[sflag:s15] =	ssyncset.done $0x0  }
0x8e: {  	[sflag:s15] =	ssyncadd.s32 $0xFFFFFE00  }
0x8f: {  	_ =	swait.ge [sflag:s15], $0x200  }
0x90: {  	[sflag:s15] =	ssyncset.done $0x0  }
0x91: {  	[sflag:s15] =	ssyncadd.s32 $0xFFFFFE00  }
0x92: {  	_ =	swait.ge [sflag:s15], $0x200  }
0x93: {  	[sflag:s15] =	ssyncset.done $0x0  }
0x94: {  	[sflag:s15] =	ssyncadd.s32 $0xFFFFFE00  }
0x95: {  	_ =	swait.ge [sflag:s15], $0x200  }
0x96: {  	[sflag:s15] =	ssyncset.done $0x0  }
0x97: {  	[sflag:s15] =	ssyncadd.s32 $0xFFFFFE00  }
0x98: {  	_ =	swait.ge [sflag:s15], $0x200  }
0x99: {  	[sflag:s15] =	ssyncset.done $0x0  }
0x9a: {  	[sflag:s15] =	ssyncadd.s32 $0xFFFFFE00  }
0x9b: {  	_ =	swait.ge [sflag:s15], $0x200  }
0x9c: {  	[sflag:s15] =	ssyncset.done $0x0  }
0x9d: {  	[sflag:s15] =	ssyncadd.s32 $0xFFFFFE00  }
0x9e: {  	_ =	swait.ge [sflag:s15], $0x200  }
0x9f: {  	[sflag:s15] =	ssyncset.done $0x0  }
0xa0: {  	[sflag:s15] =	ssyncadd.s32 $0xFFFFFE00  }
0xa1: {  	_ =	swait.ge [sflag:s15], $0x200  }
0xa2: {  	[sflag:s15] =	ssyncset.done $0x0  }
0xa3: {  	[sflag:s15] =	ssyncadd.s32 $0xFFFFFE00  }
0xa4: {  	_ =	swait.ge [sflag:s15], $0x200  }
0xa5: {  	[sflag:s15] =	ssyncset.done $0x0  }
0xa6: {  	[sflag:s15] =	ssyncadd.s32 $0xFFFFFE00  }
0xa7: {  	_ =	swait.ge [sflag:s15], $0x200  }
0xa8: {  	[sflag:s15] =	ssyncset.done $0x0  }
0xa9: {  	[sflag:s15] =	ssyncadd.s32 $0xFFFFFE00  }
0xaa: {  	_ =	swait.ge [sflag:s15], $0x200  }
0xab: {  	[sflag:s15] =	ssyncset.done $0x0  }
0xac: {  	[sflag:s15] =	ssyncadd.s32 $0xFFFFFE00  }
0xad: {  	_ =	swait.ge [sflag:s15], $0x200  }
0xae: {  	[sflag:s15] =	ssyncset.done $0x0  }
0xaf: {  	[sflag:s15] =	ssyncadd.s32 $0xFFFFFE00  }
0xb0: {  	_ =	swait.ge [sflag:s15], $0x200  }
0xb1: {  	[sflag:s15] =	ssyncset.done $0x0  }
0xb2: {  	[sflag:s15] =	ssyncadd.s32 $0xFFFFFE00  }
0xb3: {  	_ =	swait.ge [sflag:s15], $0x200  }
0xb4: {  	[sflag:s15] =	ssyncset.done $0x0  }
0xb5: {  	[sflag:s15] =	ssyncadd.s32 $0xFFFFFE00  }
0xb6: {  	_ =	swait.ge [sflag:s15], $0x200  }
0xb7: {  	[sflag:s15] =	ssyncset.done $0x0  }
0xb8: {  	[sflag:s15] =	ssyncadd.s32 $0xFFFFFE00  }
0xb9: {  	_ =	swait.ge [sflag:s15], $0x200  }
0xba: {  	[sflag:s15] =	ssyncset.done $0x0  }
0xbb: {  	[sflag:s15] =	ssyncadd.s32 $0xFFFFFE00  }
0xbc: {  	_ =	swait.ge [sflag:s15], $0x200  }
0xbd: {  	[sflag:s15] =	ssyncset.done $0x0  }
0xbe: {  	[sflag:s15] =	ssyncadd.s32 $0xFFFFFE00  }
0xbf: {  	_ =	swait.ge [sflag:s15], $0x200  }
0xc0: {  	[sflag:s15] =	ssyncset.done $0x0  }
0xc1: {  	[sflag:s15] =	ssyncadd.s32 $0xFFFFFE00  }
0xc2: {  	_ =	swait.ge [sflag:s15], $0x200  }
0xc3: {  	[sflag:s15] =	ssyncset.done $0x0  }
0xc4: {  	[sflag:s15] =	ssyncadd.s32 $0xFFFFFE00  }
0xc5: {  	_ =	swait.ge [sflag:s15], $0x200  }
0xc6: {  	[sflag:s15] =	ssyncset.done $0x0  }
0xc7: {  	[sflag:s15] =	ssyncadd.s32 $0xFFFFFE00  }
0xc8: {  	_ =	swait.ge [sflag:s15], $0x200  }
0xc9: {  	[sflag:s15] =	ssyncset.done $0x0  }
0xca: {  	[sflag:s15] =	ssyncadd.s32 $0xFFFFFE00  }
0xcb: {  	_ =	swait.ge [sflag:s15], $0x200  }
0xcc: {  	[sflag:s15] =	ssyncset.done $0x0  }
0xcd: {  	[sflag:s15] =	ssyncadd.s32 $0xFFFFFE00  }
0xce: {  	_ =	swait.ge [sflag:s15], $0x200  }
0xcf: {  	[sflag:s15] =	ssyncset.done $0x0  }
0xd0: {  	[sflag:s15] =	ssyncadd.s32 $0xFFFFFE00  }
0xd1: {  	_ =	swait.ge [sflag:s15], $0x200  }
0xd2: {  	[sflag:s15] =	ssyncset.done $0x0  }
0xd3: {  	[sflag:s15] =	ssyncadd.s32 $0xFFFFFE00  }
0xd4: {  	_ =	swait.ge [sflag:s15], $0x200  }
0xd5: {  	[sflag:s15] =	ssyncset.done $0x0  }
0xd6: {  	[sflag:s15] =	ssyncadd.s32 $0xFFFFFE00  }
0xd7: {  	_ =	swait.ge [sflag:s15], $0x200  }
0xd8: {  	[sflag:s15] =	ssyncset.done $0x0  }
0xd9: {  	[sflag:s15] =	ssyncadd.s32 $0xFFFFFE00  }
0xda: {  	_ =	swait.ge [sflag:s15], $0x200  }
0xdb: {  	[sflag:s15] =	ssyncset.done $0x0  }
0xdc: {  	[sflag:s15] =	ssyncadd.s32 $0xFFFFFE00  }
0xdd: {  	_ =	swait.ge [sflag:s15], $0x200  }
0xde: {  	[sflag:s15] =	ssyncset.done $0x0  }
0xdf: {  	[sflag:s15] =	ssyncadd.s32 $0xFFFFFE00  }
0xe0: {  	_ =	swait.ge [sflag:s15], $0x200  }
0xe1: {  	[sflag:s15] =	ssyncset.done $0x0  }
0xe2: {  	[sflag:s15] =	ssyncadd.s32 $0xFFFFFE00  }
0xe3: {  	_ =	swait.ge [sflag:s15], $0x200  }
0xe4: {  	[sflag:s15] =	ssyncset.done $0x0  }
0xe5: {  	[sflag:s15] =	ssyncadd.s32 $0xFFFFFE00  }
0xe6: {  	_ =	swait.ge [sflag:s15], $0x200  }
0xe7: {  	[sflag:s15] =	ssyncset.done $0x0  }
0xe8: {  	[sflag:s15] =	ssyncadd.s32 $0xFFFFFE00  }
0xe9: {  	_ =	swait.ge [sflag:s15], $0x200  }
0xea: {  	[sflag:s15] =	ssyncset.done $0x0  }
0xeb: {  	[sflag:s15] =	ssyncadd.s32 $0xFFFFFE00  }
0xec: {  	_ =	swait.ge [sflag:s15], $0x200  }
0xed: {  	[sflag:s15] =	ssyncset.done $0x0  }
0xee: {  	[sflag:s15] =	ssyncadd.s32 $0xFFFFFE00  }
0xef: {  	_ =	swait.ge [sflag:s15], $0x200  }
0xf0: {  	[sflag:s15] =	ssyncset.done $0x0  }
0xf1: {  	[sflag:s15] =	ssyncadd.s32 $0xFFFFFE00  }
0xf2: {  	_ =	swait.ge [sflag:s15], $0x200  }
0xf3: {  	[sflag:s15] =	ssyncset.done $0x0  }
0xf4: {  	[sflag:s15] =	ssyncadd.s32 $0xFFFFFE00  }
0xf5: {  	_ =	swait.ge [sflag:s15], $0x200  }
0xf6: {  	[sflag:s15] =	ssyncset.done $0x0  }
0xf7: {  	[sflag:s15] =	ssyncadd.s32 $0xFFFFFE00  }
0xf8: {  	_ =	swait.ge [sflag:s15], $0x200  }
0xf9: {  	[sflag:s15] =	ssyncset.done $0x0  }
0xfa: {  	[sflag:s15] =	ssyncadd.s32 $0xFFFFFE00  }
0xfb: {  	_ =	swait.ge [sflag:s15], $0x200  }
0xfc: {  	[sflag:s15] =	ssyncset.done $0x0  }
0xfd: {  	[sflag:s15] =	ssyncadd.s32 $0xFFFFFE00  }
0xfe: {  	_ =	swait.ge [sflag:s15], $0x200  }
0xff: {  	[sflag:s15] =	ssyncset.done $0x0  }
0x100: {  	[sflag:s15] =	ssyncadd.s32 $0xFFFFFE00  }
0x101: {  	_ =	swait.ge [sflag:s15], $0x200  }
0x102: {  	[sflag:s15] =	ssyncset.done $0x0  }
0x103: {  	[sflag:s15] =	ssyncadd.s32 $0xFFFFFE00  }
0x104: {  	_ =	swait.ge [sflag:s15], $0x200  }
0x105: {  	[sflag:s15] =	ssyncset.done $0x0  }
0x106: {  	[sflag:s15] =	ssyncadd.s32 $0xFFFFFE00  }
0x107: {  	_ =	swait.ge [sflag:s15], $0x200  }
0x108: {  	[sflag:s15] =	ssyncset.done $0x0  }
0x109: {  	[sflag:s15] =	ssyncadd.s32 $0xFFFFFE00  }
0x10a: {  	_ =	swait.ge [sflag:s15], $0x200  }
0x10b: {  	[sflag:s15] =	ssyncset.done $0x0  }
0x10c: {  	s18 =	simm.s32 $0x0;
	[sflag:s15] =	ssyncadd.s32 $0xFFFFFE00  }
0x10d: {  	v0 =	vld [tilespmem:s18+$0x0]  }
0x10e: {  	v1 =	vld [tilespmem:s18+$0x6400]  }
0x10f: {  	v2 =	vld [tilespmem:s18+$0x200]  }
0x110: {  	v3 =	vld [tilespmem:s18+$0x6600]  }
0x111: {  	v4 =	vld [tilespmem:s18+$0x400]  }
0x112: {  	v5 =	vld [tilespmem:s18+$0x6800]  }
0x113: {  	v6 =	vld [tilespmem:s18+$0x600];
	v1 =	vadd.f32 $0.0e+00, v1  }
0x114: {  	v7 =	vld [tilespmem:s18+$0x6A00];
	vm0 =	veq.s32 v0, $0x0;
	vm1 =	veq.s32 v2, $0x0  }
0x115: {  	v0 =	vld [tilespmem:s18+$0x800];
	v2 =	vsel vm1, $0x0, v3;
	v1 =	vsel vm0, $0x0, v1  }
0x116: {  	vm6 =	veq.s32 v4, $0x0;
	v3 =	vld [tilespmem:s18+$0x6C00];
	v1 =	vadd.f32 v2, v1  }
0x117: {  	v4 =	vsel vm6, $0x0, v5;
	v2 =	vld [tilespmem:s18+$0xA00]  }
0x118: {  	vm7 =	veq.s32 v6, $0x0;
	v5 =	vld [tilespmem:s18+$0x6E00];
	v1 =	vadd.f32 v4, v1  }
0x119: {  	v6 =	vsel vm7, $0x0, v7;
	v4 =	vld [tilespmem:s18+$0xC00]  }
0x11a: {  	v7 =	vld [tilespmem:s18+$0x7000];
	vm8 =	veq.s32 v0, $0x0;
	v1 =	vadd.f32 v6, v1  }
0x11b: {  	v0 =	vld [tilespmem:s18+$0xE00];
	v3 =	vsel vm8, $0x0, v3  }
0x11c: {  	v6 =	vld [tilespmem:s18+$0x7200];
	vm9 =	veq.s32 v2, $0x0;
	v1 =	vadd.f32 v3, v1  }
0x11d: {  	v2 =	vld [tilespmem:s18+$0x1000];
	v3 =	vsel vm9, $0x0, v5  }
0x11e: {  	v5 =	vld [tilespmem:s18+$0x7400];
	vm10 =	veq.s32 v4, $0x0;
	v1 =	vadd.f32 v3, v1  }
0x11f: {  	v3 =	vld [tilespmem:s18+$0x1200];
	v4 =	vsel vm10, $0x0, v7  }
0x120: {  	vm11 =	veq.s32 v0, $0x0;
	v7 =	vld [tilespmem:s18+$0x7600];
	v1 =	vadd.f32 v4, v1  }
0x121: {  	v0 =	vld [tilespmem:s18+$0x1400];
	v4 =	vsel vm11, $0x0, v6  }
0x122: {  	v6 =	vld [tilespmem:s18+$0x7800];
	vm12 =	veq.s32 v2, $0x0;
	v1 =	vadd.f32 v4, v1  }
0x123: {  	v2 =	vld [tilespmem:s18+$0x1600];
	v4 =	vsel vm12, $0x0, v5  }
0x124: {  	v5 =	vld [tilespmem:s18+$0x7A00];
	vm13 =	veq.s32 v3, $0x0;
	v1 =	vadd.f32 v4, v1  }
0x125: {  	v3 =	vld [tilespmem:s18+$0x1800];
	v4 =	vsel vm13, $0x0, v7  }
0x126: {  	vm14 =	veq.s32 v0, $0x0;
	v7 =	vld [tilespmem:s18+$0x7C00];
	v1 =	vadd.f32 v4, v1  }
0x127: {  	v0 =	vld [tilespmem:s18+$0x1A00];
	v4 =	vsel vm14, $0x0, v6  }
0x128: {  	vm15 =	veq.s32 v2, $0x0;
	v6 =	vld [tilespmem:s18+$0x7E00];
	v1 =	vadd.f32 v4, v1  }
0x129: {  	v2 =	vld [tilespmem:s18+$0x1C00];
	v4 =	vsel vm15, $0x0, v5  }
0x12a: {  	v5 =	vld [tilespmem:s18+$0x8000];
	vm4 =	veq.s32 v3, $0x0;
	v1 =	vadd.f32 v4, v1  }
0x12b: {  	v3 =	vld [tilespmem:s18+$0x1E00];
	v4 =	vsel vm4, $0x0, v7  }
0x12c: {  	vm5 =	veq.s32 v0, $0x0;
	v7 =	vld [tilespmem:s18+$0x8200];
	v1 =	vadd.f32 v4, v1  }
0x12d: {  	v0 =	vld [tilespmem:s18+$0x2000];
	v4 =	vsel vm5, $0x0, v6  }
0x12e: {  	vm6 =	veq.s32 v2, $0x0;
	v6 =	vld [tilespmem:s18+$0x8400];
	v1 =	vadd.f32 v4, v1  }
0x12f: {  	v2 =	vld [tilespmem:s18+$0x2200];
	v4 =	vsel vm6, $0x0, v5  }
0x130: {  	vm7 =	veq.s32 v3, $0x0;
	v5 =	vld [tilespmem:s18+$0x8600];
	v1 =	vadd.f32 v4, v1  }
0x131: {  	v3 =	vld [tilespmem:s18+$0x2400];
	v4 =	vsel vm7, $0x0, v7  }
0x132: {  	vm8 =	veq.s32 v0, $0x0;
	v7 =	vld [tilespmem:s18+$0x8800];
	v1 =	vadd.f32 v4, v1  }
0x133: {  	v0 =	vld [tilespmem:s18+$0x2600];
	v4 =	vsel vm8, $0x0, v6  }
0x134: {  	vm9 =	veq.s32 v2, $0x0;
	v6 =	vld [tilespmem:s18+$0x8A00];
	v1 =	vadd.f32 v4, v1  }
0x135: {  	v2 =	vld [tilespmem:s18+$0x2800];
	v4 =	vsel vm9, $0x0, v5  }
0x136: {  	vm10 =	veq.s32 v3, $0x0;
	v5 =	vld [tilespmem:s18+$0x8C00];
	v1 =	vadd.f32 v4, v1  }
0x137: {  	v3 =	vld [tilespmem:s18+$0x2A00];
	v4 =	vsel vm10, $0x0, v7  }
0x138: {  	vm11 =	veq.s32 v0, $0x0;
	v7 =	vld [tilespmem:s18+$0x8E00];
	v1 =	vadd.f32 v4, v1  }
0x139: {  	v0 =	vld [tilespmem:s18+$0x2C00];
	v4 =	vsel vm11, $0x0, v6  }
0x13a: {  	vm12 =	veq.s32 v2, $0x0;
	v6 =	vld [tilespmem:s18+$0x9000];
	v1 =	vadd.f32 v4, v1  }
0x13b: {  	v2 =	vld [tilespmem:s18+$0x2E00];
	v4 =	vsel vm12, $0x0, v5  }
0x13c: {  	vm13 =	veq.s32 v3, $0x0;
	v5 =	vld [tilespmem:s18+$0x9200];
	v1 =	vadd.f32 v4, v1  }
0x13d: {  	v3 =	vld [tilespmem:s18+$0x3000];
	v4 =	vsel vm13, $0x0, v7  }
0x13e: {  	vm14 =	veq.s32 v0, $0x0;
	v7 =	vld [tilespmem:s18+$0x9400];
	v1 =	vadd.f32 v4, v1  }
0x13f: {  	v0 =	vld [tilespmem:s18+$0x3200];
	v4 =	vsel vm14, $0x0, v6  }
0x140: {  	vm15 =	veq.s32 v2, $0x0;
	v6 =	vld [tilespmem:s18+$0x9600];
	v1 =	vadd.f32 v4, v1  }
0x141: {  	v2 =	vld [tilespmem:s18+$0x3400];
	v4 =	vsel vm15, $0x0, v5  }
0x142: {  	vm4 =	veq.s32 v3, $0x0;
	v5 =	vld [tilespmem:s18+$0x9800];
	v1 =	vadd.f32 v4, v1  }
0x143: {  	v3 =	vld [tilespmem:s18+$0x3600];
	v4 =	vsel vm4, $0x0, v7  }
0x144: {  	vm5 =	veq.s32 v0, $0x0;
	v7 =	vld [tilespmem:s18+$0x9A00];
	v1 =	vadd.f32 v4, v1  }
0x145: {  	v0 =	vld [tilespmem:s18+$0x3800];
	v4 =	vsel vm5, $0x0, v6  }
0x146: {  	vm6 =	veq.s32 v2, $0x0;
	v6 =	vld [tilespmem:s18+$0x9C00];
	v1 =	vadd.f32 v4, v1  }
0x147: {  	v2 =	vld [tilespmem:s18+$0x3A00];
	v4 =	vsel vm6, $0x0, v5  }
0x148: {  	vm7 =	veq.s32 v3, $0x0;
	v5 =	vld [tilespmem:s18+$0x9E00];
	v1 =	vadd.f32 v4, v1  }
0x149: {  	v3 =	vld [tilespmem:s18+$0x3C00];
	v4 =	vsel vm7, $0x0, v7  }
0x14a: {  	vm8 =	veq.s32 v0, $0x0;
	v7 =	vld [tilespmem:s18+$0xA000];
	v1 =	vadd.f32 v4, v1  }
0x14b: {  	v0 =	vld [tilespmem:s18+$0x3E00];
	v4 =	vsel vm8, $0x0, v6  }
0x14c: {  	vm9 =	veq.s32 v2, $0x0;
	v6 =	vld [tilespmem:s18+$0xA200];
	v1 =	vadd.f32 v4, v1  }
0x14d: {  	v2 =	vld [tilespmem:s18+$0x4000];
	v4 =	vsel vm9, $0x0, v5  }
0x14e: {  	vm10 =	veq.s32 v3, $0x0;
	v5 =	vld [tilespmem:s18+$0xA400];
	v1 =	vadd.f32 v4, v1  }
0x14f: {  	v3 =	vld [tilespmem:s18+$0x4200];
	v4 =	vsel vm10, $0x0, v7  }
0x150: {  	vm11 =	veq.s32 v0, $0x0;
	v7 =	vld [tilespmem:s18+$0xA600];
	v1 =	vadd.f32 v4, v1  }
0x151: {  	v0 =	vld [tilespmem:s18+$0x4400];
	v4 =	vsel vm11, $0x0, v6  }
0x152: {  	vm12 =	veq.s32 v2, $0x0;
	v6 =	vld [tilespmem:s18+$0xA800];
	v1 =	vadd.f32 v4, v1  }
0x153: {  	v2 =	vld [tilespmem:s18+$0x4600];
	v4 =	vsel vm12, $0x0, v5  }
0x154: {  	vm13 =	veq.s32 v3, $0x0;
	v5 =	vld [tilespmem:s18+$0xAA00];
	v1 =	vadd.f32 v4, v1  }
0x155: {  	v3 =	vld [tilespmem:s18+$0x4800];
	v4 =	vsel vm13, $0x0, v7  }
0x156: {  	vm14 =	veq.s32 v0, $0x0;
	v7 =	vld [tilespmem:s18+$0xAC00];
	v1 =	vadd.f32 v4, v1  }
0x157: {  	v0 =	vld [tilespmem:s18+$0x4A00];
	v4 =	vsel vm14, $0x0, v6  }
0x158: {  	vm15 =	veq.s32 v2, $0x0;
	v6 =	vld [tilespmem:s18+$0xAE00];
	v1 =	vadd.f32 v4, v1  }
0x159: {  	v2 =	vld [tilespmem:s18+$0x4C00];
	v4 =	vsel vm15, $0x0, v5  }
0x15a: {  	vm4 =	veq.s32 v3, $0x0;
	v5 =	vld [tilespmem:s18+$0xB000];
	v1 =	vadd.f32 v4, v1  }
0x15b: {  	v3 =	vld [tilespmem:s18+$0x4E00];
	v4 =	vsel vm4, $0x0, v7  }
0x15c: {  	vm5 =	veq.s32 v0, $0x0;
	v7 =	vld [tilespmem:s18+$0xB200];
	v1 =	vadd.f32 v4, v1  }
0x15d: {  	v0 =	vld [tilespmem:s18+$0x5000];
	v4 =	vsel vm5, $0x0, v6  }
0x15e: {  	vm6 =	veq.s32 v2, $0x0;
	v6 =	vld [tilespmem:s18+$0xB400];
	v1 =	vadd.f32 v4, v1  }
0x15f: {  	v2 =	vld [tilespmem:s18+$0x5200];
	v4 =	vsel vm6, $0x0, v5  }
0x160: {  	vm7 =	veq.s32 v3, $0x0;
	v5 =	vld [tilespmem:s18+$0xB600];
	v1 =	vadd.f32 v4, v1  }
0x161: {  	v3 =	vld [tilespmem:s18+$0x5400];
	v4 =	vsel vm7, $0x0, v7  }
0x162: {  	vm8 =	veq.s32 v0, $0x0;
	v7 =	vld [tilespmem:s18+$0xB800];
	v1 =	vadd.f32 v4, v1  }
0x163: {  	v0 =	vld [tilespmem:s18+$0x5600];
	v4 =	vsel vm8, $0x0, v6  }
0x164: {  	vm9 =	veq.s32 v2, $0x0;
	v6 =	vld [tilespmem:s18+$0xBA00];
	v1 =	vadd.f32 v4, v1  }
0x165: {  	v2 =	vld [tilespmem:s18+$0x5800];
	v4 =	vsel vm9, $0x0, v5  }
0x166: {  	vm10 =	veq.s32 v3, $0x0;
	v5 =	vld [tilespmem:s18+$0xBC00];
	v1 =	vadd.f32 v4, v1  }
0x167: {  	v3 =	vld [tilespmem:s18+$0x5A00];
	v4 =	vsel vm10, $0x0, v7  }
0x168: {  	vm11 =	veq.s32 v0, $0x0;
	v7 =	vld [tilespmem:s18+$0xBE00];
	v1 =	vadd.f32 v4, v1  }
0x169: {  	v0 =	vld [tilespmem:s18+$0x5C00];
	v4 =	vsel vm11, $0x0, v6  }
0x16a: {  	vm12 =	veq.s32 v2, $0x0;
	v6 =	vld [tilespmem:s18+$0xC000];
	v1 =	vadd.f32 v4, v1  }
0x16b: {  	v2 =	vsel vm12, $0x0, v5;
	v4 =	vld [tilespmem:s18+$0x5E00]  }
0x16c: {  	v8 =	vld [tilespmem:s18+$0xC200];
	vm13 =	veq.s32 v3, $0x0;
	v2 =	vadd.f32 v2, v1  }
0x16d: {  	v5 =	vsel vm13, $0x0, v7;
	v1 =	vld [tilespmem:s18+$0x6000]  }
0x16e: {  	vm14 =	veq.s32 v0, $0x0;
	v3 =	vld [tilespmem:s18+$0xC400];
	v5 =	vadd.f32 v5, v2  }
0x16f: {  	v0 =	vsel vm14, $0x0, v6;
	v2 =	vld [tilespmem:s18+$0x6200]  }
0x170: {  	s20 =	simm.s32 $0x10;
	vm15 =	veq.s32 v4, $0x0;
	v4 =	vld [tilespmem:s18+$0xC600];
	v5 =	vadd.f32 v0, v5  }
0x171: {  	s19 =	simm.s32 $0x80;
	v0 =	vld [tilespmem:s20+$0x0];
	v6 =	vsel vm15, $0x0, v8  }
.LBB2_2:
0x172: {  	p0 =	sne.s32 s19, $0x7C0;
	v7 =	vld [tilespmem:s20+$0x6400];
	v5 =	vadd.f32 v6, v5;
	vm0 =	veq.s32 v1, $0x0  }
0x173: {  	v1 =	vld [tilespmem:s20+$0x200];
	v3 =	vsel vm0, $0x0, v3  }
0x174: {  	v6 =	vld [tilespmem:s20+$0x6600];
	v3 =	vadd.f32 v3, v5;
	vm0 =	veq.s32 v2, $0x0  }
0x175: {  	v2 =	vld [tilespmem:s20+$0x400];
	v4 =	vsel vm0, $0x0, v4  }
0x176: {  	v5 =	vld [tilespmem:s20+$0x6800];
	v3 =	vadd.f32 v4, v3  }
0x177: {  	v4 =	vadd.f32 $0.0e+00, v7;
	v7 =	vld [tilespmem:s20+$0x600]  }
0x178: {  	vm0 =	veq.s32 v0, $0x0;
	vm1 =	veq.s32 v1, $0x0;
	v0 =	vld [tilespmem:s20+$0x6A00];
	[tilespmem:s18+$0xC800] =	vst v3;
	s18 =	smov.u32 s20  }
0x179: {  	v1 =	vsel vm0, $0x0, v4;
	v3 =	vsel vm1, $0x0, v6;
	v4 =	vld [tilespmem:s18+$0x800]  }
0x17a: {  	v1 =	vadd.f32 v3, v1;
	vm0 =	veq.s32 v2, $0x0;
	v2 =	vld [tilespmem:s18+$0x6C00]  }
0x17b: {  	v3 =	vsel vm0, $0x0, v5;
	v5 =	vld [tilespmem:s18+$0xA00]  }
0x17c: {  	v1 =	vadd.f32 v3, v1;
	vm0 =	veq.s32 v7, $0x0;
	v3 =	vld [tilespmem:s18+$0x6E00]  }
0x17d: {  	v0 =	vsel vm0, $0x0, v0;
	v6 =	vld [tilespmem:s18+$0xC00]  }
0x17e: {  	v0 =	vadd.f32 v0, v1;
	vm0 =	veq.s32 v4, $0x0;
	v1 =	vld [tilespmem:s18+$0x7000]  }
0x17f: {  	v2 =	vsel vm0, $0x0, v2;
	v4 =	vld [tilespmem:s18+$0xE00]  }
0x180: {  	v0 =	vadd.f32 v2, v0;
	vm0 =	veq.s32 v5, $0x0;
	v2 =	vld [tilespmem:s18+$0x7200]  }
0x181: {  	v3 =	vsel vm0, $0x0, v3;
	v5 =	vld [tilespmem:s18+$0x1000]  }
0x182: {  	v0 =	vadd.f32 v3, v0;
	vm0 =	veq.s32 v6, $0x0;
	v3 =	vld [tilespmem:s18+$0x7400]  }
0x183: {  	v1 =	vsel vm0, $0x0, v1;
	v6 =	vld [tilespmem:s18+$0x1200]  }
0x184: {  	v0 =	vadd.f32 v1, v0;
	vm0 =	veq.s32 v4, $0x0;
	v1 =	vld [tilespmem:s18+$0x7600]  }
0x185: {  	v2 =	vsel vm0, $0x0, v2;
	v4 =	vld [tilespmem:s18+$0x1400]  }
0x186: {  	v0 =	vadd.f32 v2, v0;
	vm0 =	veq.s32 v5, $0x0;
	v2 =	vld [tilespmem:s18+$0x7800]  }
0x187: {  	v3 =	vsel vm0, $0x0, v3;
	v5 =	vld [tilespmem:s18+$0x1600]  }
0x188: {  	v0 =	vadd.f32 v3, v0;
	vm0 =	veq.s32 v6, $0x0;
	v3 =	vld [tilespmem:s18+$0x7A00]  }
0x189: {  	v1 =	vsel vm0, $0x0, v1;
	v6 =	vld [tilespmem:s18+$0x1800]  }
0x18a: {  	v0 =	vadd.f32 v1, v0;
	vm0 =	veq.s32 v4, $0x0;
	v1 =	vld [tilespmem:s18+$0x7C00]  }
0x18b: {  	v2 =	vsel vm0, $0x0, v2;
	v4 =	vld [tilespmem:s18+$0x1A00]  }
0x18c: {  	v0 =	vadd.f32 v2, v0;
	vm0 =	veq.s32 v5, $0x0;
	v2 =	vld [tilespmem:s18+$0x7E00]  }
0x18d: {  	v3 =	vsel vm0, $0x0, v3;
	v5 =	vld [tilespmem:s18+$0x1C00]  }
0x18e: {  	v0 =	vadd.f32 v3, v0;
	vm0 =	veq.s32 v6, $0x0;
	v3 =	vld [tilespmem:s18+$0x8000]  }
0x18f: {  	v1 =	vsel vm0, $0x0, v1;
	v6 =	vld [tilespmem:s18+$0x1E00]  }
0x190: {  	v0 =	vadd.f32 v1, v0;
	vm0 =	veq.s32 v4, $0x0;
	v1 =	vld [tilespmem:s18+$0x8200]  }
0x191: {  	v2 =	vsel vm0, $0x0, v2;
	v4 =	vld [tilespmem:s18+$0x2000]  }
0x192: {  	v0 =	vadd.f32 v2, v0;
	vm0 =	veq.s32 v5, $0x0;
	v2 =	vld [tilespmem:s18+$0x8400]  }
0x193: {  	v3 =	vsel vm0, $0x0, v3;
	v5 =	vld [tilespmem:s18+$0x2200]  }
0x194: {  	v0 =	vadd.f32 v3, v0;
	vm0 =	veq.s32 v6, $0x0;
	v3 =	vld [tilespmem:s18+$0x8600]  }
0x195: {  	v1 =	vsel vm0, $0x0, v1;
	v6 =	vld [tilespmem:s18+$0x2400]  }
0x196: {  	v0 =	vadd.f32 v1, v0;
	vm0 =	veq.s32 v4, $0x0;
	v1 =	vld [tilespmem:s18+$0x8800]  }
0x197: {  	v2 =	vsel vm0, $0x0, v2;
	v4 =	vld [tilespmem:s18+$0x2600]  }
0x198: {  	v0 =	vadd.f32 v2, v0;
	vm0 =	veq.s32 v5, $0x0;
	v2 =	vld [tilespmem:s18+$0x8A00]  }
0x199: {  	v3 =	vsel vm0, $0x0, v3;
	v5 =	vld [tilespmem:s18+$0x2800]  }
0x19a: {  	v0 =	vadd.f32 v3, v0;
	vm0 =	veq.s32 v6, $0x0;
	v3 =	vld [tilespmem:s18+$0x8C00]  }
0x19b: {  	v1 =	vsel vm0, $0x0, v1;
	v6 =	vld [tilespmem:s18+$0x2A00]  }
0x19c: {  	v0 =	vadd.f32 v1, v0;
	vm0 =	veq.s32 v4, $0x0;
	v1 =	vld [tilespmem:s18+$0x8E00]  }
0x19d: {  	v2 =	vsel vm0, $0x0, v2;
	v4 =	vld [tilespmem:s18+$0x2C00]  }
0x19e: {  	v0 =	vadd.f32 v2, v0;
	vm0 =	veq.s32 v5, $0x0;
	v2 =	vld [tilespmem:s18+$0x9000]  }
0x19f: {  	v3 =	vsel vm0, $0x0, v3;
	v5 =	vld [tilespmem:s18+$0x2E00]  }
0x1a0: {  	v0 =	vadd.f32 v3, v0;
	vm0 =	veq.s32 v6, $0x0;
	v3 =	vld [tilespmem:s18+$0x9200]  }
0x1a1: {  	v1 =	vsel vm0, $0x0, v1;
	v6 =	vld [tilespmem:s18+$0x3000]  }
0x1a2: {  	v0 =	vadd.f32 v1, v0;
	vm0 =	veq.s32 v4, $0x0;
	v1 =	vld [tilespmem:s18+$0x9400]  }
0x1a3: {  	v2 =	vsel vm0, $0x0, v2;
	v4 =	vld [tilespmem:s18+$0x3200]  }
0x1a4: {  	v0 =	vadd.f32 v2, v0;
	vm0 =	veq.s32 v5, $0x0;
	v2 =	vld [tilespmem:s18+$0x9600]  }
0x1a5: {  	v3 =	vsel vm0, $0x0, v3;
	v5 =	vld [tilespmem:s18+$0x3400]  }
0x1a6: {  	v0 =	vadd.f32 v3, v0;
	vm0 =	veq.s32 v6, $0x0;
	v3 =	vld [tilespmem:s18+$0x9800]  }
0x1a7: {  	v1 =	vsel vm0, $0x0, v1;
	v6 =	vld [tilespmem:s18+$0x3600]  }
0x1a8: {  	v0 =	vadd.f32 v1, v0;
	vm0 =	veq.s32 v4, $0x0;
	v1 =	vld [tilespmem:s18+$0x9A00]  }
0x1a9: {  	v2 =	vsel vm0, $0x0, v2;
	v4 =	vld [tilespmem:s18+$0x3800]  }
0x1aa: {  	v0 =	vadd.f32 v2, v0;
	vm0 =	veq.s32 v5, $0x0;
	v2 =	vld [tilespmem:s18+$0x9C00]  }
0x1ab: {  	v3 =	vsel vm0, $0x0, v3;
	v5 =	vld [tilespmem:s18+$0x3A00]  }
0x1ac: {  	v0 =	vadd.f32 v3, v0;
	vm0 =	veq.s32 v6, $0x0;
	v3 =	vld [tilespmem:s18+$0x9E00]  }
0x1ad: {  	v1 =	vsel vm0, $0x0, v1;
	v6 =	vld [tilespmem:s18+$0x3C00]  }
0x1ae: {  	v0 =	vadd.f32 v1, v0;
	vm0 =	veq.s32 v4, $0x0;
	v1 =	vld [tilespmem:s18+$0xA000]  }
0x1af: {  	v2 =	vsel vm0, $0x0, v2;
	v4 =	vld [tilespmem:s18+$0x3E00]  }
0x1b0: {  	v0 =	vadd.f32 v2, v0;
	vm0 =	veq.s32 v5, $0x0;
	v2 =	vld [tilespmem:s18+$0xA200]  }
0x1b1: {  	v3 =	vsel vm0, $0x0, v3;
	v5 =	vld [tilespmem:s18+$0x4000]  }
0x1b2: {  	v0 =	vadd.f32 v3, v0;
	vm0 =	veq.s32 v6, $0x0;
	v3 =	vld [tilespmem:s18+$0xA400]  }
0x1b3: {  	v1 =	vsel vm0, $0x0, v1;
	v6 =	vld [tilespmem:s18+$0x4200]  }
0x1b4: {  	v0 =	vadd.f32 v1, v0;
	vm0 =	veq.s32 v4, $0x0;
	v1 =	vld [tilespmem:s18+$0xA600]  }
0x1b5: {  	v2 =	vsel vm0, $0x0, v2;
	v4 =	vld [tilespmem:s18+$0x4400]  }
0x1b6: {  	v0 =	vadd.f32 v2, v0;
	vm0 =	veq.s32 v5, $0x0;
	v2 =	vld [tilespmem:s18+$0xA800]  }
0x1b7: {  	v3 =	vsel vm0, $0x0, v3;
	v5 =	vld [tilespmem:s18+$0x4600]  }
0x1b8: {  	v0 =	vadd.f32 v3, v0;
	vm0 =	veq.s32 v6, $0x0;
	v3 =	vld [tilespmem:s18+$0xAA00]  }
0x1b9: {  	v1 =	vsel vm0, $0x0, v1;
	v6 =	vld [tilespmem:s18+$0x4800]  }
0x1ba: {  	v0 =	vadd.f32 v1, v0;
	vm0 =	veq.s32 v4, $0x0;
	v1 =	vld [tilespmem:s18+$0xAC00]  }
0x1bb: {  	v2 =	vsel vm0, $0x0, v2;
	v4 =	vld [tilespmem:s18+$0x4A00]  }
0x1bc: {  	v0 =	vadd.f32 v2, v0;
	vm0 =	veq.s32 v5, $0x0;
	v2 =	vld [tilespmem:s18+$0xAE00]  }
0x1bd: {  	v3 =	vsel vm0, $0x0, v3;
	v5 =	vld [tilespmem:s18+$0x4C00]  }
0x1be: {  	v0 =	vadd.f32 v3, v0;
	vm0 =	veq.s32 v6, $0x0;
	v3 =	vld [tilespmem:s18+$0xB000]  }
0x1bf: {  	v1 =	vsel vm0, $0x0, v1;
	v6 =	vld [tilespmem:s18+$0x4E00]  }
0x1c0: {  	v0 =	vadd.f32 v1, v0;
	vm0 =	veq.s32 v4, $0x0;
	v1 =	vld [tilespmem:s18+$0xB200]  }
0x1c1: {  	v2 =	vsel vm0, $0x0, v2;
	v4 =	vld [tilespmem:s18+$0x5000]  }
0x1c2: {  	v0 =	vadd.f32 v2, v0;
	vm0 =	veq.s32 v5, $0x0;
	v2 =	vld [tilespmem:s18+$0xB400]  }
0x1c3: {  	v3 =	vsel vm0, $0x0, v3;
	v5 =	vld [tilespmem:s18+$0x5200]  }
0x1c4: {  	v0 =	vadd.f32 v3, v0;
	vm0 =	veq.s32 v6, $0x0;
	v3 =	vld [tilespmem:s18+$0xB600]  }
0x1c5: {  	v1 =	vsel vm0, $0x0, v1;
	v6 =	vld [tilespmem:s18+$0x5400]  }
0x1c6: {  	v0 =	vadd.f32 v1, v0;
	vm0 =	veq.s32 v4, $0x0;
	v1 =	vld [tilespmem:s18+$0xB800]  }
0x1c7: {  	v2 =	vsel vm0, $0x0, v2;
	v4 =	vld [tilespmem:s18+$0x5600]  }
0x1c8: {  	v0 =	vadd.f32 v2, v0;
	vm0 =	veq.s32 v5, $0x0;
	v2 =	vld [tilespmem:s18+$0xBA00]  }
0x1c9: {  	v3 =	vsel vm0, $0x0, v3;
	v5 =	vld [tilespmem:s18+$0x5800]  }
0x1ca: {  	v0 =	vadd.f32 v3, v0;
	vm0 =	veq.s32 v6, $0x0;
	v3 =	vld [tilespmem:s18+$0xBC00]  }
0x1cb: {  	v1 =	vsel vm0, $0x0, v1;
	v6 =	vld [tilespmem:s18+$0x5A00]  }
0x1cc: {  	v0 =	vadd.f32 v1, v0;
	vm0 =	veq.s32 v4, $0x0;
	v1 =	vld [tilespmem:s18+$0xBE00]  }
0x1cd: {  	v2 =	vsel vm0, $0x0, v2;
	v4 =	vld [tilespmem:s18+$0x5C00]  }
0x1ce: {  	v0 =	vadd.f32 v2, v0;
	vm0 =	veq.s32 v5, $0x0;
	v2 =	vld [tilespmem:s18+$0xC000]  }
0x1cf: {  	v3 =	vsel vm0, $0x0, v3;
	v7 =	vld [tilespmem:s18+$0x5E00]  }
0x1d0: {  	v0 =	vadd.f32 v3, v0;
	vm0 =	veq.s32 v6, $0x0;
	v6 =	vld [tilespmem:s18+$0xC200]  }
.Ltmp0:
0x1d1: {  	v3 =	vsel vm0, $0x0, v1;
	v1 =	vld [tilespmem:s18+$0x6000];
	(pc) =	sbr.rel @p0 .LBB2_2-.Ltmp0, $4  }
0x1d2: {  	v0 =	vadd.f32 v3, v0;
	vm0 =	veq.s32 v4, $0x0;
	v3 =	vld [tilespmem:s18+$0xC400]  }
0x1d3: {  	v4 =	vsel vm0, $0x0, v2;
	v2 =	vld [tilespmem:s18+$0x6200]  }
0x1d4: {  	s20 =	sshra.s32 s19, $0x2;
	v5 =	vadd.f32 v4, v0;
	vm0 =	veq.s32 v7, $0x0;
	v4 =	vld [tilespmem:s18+$0xC600]  }
0x1d5: {  	s19 =	sadd.s32 $0x40, s19;
	v0 =	vld [tilespmem:s20+$0x0];
	v6 =	vsel vm0, $0x0, v6  }
0x1d6: {  	v7 =	vld [tilespmem:s20+$0x6400];
	v5 =	vadd.f32 v6, v5;
	vm0 =	veq.s32 v1, $0x0  }
0x1d7: {  	v22 =	vld [tilespmem:s20+$0x200];
	v3 =	vsel vm0, $0x0, v3  }
0x1d8: {  	v23 =	vld [tilespmem:s20+$0x6600];
	v3 =	vadd.f32 v3, v5;
	vm14 =	veq.s32 v2, $0x0  }
0x1d9: {  	v24 =	vld [tilespmem:s20+$0x400];
	v4 =	vsel vm14, $0x0, v4  }
0x1da: {  	v25 =	vld [tilespmem:s20+$0x6800];
	v3 =	vadd.f32 v4, v3  }
0x1db: {  	v26 =	vld [tilespmem:s20+$0x600];
	v7 =	vadd.f32 $0.0e+00, v7  }
0x1dc: {  	v8 =	vld [tilespmem:s20+$0x6A00];
	vm15 =	veq.s32 v0, $0x0;
	vm1 =	veq.s32 v22, $0x0;
	[tilespmem:s18+$0xC800] =	vst v3  }
0x1dd: {  	v1 =	vsel vm1, $0x0, v23;
	v0 =	vsel vm15, $0x0, v7;
	v3 =	vld [tilespmem:s20+$0x800]  }
0x1de: {  	vm4 =	veq.s32 v24, $0x0;
	v27 =	vld [tilespmem:s20+$0x6C00];
	v0 =	vadd.f32 v1, v0  }
0x1df: {  	v2 =	vsel vm4, $0x0, v25;
	v28 =	vld [tilespmem:s20+$0xA00]  }
0x1e0: {  	vm5 =	veq.s32 v26, $0x0;
	v29 =	vld [tilespmem:s20+$0x6E00];
	v0 =	vadd.f32 v2, v0  }
0x1e1: {  	v4 =	vsel vm5, $0x0, v8;
	v30 =	vld [tilespmem:s20+$0xC00]  }
0x1e2: {  	v31 =	vld [tilespmem:s20+$0x7000];
	v0 =	vadd.f32 v4, v0;
	vm6 =	veq.s32 v3, $0x0  }
0x1e3: {  	v32 =	vld [tilespmem:s20+$0xE00];
	v1 =	vsel vm6, $0x0, v27  }
0x1e4: {  	v33 =	vld [tilespmem:s20+$0x7200];
	vm7 =	veq.s32 v28, $0x0;
	v0 =	vadd.f32 v1, v0  }
0x1e5: {  	v34 =	vld [tilespmem:s20+$0x1000];
	v2 =	vsel vm7, $0x0, v29  }
0x1e6: {  	v35 =	vld [tilespmem:s20+$0x7400];
	vm8 =	veq.s32 v30, $0x0;
	v0 =	vadd.f32 v2, v0  }
0x1e7: {  	v36 =	vld [tilespmem:s20+$0x1200];
	v3 =	vsel vm8, $0x0, v31  }
0x1e8: {  	v37 =	vld [tilespmem:s20+$0x7600];
	vm9 =	veq.s32 v32, $0x0;
	v0 =	vadd.f32 v3, v0  }
0x1e9: {  	v38 =	vld [tilespmem:s20+$0x1400];
	v1 =	vsel vm9, $0x0, v33  }
0x1ea: {  	v39 =	vld [tilespmem:s20+$0x7800];
	vm10 =	veq.s32 v34, $0x0;
	v0 =	vadd.f32 v1, v0  }
0x1eb: {  	v40 =	vld [tilespmem:s20+$0x1600];
	v2 =	vsel vm10, $0x0, v35  }
0x1ec: {  	v41 =	vld [tilespmem:s20+$0x7A00];
	vm11 =	veq.s32 v36, $0x0;
	v0 =	vadd.f32 v2, v0  }
0x1ed: {  	v42 =	vld [tilespmem:s20+$0x1800];
	v3 =	vsel vm11, $0x0, v37  }
0x1ee: {  	v43 =	vld [tilespmem:s20+$0x7C00];
	vm12 =	veq.s32 v38, $0x0;
	v0 =	vadd.f32 v3, v0  }
0x1ef: {  	v44 =	vld [tilespmem:s20+$0x1A00];
	v1 =	vsel vm12, $0x0, v39  }
0x1f0: {  	v45 =	vld [tilespmem:s20+$0x7E00];
	vm13 =	veq.s32 v40, $0x0;
	v0 =	vadd.f32 v1, v0  }
0x1f1: {  	v46 =	vld [tilespmem:s20+$0x1C00];
	v2 =	vsel vm13, $0x0, v41  }
0x1f2: {  	v47 =	vld [tilespmem:s20+$0x8000];
	vm14 =	veq.s32 v42, $0x0;
	v0 =	vadd.f32 v2, v0  }
0x1f3: {  	v48 =	vld [tilespmem:s20+$0x1E00];
	v3 =	vsel vm14, $0x0, v43  }
0x1f4: {  	v49 =	vld [tilespmem:s20+$0x8200];
	vm15 =	veq.s32 v44, $0x0;
	v0 =	vadd.f32 v3, v0  }
0x1f5: {  	v50 =	vld [tilespmem:s20+$0x2000];
	v1 =	vsel vm15, $0x0, v45  }
0x1f6: {  	v51 =	vld [tilespmem:s20+$0x8400];
	vm4 =	veq.s32 v46, $0x0;
	v0 =	vadd.f32 v1, v0  }
0x1f7: {  	v52 =	vld [tilespmem:s20+$0x2200];
	v2 =	vsel vm4, $0x0, v47  }
0x1f8: {  	v53 =	vld [tilespmem:s20+$0x8600];
	vm5 =	veq.s32 v48, $0x0;
	v0 =	vadd.f32 v2, v0  }
0x1f9: {  	v54 =	vld [tilespmem:s20+$0x2400];
	v3 =	vsel vm5, $0x0, v49  }
0x1fa: {  	v55 =	vld [tilespmem:s20+$0x8800];
	vm6 =	veq.s32 v50, $0x0;
	v0 =	vadd.f32 v3, v0  }
0x1fb: {  	v56 =	vld [tilespmem:s20+$0x2600];
	v1 =	vsel vm6, $0x0, v51  }
0x1fc: {  	v57 =	vld [tilespmem:s20+$0x8A00];
	vm7 =	veq.s32 v52, $0x0;
	v0 =	vadd.f32 v1, v0  }
0x1fd: {  	v58 =	vld [tilespmem:s20+$0x2800];
	v2 =	vsel vm7, $0x0, v53  }
0x1fe: {  	v59 =	vld [tilespmem:s20+$0x8C00];
	vm8 =	veq.s32 v54, $0x0;
	v0 =	vadd.f32 v2, v0  }
0x1ff: {  	v60 =	vld [tilespmem:s20+$0x2A00];
	v3 =	vsel vm8, $0x0, v55  }
0x200: {  	v61 =	vld [tilespmem:s20+$0x8E00];
	vm9 =	veq.s32 v56, $0x0;
	v0 =	vadd.f32 v3, v0  }
0x201: {  	v62 =	vld [tilespmem:s20+$0x2C00];
	v1 =	vsel vm9, $0x0, v57  }
0x202: {  	v63 =	vld [tilespmem:s20+$0x9000];
	vm10 =	veq.s32 v58, $0x0;
	v0 =	vadd.f32 v1, v0  }
0x203: {  	v9 =	vld [tilespmem:s20+$0x2E00];
	v2 =	vsel vm10, $0x0, v59  }
0x204: {  	v10 =	vld [tilespmem:s20+$0x9200];
	vm11 =	veq.s32 v60, $0x0;
	v0 =	vadd.f32 v2, v0  }
0x205: {  	v11 =	vld [tilespmem:s20+$0x3000];
	v3 =	vsel vm11, $0x0, v61  }
0x206: {  	v12 =	vld [tilespmem:s20+$0x9400];
	vm12 =	veq.s32 v62, $0x0;
	v0 =	vadd.f32 v3, v0  }
0x207: {  	v13 =	vld [tilespmem:s20+$0x3200];
	v1 =	vsel vm12, $0x0, v63  }
0x208: {  	v14 =	vld [tilespmem:s20+$0x9600];
	vm13 =	veq.s32 v9, $0x0;
	v0 =	vadd.f32 v1, v0  }
0x209: {  	v15 =	vld [tilespmem:s20+$0x3400];
	v2 =	vsel vm13, $0x0, v10  }
0x20a: {  	v16 =	vld [tilespmem:s20+$0x9800];
	vm14 =	veq.s32 v11, $0x0;
	v0 =	vadd.f32 v2, v0  }
0x20b: {  	v17 =	vld [tilespmem:s20+$0x3600];
	v3 =	vsel vm14, $0x0, v12  }
0x20c: {  	v18 =	vld [tilespmem:s20+$0x9A00];
	vm15 =	veq.s32 v13, $0x0;
	v0 =	vadd.f32 v3, v0  }
0x20d: {  	v19 =	vld [tilespmem:s20+$0x3800];
	v1 =	vsel vm15, $0x0, v14  }
0x20e: {  	v20 =	vld [tilespmem:s20+$0x9C00];
	vm4 =	veq.s32 v15, $0x0;
	v0 =	vadd.f32 v1, v0  }
0x20f: {  	v21 =	vld [tilespmem:s20+$0x3A00];
	v2 =	vsel vm4, $0x0, v16  }
0x210: {  	v22 =	vld [tilespmem:s20+$0x9E00];
	vm5 =	veq.s32 v17, $0x0;
	v0 =	vadd.f32 v2, v0  }
0x211: {  	v23 =	vld [tilespmem:s20+$0x3C00];
	v3 =	vsel vm5, $0x0, v18  }
0x212: {  	v24 =	vld [tilespmem:s20+$0xA000];
	vm6 =	veq.s32 v19, $0x0;
	v0 =	vadd.f32 v3, v0  }
0x213: {  	v25 =	vld [tilespmem:s20+$0x3E00];
	v1 =	vsel vm6, $0x0, v20  }
0x214: {  	v26 =	vld [tilespmem:s20+$0xA200];
	vm7 =	veq.s32 v21, $0x0;
	v0 =	vadd.f32 v1, v0  }
0x215: {  	v27 =	vld [tilespmem:s20+$0x4000];
	v2 =	vsel vm7, $0x0, v22  }
0x216: {  	v28 =	vld [tilespmem:s20+$0xA400];
	vm8 =	veq.s32 v23, $0x0;
	v0 =	vadd.f32 v2, v0  }
0x217: {  	v29 =	vld [tilespmem:s20+$0x4200];
	v3 =	vsel vm8, $0x0, v24  }
0x218: {  	v30 =	vld [tilespmem:s20+$0xA600];
	vm9 =	veq.s32 v25, $0x0;
	v0 =	vadd.f32 v3, v0  }
0x219: {  	v31 =	vld [tilespmem:s20+$0x4400];
	v1 =	vsel vm9, $0x0, v26  }
0x21a: {  	v32 =	vld [tilespmem:s20+$0xA800];
	vm10 =	veq.s32 v27, $0x0;
	v0 =	vadd.f32 v1, v0  }
0x21b: {  	v33 =	vld [tilespmem:s20+$0x4600];
	v2 =	vsel vm10, $0x0, v28  }
0x21c: {  	v34 =	vld [tilespmem:s20+$0xAA00];
	vm11 =	veq.s32 v29, $0x0;
	v0 =	vadd.f32 v2, v0  }
0x21d: {  	v35 =	vld [tilespmem:s20+$0x4800];
	v3 =	vsel vm11, $0x0, v30  }
0x21e: {  	v36 =	vld [tilespmem:s20+$0xAC00];
	vm12 =	veq.s32 v31, $0x0;
	v0 =	vadd.f32 v3, v0  }
0x21f: {  	v37 =	vld [tilespmem:s20+$0x4A00];
	v1 =	vsel vm12, $0x0, v32  }
0x220: {  	v38 =	vld [tilespmem:s20+$0xAE00];
	vm13 =	veq.s32 v33, $0x0;
	v0 =	vadd.f32 v1, v0  }
0x221: {  	v39 =	vld [tilespmem:s20+$0x4C00];
	v2 =	vsel vm13, $0x0, v34  }
0x222: {  	v40 =	vld [tilespmem:s20+$0xB000];
	vm14 =	veq.s32 v35, $0x0;
	v0 =	vadd.f32 v2, v0  }
0x223: {  	v41 =	vld [tilespmem:s20+$0x4E00];
	v3 =	vsel vm14, $0x0, v36  }
0x224: {  	v42 =	vld [tilespmem:s20+$0xB200];
	vm15 =	veq.s32 v37, $0x0;
	v0 =	vadd.f32 v3, v0  }
0x225: {  	v43 =	vld [tilespmem:s20+$0x5000];
	v1 =	vsel vm15, $0x0, v38  }
0x226: {  	v44 =	vld [tilespmem:s20+$0xB400];
	vm4 =	veq.s32 v39, $0x0;
	v0 =	vadd.f32 v1, v0  }
0x227: {  	v45 =	vld [tilespmem:s20+$0x5200];
	v2 =	vsel vm4, $0x0, v40  }
0x228: {  	v46 =	vld [tilespmem:s20+$0xB600];
	vm5 =	veq.s32 v41, $0x0;
	v0 =	vadd.f32 v2, v0  }
0x229: {  	v47 =	vld [tilespmem:s20+$0x5400];
	v3 =	vsel vm5, $0x0, v42  }
0x22a: {  	v48 =	vld [tilespmem:s20+$0xB800];
	vm6 =	veq.s32 v43, $0x0;
	v0 =	vadd.f32 v3, v0  }
0x22b: {  	v49 =	vld [tilespmem:s20+$0x5600];
	v1 =	vsel vm6, $0x0, v44  }
0x22c: {  	v50 =	vld [tilespmem:s20+$0xBA00];
	vm7 =	veq.s32 v45, $0x0;
	v0 =	vadd.f32 v1, v0  }
0x22d: {  	v51 =	vld [tilespmem:s20+$0x5800];
	v2 =	vsel vm7, $0x0, v46  }
0x22e: {  	v52 =	vld [tilespmem:s20+$0xBC00];
	vm8 =	veq.s32 v47, $0x0;
	v0 =	vadd.f32 v2, v0  }
0x22f: {  	v53 =	vld [tilespmem:s20+$0x5A00];
	v3 =	vsel vm8, $0x0, v48  }
0x230: {  	v54 =	vld [tilespmem:s20+$0xBE00];
	vm9 =	veq.s32 v49, $0x0;
	v0 =	vadd.f32 v3, v0  }
0x231: {  	v55 =	vld [tilespmem:s20+$0x5C00];
	v1 =	vsel vm9, $0x0, v50  }
0x232: {  	v56 =	vld [tilespmem:s20+$0xC000];
	vm10 =	veq.s32 v51, $0x0;
	v0 =	vadd.f32 v1, v0  }
0x233: {  	v57 =	vld [tilespmem:s20+$0x5E00];
	v2 =	vsel vm10, $0x0, v52  }
0x234: {  	v58 =	vld [tilespmem:s20+$0xC200];
	vm11 =	veq.s32 v53, $0x0;
	v0 =	vadd.f32 v2, v0  }
0x235: {  	v59 =	vld [tilespmem:s20+$0x6000];
	v3 =	vsel vm11, $0x0, v54  }
0x236: {  	v60 =	vld [tilespmem:s20+$0xC400];
	vm12 =	veq.s32 v55, $0x0;
	v0 =	vadd.f32 v3, v0  }
0x237: {  	v61 =	vld [tilespmem:s20+$0x6200];
	v1 =	vsel vm12, $0x0, v56  }
0x238: {  	v62 =	vld [tilespmem:s20+$0xC600];
	vm13 =	veq.s32 v57, $0x0;
	v0 =	vadd.f32 v1, v0  }
0x239: {  	v2 =	vsel vm13, $0x0, v58  }
0x23a: {  	vm14 =	veq.s32 v59, $0x0;
	v0 =	vadd.f32 v2, v0  }
0x23b: {  	v63 =	vsel vm14, $0x0, v60  }
0x23c: {  	vm15 =	veq.s32 v61, $0x0;
	v0 =	vadd.f32 v63, v0  }
0x23d: {  	v1 =	vsel vm15, $0x0, v62  }
0x23e: {  	s17 =	sadd.s32 $0x1, s17;
	v0 =	vadd.f32 v1, v0  }
0x23f: {  	p0 =	sne.s32 s17, s6  }
.Ltmp1:
0x240: {  	[tilespmem:s20+$0xC800] =	vst v0;
	(pc) =	sbr.rel @p0 .LBB2_1-.Ltmp1, $4  }
0x241: {  	[hbm4b:s5+s3] =	stream.linear.scatter [tilespmem:s16], [sflag:$0x2], $0x200, $0x38;
	[tilespmem:$0xCA00] =	vst v63  }
0x242: {  	_ =	swait.ge [sflag:s9], $0x200  }
0x243: {  	[sflag:s9] =	ssyncset.done $0x0  }
0x244: {  	[sflag:s9] =	ssyncadd.s32 $0xFFFFFE00  }
0x245: {  	_ =	sfence.sel $0x180000  }
0x246: {  	[bflag:$0x0] =	sbarrier.arrive $0xFFFF  }
0x247: {  	_ =	strace $0x90000047  }
0x248: {  	s0 =	stileid.u32;
	[bflag:$0x2] =	sbarrier.arrive $0xFFFF  }
0x249: {  	p0 =	sne.s32 s0, $0x0;
	s0 =	rddreg [dreg:$0x3]  }
0x24a: {  	s0 =	sadd.s32 @!p0 $0x100000, s0  }
0x24b: {  	[sflag:s0] =	ssyncadd.tile.s32 @!p0 $0x1;
	_ =	shalt  }
.Lfunc_end2:
_tile_overlayer_lowered:
.L_overlay_start_2:
0x24c: {  	(tag) =	ssettag $0x2  }
0x24d: {  	s0 =	rddreg [dreg:$0x0];
	s2 =	stileid.u32  }
0x24e: {  	s1 =	rddreg [dreg:$0x1];
	p0 =	sne.s32 s2, $0x0  }
0x24f: {  	s3 =	rddreg [dreg:$0x2];
	[bflag:$0x3] =	sbarrier.arrive $0xFFFF;
	s2 =	simm.s32 @!p0 $0x1C02  }
0x250: {  	[timem:s3], [sflag:s2] =	dma.local @!p0 [hbm:s0], s1  }
0x251: {  	s0 =	simm.s32 @!p0 $0x2  }
0x252: {  	_ =	swait.ge @!p0 [sflag:s0], s1  }
0x253: {  	s1 =	ssub.s32 @!p0 $0x0, s1;
	[sflag:s0] =	ssyncset.done @!p0 $0x0  }
0x254: {  	[sflag:s0] =	ssyncadd.s32 @!p0 s1  }
0x255: {  	[bflag:$0x3] =	sbarrier.arrive $0xFFFF  }
0x256: {  	_ =	shalt  }

// kernel: _run.8.cloned.1.call-start
scs
__scs_entry_jumppad:
0x0: {  	(pc) =	sbr.rel $0x88, $3  }
0x1: {  	(tag) =	ssettag $0x0;
	lr =	simm.s32 $0x1  }
0x2: {  	[smem:$0x3F85] =	sst lr;
	_ =	strace $0xD0000000  }
0x3: {  	_ = 	snop  }
0x4: {  	_ = 	snop  }
0x5: {  	_ = 	snop  }
0x6: {  	_ = 	snop  }
0x7: {  	_ = 	snop  }
__scs_overlays_trampoline_lowered:
0x8: {  	[smem:$0x3F94] =	sst s0  }
0x9: {  	[smem:$0x3F95] =	sst s1  }
0xa: {  	[smem:$0x3F96] =	sst s2  }
0xb: {  	[smem:$0x3F97] =	sst s3  }
0xc: {  	[smem:$0x3F98] =	sst s4  }
0xd: {  	[smem:$0x3F99] =	sst s5  }
0xe: {  	[smem:$0x3F9A] =	sst s6  }
0xf: {  	[smem:$0x3F9B] =	sst s7  }
0x10: {  	[smem:$0x3F9C] =	sst s8  }
0x11: {  	[smem:$0x3F9D] =	sst s9;
	s0 =	simm.s32 @!p0 $0x0  }
0x12: {  	s1 =	sld [smem:$0x3F83];
	s0 =	simm.s32 @p0 $0x1  }
0x13: {  	[smem:$0x3F9E] =	sst s0;
	s0 =	simm.s32 @!p1 $0x0  }
0x14: {  	s2 =	sld [smem:$0x3F82];
	s0 =	simm.s32 @p1 $0x1  }
0x15: {  	[smem:$0x3F9F] =	sst s0;
	s0 =	simm.s32 @!p2 $0x0  }
0x16: {  	s3 =	sld [smem:$0x3FDB];
	s0 =	simm.s32 @p2 $0x1  }
0x17: {  	s4 =	simm.s32 $0x1BF5;
	[smem:$0x3FA1] =	sst s0  }
0x18: {  	s0 =	sld [smem:$0x3F84];
	_ =	swait.ge [sflag:s4], $0x0  }
0x19: {  	s7 =	sld [smem:$0x3F85]  }
0x1a: {  	s8 =	sadd.s32 $0xFFFFE003, lr  }
0x1b: {  	s9 =	sadd.s32 $0xFFFFFEF7, lr;
	s5 =	simm.s32 $0xFFFFFFFF;
	p2 =	slt.u32 s8, $0xFFFFF086  }
0x1c: {  	p1 =	slt.u32 s9, $0xF7A;
	s5 =	simm.s32 @!p2 $0x0  }
0x1d: {  	s5 =	simm.s32 @p1 $0x1;
	p0 =	seq.s32 s7, s2  }
0x1e: {  	s7 =	smul.u32 @!p0 $0xF7A, s2;
	p2 =	seq.s32 @!p0 s5, $0x0  }
0x1f: {  	s9 =	smul.u32 $0xF7A, s1;
	s8 =	simm.s32 @!p0 $0x1BF5;
	p2 =	por !p2, p0  }
0x20: {  	[sflag:s8] =	ssyncset.s32 @!p0 $0xFFFFF086;
	s6 =	sadd.s32 @!p0 s3, s7;
	s7 =	simm.s32 @!p0 $0x108  }
0x21: {  	s3 =	sadd.s32 s3, s9;
	s6 =	sadd.s32 @!p0 $0x88, s6;
	s7 =	simm.s32 @p2 $0x1082  }
0x22: {  	[simem:s7], [sflag:s8] =	dma.local @!p0 [hbm:s6], $0xF7A  }
0x23: {  	s9 =	sor.u32 $0xD0000000, s2;
	s6 =	simm.s32 $0x108;
	_ =	swait.ge @!p0 [sflag:s8], $0x0  }
0x24: {  	s3 =	sadd.s32 $0x88, s3;
	s6 =	simm.s32 @!p1 $0x1082;
	[sflag:s4] =	ssyncset.s32 $0xFFFFF086  }
0x25: {  	[simem:s6], [sflag:s4] =	dma.local [hbm:s3], $0xF7A  }
0x26: {  	[smem:$0x3F85] =	sst s1;
	(tag) =	ssettag s2;
	_ =	strace s9  }
0x27: {  	s1 =	sld [smem:$0x3F95]  }
0x28: {  	s2 =	sld [smem:$0x3F96]  }
0x29: {  	s4 =	sld [smem:$0x3F98]  }
0x2a: {  	p0 =	seq.s32 s5, $0x0;
	s5 =	sld [smem:$0x3F99]  }
0x2b: {  	s6 =	sld [smem:$0x3F9A]  }
0x2c: {  	s7 =	sld [smem:$0x3F9B]  }
0x2d: {  	s3 =	simm.s32 $0x108;
	s8 =	sld [smem:$0x3F9C]  }
0x2e: {  	s3 =	simm.s32 @!p0 $0x1082;
	s9 =	sld [smem:$0x3F9D]  }
0x2f: {  	lr =	sadd.s32 s0, s3;
	s0 =	sld [smem:$0x3F94]  }
0x30: {  	s3 =	sld [smem:$0x3F97]  }
0x31: {  	[smem:$0x3FA0] =	sst s10  }
0x32: {  	s10 =	sld [smem:$0x3F9E];
	_ =	sdelay $0x3  }
0x33: {  	p0 =	seq.s32 s10, $0x1;
	s10 =	sld [smem:$0x3FA0];
	_ =	sdelay $0x3  }
0x34: {  	[smem:$0x3FA0] =	sst s10  }
0x35: {  	s10 =	sld [smem:$0x3F9F];
	_ =	sdelay $0x3  }
0x36: {  	p1 =	seq.s32 s10, $0x1;
	s10 =	sld [smem:$0x3FA0];
	_ =	sdelay $0x3  }
0x37: {  	[smem:$0x3FA0] =	sst s10  }
0x38: {  	s10 =	sld [smem:$0x3FA1]  }
0x39: {  	_ = 	snop;
	(pc) =	sbr.ind lr, $3  }
0x3a: {  	_ = 	snop  }
0x3b: {  	_ = 	snop  }
0x3c: {  	p2 =	seq.s32 s10, $0x1;
	s10 =	sld [smem:$0x3FA0]  }
0x3d: {  	_ =	shalt  }
0x3e: {  	_ =	shalt  }
0x3f: {  	_ =	shalt  }
0x40: {  	_ =	shalt  }
0x41: {  	_ =	shalt  }
0x42: {  	_ =	shalt  }
0x43: {  	_ =	shalt  }
0x44: {  	_ =	shalt  }
0x45: {  	_ =	shalt  }
0x46: {  	_ =	shalt  }
0x47: {  	_ =	shalt  }
0x48: {  	_ =	shalt  }
0x49: {  	_ =	shalt  }
0x4a: {  	_ =	shalt  }
0x4b: {  	_ =	shalt  }
0x4c: {  	_ =	shalt  }
0x4d: {  	_ =	shalt  }
0x4e: {  	_ =	shalt  }
0x4f: {  	_ =	shalt  }
0x50: {  	_ =	shalt  }
0x51: {  	_ =	shalt  }
0x52: {  	_ =	shalt  }
0x53: {  	_ =	shalt  }
0x54: {  	_ =	shalt  }
0x55: {  	_ =	shalt  }
0x56: {  	_ =	shalt  }
0x57: {  	_ =	shalt  }
0x58: {  	_ =	shalt  }
0x59: {  	_ =	shalt  }
0x5a: {  	_ =	shalt  }
0x5b: {  	_ =	shalt  }
0x5c: {  	_ =	shalt  }
0x5d: {  	_ =	shalt  }
0x5e: {  	_ =	shalt  }
0x5f: {  	_ =	shalt  }
0x60: {  	_ =	shalt  }
0x61: {  	_ =	shalt  }
0x62: {  	_ =	shalt  }
0x63: {  	_ =	shalt  }
0x64: {  	_ =	shalt  }
0x65: {  	_ =	shalt  }
0x66: {  	_ =	shalt  }
0x67: {  	_ =	shalt  }
0x68: {  	_ =	shalt  }
0x69: {  	_ =	shalt  }
0x6a: {  	_ =	shalt  }
0x6b: {  	_ =	shalt  }
0x6c: {  	_ =	shalt  }
0x6d: {  	_ =	shalt  }
0x6e: {  	_ =	shalt  }
0x6f: {  	_ =	shalt  }
0x70: {  	_ =	shalt  }
0x71: {  	_ =	shalt  }
0x72: {  	_ =	shalt  }
0x73: {  	_ =	shalt  }
0x74: {  	_ =	shalt  }
0x75: {  	_ =	shalt  }
0x76: {  	_ =	shalt  }
0x77: {  	_ =	shalt  }
0x78: {  	_ =	shalt  }
0x79: {  	_ =	shalt  }
0x7a: {  	_ =	shalt  }
0x7b: {  	_ =	shalt  }
0x7c: {  	_ =	shalt  }
0x7d: {  	_ =	shalt  }
0x7e: {  	_ =	shalt  }
0x7f: {  	_ =	shalt  }
0x80: {  	_ =	shalt  }
0x81: {  	_ =	shalt  }
0x82: {  	_ =	shalt  }
0x83: {  	_ =	shalt  }
0x84: {  	_ =	shalt  }
0x85: {  	_ =	shalt  }
0x86: {  	_ =	shalt  }
0x87: {  	_ =	shalt  }
.Lfunc_end0:
.L_simem_size_0:
called_computation.1_lowered:
.L_overlay_start_0:
0x88: {  	s2 =	sld [smem:$0x3FD9]  }
0x89: {  	s3 =	sld [smem:$0x3FFE];
	_ =	sdelay $0x1  }
0x8a: {  	s1 =	srdreg.scid  }
0x8b: {  	s0 =	sand.u32 $0x1, s1  }
0x8c: {  	s24 =	sshll.u32 s0, $0xA;
	s2 =	sadd.s32 s3, s2  }
0x8d: {  	s2 =	sadd.s32 s2, s24  }
0x8e: {  	[smem:$0x3FAC] =	sst s2  }
0x8f: {  	_ = 	snop  }
0x90: {  	s2 =	sld [smem:$0x3FC7]  }
0x91: {  	s3 =	sld [smem:$0x3FC6]  }
0x92: {  	s4 =	sld [smem:$0x3FC5]  }
0x93: {  	s5 =	sld [smem:$0x3FC4]  }
0x94: {  	s6 =	sld [smem:$0x3FC3]  }
0x95: {  	s7 =	sld [smem:$0x3FC2]  }
0x96: {  	s8 =	sld [smem:$0x3FC1]  }
0x97: {  	s9 =	sld [smem:$0x3FC0]  }
0x98: {  	s10 =	sld [smem:$0x3FBF]  }
0x99: {  	s11 =	sld [smem:$0x3FBE]  }
0x9a: {  	s12 =	sld [smem:$0x3FBD]  }
0x9b: {  	s13 =	sld [smem:$0x3FBC]  }
0x9c: {  	s16 =	sld [smem:$0x3FBB]  }
0x9d: {  	s15 =	sld [smem:$0x3FD0];
	(tm) =	ssettm $0x1  }
0x9e: {  	s14 =	sld [smem:$0x3FFB];
	_ =	sdelay $0x3  }
0x9f: {  	_ =	strace s14  }
0xa0: {  	s14 =	sld [smem:$0x3FFC];
	_ =	sdelay $0x3  }
0xa1: {  	_ =	strace s14  }
0xa2: {  	s14 =	sld [smem:$0x3FFD];
	_ =	sdelay $0x3  }
0xa3: {  	_ =	strace s14  }
0xa4: {  	_ =	strace $0x8FFFFFFF  }
0xa5: {  	s25 =	sld [smem:$0x3FDB];
	_ =	sdelay $0x1  }
0xa6: {  	s17 =	simm.s32 $_scs_section_size  }
0xa7: {  	s18 =	simm.s32 $_size__tile_task_arg_handler_lowered;
	s19 =	simm.s32 $_tile_task_arg_handler_lowered  }
0xa8: {  	s29 =	simm.s32 $0x1BFF;
	s28 =	sshll.u32 s19, $0x1;
	s17 =	sadd.s32 s17, s25  }
0xa9: {  	s20 =	simm.s32 $0x60;
	s26 =	sshll.u32 s18, $0x1;
	s18 =	sadd.s32 s28, s17  }
0xaa: {  	[timem:s20], [sflag:s29] =	dma.local [hbm:s18], s26  }
0xab: {  	_ =	swait.ge [sflag:s29], s26  }
0xac: {  	s30 =	simm.s32 $_tile_overlayer_lowered;
	s14 =	ssub.s32 $0x0, s26;
	[sflag:s29] =	ssyncset.done $0x0  }
0xad: {  	s31 =	simm.s32 $_size__tile_overlayer_lowered;
	s18 =	sshll.u32 s30, $0x1;
	[sflag:s29] =	ssyncadd.s32 s14  }
0xae: {  	s21 =	simm.s32 $0x0;
	s18 =	sadd.s32 s18, s17;
	s14 =	sshll.u32 s31, $0x1  }
0xaf: {  	[timem:s21], [sflag:s29] =	dma.local [hbm:s18], s14  }
0xb0: {  	_ =	swait.ge [sflag:s29], s14  }
0xb1: {  	s22 =	ssub.s32 $0x0, s14;
	[sflag:s29] =	ssyncset.done $0x0  }
0xb2: {  	[sflag:s29] =	ssyncadd.s32 s22;
	_ =	sdelay $0x1  }
0xb3: {  	s23 =	simm.s32 $0x1B8B  }
0xb4: {  	_ =	swait.ge [sflag:s23], $0x1  }
0xb5: {  	[sflag:s23] =	ssyncset.done $0x0  }
0xb6: {  	s25 =	simm.s32 $0x1B8E;
	s24 =	sld [smem:$0x3FFE];
	[sflag:s23] =	ssyncadd.s32 $0xFFFFFFFF  }
0xb7: {  	s26 =	simm.s32 $execute0_lowered;
	[smem:$0x3FD2] =	sst s25  }
0xb8: {  	s19 =	sshll.u32 s26, $0x1;
	_ =	strace $0x80000049;
	[dreg:$0x1] =	wrdreg $0xFFFFFFFF  }
0xb9: {  	s28 =	simm.s32 $_size_execute0_lowered;
	s17 =	sadd.s32 s17, s19;
	[dreg:$0x0] =	wrdreg $0x0  }
0xba: {  	s19 =	sshll.u32 s28, $0x1;
	[dreg:$0x2] =	wrdreg s17  }
0xbb: {  	[dreg:$0x3] =	wrdreg s19  }
0xbc: {  	[dreg:$0x4] =	wrdreg $0xC0  }
0xbd: {  	_ =	task [dreg:s21], $0x5FFFF  }
0xbe: {  	[dreg:$0x1] =	wrdreg $0xFFFFFFFF  }
0xbf: {  	[dreg:$0x0] =	wrdreg $0x30  }
0xc0: {  	[dreg:$0x2] =	wrdreg $0x0  }
0xc1: {  	[dreg:$0x3] =	wrdreg s16  }
0xc2: {  	[dreg:$0x4] =	wrdreg $0x9  }
0xc3: {  	_ =	task [dreg:s21], $0x5FFFF  }
0xc4: {  	[dreg:$0x1] =	wrdreg $0xFFFFFFFF  }
0xc5: {  	[dreg:$0x0] =	wrdreg $0x60  }
0xc6: {  	[dreg:$0x2] =	wrdreg s24  }
0xc7: {  	[dreg:$0x3] =	wrdreg s15  }
0xc8: {  	[dreg:$0x4] =	wrdreg s2  }
0xc9: {  	[dreg:$0x5] =	wrdreg s3  }
0xca: {  	[dreg:$0x6] =	wrdreg s4  }
0xcb: {  	[dreg:$0x7] =	wrdreg s5  }
0xcc: {  	[dreg:$0x8] =	wrdreg s6  }
0xcd: {  	[dreg:$0x9] =	wrdreg s7  }
0xce: {  	[dreg:$0xa] =	wrdreg s8  }
0xcf: {  	[dreg:$0xb] =	wrdreg s9  }
0xd0: {  	[dreg:$0xc] =	wrdreg s10  }
0xd1: {  	[dreg:$0xd] =	wrdreg s11  }
0xd2: {  	[dreg:$0xe] =	wrdreg s12  }
0xd3: {  	[dreg:$0xf] =	wrdreg s13  }
0xd4: {  	_ =	task.clear_ibuf [dreg:s21], $0x10FFFF;
	_ =	strace $0x90000049  }
0xd5: {  	s29 =	simm.s32 $0x9;
	_ =	strace $0x8000004B  }
0xd6: {  	_ =	swait.ge [sflag:s29], $0x1  }
0xd7: {  	[sflag:s29] =	ssyncadd.s32 $0xFFFFFFFF  }
0xd8: {  	_ =	strace $0x9000004B  }
0xd9: {  	_ =	sfence  }
0xda: {  	s30 =	sld [smem:$0x0];
	_ =	sdelay $0x2  }
0xdb: {  	s31 =	sshll.u32 s1, $0xD;
	s1 =	sshrl.u32 s1, $0x2  }
0xdc: {  	s3 =	sand.u32 $0x4000, s31;
	s1 =	sadd.s32 s1, s30  }
0xdd: {  	s0 =	sor.u32 s3, s0;
	s1 =	sshll.u32 s1, $0x11  }
0xde: {  	s0 =	sor.u32 s1, s0  }
0xdf: {  	s0 =	sadd.s32 $0x8F2B, s0  }
0xe0: {  	[sflag:s0] =	ssyncadd.remote.s32 $0x1  }
0xe1: {  	_ =	sfence.sel $0xFFFF  }
0xe2: {  	[dreg:$0x0] =	wrdreg $0xFFFFFFFF;
	(pc) =	sbr.abs _section_cstart, $3  }
0xe3: {  	[dreg:$0x1] =	wrdreg $0xFFFFFFFF  }
0xe4: {  	_ =	task.clear_ibuf [dreg:s21], $0x2FFFF;
	_ =	strace $0x9FFFFFFF  }
0xe5: {  	(tm) =	ssettm $0x7FFFFFFF  }
tec
_tile_task_arg_handler_lowered:
.L_overlay_start_1:
0x0: {  	(tag) =	ssettag $0x1  }
0x1: {  	s0 =	rddreg [dreg:$0x0]  }
0x2: {  	s1 =	rddreg [dreg:$0x1]  }
0x3: {  	s2 =	rddreg [dreg:$0x2]  }
0x4: {  	s3 =	rddreg [dreg:$0x3]  }
0x5: {  	s4 =	rddreg [dreg:$0x4]  }
0x6: {  	s5 =	rddreg [dreg:$0x5]  }
0x7: {  	s6 =	rddreg [dreg:$0x6]  }
0x8: {  	s7 =	rddreg [dreg:$0x7]  }
0x9: {  	s8 =	rddreg [dreg:$0x8]  }
0xa: {  	s9 =	rddreg [dreg:$0x9]  }
0xb: {  	s10 =	rddreg [dreg:$0xa]  }
0xc: {  	s11 =	rddreg [dreg:$0xb]  }
0xd: {  	s12 =	rddreg [dreg:$0xc]  }
0xe: {  	s13 =	rddreg [dreg:$0xd]  }
0xf: {  	[smem:s0] =	sst s1  }
0x10: {  	[smem:s0+$0x1] =	sst s2  }
0x11: {  	[smem:s0+$0x2] =	sst s3  }
0x12: {  	[smem:s0+$0x3] =	sst s4  }
0x13: {  	[smem:s0+$0x4] =	sst s5  }
0x14: {  	[smem:s0+$0x5] =	sst s6  }
0x15: {  	[smem:s0+$0x6] =	sst s7  }
0x16: {  	[smem:s0+$0x7] =	sst s8  }
0x17: {  	[smem:s0+$0x8] =	sst s9  }
0x18: {  	[smem:s0+$0x9] =	sst s10  }
0x19: {  	[smem:s0+$0xA] =	sst s11  }
0x1a: {  	[smem:s0+$0xB] =	sst s12  }
0x1b: {  	[smem:s0+$0xC] =	sst s13;
	_ =	shalt  }
.Lfunc_end2:
execute0_lowered:
.L_overlay_start_2:
0x1c: {  	(tag) =	ssettag $0x2  }
0x1d: {  	s0 =	rddreg [dreg:$0x0]  }
0x1e: {  	s1 =	rddreg [dreg:$0x1]  }
0x1f: {  	s2 =	srdreg.scid;
	s13 =	simm.s32 $0x0;
	s3 =	stileid.u32  }
0x20: {  	s20 =	simm.s32 $0x200;
	s22 =	simm.s32 $0x2;
	s23 =	simm.s32 $0x3400  }
0x21: {  	s10 =	simm.s32 $0x2200;
	s14 =	simm.s32 $0xA00;
	s5 =	simm.s32 $0x1000  }
0x22: {  	s6 =	simm.s32 $0x2A00;
	s7 =	simm.s32 $0x1200;
	s8 =	simm.s32 $0x2C00  }
0x23: {  	s9 =	simm.s32 $0x1400;
	s11 =	simm.s32 $0x2E00;
	s12 =	simm.s32 $0x1600  }
0x24: {  	s21 =	simm.s32 $0x3000;
	s24 =	simm.s32 $0x1800;
	s25 =	simm.s32 $0x3200  }
0x25: {  	s26 =	simm.s32 $0x1;
	s28 =	simm.s32 $0x0;
	[smem:$0x7FF] =	sst s13  }
0x26: {  	s2 =	sand.u32 $0x1, s2;
	s3 =	sshll.u32 s3, $0x7;
	s15 =	sld [smem:$0x0]  }
0x27: {  	s4 =	sshll.u32 s2, $0x6;
	s2 =	ssub.s32 $0x2, s2;
	s30 =	sld [smem:$0x1]  }
0x28: {  	s3 =	sor.u32 s4, s3;
	s31 =	sshrl.u32 s2, $0x1;
	s4 =	simm.s32 $0x2800  }
0x29: {  	s0 =	sadd.s32 s3, s0;
	s2 =	ssub.s32 s2, s31;
	s17 =	sadd.s32 s1, s3  }
0x2a: {  	s1 =	simm.s32 $0xC00;
	s3 =	simm.s32 $0xE00;
	[dreg:$0xe] =	wrdreg s30  }
0x2b: {  	s16 =	sadd.s32 $0xC00, s0;
	s18 =	sadd.s32 $0x26C00, s0;
	s19 =	smax.u32 s2, $0x1  }
0x2c: {  	s0 =	simm.s32 $0x2400;
	s2 =	simm.s32 $0x2600;
	_ =	strace $0x8000004A  }
.LBB3_1:
0x2d: {  	s29 =	simm.s32 $0x4000  }
0x2e: {  	[tilespmem:s13], [sflag:$0x2] =	stream.strided.gather [hbm4b:s16+s20], $0x1A00, s29, s20, $0x38;
	[tilespmem:$0x3600] =	vst v63  }
0x2f: {  	_ =	swait.ge [sflag:s22], $0x1A00  }
0x30: {  	[sflag:s22] =	ssyncset.done $0x0  }
0x31: {  	[sflag:s22] =	ssyncadd.s32 $0xFFFFE600  }
0x32: {  	[tilespmem:s23], [sflag:$0x2] =	stream.linear.gather [hbm4b:s17+s13], $0x200, $0x38;
	[tilespmem:$0x3600] =	vst v63  }
0x33: {  	_ =	swait.ge [sflag:s22], $0x200  }
0x34: {  	[sflag:s22] =	ssyncset.done $0x0  }
0x35: {  	[sflag:s22] =	ssyncadd.s32 $0xFFFFFE00  }
0x36: {  	s30 =	simm.s32 $0x1A00;
	s29 =	rddreg [dreg:$0x2]  }
0x37: {  	[tilespmem:s30], [sflag:$0x1] =	stream.indirect.gather [hbm4b:s29+s20], $0x1, s13, s20, $0xb8;
	[tilespmem:$0x3600] =	vst v63  }
0x38: {  	s29 =	rddreg [dreg:$0x3];
	s30 =	simm.s32 $0x1C00  }
0x39: {  	[tilespmem:s30], [sflag:$0x1] =	stream.indirect.gather [hbm4b:s29+s20], $0x1, s20, s20, $0xb8;
	[tilespmem:$0x3600] =	vst v63  }
0x3a: {  	s31 =	simm.s32 $0x1E00;
	s29 =	rddreg [dreg:$0x4];
	s30 =	simm.s32 $0x400  }
0x3b: {  	[tilespmem:s31], [sflag:$0x1] =	stream.indirect.gather [hbm4b:s29+s20], $0x1, s30, s20, $0xb8;
	[tilespmem:$0x3600] =	vst v63  }
0x3c: {  	s29 =	rddreg [dreg:$0x5];
	s30 =	simm.s32 $0x600;
	s31 =	simm.s32 $0x2000  }
0x3d: {  	[tilespmem:s31], [sflag:$0x1] =	stream.indirect.gather [hbm4b:s29+s20], $0x1, s30, s20, $0xb8;
	[tilespmem:$0x3600] =	vst v63  }
0x3e: {  	s29 =	rddreg [dreg:$0x6];
	s30 =	simm.s32 $0x800  }
0x3f: {  	[tilespmem:s10], [sflag:$0x1] =	stream.indirect.gather [hbm4b:s29+s20], $0x1, s30, s20, $0xb8;
	[tilespmem:$0x3600] =	vst v63  }
0x40: {  	s29 =	rddreg [dreg:$0x7]  }
0x41: {  	[tilespmem:s0], [sflag:$0x1] =	stream.indirect.gather [hbm4b:s29+s20], $0x1, s14, s20, $0xb8;
	[tilespmem:$0x3600] =	vst v63  }
0x42: {  	s29 =	rddreg [dreg:$0x8]  }
0x43: {  	[tilespmem:s2], [sflag:$0x1] =	stream.indirect.gather [hbm4b:s29+s20], $0x1, s1, s20, $0xb8;
	[tilespmem:$0x3600] =	vst v63  }
0x44: {  	s29 =	rddreg [dreg:$0x9]  }
0x45: {  	[tilespmem:s4], [sflag:$0x1] =	stream.indirect.gather [hbm4b:s29+s20], $0x1, s3, s20, $0xb8;
	[tilespmem:$0x3600] =	vst v63  }
0x46: {  	s29 =	rddreg [dreg:$0xa]  }
0x47: {  	[tilespmem:s6], [sflag:$0x1] =	stream.indirect.gather [hbm4b:s29+s20], $0x1, s5, s20, $0xb8;
	[tilespmem:$0x3600] =	vst v63  }
0x48: {  	s29 =	rddreg [dreg:$0xb]  }
0x49: {  	[tilespmem:s8], [sflag:$0x1] =	stream.indirect.gather [hbm4b:s29+s20], $0x1, s7, s20, $0xb8;
	[tilespmem:$0x3600] =	vst v63  }
0x4a: {  	s29 =	rddreg [dreg:$0xc]  }
0x4b: {  	[tilespmem:s11], [sflag:$0x1] =	stream.indirect.gather [hbm4b:s29+s20], $0x1, s9, s20, $0xb8;
	[tilespmem:$0x3600] =	vst v63  }
0x4c: {  	s29 =	rddreg [dreg:$0xd]  }
0x4d: {  	[tilespmem:s21], [sflag:$0x1] =	stream.indirect.gather [hbm4b:s29+s20], $0x1, s12, s20, $0xb8;
	[tilespmem:$0x3600] =	vst v63  }
0x4e: {  	_ = 	snop  }
0x4f: {  	[tilespmem:s25], [sflag:$0x1] =	stream.indirect.gather [hbm4b:s15+s20], $0x1, s24, s20, $0xb8;
	[tilespmem:$0x3600] =	vst v63  }
0x50: {  	_ =	swait.ge [sflag:s26], $0x200  }
0x51: {  	[sflag:s26] =	ssyncset.done $0x0  }
0x52: {  	[sflag:s26] =	ssyncadd.s32 $0xFFFFFE00  }
0x53: {  	_ =	swait.ge [sflag:s26], $0x200  }
0x54: {  	[sflag:s26] =	ssyncset.done $0x0  }
0x55: {  	[sflag:s26] =	ssyncadd.s32 $0xFFFFFE00  }
0x56: {  	_ =	swait.ge [sflag:s26], $0x200  }
0x57: {  	[sflag:s26] =	ssyncset.done $0x0  }
0x58: {  	[sflag:s26] =	ssyncadd.s32 $0xFFFFFE00  }
0x59: {  	_ =	swait.ge [sflag:s26], $0x200  }
0x5a: {  	[sflag:s26] =	ssyncset.done $0x0  }
0x5b: {  	[sflag:s26] =	ssyncadd.s32 $0xFFFFFE00  }
0x5c: {  	_ =	swait.ge [sflag:s26], $0x200  }
0x5d: {  	[sflag:s26] =	ssyncset.done $0x0  }
0x5e: {  	[sflag:s26] =	ssyncadd.s32 $0xFFFFFE00  }
0x5f: {  	_ =	swait.ge [sflag:s26], $0x200  }
0x60: {  	[sflag:s26] =	ssyncset.done $0x0  }
0x61: {  	[sflag:s26] =	ssyncadd.s32 $0xFFFFFE00  }
0x62: {  	_ =	swait.ge [sflag:s26], $0x200  }
0x63: {  	[sflag:s26] =	ssyncset.done $0x0  }
0x64: {  	[sflag:s26] =	ssyncadd.s32 $0xFFFFFE00  }
0x65: {  	_ =	swait.ge [sflag:s26], $0x200  }
0x66: {  	[sflag:s26] =	ssyncset.done $0x0  }
0x67: {  	[sflag:s26] =	ssyncadd.s32 $0xFFFFFE00  }
0x68: {  	_ =	swait.ge [sflag:s26], $0x200  }
0x69: {  	[sflag:s26] =	ssyncset.done $0x0  }
0x6a: {  	[sflag:s26] =	ssyncadd.s32 $0xFFFFFE00  }
0x6b: {  	_ =	swait.ge [sflag:s26], $0x200  }
0x6c: {  	[sflag:s26] =	ssyncset.done $0x0  }
0x6d: {  	[sflag:s26] =	ssyncadd.s32 $0xFFFFFE00  }
0x6e: {  	_ =	swait.ge [sflag:s26], $0x200  }
0x6f: {  	[sflag:s26] =	ssyncset.done $0x0  }
0x70: {  	[sflag:s26] =	ssyncadd.s32 $0xFFFFFE00  }
0x71: {  	_ =	swait.ge [sflag:s26], $0x200  }
0x72: {  	[sflag:s26] =	ssyncset.done $0x0  }
0x73: {  	[sflag:s26] =	ssyncadd.s32 $0xFFFFFE00  }
0x74: {  	_ =	swait.ge [sflag:s26], $0x200  }
0x75: {  	[sflag:s26] =	ssyncset.done $0x0  }
0x76: {  	s29 =	simm.s32 $0x0;
	[sflag:s26] =	ssyncadd.s32 $0xFFFFFE00  }
0x77: {  	s30 =	simm.s32 $0x40;
	v0 =	vld [tilespmem:s29+$0x1A00]  }
.LBB3_2:
0x78: {  	p0 =	sne.s32 s30, $0x7C0;
	v1 =	vld [tilespmem:s29+$0x3400];
	_ =	sdelay $0x1  }
0x79: {  	v2 =	vld [tilespmem:s29+$0x1C00];
	_ =	sdelay $0x1  }
0x7a: {  	v3 =	vld [tilespmem:s29+$0x1E00]  }
0x7b: {  	v0 =	vadd.f32 v0, v1  }
0x7c: {  	v1 =	vld [tilespmem:s29+$0x2000]  }
0x7d: {  	v0 =	vadd.f32 v2, v0  }
0x7e: {  	v2 =	vld [tilespmem:s29+$0x2200]  }
0x7f: {  	v0 =	vadd.f32 v3, v0  }
0x80: {  	v3 =	vld [tilespmem:s29+$0x2400]  }
0x81: {  	v0 =	vadd.f32 v1, v0  }
0x82: {  	v1 =	vld [tilespmem:s29+$0x2600]  }
0x83: {  	v0 =	vadd.f32 v2, v0  }
0x84: {  	v2 =	vld [tilespmem:s29+$0x2800]  }
0x85: {  	v0 =	vadd.f32 v3, v0  }
0x86: {  	v3 =	vld [tilespmem:s29+$0x2A00]  }
0x87: {  	v0 =	vadd.f32 v1, v0  }
0x88: {  	v1 =	vld [tilespmem:s29+$0x2C00]  }
0x89: {  	v0 =	vadd.f32 v2, v0  }
0x8a: {  	v2 =	vld [tilespmem:s29+$0x2E00]  }
0x8b: {  	v0 =	vadd.f32 v3, v0  }
0x8c: {  	v3 =	vld [tilespmem:s29+$0x3000]  }
0x8d: {  	v0 =	vadd.f32 v1, v0  }
0x8e: {  	v1 =	vld [tilespmem:s29+$0x3200]  }
0x8f: {  	v0 =	vadd.f32 v2, v0;
	_ =	sdelay $0x1  }
.Ltmp0:
0x90: {  	v0 =	vadd.f32 v3, v0;
	(pc) =	sbr.rel @p0 .LBB3_2-.Ltmp0, $4  }
0x91: {  	_ = 	snop  }
0x92: {  	v1 =	vadd.f32 v1, v0  }
0x93: {  	s31 =	sshra.s32 s30, $0x2  }
0x94: {  	s30 =	sadd.s32 $0x40, s30;
	v0 =	vld [tilespmem:s31+$0x1A00];
	[tilespmem:s29+$0x3400] =	vst v1;
	s29 =	smov.u32 s31  }
0x95: {  	v1 =	vld [tilespmem:s29+$0x3400];
	_ =	sdelay $0x1  }
0x96: {  	v2 =	vld [tilespmem:s29+$0x1C00];
	_ =	sdelay $0x1  }
0x97: {  	v3 =	vld [tilespmem:s29+$0x1E00]  }
0x98: {  	v0 =	vadd.f32 v0, v1  }
0x99: {  	v54 =	vld [tilespmem:s29+$0x2000]  }
0x9a: {  	v0 =	vadd.f32 v2, v0  }
0x9b: {  	v55 =	vld [tilespmem:s29+$0x2200]  }
0x9c: {  	v0 =	vadd.f32 v3, v0  }
0x9d: {  	v56 =	vld [tilespmem:s29+$0x2400]  }
0x9e: {  	v0 =	vadd.f32 v54, v0  }
0x9f: {  	v57 =	vld [tilespmem:s29+$0x2600]  }
0xa0: {  	v0 =	vadd.f32 v55, v0  }
0xa1: {  	v58 =	vld [tilespmem:s29+$0x2800]  }
0xa2: {  	v0 =	vadd.f32 v56, v0  }
0xa3: {  	v59 =	vld [tilespmem:s29+$0x2A00]  }
0xa4: {  	v0 =	vadd.f32 v57, v0  }
0xa5: {  	v60 =	vld [tilespmem:s29+$0x2C00]  }
0xa6: {  	v0 =	vadd.f32 v58, v0  }
0xa7: {  	v61 =	vld [tilespmem:s29+$0x2E00]  }
0xa8: {  	v0 =	vadd.f32 v59, v0  }
0xa9: {  	v62 =	vld [tilespmem:s29+$0x3000]  }
0xaa: {  	v0 =	vadd.f32 v60, v0  }
0xab: {  	v63 =	vld [tilespmem:s29+$0x3200]  }
0xac: {  	v0 =	vadd.f32 v61, v0;
	_ =	sdelay $0x1  }
0xad: {  	v0 =	vadd.f32 v62, v0;
	_ =	sdelay $0x1  }
0xae: {  	s28 =	sadd.s32 $0x1, s28;
	v0 =	vadd.f32 v63, v0  }
0xaf: {  	p0 =	sne.s32 s28, s19  }
.Ltmp1:
0xb0: {  	[tilespmem:s29+$0x3400] =	vst v0;
	(pc) =	sbr.rel @p0 .LBB3_1-.Ltmp1, $4  }
0xb1: {  	[hbm4b:s18+s13] =	stream.linear.scatter [tilespmem:s23], [sflag:$0x2], $0x200, $0x38;
	[tilespmem:$0x3600] =	vst v63  }
0xb2: {  	_ =	swait.ge [sflag:s22], $0x200  }
0xb3: {  	[sflag:s22] =	ssyncset.done $0x0  }
0xb4: {  	[sflag:s22] =	ssyncadd.s32 $0xFFFFFE00  }
0xb5: {  	_ =	sfence.sel $0x180000  }
0xb6: {  	[bflag:$0x0] =	sbarrier.arrive $0xFFFF  }
0xb7: {  	_ =	strace $0x9000004A  }
0xb8: {  	s0 =	stileid.u32;
	[bflag:$0x2] =	sbarrier.arrive $0xFFFF  }
0xb9: {  	p0 =	sne.s32 s0, $0x0;
	s0 =	rddreg [dreg:$0xe]  }
0xba: {  	s0 =	sadd.s32 @!p0 $0x100000, s0  }
0xbb: {  	[sflag:s0] =	ssyncadd.tile.s32 @!p0 $0x1;
	_ =	shalt  }
.Lfunc_end3:
_tile_overlayer_lowered:
.L_overlay_start_3:
0xbc: {  	(tag) =	ssettag $0x3  }
0xbd: {  	s0 =	rddreg [dreg:$0x0];
	s2 =	stileid.u32  }
0xbe: {  	s1 =	rddreg [dreg:$0x1];
	p0 =	sne.s32 s2, $0x0  }
0xbf: {  	s3 =	rddreg [dreg:$0x2];
	[bflag:$0x3] =	sbarrier.arrive $0xFFFF;
	s2 =	simm.s32 @!p0 $0x1C02  }
0xc0: {  	[timem:s3], [sflag:s2] =	dma.local @!p0 [hbm:s0], s1  }
0xc1: {  	s0 =	simm.s32 @!p0 $0x2  }
0xc2: {  	_ =	swait.ge @!p0 [sflag:s0], s1  }
0xc3: {  	s1 =	ssub.s32 @!p0 $0x0, s1;
	[sflag:s0] =	ssyncset.done @!p0 $0x0  }
0xc4: {  	[sflag:s0] =	ssyncadd.s32 @!p0 s1  }
0xc5: {  	[bflag:$0x3] =	sbarrier.arrive $0xFFFF  }
0xc6: {  	_ =	shalt  }

</sc_bundles>
